<compile_context>
chip_gen: v7x
topology: tpu7x:2x2x1
jax: 0.10.2.dev20260603
libtpu: 0.0.44.dev20260713+nightly
codegen_flags: <defaults>
</compile_context>

<pallas_src>
import functools

import jax
import jax.numpy as jnp
from jax import lax
from jax.experimental import pallas as pl
from jax.experimental.pallas import tpu as pltpu
from jax.experimental.pallas import tpu_sc as plsc

N = 10000
E = 320000
IN_DIMS = [3, 32, 64, 128, 256]
N_CLUSTERS = 30

NC, NS = 2, 16
NW = NC * NS
EPT = 10240
EPAD = EPT * NW
NPAD = 10240
ROWS_PT = NPAD // NS

_mesh = plsc.VectorSubcoreMesh(
    core_axis_name="c", subcore_axis_name="s", num_cores=NC, num_subcores=NS)
_sc_params = pltpu.CompilerParams(use_tc_tiling_on_sc=False)


def _geom(cc, kk):
    nch_arr = EPT // cc

    def bound(real):
        gch = -(-real // cc)
        b = -(-gch // NW)
        return min(-(-b // kk) * kk, nch_arr)

    return nch_arr, bound(E)


def _stage_idx(src_h, dst_h, core, sub, idxs, idxd):
    pltpu.sync_copy(src_h.at[core, sub], idxs)
    pltpu.sync_copy(dst_h.at[core, sub], idxd)


def _zero_acc(zc, acc, sub):
    pltpu.sync_copy(zc, acc.at[pl.ds(sub * ROWS_PT, ROWS_PT)])


def _copy_out(acc, out_ref, sub):
    pltpu.sync_copy(acc.at[pl.ds(sub * ROWS_PT, ROWS_PT)],
                    out_ref.at[pl.ds(sub * ROWS_PT, ROWS_PT)])


def _pipe_phase(tbl, idxs, idxd, bufs, sems, acc, nch, kk):
    @pl.loop(0, nch, step=kk)
    def _(j):
        descs = [
            pltpu.async_copy(tbl.at[idxs.at[j + b]], bufs[b], sems[b])
            for b in range(kk)
        ]
        for b in range(kk):
            descs[b].wait()
            pltpu.sync_copy(bufs[b], acc.at[idxd.at[j + b]], add=True)


def _make_mid(w, cc, kk):
    nch_arr, nch_e = _geom(cc, kk)

    @functools.partial(
        pl.kernel,
        out_type=jax.ShapeDtypeStruct((NC, NPAD, w), jnp.float32),
        mesh=_mesh,
        compiler_params=_sc_params,
        scratch_types=[
            pltpu.VMEM((nch_arr, cc), jnp.int32),
            pltpu.VMEM((nch_arr, cc), jnp.int32),
            [pltpu.VMEM((cc, w), jnp.float32)] * kk,
            pltpu.VMEM_SHARED((NPAD, w), jnp.float32),
            [pltpu.SemaphoreType.DMA] * kk,
        ],
    )
    def k(tbl, src_h, dst_h, zc, out, idxs, idxd, bufs, acc, sems):
        core = lax.axis_index("c")
        sub = lax.axis_index("s")
        nch = nch_e
        _stage_idx(src_h, dst_h, core, sub, idxs, idxd)
        _zero_acc(zc, acc, sub)
        plsc.subcore_barrier()
        _pipe_phase(tbl, idxs, idxd, bufs, sems, acc, nch, kk)
        plsc.subcore_barrier()
        _copy_out(acc, out.at[core], sub)
        plsc.subcore_barrier()

    return k


def _make_l4(cc=64, kk=3):
    d = 128
    nch_arr, nch_e = _geom(cc, kk)

    @functools.partial(
        pl.kernel,
        out_type=jax.ShapeDtypeStruct((NC, 2, NPAD, d), jnp.float32),
        mesh=_mesh,
        compiler_params=_sc_params,
        scratch_types=[
            pltpu.VMEM((nch_arr, cc), jnp.int32),
            pltpu.VMEM((nch_arr, cc), jnp.int32),
            [pltpu.VMEM((cc, d), jnp.float32)] * kk,
            pltpu.VMEM_SHARED((NPAD, d), jnp.float32),
            [pltpu.SemaphoreType.DMA] * kk,
        ],
    )
    def k(t1, t2, src_h, dst_h, zc, out, idxs, idxd, bufs, acc, sems):
        core = lax.axis_index("c")
        sub = lax.axis_index("s")
        nch = nch_e
        _stage_idx(src_h, dst_h, core, sub, idxs, idxd)
        for p, tp in ((0, t1), (1, t2)):
            _zero_acc(zc, acc, sub)
            plsc.subcore_barrier()
            _pipe_phase(tp, idxs, idxd, bufs, sems, acc, nch, kk)
            plsc.subcore_barrier()
            _copy_out(acc, out.at[core, p], sub)
        plsc.subcore_barrier()

    return k



_TCB = 2000


def _dot(a, b):
    return jnp.dot(a, b, preferred_element_type=jnp.float32)


def _l1_body(so, x, wp, bp, wn, bn, h, o):
    sov = so[...]
    rcp = 1.0 / (sov[0, :, 3:4] + 1.0)
    rcn = 1.0 / jnp.maximum(sov[1, :, 3:4], 1.0)
    xv = x[...]
    agg_p = (sov[0, :, :3] + xv) * rcp
    agg_n = sov[1, :, :3] * rcn
    wpv = wp[...]
    wnv = wn[...]
    out_p = _dot(agg_p, wpv[:3]) + _dot(xv, wpv[3:]) + bp[...]
    out_n = _dot(agg_n, wnv[:3]) + _dot(xv, wnv[3:]) + bn[...]
    hv = h[...]
    o[...] = jnp.concatenate(
        [(jnp.maximum(out_p, 0.0) + hv) * 0.5,
         (jnp.maximum(out_n, 0.0) + hv) * 0.5], axis=1)


def _mid_body(d, split, sp, sn, co, z, wp, bp, wn, bn, h, *outs):
    rcp = 1.0 / (co[...][0, :, 3:4] + 1.0)
    rcn = 1.0 / jnp.maximum(co[...][1, :, 3:4], 1.0)
    spv = sp[...]
    snv = sn[...]
    zv = z[...]
    ap1 = (spv[:, :d] + zv[:, :d]) * rcp
    ap2 = (spv[:, d:] + zv[:, d:]) * rcp
    an1 = snv[:, :d] * rcn
    an2 = snv[:, d:] * rcn
    wpv = wp[...]
    wnv = wn[...]
    out_p = (_dot(ap1, wpv[:d]) + _dot(an2, wpv[d:2 * d])
             + _dot(zv[:, :d], wpv[2 * d:]) + bp[...])
    out_n = (_dot(ap2, wnv[:d]) + _dot(an1, wnv[d:2 * d])
             + _dot(zv[:, d:], wnv[2 * d:]) + bn[...])
    hv = h[...]
    zp = (jnp.maximum(out_p, 0.0) + hv) * 0.5
    zn = (jnp.maximum(out_n, 0.0) + hv) * 0.5
    if split:
        outs[0][...] = zp
        outs[1][...] = zn
    else:
        outs[0][...] = jnp.concatenate([zp, zn], axis=1)


def _l4q_body(d, s4, co, z1, z2, wp, bp, wn, bn, h, mu, q1, q2):
    rcp = 1.0 / (co[...][0, :, 3:4] + 1.0)
    rcn = 1.0 / jnp.maximum(co[...][1, :, 3:4], 1.0)
    s4v = s4[...]
    ap1 = (s4v[0, 0] + z1[...]) * rcp
    ap2 = (s4v[0, 1] + z2[...]) * rcp
    an1 = s4v[1, 0] * rcn
    an2 = s4v[1, 1] * rcn
    wpv = wp[...]
    wnv = wn[...]
    out_p = (_dot(ap1, wpv[:d]) + _dot(an2, wpv[d:2 * d])
             + _dot(z1[...], wpv[2 * d:]) + bp[...])
    out_n = (_dot(ap2, wnv[:d]) + _dot(an1, wnv[d:2 * d])
             + _dot(z2[...], wnv[2 * d:]) + bn[...])
    hv = h[...]
    zp = (jnp.maximum(out_p, 0.0) + hv) * 0.5
    zn = (jnp.maximum(out_n, 0.0) + hv) * 0.5
    muv = mu[...]
    mu2 = jnp.sum(muv * muv, axis=1)[None, :]
    for zv, q in ((zp, q1), (zn, q2)):
        z2s = jnp.sum(zv * zv, axis=1, keepdims=True)
        cross = lax.dot_general(zv, muv, (((1,), (1,)), ((), ())),
                                preferred_element_type=jnp.float32)
        d2 = z2s + mu2 - 2.0 * cross
        qv = 1.0 / (1.0 + jnp.maximum(d2, 0.0))
        q[...] = qv / jnp.sum(qv, axis=1, keepdims=True)


def _row_spec(cols):
    return pl.BlockSpec((_TCB, cols), lambda i: (i, 0))


def _full_spec(r, c):
    return pl.BlockSpec((r, c), lambda i: (0, 0))


_s1_spec = pl.BlockSpec((2, _TCB, 16), lambda i: (0, i, 0))


def _tc_layer1(s1, x, wp, bp, wn, bn, h):
    g = N // _TCB
    dout = 32
    return pl.pallas_call(
        _l1_body,
        grid=(g,),
        in_specs=[
            _s1_spec,
            _row_spec(3),
            _full_spec(6, dout), _full_spec(1, dout),
            _full_spec(6, dout), _full_spec(1, dout),
            _row_spec(dout),
        ],
        out_specs=pl.BlockSpec((_TCB, 2 * dout), lambda i: (i, 0)),
        out_shape=jax.ShapeDtypeStruct((N, 2 * dout), jnp.float32),
    )(s1, x, wp, bp, wn, bn, h)


def _tc_mid(d, dout, split, s, s1, z, wp, bp, wn, bn, h):
    g = N // _TCB
    if split:
        out_specs = [_row_spec(dout), _row_spec(dout)]
        out_shape = [jax.ShapeDtypeStruct((N, dout), jnp.float32)] * 2
    else:
        out_specs = pl.BlockSpec((_TCB, 2 * dout), lambda i: (i, 0))
        out_shape = jax.ShapeDtypeStruct((N, 2 * dout), jnp.float32)
    return pl.pallas_call(
        functools.partial(_mid_body, d, split),
        grid=(g,),
        in_specs=[
            pl.BlockSpec((None, _TCB, 2 * d), lambda i: (0, i, 0)),
            pl.BlockSpec((None, _TCB, 2 * d), lambda i: (1, i, 0)),
            _s1_spec,
            _row_spec(2 * d),
            _full_spec(3 * d, dout), _full_spec(1, dout),
            _full_spec(3 * d, dout), _full_spec(1, dout),
            _row_spec(dout),
        ],
        out_specs=out_specs,
        out_shape=out_shape,
    )(s, s, s1, z, wp, bp, wn, bn, h)


def _tc_l4q(s4, s1, z1, z2, wp, bp, wn, bn, h, mu):
    g = N // _TCB
    d, dout = 128, 256
    return pl.pallas_call(
        functools.partial(_l4q_body, d),
        grid=(g,),
        in_specs=[
            pl.BlockSpec((2, 2, _TCB, d), lambda i: (0, 0, i, 0)),
            _s1_spec,
            _row_spec(d), _row_spec(d),
            _full_spec(3 * d, dout), _full_spec(1, dout),
            _full_spec(3 * d, dout), _full_spec(1, dout),
            _row_spec(dout),
            _full_spec(N_CLUSTERS, dout),
        ],
        out_specs=[_row_spec(N_CLUSTERS), _row_spec(N_CLUSTERS)],
        out_shape=[jax.ShapeDtypeStruct((N, N_CLUSTERS), jnp.float32)] * 2,
    )(s4, s1, z1, z2, wp, bp, wn, bn, h, mu)




def _pad_edges(src, dst):
    pad = EPAD - src.shape[0]
    src_p = jnp.concatenate([src, jnp.zeros((pad,), jnp.int32)])
    dst_p = jnp.concatenate([dst, jnp.full((pad,), N, jnp.int32)])
    return src_p, dst_p


def _tile_layout(arr, cc):
    return arr.reshape(NW, EPT // cc, cc)


def kernel(x, edge_index_sim, edge_index_disim, h1, h2, h3, h4,
           W1p, b1p, W1n, b1n, W2p, b2p, W2n, b2n, W3p, b3p, W3n, b3n,
           W4p, b4p, W4n, b4n, mu):
    sp_s, dp_s = _pad_edges(edge_index_sim[0], edge_index_sim[1])
    sn_s, dn_s = _pad_edges(edge_index_disim[0], edge_index_disim[1])
    src128 = jnp.stack([_tile_layout(sp_s, 128), _tile_layout(sn_s, 128)])
    dst128 = jnp.stack([_tile_layout(dp_s, 128), _tile_layout(dn_s, 128)])
    src64 = jnp.stack([_tile_layout(sp_s, 64), _tile_layout(sn_s, 64)])
    dst64 = jnp.stack([_tile_layout(dp_s, 64), _tile_layout(dn_s, 64)])

    x16 = jnp.pad(x, ((0, 0), (0, 13))).at[:, 3].set(1.0)

    def zc(w):
        return jnp.zeros((ROWS_PT, w), jnp.float32)

    s1 = _make_mid(16, 128, 8)(x16, src128, dst128, zc(16))
    z1 = _tc_layer1(s1, x, W1p, b1p.reshape(1, -1), W1n, b1n.reshape(1, -1),
                    h1)

    s2 = _make_mid(64, 128, 8)(z1, src128, dst128, zc(64))
    z2 = _tc_mid(32, 64, False, s2, s1, z1,
                 W2p, b2p.reshape(1, -1), W2n, b2n.reshape(1, -1), h2)

    s3 = _make_mid(128, 64, 3)(z2, src64, dst64, zc(128))
    z3a, z3b = _tc_mid(64, 128, True, s3, s1, z2,
                       W3p, b3p.reshape(1, -1), W3n, b3n.reshape(1, -1), h3)

    s4 = _make_l4()(z3a, z3b, src64, dst64, zc(128))
    return _tc_l4q(s4, s1, z3a, z3b,
                   W4p, b4p.reshape(1, -1), W4n, b4n.reshape(1, -1), h4, mu)

# --- scband reference (transcript-rebuilt; emitter-appended) ---
"""Pipeline reference for scband-siamese-48739288875484 (READ-ONLY COPY).

The authoritative reference and input builder live on the scoring server;
editing this copy changes nothing except your own understanding.
"""

import jax, jax.numpy as jnp
import numpy as np

N = 10000
E = 320000
IN_DIMS = [3, 32, 64, 128, 256]
N_CLUSTERS = 30
ALPHA = 1.0


def _segment_mean(vals, seg, num):
    s = jax.ops.segment_sum(vals, seg, num_segments=num)
    cnt = jax.ops.segment_sum(jnp.ones((vals.shape[0],), vals.dtype), seg, num_segments=num)
    return s / jnp.maximum(cnt, 1.0)[:, None]


def _forward(x, ei_sim, ei_dis, hs, params, mu):
    loops = jnp.arange(N, dtype=ei_sim.dtype)
    ei_pos = jnp.concatenate([ei_sim, jnp.stack([loops, loops])], axis=1)
    src_p, dst_p = ei_pos[0], ei_pos[1]
    src_n, dst_n = ei_dis[0], ei_dis[1]
    # layer 1: SignedConv with first_aggr=True
    Wp, bp, Wn, bn = params[0]
    agg_p = _segment_mean(x[src_p], dst_p, N)
    agg_n = _segment_mean(x[src_n], dst_n, N)
    out_p = jnp.concatenate([agg_p, x], axis=1) @ Wp + bp
    out_n = jnp.concatenate([agg_n, x], axis=1) @ Wn + bn
    Z = jax.nn.relu(jnp.concatenate([out_p, out_n], axis=1))
    d = IN_DIMS[1]
    Zp = (Z[:, :d] + hs[0]) * 0.5
    Zn = (Z[:, d:] + hs[0]) * 0.5
    Z = jnp.concatenate([Zp, Zn], axis=1)
    # layers 2..4: SignedConv with first_aggr=False
    for i in range(1, 4):
        Wp, bp, Wn, bn = params[i]
        d_in = IN_DIMS[i]
        d_out = IN_DIMS[i + 1]
        x1 = Z[:, :d_in]
        x2 = Z[:, d_in:]
        out_p = jnp.concatenate([_segment_mean(x1[src_p], dst_p, N), _segment_mean(x2[src_n], dst_n, N), x1], axis=1) @ Wp + bp
        out_n = jnp.concatenate([_segment_mean(x2[src_p], dst_p, N), _segment_mean(x1[src_n], dst_n, N), x2], axis=1) @ Wn + bn
        Z = jax.nn.relu(jnp.concatenate([out_p, out_n], axis=1))
        Zp = (Z[:, :d_out] + hs[i]) * 0.5
        Zn = (Z[:, d_out:] + hs[i]) * 0.5
        Z = jnp.concatenate([Zp, Zn], axis=1)

    def dec_q(z):
        d2 = jnp.sum(z * z, axis=1, keepdims=True) + jnp.sum(mu * mu, axis=1)[None, :] - 2.0 * (z @ mu.T)
        q = 1.0 / (1.0 + jnp.maximum(d2, 0.0) / ALPHA)
        q = q ** ((ALPHA + 1.0) / 2.0)
        return q / jnp.sum(q, axis=1, keepdims=True)

    return dec_q(Z[:, :IN_DIMS[4]]), dec_q(Z[:, IN_DIMS[4]:])


def setup_inputs(seed: int = 0):
    key = jax.random.key(seed)
    ks = jax.random.split(key, 40)
    inp = {}
    inp["x"] = jax.random.normal(ks[0], (N, 3), jnp.float32)
    inp["edge_index_sim"] = jax.random.randint(ks[1], (2, E), 0, N, dtype=jnp.int32)
    inp["edge_index_disim"] = jax.random.randint(ks[2], (2, E), 0, N, dtype=jnp.int32)
    for i in range(4):
        inp["h" + str(i + 1)] = jax.random.normal(ks[3 + i], (N, IN_DIMS[i + 1]), jnp.float32)
    k = 7
    for i in range(4):
        fan_in = 2 * IN_DIMS[i] if i == 0 else 3 * IN_DIMS[i]
        scale = 1.0 / float(np.sqrt(fan_in))
        inp["W%dp" % (i + 1)] = jax.random.normal(ks[k], (fan_in, IN_DIMS[i + 1]), jnp.float32) * scale
        k += 1
        inp["b%dp" % (i + 1)] = jnp.zeros((IN_DIMS[i + 1],), jnp.float32)
        inp["W%dn" % (i + 1)] = jax.random.normal(ks[k], (fan_in, IN_DIMS[i + 1]), jnp.float32) * scale
        k += 1
        inp["b%dn" % (i + 1)] = jnp.zeros((IN_DIMS[i + 1],), jnp.float32)
    inp["mu"] = jax.random.normal(ks[k], (N_CLUSTERS, IN_DIMS[4]), jnp.float32)
    return inp


def reference(x, edge_index_sim, edge_index_disim, h1, h2, h3, h4, W1p, b1p, W1n, b1n, W2p, b2p, W2n, b2n, W3p, b3p, W3n, b3n, W4p, b4p, W4n, b4n, mu):
    hs = [h1, h2, h3, h4]
    params = [(W1p, b1p, W1n, b1n), (W2p, b2p, W2n, b2n), (W3p, b3p, W3n, b3n), (W4p, b4p, W4n, b4n)]
    return _forward(x, edge_index_sim, edge_index_disim, hs, params, mu)

if __name__ == "__main__":
    import jax
    _d = setup_inputs()
    print(jax.jit(kernel)(*tuple(_d.values())))

</pallas_src>

<mosaic_0001>
#map = affine_map<(d0, d1) -> (0, 0)>
#map1 = affine_map<(d0, d1) -> (0, 0, 0, 0)>
#map2 = affine_map<(d0, d1) -> (0, 0, 0)>
module attributes {stable_mosaic.version = 14 : i64} {
  func.func @k(%arg0: i32, %arg1: i32, %arg2: memref<10000x64xf32, #tpu.memory_space<hbm>>, %arg3: memref<2x32x80x128xi32, #tpu.memory_space<hbm>>, %arg4: memref<2x32x80x128xi32, #tpu.memory_space<hbm>>, %arg5: memref<640x64xf32, #tpu.memory_space<hbm>>, %arg6: memref<2x10240x64xf32, #tpu.memory_space<hbm>>, %arg7: memref<80x128xi32, #tpu.memory_space<vmem>>, %arg8: memref<80x128xi32, #tpu.memory_space<vmem>>, %arg9: memref<128x64xf32, #tpu.memory_space<vmem>>, %arg10: memref<128x64xf32, #tpu.memory_space<vmem>>, %arg11: memref<128x64xf32, #tpu.memory_space<vmem>>, %arg12: memref<128x64xf32, #tpu.memory_space<vmem>>, %arg13: memref<128x64xf32, #tpu.memory_space<vmem>>, %arg14: memref<128x64xf32, #tpu.memory_space<vmem>>, %arg15: memref<128x64xf32, #tpu.memory_space<vmem>>, %arg16: memref<128x64xf32, #tpu.memory_space<vmem>>, %arg17: memref<10240x64xf32, #tpu.memory_space<vmem_shared>>, %arg18: memref<!tpu.dma_semaphore, #tpu.memory_space<semaphore_mem>>, %arg19: memref<!tpu.dma_semaphore, #tpu.memory_space<semaphore_mem>>, %arg20: memref<!tpu.dma_semaphore, #tpu.memory_space<semaphore_mem>>, %arg21: memref<!tpu.dma_semaphore, #tpu.memory_space<semaphore_mem>>, %arg22: memref<!tpu.dma_semaphore, #tpu.memory_space<semaphore_mem>>, %arg23: memref<!tpu.dma_semaphore, #tpu.memory_space<semaphore_mem>>, %arg24: memref<!tpu.dma_semaphore, #tpu.memory_space<semaphore_mem>>, %arg25: memref<!tpu.dma_semaphore, #tpu.memory_space<semaphore_mem>>) attributes {dimension_semantics = [#tpu.dimension_semantics<core_parallel>, #tpu.dimension_semantics<subcore_parallel>], iteration_bounds = array<i64: 2, 16>, scalar_prefetch = 0 : i64, scratch_operands = 19 : i64, tpu.core_type = #tpu.core_type<sc_vector_subcore>, window_params = [{transform_indices = #map}, {transform_indices = #map1}, {transform_indices = #map1}, {transform_indices = #map}, {transform_indices = #map2}]} {
    "tpu.region"() ({
      %run_scoped3A = tpu.sem_alloc : memref<!tpu.dma_semaphore, #tpu.memory_space<semaphore_mem>>
      %dma_start3A = arith.constant 0 : i32
      %dma_start3A_11 = arith.constant 0 : i32
      %dma_start3A_12 = tpu.memref_slice %arg3[%arg0, %arg1, %dma_start3A, %dma_start3A_11] : memref<2x32x80x128xi32, #tpu.memory_space<hbm>> -> memref<1x1x80x128xi32, #tpu.memory_space<hbm>>
      %dma_start3A_13 = tpu.memref_squeeze %dma_start3A_12 : memref<1x1x80x128xi32, #tpu.memory_space<hbm>> -> memref<80x128xi32, #tpu.memory_space<hbm>>
      %dma_start3A_14 = arith.constant 0 : i32
      %dma_start3A_15 = arith.constant 0 : i32
      %dma_start3A_16 = tpu.memref_slice %arg3[%arg0, %arg1, %dma_start3A_14, %dma_start3A_15] : memref<2x32x80x128xi32, #tpu.memory_space<hbm>> -> memref<1x1x80x128xi32, #tpu.memory_space<hbm>>
      %dma_start3A_17 = tpu.memref_squeeze %dma_start3A_16 : memref<1x1x80x128xi32, #tpu.memory_space<hbm>> -> memref<80x128xi32, #tpu.memory_space<hbm>>
      tpu.enqueue_dma source(%dma_start3A_17 : memref<80x128xi32, #tpu.memory_space<hbm>>) target(%arg7 : memref<80x128xi32, #tpu.memory_space<vmem>>) target_semaphore(%run_scoped3A : memref<!tpu.dma_semaphore, #tpu.memory_space<semaphore_mem>>)
      %dma_wait3A = arith.constant 0 : i32
      %dma_wait3A_18 = arith.constant 0 : i32
      %dma_wait3A_19 = tpu.memref_slice %arg3[%arg0, %arg1, %dma_wait3A, %dma_wait3A_18] : memref<2x32x80x128xi32, #tpu.memory_space<hbm>> -> memref<1x1x80x128xi32, #tpu.memory_space<hbm>>
      %dma_wait3A_20 = tpu.memref_squeeze %dma_wait3A_19 : memref<1x1x80x128xi32, #tpu.memory_space<hbm>> -> memref<80x128xi32, #tpu.memory_space<hbm>>
      %dma_wait3A_21 = arith.constant 0 : i32
      %dma_wait3A_22 = arith.constant 0 : i32
      %dma_wait3A_23 = tpu.memref_slice %arg3[%arg0, %arg1, %dma_wait3A_21, %dma_wait3A_22] : memref<2x32x80x128xi32, #tpu.memory_space<hbm>> -> memref<1x1x80x128xi32, #tpu.memory_space<hbm>>
      %dma_wait3A_24 = tpu.memref_squeeze %dma_wait3A_23 : memref<1x1x80x128xi32, #tpu.memory_space<hbm>> -> memref<80x128xi32, #tpu.memory_space<hbm>>
      tpu.wait_dma2 semaphore(%run_scoped3A : memref<!tpu.dma_semaphore, #tpu.memory_space<semaphore_mem>>) src(%dma_wait3A_24 : memref<80x128xi32, #tpu.memory_space<hbm>>) dst(%arg7 : memref<80x128xi32, #tpu.memory_space<vmem>>)
      tpu.yield
    }) : () -> ()
    "tpu.region"() ({
      %run_scoped3A = tpu.sem_alloc : memref<!tpu.dma_semaphore, #tpu.memory_space<semaphore_mem>>
      %dma_start3A = arith.constant 0 : i32
      %dma_start3A_11 = arith.constant 0 : i32
      %dma_start3A_12 = tpu.memref_slice %arg4[%arg0, %arg1, %dma_start3A, %dma_start3A_11] : memref<2x32x80x128xi32, #tpu.memory_space<hbm>> -> memref<1x1x80x128xi32, #tpu.memory_space<hbm>>
      %dma_start3A_13 = tpu.memref_squeeze %dma_start3A_12 : memref<1x1x80x128xi32, #tpu.memory_space<hbm>> -> memref<80x128xi32, #tpu.memory_space<hbm>>
      %dma_start3A_14 = arith.constant 0 : i32
      %dma_start3A_15 = arith.constant 0 : i32
      %dma_start3A_16 = tpu.memref_slice %arg4[%arg0, %arg1, %dma_start3A_14, %dma_start3A_15] : memref<2x32x80x128xi32, #tpu.memory_space<hbm>> -> memref<1x1x80x128xi32, #tpu.memory_space<hbm>>
      %dma_start3A_17 = tpu.memref_squeeze %dma_start3A_16 : memref<1x1x80x128xi32, #tpu.memory_space<hbm>> -> memref<80x128xi32, #tpu.memory_space<hbm>>
      tpu.enqueue_dma source(%dma_start3A_17 : memref<80x128xi32, #tpu.memory_space<hbm>>) target(%arg8 : memref<80x128xi32, #tpu.memory_space<vmem>>) target_semaphore(%run_scoped3A : memref<!tpu.dma_semaphore, #tpu.memory_space<semaphore_mem>>)
      %dma_wait3A = arith.constant 0 : i32
      %dma_wait3A_18 = arith.constant 0 : i32
      %dma_wait3A_19 = tpu.memref_slice %arg4[%arg0, %arg1, %dma_wait3A, %dma_wait3A_18] : memref<2x32x80x128xi32, #tpu.memory_space<hbm>> -> memref<1x1x80x128xi32, #tpu.memory_space<hbm>>
      %dma_wait3A_20 = tpu.memref_squeeze %dma_wait3A_19 : memref<1x1x80x128xi32, #tpu.memory_space<hbm>> -> memref<80x128xi32, #tpu.memory_space<hbm>>
      %dma_wait3A_21 = arith.constant 0 : i32
      %dma_wait3A_22 = arith.constant 0 : i32
      %dma_wait3A_23 = tpu.memref_slice %arg4[%arg0, %arg1, %dma_wait3A_21, %dma_wait3A_22] : memref<2x32x80x128xi32, #tpu.memory_space<hbm>> -> memref<1x1x80x128xi32, #tpu.memory_space<hbm>>
      %dma_wait3A_24 = tpu.memref_squeeze %dma_wait3A_23 : memref<1x1x80x128xi32, #tpu.memory_space<hbm>> -> memref<80x128xi32, #tpu.memory_space<hbm>>
      tpu.wait_dma2 semaphore(%run_scoped3A : memref<!tpu.dma_semaphore, #tpu.memory_space<semaphore_mem>>) src(%dma_wait3A_24 : memref<80x128xi32, #tpu.memory_space<hbm>>) dst(%arg8 : memref<80x128xi32, #tpu.memory_space<vmem>>)
      tpu.yield
    }) : () -> ()
    %mul3A = arith.constant 640 : i32
    %mul3A_0 = arith.muli %arg1, %mul3A : i32
    "tpu.region"() ({
      %run_scoped3A = tpu.sem_alloc : memref<!tpu.dma_semaphore, #tpu.memory_space<semaphore_mem>>
      %dma_start3A = arith.constant 0 : i32
      %dma_start3A_11 = tpu.memref_slice %arg17[%mul3A_0, %dma_start3A] : memref<10240x64xf32, #tpu.memory_space<vmem_shared>> -> memref<640x64xf32, #tpu.memory_space<vmem_shared>>
      tpu.enqueue_dma source(%arg5 : memref<640x64xf32, #tpu.memory_space<hbm>>) target(%dma_start3A_11 : memref<640x64xf32, #tpu.memory_space<vmem_shared>>) target_semaphore(%run_scoped3A : memref<!tpu.dma_semaphore, #tpu.memory_space<semaphore_mem>>)
      %dma_wait3A = arith.constant 0 : i32
      %dma_wait3A_12 = tpu.memref_slice %arg17[%mul3A_0, %dma_wait3A] : memref<10240x64xf32, #tpu.memory_space<vmem_shared>> -> memref<640x64xf32, #tpu.memory_space<vmem_shared>>
      tpu.wait_dma2 semaphore(%run_scoped3A : memref<!tpu.dma_semaphore, #tpu.memory_space<semaphore_mem>>) src(%arg5 : memref<640x64xf32, #tpu.memory_space<hbm>>) dst(%dma_wait3A_12 : memref<640x64xf32, #tpu.memory_space<vmem_shared>>)
      tpu.yield
    }) : () -> ()
    %barrier3A = arith.constant 0 : index
    tpu.barrier barrier_id(%barrier3A)
    %scan3A = arith.constant 0 : i32
    %scan3A_1 = arith.constant 10 : i32
    %scan3A_2 = arith.addi %scan3A, %scan3A_1 : i32
    %scan3A_3 = arith.constant 1 : i32
    scf.for %scan3A_11 = %scan3A to %scan3A_2 step %scan3A_3  : i32 {
      %mul3A_12 = arith.constant 8 : i32
      %mul3A_13 = arith.muli %scan3A_11, %mul3A_12 : i32
      %add3A = arith.constant 0 : i32
      %add3A_14 = arith.addi %add3A, %mul3A_13 : i32
      %add3A_15 = arith.constant 0 : i32
      %add3A_16 = arith.addi %add3A_14, %add3A_15 : i32
      %dma_start3A = arith.constant 0 : i32
      %dma_start3A_17 = tpu.memref_slice %arg7[%add3A_16, %dma_start3A] : memref<80x128xi32, #tpu.memory_space<vmem>> -> memref<1x128xi32, #tpu.memory_space<vmem>>
      %dma_start3A_18 = tpu.memref_squeeze %dma_start3A_17 : memref<1x128xi32, #tpu.memory_space<vmem>> -> memref<128xi32, #tpu.memory_space<vmem>>
      %dma_start3A_19 = arith.constant 0 : i32
      %dma_start3A_20 = arith.constant 0 : i32
      %dma_start3A_21 = tpu.memref_slice %arg2[%dma_start3A_19, %dma_start3A_20] : memref<10000x64xf32, #tpu.memory_space<hbm>> -> memref<10000x64xf32, #tpu.memory_space<hbm>>
      tpu.enqueue_indirect_dma source(%dma_start3A_21 : memref<10000x64xf32, #tpu.memory_space<hbm>>) target(%arg9 : memref<128x64xf32, #tpu.memory_space<vmem>>) offsets(%dma_start3A_18 : memref<128xi32, #tpu.memory_space<vmem>>) semaphore(%arg18 : memref<!tpu.dma_semaphore, #tpu.memory_space<semaphore_mem>>)
      %add3A_22 = arith.constant 1 : i32
      %add3A_23 = arith.addi %add3A_14, %add3A_22 : i32
      %dma_start3A_24 = arith.constant 0 : i32
      %dma_start3A_25 = tpu.memref_slice %arg7[%add3A_23, %dma_start3A_24] : memref<80x128xi32, #tpu.memory_space<vmem>> -> memref<1x128xi32, #tpu.memory_space<vmem>>
      %dma_start3A_26 = tpu.memref_squeeze %dma_start3A_25 : memref<1x128xi32, #tpu.memory_space<vmem>> -> memref<128xi32, #tpu.memory_space<vmem>>
      %dma_start3A_27 = arith.constant 0 : i32
      %dma_start3A_28 = arith.constant 0 : i32
      %dma_start3A_29 = tpu.memref_slice %arg2[%dma_start3A_27, %dma_start3A_28] : memref<10000x64xf32, #tpu.memory_space<hbm>> -> memref<10000x64xf32, #tpu.memory_space<hbm>>
      tpu.enqueue_indirect_dma source(%dma_start3A_29 : memref<10000x64xf32, #tpu.memory_space<hbm>>) target(%arg10 : memref<128x64xf32, #tpu.memory_space<vmem>>) offsets(%dma_start3A_26 : memref<128xi32, #tpu.memory_space<vmem>>) semaphore(%arg19 : memref<!tpu.dma_semaphore, #tpu.memory_space<semaphore_mem>>)
      %add3A_30 = arith.constant 2 : i32
      %add3A_31 = arith.addi %add3A_14, %add3A_30 : i32
      %dma_start3A_32 = arith.constant 0 : i32
      %dma_start3A_33 = tpu.memref_slice %arg7[%add3A_31, %dma_start3A_32] : memref<80x128xi32, #tpu.memory_space<vmem>> -> memref<1x128xi32, #tpu.memory_space<vmem>>
      %dma_start3A_34 = tpu.memref_squeeze %dma_start3A_33 : memref<1x128xi32, #tpu.memory_space<vmem>> -> memref<128xi32, #tpu.memory_space<vmem>>
      %dma_start3A_35 = arith.constant 0 : i32
      %dma_start3A_36 = arith.constant 0 : i32
      %dma_start3A_37 = tpu.memref_slice %arg2[%dma_start3A_35, %dma_start3A_36] : memref<10000x64xf32, #tpu.memory_space<hbm>> -> memref<10000x64xf32, #tpu.memory_space<hbm>>
      tpu.enqueue_indirect_dma source(%dma_start3A_37 : memref<10000x64xf32, #tpu.memory_space<hbm>>) target(%arg11 : memref<128x64xf32, #tpu.memory_space<vmem>>) offsets(%dma_start3A_34 : memref<128xi32, #tpu.memory_space<vmem>>) semaphore(%arg20 : memref<!tpu.dma_semaphore, #tpu.memory_space<semaphore_mem>>)
      %add3A_38 = arith.constant 3 : i32
      %add3A_39 = arith.addi %add3A_14, %add3A_38 : i32
      %dma_start3A_40 = arith.constant 0 : i32
      %dma_start3A_41 = tpu.memref_slice %arg7[%add3A_39, %dma_start3A_40] : memref<80x128xi32, #tpu.memory_space<vmem>> -> memref<1x128xi32, #tpu.memory_space<vmem>>
      %dma_start3A_42 = tpu.memref_squeeze %dma_start3A_41 : memref<1x128xi32, #tpu.memory_space<vmem>> -> memref<128xi32, #tpu.memory_space<vmem>>
      %dma_start3A_43 = arith.constant 0 : i32
      %dma_start3A_44 = arith.constant 0 : i32
      %dma_start3A_45 = tpu.memref_slice %arg2[%dma_start3A_43, %dma_start3A_44] : memref<10000x64xf32, #tpu.memory_space<hbm>> -> memref<10000x64xf32, #tpu.memory_space<hbm>>
      tpu.enqueue_indirect_dma source(%dma_start3A_45 : memref<10000x64xf32, #tpu.memory_space<hbm>>) target(%arg12 : memref<128x64xf32, #tpu.memory_space<vmem>>) offsets(%dma_start3A_42 : memref<128xi32, #tpu.memory_space<vmem>>) semaphore(%arg21 : memref<!tpu.dma_semaphore, #tpu.memory_space<semaphore_mem>>)
      %add3A_46 = arith.constant 4 : i32
      %add3A_47 = arith.addi %add3A_14, %add3A_46 : i32
      %dma_start3A_48 = arith.constant 0 : i32
      %dma_start3A_49 = tpu.memref_slice %arg7[%add3A_47, %dma_start3A_48] : memref<80x128xi32, #tpu.memory_space<vmem>> -> memref<1x128xi32, #tpu.memory_space<vmem>>
      %dma_start3A_50 = tpu.memref_squeeze %dma_start3A_49 : memref<1x128xi32, #tpu.memory_space<vmem>> -> memref<128xi32, #tpu.memory_space<vmem>>
      %dma_start3A_51 = arith.constant 0 : i32
      %dma_start3A_52 = arith.constant 0 : i32
      %dma_start3A_53 = tpu.memref_slice %arg2[%dma_start3A_51, %dma_start3A_52] : memref<10000x64xf32, #tpu.memory_space<hbm>> -> memref<10000x64xf32, #tpu.memory_space<hbm>>
      tpu.enqueue_indirect_dma source(%dma_start3A_53 : memref<10000x64xf32, #tpu.memory_space<hbm>>) target(%arg13 : memref<128x64xf32, #tpu.memory_space<vmem>>) offsets(%dma_start3A_50 : memref<128xi32, #tpu.memory_space<vmem>>) semaphore(%arg22 : memref<!tpu.dma_semaphore, #tpu.memory_space<semaphore_mem>>)
      %add3A_54 = arith.constant 5 : i32
      %add3A_55 = arith.addi %add3A_14, %add3A_54 : i32
      %dma_start3A_56 = arith.constant 0 : i32
      %dma_start3A_57 = tpu.memref_slice %arg7[%add3A_55, %dma_start3A_56] : memref<80x128xi32, #tpu.memory_space<vmem>> -> memref<1x128xi32, #tpu.memory_space<vmem>>
      %dma_start3A_58 = tpu.memref_squeeze %dma_start3A_57 : memref<1x128xi32, #tpu.memory_space<vmem>> -> memref<128xi32, #tpu.memory_space<vmem>>
      %dma_start3A_59 = arith.constant 0 : i32
      %dma_start3A_60 = arith.constant 0 : i32
      %dma_start3A_61 = tpu.memref_slice %arg2[%dma_start3A_59, %dma_start3A_60] : memref<10000x64xf32, #tpu.memory_space<hbm>> -> memref<10000x64xf32, #tpu.memory_space<hbm>>
      tpu.enqueue_indirect_dma source(%dma_start3A_61 : memref<10000x64xf32, #tpu.memory_space<hbm>>) target(%arg14 : memref<128x64xf32, #tpu.memory_space<vmem>>) offsets(%dma_start3A_58 : memref<128xi32, #tpu.memory_space<vmem>>) semaphore(%arg23 : memref<!tpu.dma_semaphore, #tpu.memory_space<semaphore_mem>>)
      %add3A_62 = arith.constant 6 : i32
      %add3A_63 = arith.addi %add3A_14, %add3A_62 : i32
      %dma_start3A_64 = arith.constant 0 : i32
      %dma_start3A_65 = tpu.memref_slice %arg7[%add3A_63, %dma_start3A_64] : memref<80x128xi32, #tpu.memory_space<vmem>> -> memref<1x128xi32, #tpu.memory_space<vmem>>
      %dma_start3A_66 = tpu.memref_squeeze %dma_start3A_65 : memref<1x128xi32, #tpu.memory_space<vmem>> -> memref<128xi32, #tpu.memory_space<vmem>>
      %dma_start3A_67 = arith.constant 0 : i32
      %dma_start3A_68 = arith.constant 0 : i32
      %dma_start3A_69 = tpu.memref_slice %arg2[%dma_start3A_67, %dma_start3A_68] : memref<10000x64xf32, #tpu.memory_space<hbm>> -> memref<10000x64xf32, #tpu.memory_space<hbm>>
      tpu.enqueue_indirect_dma source(%dma_start3A_69 : memref<10000x64xf32, #tpu.memory_space<hbm>>) target(%arg15 : memref<128x64xf32, #tpu.memory_space<vmem>>) offsets(%dma_start3A_66 : memref<128xi32, #tpu.memory_space<vmem>>) semaphore(%arg24 : memref<!tpu.dma_semaphore, #tpu.memory_space<semaphore_mem>>)
      %add3A_70 = arith.constant 7 : i32
      %add3A_71 = arith.addi %add3A_14, %add3A_70 : i32
      %dma_start3A_72 = arith.constant 0 : i32
      %dma_start3A_73 = tpu.memref_slice %arg7[%add3A_71, %dma_start3A_72] : memref<80x128xi32, #tpu.memory_space<vmem>> -> memref<1x128xi32, #tpu.memory_space<vmem>>
      %dma_start3A_74 = tpu.memref_squeeze %dma_start3A_73 : memref<1x128xi32, #tpu.memory_space<vmem>> -> memref<128xi32, #tpu.memory_space<vmem>>
      %dma_start3A_75 = arith.constant 0 : i32
      %dma_start3A_76 = arith.constant 0 : i32
      %dma_start3A_77 = tpu.memref_slice %arg2[%dma_start3A_75, %dma_start3A_76] : memref<10000x64xf32, #tpu.memory_space<hbm>> -> memref<10000x64xf32, #tpu.memory_space<hbm>>
      tpu.enqueue_indirect_dma source(%dma_start3A_77 : memref<10000x64xf32, #tpu.memory_space<hbm>>) target(%arg16 : memref<128x64xf32, #tpu.memory_space<vmem>>) offsets(%dma_start3A_74 : memref<128xi32, #tpu.memory_space<vmem>>) semaphore(%arg25 : memref<!tpu.dma_semaphore, #tpu.memory_space<semaphore_mem>>)
      %dma_wait3A = arith.constant 0 : i32
      %dma_wait3A_78 = tpu.memref_slice %arg7[%add3A_16, %dma_wait3A] : memref<80x128xi32, #tpu.memory_space<vmem>> -> memref<1x128xi32, #tpu.memory_space<vmem>>
      %dma_wait3A_79 = tpu.memref_squeeze %dma_wait3A_78 : memref<1x128xi32, #tpu.memory_space<vmem>> -> memref<128xi32, #tpu.memory_space<vmem>>
      %dma_wait3A_80 = arith.constant 0 : i32
      %dma_wait3A_81 = arith.constant 0 : i32
      %dma_wait3A_82 = tpu.memref_slice %arg2[%dma_wait3A_80, %dma_wait3A_81] : memref<10000x64xf32, #tpu.memory_space<hbm>> -> memref<10000x64xf32, #tpu.memory_space<hbm>>
      tpu.wait_indirect_dma semaphore(%arg18 : memref<!tpu.dma_semaphore, #tpu.memory_space<semaphore_mem>>) src(%dma_wait3A_82 : memref<10000x64xf32, #tpu.memory_space<hbm>>) dst(%arg9 : memref<128x64xf32, #tpu.memory_space<vmem>>)
      %add3A_83 = arith.constant 0 : i32
      %add3A_84 = arith.addi %add3A_14, %add3A_83 : i32
      "tpu.region"() ({
        %run_scoped3A = tpu.sem_alloc : memref<!tpu.dma_semaphore, #tpu.memory_space<semaphore_mem>>
        %dma_start3A_141 = arith.constant 0 : i32
        %dma_start3A_142 = tpu.memref_slice %arg8[%add3A_84, %dma_start3A_141] : memref<80x128xi32, #tpu.memory_space<vmem>> -> memref<1x128xi32, #tpu.memory_space<vmem>>
        %dma_start3A_143 = tpu.memref_squeeze %dma_start3A_142 : memref<1x128xi32, #tpu.memory_space<vmem>> -> memref<128xi32, #tpu.memory_space<vmem>>
        %dma_start3A_144 = arith.constant 0 : i32
        %dma_start3A_145 = arith.constant 0 : i32
        %dma_start3A_146 = tpu.memref_slice %arg17[%dma_start3A_144, %dma_start3A_145] : memref<10240x64xf32, #tpu.memory_space<vmem_shared>> -> memref<10240x64xf32, #tpu.memory_space<vmem_shared>>
        tpu.enqueue_indirect_dma source(%arg9 : memref<128x64xf32, #tpu.memory_space<vmem>>) target(%dma_start3A_146 : memref<10240x64xf32, #tpu.memory_space<vmem_shared>>) offsets(%dma_start3A_143 : memref<128xi32, #tpu.memory_space<vmem>>) semaphore(%run_scoped3A : memref<!tpu.dma_semaphore, #tpu.memory_space<semaphore_mem>>) {add = true}
        %dma_wait3A_147 = arith.constant 0 : i32
        %dma_wait3A_148 = tpu.memref_slice %arg8[%add3A_84, %dma_wait3A_147] : memref<80x128xi32, #tpu.memory_space<vmem>> -> memref<1x128xi32, #tpu.memory_space<vmem>>
        %dma_wait3A_149 = tpu.memref_squeeze %dma_wait3A_148 : memref<1x128xi32, #tpu.memory_space<vmem>> -> memref<128xi32, #tpu.memory_space<vmem>>
        %dma_wait3A_150 = arith.constant 0 : i32
        %dma_wait3A_151 = arith.constant 0 : i32
        %dma_wait3A_152 = tpu.memref_slice %arg17[%dma_wait3A_150, %dma_wait3A_151] : memref<10240x64xf32, #tpu.memory_space<vmem_shared>> -> memref<10240x64xf32, #tpu.memory_space<vmem_shared>>
        tpu.wait_indirect_dma semaphore(%run_scoped3A : memref<!tpu.dma_semaphore, #tpu.memory_space<semaphore_mem>>) src(%arg9 : memref<128x64xf32, #tpu.memory_space<vmem>>) dst(%dma_wait3A_152 : memref<10240x64xf32, #tpu.memory_space<vmem_shared>>)
        tpu.yield
      }) : () -> ()
      %dma_wait3A_85 = arith.constant 0 : i32
      %dma_wait3A_86 = tpu.memref_slice %arg7[%add3A_23, %dma_wait3A_85] : memref<80x128xi32, #tpu.memory_space<vmem>> -> memref<1x128xi32, #tpu.memory_space<vmem>>
      %dma_wait3A_87 = tpu.memref_squeeze %dma_wait3A_86 : memref<1x128xi32, #tpu.memory_space<vmem>> -> memref<128xi32, #tpu.memory_space<vmem>>
      %dma_wait3A_88 = arith.constant 0 : i32
      %dma_wait3A_89 = arith.constant 0 : i32
      %dma_wait3A_90 = tpu.memref_slice %arg2[%dma_wait3A_88, %dma_wait3A_89] : memref<10000x64xf32, #tpu.memory_space<hbm>> -> memref<10000x64xf32, #tpu.memory_space<hbm>>
      tpu.wait_indirect_dma semaphore(%arg19 : memref<!tpu.dma_semaphore, #tpu.memory_space<semaphore_mem>>) src(%dma_wait3A_90 : memref<10000x64xf32, #tpu.memory_space<hbm>>) dst(%arg10 : memref<128x64xf32, #tpu.memory_space<vmem>>)
      %add3A_91 = arith.constant 1 : i32
      %add3A_92 = arith.addi %add3A_14, %add3A_91 : i32
      "tpu.region"() ({
        %run_scoped3A = tpu.sem_alloc : memref<!tpu.dma_semaphore, #tpu.memory_space<semaphore_mem>>
        %dma_start3A_141 = arith.constant 0 : i32
        %dma_start3A_142 = tpu.memref_slice %arg8[%add3A_92, %dma_start3A_141] : memref<80x128xi32, #tpu.memory_space<vmem>> -> memref<1x128xi32, #tpu.memory_space<vmem>>
        %dma_start3A_143 = tpu.memref_squeeze %dma_start3A_142 : memref<1x128xi32, #tpu.memory_space<vmem>> -> memref<128xi32, #tpu.memory_space<vmem>>
        %dma_start3A_144 = arith.constant 0 : i32
        %dma_start3A_145 = arith.constant 0 : i32
        %dma_start3A_146 = tpu.memref_slice %arg17[%dma_start3A_144, %dma_start3A_145] : memref<10240x64xf32, #tpu.memory_space<vmem_shared>> -> memref<10240x64xf32, #tpu.memory_space<vmem_shared>>
        tpu.enqueue_indirect_dma source(%arg10 : memref<128x64xf32, #tpu.memory_space<vmem>>) target(%dma_start3A_146 : memref<10240x64xf32, #tpu.memory_space<vmem_shared>>) offsets(%dma_start3A_143 : memref<128xi32, #tpu.memory_space<vmem>>) semaphore(%run_scoped3A : memref<!tpu.dma_semaphore, #tpu.memory_space<semaphore_mem>>) {add = true}
        %dma_wait3A_147 = arith.constant 0 : i32
        %dma_wait3A_148 = tpu.memref_slice %arg8[%add3A_92, %dma_wait3A_147] : memref<80x128xi32, #tpu.memory_space<vmem>> -> memref<1x128xi32, #tpu.memory_space<vmem>>
        %dma_wait3A_149 = tpu.memref_squeeze %dma_wait3A_148 : memref<1x128xi32, #tpu.memory_space<vmem>> -> memref<128xi32, #tpu.memory_space<vmem>>
        %dma_wait3A_150 = arith.constant 0 : i32
        %dma_wait3A_151 = arith.constant 0 : i32
        %dma_wait3A_152 = tpu.memref_slice %arg17[%dma_wait3A_150, %dma_wait3A_151] : memref<10240x64xf32, #tpu.memory_space<vmem_shared>> -> memref<10240x64xf32, #tpu.memory_space<vmem_shared>>
        tpu.wait_indirect_dma semaphore(%run_scoped3A : memref<!tpu.dma_semaphore, #tpu.memory_space<semaphore_mem>>) src(%arg10 : memref<128x64xf32, #tpu.memory_space<vmem>>) dst(%dma_wait3A_152 : memref<10240x64xf32, #tpu.memory_space<vmem_shared>>)
        tpu.yield
      }) : () -> ()
      %dma_wait3A_93 = arith.constant 0 : i32
      %dma_wait3A_94 = tpu.memref_slice %arg7[%add3A_31, %dma_wait3A_93] : memref<80x128xi32, #tpu.memory_space<vmem>> -> memref<1x128xi32, #tpu.memory_space<vmem>>
      %dma_wait3A_95 = tpu.memref_squeeze %dma_wait3A_94 : memref<1x128xi32, #tpu.memory_space<vmem>> -> memref<128xi32, #tpu.memory_space<vmem>>
      %dma_wait3A_96 = arith.constant 0 : i32
      %dma_wait3A_97 = arith.constant 0 : i32
      %dma_wait3A_98 = tpu.memref_slice %arg2[%dma_wait3A_96, %dma_wait3A_97] : memref<10000x64xf32, #tpu.memory_space<hbm>> -> memref<10000x64xf32, #tpu.memory_space<hbm>>
      tpu.wait_indirect_dma semaphore(%arg20 : memref<!tpu.dma_semaphore, #tpu.memory_space<semaphore_mem>>) src(%dma_wait3A_98 : memref<10000x64xf32, #tpu.memory_space<hbm>>) dst(%arg11 : memref<128x64xf32, #tpu.memory_space<vmem>>)
      %add3A_99 = arith.constant 2 : i32
      %add3A_100 = arith.addi %add3A_14, %add3A_99 : i32
      "tpu.region"() ({
        %run_scoped3A = tpu.sem_alloc : memref<!tpu.dma_semaphore, #tpu.memory_space<semaphore_mem>>
        %dma_start3A_141 = arith.constant 0 : i32
        %dma_start3A_142 = tpu.memref_slice %arg8[%add3A_100, %dma_start3A_141] : memref<80x128xi32, #tpu.memory_space<vmem>> -> memref<1x128xi32, #tpu.memory_space<vmem>>
        %dma_start3A_143 = tpu.memref_squeeze %dma_start3A_142 : memref<1x128xi32, #tpu.memory_space<vmem>> -> memref<128xi32, #tpu.memory_space<vmem>>
        %dma_start3A_144 = arith.constant 0 : i32
        %dma_start3A_145 = arith.constant 0 : i32
        %dma_start3A_146 = tpu.memref_slice %arg17[%dma_start3A_144, %dma_start3A_145] : memref<10240x64xf32, #tpu.memory_space<vmem_shared>> -> memref<10240x64xf32, #tpu.memory_space<vmem_shared>>
        tpu.enqueue_indirect_dma source(%arg11 : memref<128x64xf32, #tpu.memory_space<vmem>>) target(%dma_start3A_146 : memref<10240x64xf32, #tpu.memory_space<vmem_shared>>) offsets(%dma_start3A_143 : memref<128xi32, #tpu.memory_space<vmem>>) semaphore(%run_scoped3A : memref<!tpu.dma_semaphore, #tpu.memory_space<semaphore_mem>>) {add = true}
        %dma_wait3A_147 = arith.constant 0 : i32
        %dma_wait3A_148 = tpu.memref_slice %arg8[%add3A_100, %dma_wait3A_147] : memref<80x128xi32, #tpu.memory_space<vmem>> -> memref<1x128xi32, #tpu.memory_space<vmem>>
        %dma_wait3A_149 = tpu.memref_squeeze %dma_wait3A_148 : memref<1x128xi32, #tpu.memory_space<vmem>> -> memref<128xi32, #tpu.memory_space<vmem>>
        %dma_wait3A_150 = arith.constant 0 : i32
        %dma_wait3A_151 = arith.constant 0 : i32
        %dma_wait3A_152 = tpu.memref_slice %arg17[%dma_wait3A_150, %dma_wait3A_151] : memref<10240x64xf32, #tpu.memory_space<vmem_shared>> -> memref<10240x64xf32, #tpu.memory_space<vmem_shared>>
        tpu.wait_indirect_dma semaphore(%run_scoped3A : memref<!tpu.dma_semaphore, #tpu.memory_space<semaphore_mem>>) src(%arg11 : memref<128x64xf32, #tpu.memory_space<vmem>>) dst(%dma_wait3A_152 : memref<10240x64xf32, #tpu.memory_space<vmem_shared>>)
        tpu.yield
      }) : () -> ()
      %dma_wait3A_101 = arith.constant 0 : i32
      %dma_wait3A_102 = tpu.memref_slice %arg7[%add3A_39, %dma_wait3A_101] : memref<80x128xi32, #tpu.memory_space<vmem>> -> memref<1x128xi32, #tpu.memory_space<vmem>>
      %dma_wait3A_103 = tpu.memref_squeeze %dma_wait3A_102 : memref<1x128xi32, #tpu.memory_space<vmem>> -> memref<128xi32, #tpu.memory_space<vmem>>
      %dma_wait3A_104 = arith.constant 0 : i32
      %dma_wait3A_105 = arith.constant 0 : i32
      %dma_wait3A_106 = tpu.memref_slice %arg2[%dma_wait3A_104, %dma_wait3A_105] : memref<10000x64xf32, #tpu.memory_space<hbm>> -> memref<10000x64xf32, #tpu.memory_space<hbm>>
      tpu.wait_indirect_dma semaphore(%arg21 : memref<!tpu.dma_semaphore, #tpu.memory_space<semaphore_mem>>) src(%dma_wait3A_106 : memref<10000x64xf32, #tpu.memory_space<hbm>>) dst(%arg12 : memref<128x64xf32, #tpu.memory_space<vmem>>)
      %add3A_107 = arith.constant 3 : i32
      %add3A_108 = arith.addi %add3A_14, %add3A_107 : i32
      "tpu.region"() ({
        %run_scoped3A = tpu.sem_alloc : memref<!tpu.dma_semaphore, #tpu.memory_space<semaphore_mem>>
        %dma_start3A_141 = arith.constant 0 : i32
        %dma_start3A_142 = tpu.memref_slice %arg8[%add3A_108, %dma_start3A_141] : memref<80x128xi32, #tpu.memory_space<vmem>> -> memref<1x128xi32, #tpu.memory_space<vmem>>
        %dma_start3A_143 = tpu.memref_squeeze %dma_start3A_142 : memref<1x128xi32, #tpu.memory_space<vmem>> -> memref<128xi32, #tpu.memory_space<vmem>>
        %dma_start3A_144 = arith.constant 0 : i32
        %dma_start3A_145 = arith.constant 0 : i32
        %dma_start3A_146 = tpu.memref_slice %arg17[%dma_start3A_144, %dma_start3A_145] : memref<10240x64xf32, #tpu.memory_space<vmem_shared>> -> memref<10240x64xf32, #tpu.memory_space<vmem_shared>>
        tpu.enqueue_indirect_dma source(%arg12 : memref<128x64xf32, #tpu.memory_space<vmem>>) target(%dma_start3A_146 : memref<10240x64xf32, #tpu.memory_space<vmem_shared>>) offsets(%dma_start3A_143 : memref<128xi32, #tpu.memory_space<vmem>>) semaphore(%run_scoped3A : memref<!tpu.dma_semaphore, #tpu.memory_space<semaphore_mem>>) {add = true}
        %dma_wait3A_147 = arith.constant 0 : i32
        %dma_wait3A_148 = tpu.memref_slice %arg8[%add3A_108, %dma_wait3A_147] : memref<80x128xi32, #tpu.memory_space<vmem>> -> memref<1x128xi32, #tpu.memory_space<vmem>>
        %dma_wait3A_149 = tpu.memref_squeeze %dma_wait3A_148 : memref<1x128xi32, #tpu.memory_space<vmem>> -> memref<128xi32, #tpu.memory_space<vmem>>
        %dma_wait3A_150 = arith.constant 0 : i32
        %dma_wait3A_151 = arith.constant 0 : i32
        %dma_wait3A_152 = tpu.memref_slice %arg17[%dma_wait3A_150, %dma_wait3A_151] : memref<10240x64xf32, #tpu.memory_space<vmem_shared>> -> memref<10240x64xf32, #tpu.memory_space<vmem_shared>>
        tpu.wait_indirect_dma semaphore(%run_scoped3A : memref<!tpu.dma_semaphore, #tpu.memory_space<semaphore_mem>>) src(%arg12 : memref<128x64xf32, #tpu.memory_space<vmem>>) dst(%dma_wait3A_152 : memref<10240x64xf32, #tpu.memory_space<vmem_shared>>)
        tpu.yield
      }) : () -> ()
      %dma_wait3A_109 = arith.constant 0 : i32
      %dma_wait3A_110 = tpu.memref_slice %arg7[%add3A_47, %dma_wait3A_109] : memref<80x128xi32, #tpu.memory_space<vmem>> -> memref<1x128xi32, #tpu.memory_space<vmem>>
      %dma_wait3A_111 = tpu.memref_squeeze %dma_wait3A_110 : memref<1x128xi32, #tpu.memory_space<vmem>> -> memref<128xi32, #tpu.memory_space<vmem>>
      %dma_wait3A_112 = arith.constant 0 : i32
      %dma_wait3A_113 = arith.constant 0 : i32
      %dma_wait3A_114 = tpu.memref_slice %arg2[%dma_wait3A_112, %dma_wait3A_113] : memref<10000x64xf32, #tpu.memory_space<hbm>> -> memref<10000x64xf32, #tpu.memory_space<hbm>>
      tpu.wait_indirect_dma semaphore(%arg22 : memref<!tpu.dma_semaphore, #tpu.memory_space<semaphore_mem>>) src(%dma_wait3A_114 : memref<10000x64xf32, #tpu.memory_space<hbm>>) dst(%arg13 : memref<128x64xf32, #tpu.memory_space<vmem>>)
      %add3A_115 = arith.constant 4 : i32
      %add3A_116 = arith.addi %add3A_14, %add3A_115 : i32
      "tpu.region"() ({
        %run_scoped3A = tpu.sem_alloc : memref<!tpu.dma_semaphore, #tpu.memory_space<semaphore_mem>>
        %dma_start3A_141 = arith.constant 0 : i32
        %dma_start3A_142 = tpu.memref_slice %arg8[%add3A_116, %dma_start3A_141] : memref<80x128xi32, #tpu.memory_space<vmem>> -> memref<1x128xi32, #tpu.memory_space<vmem>>
        %dma_start3A_143 = tpu.memref_squeeze %dma_start3A_142 : memref<1x128xi32, #tpu.memory_space<vmem>> -> memref<128xi32, #tpu.memory_space<vmem>>
        %dma_start3A_144 = arith.constant 0 : i32
        %dma_start3A_145 = arith.constant 0 : i32
        %dma_start3A_146 = tpu.memref_slice %arg17[%dma_start3A_144, %dma_start3A_145] : memref<10240x64xf32, #tpu.memory_space<vmem_shared>> -> memref<10240x64xf32, #tpu.memory_space<vmem_shared>>
        tpu.enqueue_indirect_dma source(%arg13 : memref<128x64xf32, #tpu.memory_space<vmem>>) target(%dma_start3A_146 : memref<10240x64xf32, #tpu.memory_space<vmem_shared>>) offsets(%dma_start3A_143 : memref<128xi32, #tpu.memory_space<vmem>>) semaphore(%run_scoped3A : memref<!tpu.dma_semaphore, #tpu.memory_space<semaphore_mem>>) {add = true}
        %dma_wait3A_147 = arith.constant 0 : i32
        %dma_wait3A_148 = tpu.memref_slice %arg8[%add3A_116, %dma_wait3A_147] : memref<80x128xi32, #tpu.memory_space<vmem>> -> memref<1x128xi32, #tpu.memory_space<vmem>>
        %dma_wait3A_149 = tpu.memref_squeeze %dma_wait3A_148 : memref<1x128xi32, #tpu.memory_space<vmem>> -> memref<128xi32, #tpu.memory_space<vmem>>
        %dma_wait3A_150 = arith.constant 0 : i32
        %dma_wait3A_151 = arith.constant 0 : i32
        %dma_wait3A_152 = tpu.memref_slice %arg17[%dma_wait3A_150, %dma_wait3A_151] : memref<10240x64xf32, #tpu.memory_space<vmem_shared>> -> memref<10240x64xf32, #tpu.memory_space<vmem_shared>>
        tpu.wait_indirect_dma semaphore(%run_scoped3A : memref<!tpu.dma_semaphore, #tpu.memory_space<semaphore_mem>>) src(%arg13 : memref<128x64xf32, #tpu.memory_space<vmem>>) dst(%dma_wait3A_152 : memref<10240x64xf32, #tpu.memory_space<vmem_shared>>)
        tpu.yield
      }) : () -> ()
      %dma_wait3A_117 = arith.constant 0 : i32
      %dma_wait3A_118 = tpu.memref_slice %arg7[%add3A_55, %dma_wait3A_117] : memref<80x128xi32, #tpu.memory_space<vmem>> -> memref<1x128xi32, #tpu.memory_space<vmem>>
      %dma_wait3A_119 = tpu.memref_squeeze %dma_wait3A_118 : memref<1x128xi32, #tpu.memory_space<vmem>> -> memref<128xi32, #tpu.memory_space<vmem>>
      %dma_wait3A_120 = arith.constant 0 : i32
      %dma_wait3A_121 = arith.constant 0 : i32
      %dma_wait3A_122 = tpu.memref_slice %arg2[%dma_wait3A_120, %dma_wait3A_121] : memref<10000x64xf32, #tpu.memory_space<hbm>> -> memref<10000x64xf32, #tpu.memory_space<hbm>>
      tpu.wait_indirect_dma semaphore(%arg23 : memref<!tpu.dma_semaphore, #tpu.memory_space<semaphore_mem>>) src(%dma_wait3A_122 : memref<10000x64xf32, #tpu.memory_space<hbm>>) dst(%arg14 : memref<128x64xf32, #tpu.memory_space<vmem>>)
      %add3A_123 = arith.constant 5 : i32
      %add3A_124 = arith.addi %add3A_14, %add3A_123 : i32
      "tpu.region"() ({
        %run_scoped3A = tpu.sem_alloc : memref<!tpu.dma_semaphore, #tpu.memory_space<semaphore_mem>>
        %dma_start3A_141 = arith.constant 0 : i32
        %dma_start3A_142 = tpu.memref_slice %arg8[%add3A_124, %dma_start3A_141] : memref<80x128xi32, #tpu.memory_space<vmem>> -> memref<1x128xi32, #tpu.memory_space<vmem>>
        %dma_start3A_143 = tpu.memref_squeeze %dma_start3A_142 : memref<1x128xi32, #tpu.memory_space<vmem>> -> memref<128xi32, #tpu.memory_space<vmem>>
        %dma_start3A_144 = arith.constant 0 : i32
        %dma_start3A_145 = arith.constant 0 : i32
        %dma_start3A_146 = tpu.memref_slice %arg17[%dma_start3A_144, %dma_start3A_145] : memref<10240x64xf32, #tpu.memory_space<vmem_shared>> -> memref<10240x64xf32, #tpu.memory_space<vmem_shared>>
        tpu.enqueue_indirect_dma source(%arg14 : memref<128x64xf32, #tpu.memory_space<vmem>>) target(%dma_start3A_146 : memref<10240x64xf32, #tpu.memory_space<vmem_shared>>) offsets(%dma_start3A_143 : memref<128xi32, #tpu.memory_space<vmem>>) semaphore(%run_scoped3A : memref<!tpu.dma_semaphore, #tpu.memory_space<semaphore_mem>>) {add = true}
        %dma_wait3A_147 = arith.constant 0 : i32
        %dma_wait3A_148 = tpu.memref_slice %arg8[%add3A_124, %dma_wait3A_147] : memref<80x128xi32, #tpu.memory_space<vmem>> -> memref<1x128xi32, #tpu.memory_space<vmem>>
        %dma_wait3A_149 = tpu.memref_squeeze %dma_wait3A_148 : memref<1x128xi32, #tpu.memory_space<vmem>> -> memref<128xi32, #tpu.memory_space<vmem>>
        %dma_wait3A_150 = arith.constant 0 : i32
        %dma_wait3A_151 = arith.constant 0 : i32
        %dma_wait3A_152 = tpu.memref_slice %arg17[%dma_wait3A_150, %dma_wait3A_151] : memref<10240x64xf32, #tpu.memory_space<vmem_shared>> -> memref<10240x64xf32, #tpu.memory_space<vmem_shared>>
        tpu.wait_indirect_dma semaphore(%run_scoped3A : memref<!tpu.dma_semaphore, #tpu.memory_space<semaphore_mem>>) src(%arg14 : memref<128x64xf32, #tpu.memory_space<vmem>>) dst(%dma_wait3A_152 : memref<10240x64xf32, #tpu.memory_space<vmem_shared>>)
        tpu.yield
      }) : () -> ()
      %dma_wait3A_125 = arith.constant 0 : i32
      %dma_wait3A_126 = tpu.memref_slice %arg7[%add3A_63, %dma_wait3A_125] : memref<80x128xi32, #tpu.memory_space<vmem>> -> memref<1x128xi32, #tpu.memory_space<vmem>>
      %dma_wait3A_127 = tpu.memref_squeeze %dma_wait3A_126 : memref<1x128xi32, #tpu.memory_space<vmem>> -> memref<128xi32, #tpu.memory_space<vmem>>
      %dma_wait3A_128 = arith.constant 0 : i32
      %dma_wait3A_129 = arith.constant 0 : i32
      %dma_wait3A_130 = tpu.memref_slice %arg2[%dma_wait3A_128, %dma_wait3A_129] : memref<10000x64xf32, #tpu.memory_space<hbm>> -> memref<10000x64xf32, #tpu.memory_space<hbm>>
      tpu.wait_indirect_dma semaphore(%arg24 : memref<!tpu.dma_semaphore, #tpu.memory_space<semaphore_mem>>) src(%dma_wait3A_130 : memref<10000x64xf32, #tpu.memory_space<hbm>>) dst(%arg15 : memref<128x64xf32, #tpu.memory_space<vmem>>)
      %add3A_131 = arith.constant 6 : i32
      %add3A_132 = arith.addi %add3A_14, %add3A_131 : i32
      "tpu.region"() ({
        %run_scoped3A = tpu.sem_alloc : memref<!tpu.dma_semaphore, #tpu.memory_space<semaphore_mem>>
        %dma_start3A_141 = arith.constant 0 : i32
        %dma_start3A_142 = tpu.memref_slice %arg8[%add3A_132, %dma_start3A_141] : memref<80x128xi32, #tpu.memory_space<vmem>> -> memref<1x128xi32, #tpu.memory_space<vmem>>
        %dma_start3A_143 = tpu.memref_squeeze %dma_start3A_142 : memref<1x128xi32, #tpu.memory_space<vmem>> -> memref<128xi32, #tpu.memory_space<vmem>>
        %dma_start3A_144 = arith.constant 0 : i32
        %dma_start3A_145 = arith.constant 0 : i32
        %dma_start3A_146 = tpu.memref_slice %arg17[%dma_start3A_144, %dma_start3A_145] : memref<10240x64xf32, #tpu.memory_space<vmem_shared>> -> memref<10240x64xf32, #tpu.memory_space<vmem_shared>>
        tpu.enqueue_indirect_dma source(%arg15 : memref<128x64xf32, #tpu.memory_space<vmem>>) target(%dma_start3A_146 : memref<10240x64xf32, #tpu.memory_space<vmem_shared>>) offsets(%dma_start3A_143 : memref<128xi32, #tpu.memory_space<vmem>>) semaphore(%run_scoped3A : memref<!tpu.dma_semaphore, #tpu.memory_space<semaphore_mem>>) {add = true}
        %dma_wait3A_147 = arith.constant 0 : i32
        %dma_wait3A_148 = tpu.memref_slice %arg8[%add3A_132, %dma_wait3A_147] : memref<80x128xi32, #tpu.memory_space<vmem>> -> memref<1x128xi32, #tpu.memory_space<vmem>>
        %dma_wait3A_149 = tpu.memref_squeeze %dma_wait3A_148 : memref<1x128xi32, #tpu.memory_space<vmem>> -> memref<128xi32, #tpu.memory_space<vmem>>
        %dma_wait3A_150 = arith.constant 0 : i32
        %dma_wait3A_151 = arith.constant 0 : i32
        %dma_wait3A_152 = tpu.memref_slice %arg17[%dma_wait3A_150, %dma_wait3A_151] : memref<10240x64xf32, #tpu.memory_space<vmem_shared>> -> memref<10240x64xf32, #tpu.memory_space<vmem_shared>>
        tpu.wait_indirect_dma semaphore(%run_scoped3A : memref<!tpu.dma_semaphore, #tpu.memory_space<semaphore_mem>>) src(%arg15 : memref<128x64xf32, #tpu.memory_space<vmem>>) dst(%dma_wait3A_152 : memref<10240x64xf32, #tpu.memory_space<vmem_shared>>)
        tpu.yield
      }) : () -> ()
      %dma_wait3A_133 = arith.constant 0 : i32
      %dma_wait3A_134 = tpu.memref_slice %arg7[%add3A_71, %dma_wait3A_133] : memref<80x128xi32, #tpu.memory_space<vmem>> -> memref<1x128xi32, #tpu.memory_space<vmem>>
      %dma_wait3A_135 = tpu.memref_squeeze %dma_wait3A_134 : memref<1x128xi32, #tpu.memory_space<vmem>> -> memref<128xi32, #tpu.memory_space<vmem>>
      %dma_wait3A_136 = arith.constant 0 : i32
      %dma_wait3A_137 = arith.constant 0 : i32
      %dma_wait3A_138 = tpu.memref_slice %arg2[%dma_wait3A_136, %dma_wait3A_137] : memref<10000x64xf32, #tpu.memory_space<hbm>> -> memref<10000x64xf32, #tpu.memory_space<hbm>>
      tpu.wait_indirect_dma semaphore(%arg25 : memref<!tpu.dma_semaphore, #tpu.memory_space<semaphore_mem>>) src(%dma_wait3A_138 : memref<10000x64xf32, #tpu.memory_space<hbm>>) dst(%arg16 : memref<128x64xf32, #tpu.memory_space<vmem>>)
      %add3A_139 = arith.constant 7 : i32
      %add3A_140 = arith.addi %add3A_14, %add3A_139 : i32
      "tpu.region"() ({
        %run_scoped3A = tpu.sem_alloc : memref<!tpu.dma_semaphore, #tpu.memory_space<semaphore_mem>>
        %dma_start3A_141 = arith.constant 0 : i32
        %dma_start3A_142 = tpu.memref_slice %arg8[%add3A_140, %dma_start3A_141] : memref<80x128xi32, #tpu.memory_space<vmem>> -> memref<1x128xi32, #tpu.memory_space<vmem>>
        %dma_start3A_143 = tpu.memref_squeeze %dma_start3A_142 : memref<1x128xi32, #tpu.memory_space<vmem>> -> memref<128xi32, #tpu.memory_space<vmem>>
        %dma_start3A_144 = arith.constant 0 : i32
        %dma_start3A_145 = arith.constant 0 : i32
        %dma_start3A_146 = tpu.memref_slice %arg17[%dma_start3A_144, %dma_start3A_145] : memref<10240x64xf32, #tpu.memory_space<vmem_shared>> -> memref<10240x64xf32, #tpu.memory_space<vmem_shared>>
        tpu.enqueue_indirect_dma source(%arg16 : memref<128x64xf32, #tpu.memory_space<vmem>>) target(%dma_start3A_146 : memref<10240x64xf32, #tpu.memory_space<vmem_shared>>) offsets(%dma_start3A_143 : memref<128xi32, #tpu.memory_space<vmem>>) semaphore(%run_scoped3A : memref<!tpu.dma_semaphore, #tpu.memory_space<semaphore_mem>>) {add = true}
        %dma_wait3A_147 = arith.constant 0 : i32
        %dma_wait3A_148 = tpu.memref_slice %arg8[%add3A_140, %dma_wait3A_147] : memref<80x128xi32, #tpu.memory_space<vmem>> -> memref<1x128xi32, #tpu.memory_space<vmem>>
        %dma_wait3A_149 = tpu.memref_squeeze %dma_wait3A_148 : memref<1x128xi32, #tpu.memory_space<vmem>> -> memref<128xi32, #tpu.memory_space<vmem>>
        %dma_wait3A_150 = arith.constant 0 : i32
        %dma_wait3A_151 = arith.constant 0 : i32
        %dma_wait3A_152 = tpu.memref_slice %arg17[%dma_wait3A_150, %dma_wait3A_151] : memref<10240x64xf32, #tpu.memory_space<vmem_shared>> -> memref<10240x64xf32, #tpu.memory_space<vmem_shared>>
        tpu.wait_indirect_dma semaphore(%run_scoped3A : memref<!tpu.dma_semaphore, #tpu.memory_space<semaphore_mem>>) src(%arg16 : memref<128x64xf32, #tpu.memory_space<vmem>>) dst(%dma_wait3A_152 : memref<10240x64xf32, #tpu.memory_space<vmem_shared>>)
        tpu.yield
      }) : () -> ()
    }
    %scan3A_4 = arith.constant 10 : i32
    %barrier3A_5 = arith.constant 0 : index
    tpu.barrier barrier_id(%barrier3A_5)
    %mul3A_6 = arith.constant 640 : i32
    %mul3A_7 = arith.muli %arg1, %mul3A_6 : i32
    %mul3A_8 = arith.constant 640 : i32
    %mul3A_9 = arith.muli %arg1, %mul3A_8 : i32
    "tpu.region"() ({
      %run_scoped3A = tpu.sem_alloc : memref<!tpu.dma_semaphore, #tpu.memory_space<semaphore_mem>>
      %dma_start3A = arith.constant 0 : i32
      %dma_start3A_11 = arith.constant 0 : i32
      %dma_start3A_12 = tpu.memref_slice %arg6[%arg0, %dma_start3A, %dma_start3A_11] : memref<2x10240x64xf32, #tpu.memory_space<hbm>> -> memref<1x10240x64xf32, #tpu.memory_space<hbm>>
      %dma_start3A_13 = tpu.memref_squeeze %dma_start3A_12 : memref<1x10240x64xf32, #tpu.memory_space<hbm>> -> memref<10240x64xf32, #tpu.memory_space<hbm>>
      %dma_start3A_14 = arith.constant 0 : i32
      %dma_start3A_15 = tpu.memref_slice %dma_start3A_13[%mul3A_9, %dma_start3A_14] : memref<10240x64xf32, #tpu.memory_space<hbm>> -> memref<640x64xf32, #tpu.memory_space<hbm>>
      %dma_start3A_16 = arith.constant 0 : i32
      %dma_start3A_17 = tpu.memref_slice %arg17[%mul3A_7, %dma_start3A_16] : memref<10240x64xf32, #tpu.memory_space<vmem_shared>> -> memref<640x64xf32, #tpu.memory_space<vmem_shared>>
      tpu.enqueue_dma source(%dma_start3A_17 : memref<640x64xf32, #tpu.memory_space<vmem_shared>>) target(%dma_start3A_15 : memref<640x64xf32, #tpu.memory_space<hbm>>) target_semaphore(%run_scoped3A : memref<!tpu.dma_semaphore, #tpu.memory_space<semaphore_mem>>)
      %dma_wait3A = arith.constant 0 : i32
      %dma_wait3A_18 = arith.constant 0 : i32
      %dma_wait3A_19 = tpu.memref_slice %arg6[%arg0, %dma_wait3A, %dma_wait3A_18] : memref<2x10240x64xf32, #tpu.memory_space<hbm>> -> memref<1x10240x64xf32, #tpu.memory_space<hbm>>
      %dma_wait3A_20 = tpu.memref_squeeze %dma_wait3A_19 : memref<1x10240x64xf32, #tpu.memory_space<hbm>> -> memref<10240x64xf32, #tpu.memory_space<hbm>>
      %dma_wait3A_21 = arith.constant 0 : i32
      %dma_wait3A_22 = tpu.memref_slice %dma_wait3A_20[%mul3A_9, %dma_wait3A_21] : memref<10240x64xf32, #tpu.memory_space<hbm>> -> memref<640x64xf32, #tpu.memory_space<hbm>>
      %dma_wait3A_23 = arith.constant 0 : i32
      %dma_wait3A_24 = tpu.memref_slice %arg17[%mul3A_7, %dma_wait3A_23] : memref<10240x64xf32, #tpu.memory_space<vmem_shared>> -> memref<640x64xf32, #tpu.memory_space<vmem_shared>>
      tpu.wait_dma2 semaphore(%run_scoped3A : memref<!tpu.dma_semaphore, #tpu.memory_space<semaphore_mem>>) src(%dma_wait3A_24 : memref<640x64xf32, #tpu.memory_space<vmem_shared>>) dst(%dma_wait3A_22 : memref<640x64xf32, #tpu.memory_space<hbm>>)
      tpu.yield
    }) : () -> ()
    %barrier3A_10 = arith.constant 0 : index
    tpu.barrier barrier_id(%barrier3A_10)
    return
  }
}

#map = affine_map<(d0, d1) -> (0, 0)>
#map1 = affine_map<(d0, d1) -> (0, 0, 0, 0)>
#map2 = affine_map<(d0, d1) -> (0, 0, 0)>
module attributes {stable_mosaic.version = 14 : i64} {
  func.func @k(%arg0: i32, %arg1: i32, %arg2: memref<10000x16xf32, #tpu.memory_space<hbm>>, %arg3: memref<2x32x80x128xi32, #tpu.memory_space<hbm>>, %arg4: memref<2x32x80x128xi32, #tpu.memory_space<hbm>>, %arg5: memref<640x16xf32, #tpu.memory_space<hbm>>, %arg6: memref<2x10240x16xf32, #tpu.memory_space<hbm>>, %arg7: memref<80x128xi32, #tpu.memory_space<vmem>>, %arg8: memref<80x128xi32, #tpu.memory_space<vmem>>, %arg9: memref<128x16xf32, #tpu.memory_space<vmem>>, %arg10: memref<128x16xf32, #tpu.memory_space<vmem>>, %arg11: memref<128x16xf32, #tpu.memory_space<vmem>>, %arg12: memref<128x16xf32, #tpu.memory_space<vmem>>, %arg13: memref<128x16xf32, #tpu.memory_space<vmem>>, %arg14: memref<128x16xf32, #tpu.memory_space<vmem>>, %arg15: memref<128x16xf32, #tpu.memory_space<vmem>>, %arg16: memref<128x16xf32, #tpu.memory_space<vmem>>, %arg17: memref<10240x16xf32, #tpu.memory_space<vmem_shared>>, %arg18: memref<!tpu.dma_semaphore, #tpu.memory_space<semaphore_mem>>, %arg19: memref<!tpu.dma_semaphore, #tpu.memory_space<semaphore_mem>>, %arg20: memref<!tpu.dma_semaphore, #tpu.memory_space<semaphore_mem>>, %arg21: memref<!tpu.dma_semaphore, #tpu.memory_space<semaphore_mem>>, %arg22: memref<!tpu.dma_semaphore, #tpu.memory_space<semaphore_mem>>, %arg23: memref<!tpu.dma_semaphore, #tpu.memory_space<semaphore_mem>>, %arg24: memref<!tpu.dma_semaphore, #tpu.memory_space<semaphore_mem>>, %arg25: memref<!tpu.dma_semaphore, #tpu.memory_space<semaphore_mem>>) attributes {dimension_semantics = [#tpu.dimension_semantics<core_parallel>, #tpu.dimension_semantics<subcore_parallel>], iteration_bounds = array<i64: 2, 16>, scalar_prefetch = 0 : i64, scratch_operands = 19 : i64, tpu.core_type = #tpu.core_type<sc_vector_subcore>, window_params = [{transform_indices = #map}, {transform_indices = #map1}, {transform_indices = #map1}, {transform_indices = #map}, {transform_indices = #map2}]} {
    "tpu.region"() ({
      %run_scoped3A = tpu.sem_alloc : memref<!tpu.dma_semaphore, #tpu.memory_space<semaphore_mem>>
      %dma_start3A = arith.constant 0 : i32
      %dma_start3A_11 = arith.constant 0 : i32
      %dma_start3A_12 = tpu.memref_slice %arg3[%arg0, %arg1, %dma_start3A, %dma_start3A_11] : memref<2x32x80x128xi32, #tpu.memory_space<hbm>> -> memref<1x1x80x128xi32, #tpu.memory_space<hbm>>
      %dma_start3A_13 = tpu.memref_squeeze %dma_start3A_12 : memref<1x1x80x128xi32, #tpu.memory_space<hbm>> -> memref<80x128xi32, #tpu.memory_space<hbm>>
      %dma_start3A_14 = arith.constant 0 : i32
      %dma_start3A_15 = arith.constant 0 : i32
      %dma_start3A_16 = tpu.memref_slice %arg3[%arg0, %arg1, %dma_start3A_14, %dma_start3A_15] : memref<2x32x80x128xi32, #tpu.memory_space<hbm>> -> memref<1x1x80x128xi32, #tpu.memory_space<hbm>>
      %dma_start3A_17 = tpu.memref_squeeze %dma_start3A_16 : memref<1x1x80x128xi32, #tpu.memory_space<hbm>> -> memref<80x128xi32, #tpu.memory_space<hbm>>
      tpu.enqueue_dma source(%dma_start3A_17 : memref<80x128xi32, #tpu.memory_space<hbm>>) target(%arg7 : memref<80x128xi32, #tpu.memory_space<vmem>>) target_semaphore(%run_scoped3A : memref<!tpu.dma_semaphore, #tpu.memory_space<semaphore_mem>>)
      %dma_wait3A = arith.constant 0 : i32
      %dma_wait3A_18 = arith.constant 0 : i32
      %dma_wait3A_19 = tpu.memref_slice %arg3[%arg0, %arg1, %dma_wait3A, %dma_wait3A_18] : memref<2x32x80x128xi32, #tpu.memory_space<hbm>> -> memref<1x1x80x128xi32, #tpu.memory_space<hbm>>
      %dma_wait3A_20 = tpu.memref_squeeze %dma_wait3A_19 : memref<1x1x80x128xi32, #tpu.memory_space<hbm>> -> memref<80x128xi32, #tpu.memory_space<hbm>>
      %dma_wait3A_21 = arith.constant 0 : i32
      %dma_wait3A_22 = arith.constant 0 : i32
      %dma_wait3A_23 = tpu.memref_slice %arg3[%arg0, %arg1, %dma_wait3A_21, %dma_wait3A_22] : memref<2x32x80x128xi32, #tpu.memory_space<hbm>> -> memref<1x1x80x128xi32, #tpu.memory_space<hbm>>
      %dma_wait3A_24 = tpu.memref_squeeze %dma_wait3A_23 : memref<1x1x80x128xi32, #tpu.memory_space<hbm>> -> memref<80x128xi32, #tpu.memory_space<hbm>>
      tpu.wait_dma2 semaphore(%run_scoped3A : memref<!tpu.dma_semaphore, #tpu.memory_space<semaphore_mem>>) src(%dma_wait3A_24 : memref<80x128xi32, #tpu.memory_space<hbm>>) dst(%arg7 : memref<80x128xi32, #tpu.memory_space<vmem>>)
      tpu.yield
    }) : () -> ()
    "tpu.region"() ({
      %run_scoped3A = tpu.sem_alloc : memref<!tpu.dma_semaphore, #tpu.memory_space<semaphore_mem>>
      %dma_start3A = arith.constant 0 : i32
      %dma_start3A_11 = arith.constant 0 : i32
      %dma_start3A_12 = tpu.memref_slice %arg4[%arg0, %arg1, %dma_start3A, %dma_start3A_11] : memref<2x32x80x128xi32, #tpu.memory_space<hbm>> -> memref<1x1x80x128xi32, #tpu.memory_space<hbm>>
      %dma_start3A_13 = tpu.memref_squeeze %dma_start3A_12 : memref<1x1x80x128xi32, #tpu.memory_space<hbm>> -> memref<80x128xi32, #tpu.memory_space<hbm>>
      %dma_start3A_14 = arith.constant 0 : i32
      %dma_start3A_15 = arith.constant 0 : i32
      %dma_start3A_16 = tpu.memref_slice %arg4[%arg0, %arg1, %dma_start3A_14, %dma_start3A_15] : memref<2x32x80x128xi32, #tpu.memory_space<hbm>> -> memref<1x1x80x128xi32, #tpu.memory_space<hbm>>
      %dma_start3A_17 = tpu.memref_squeeze %dma_start3A_16 : memref<1x1x80x128xi32, #tpu.memory_space<hbm>> -> memref<80x128xi32, #tpu.memory_space<hbm>>
      tpu.enqueue_dma source(%dma_start3A_17 : memref<80x128xi32, #tpu.memory_space<hbm>>) target(%arg8 : memref<80x128xi32, #tpu.memory_space<vmem>>) target_semaphore(%run_scoped3A : memref<!tpu.dma_semaphore, #tpu.memory_space<semaphore_mem>>)
      %dma_wait3A = arith.constant 0 : i32
      %dma_wait3A_18 = arith.constant 0 : i32
      %dma_wait3A_19 = tpu.memref_slice %arg4[%arg0, %arg1, %dma_wait3A, %dma_wait3A_18] : memref<2x32x80x128xi32, #tpu.memory_space<hbm>> -> memref<1x1x80x128xi32, #tpu.memory_space<hbm>>
      %dma_wait3A_20 = tpu.memref_squeeze %dma_wait3A_19 : memref<1x1x80x128xi32, #tpu.memory_space<hbm>> -> memref<80x128xi32, #tpu.memory_space<hbm>>
      %dma_wait3A_21 = arith.constant 0 : i32
      %dma_wait3A_22 = arith.constant 0 : i32
      %dma_wait3A_23 = tpu.memref_slice %arg4[%arg0, %arg1, %dma_wait3A_21, %dma_wait3A_22] : memref<2x32x80x128xi32, #tpu.memory_space<hbm>> -> memref<1x1x80x128xi32, #tpu.memory_space<hbm>>
      %dma_wait3A_24 = tpu.memref_squeeze %dma_wait3A_23 : memref<1x1x80x128xi32, #tpu.memory_space<hbm>> -> memref<80x128xi32, #tpu.memory_space<hbm>>
      tpu.wait_dma2 semaphore(%run_scoped3A : memref<!tpu.dma_semaphore, #tpu.memory_space<semaphore_mem>>) src(%dma_wait3A_24 : memref<80x128xi32, #tpu.memory_space<hbm>>) dst(%arg8 : memref<80x128xi32, #tpu.memory_space<vmem>>)
      tpu.yield
    }) : () -> ()
    %mul3A = arith.constant 640 : i32
    %mul3A_0 = arith.muli %arg1, %mul3A : i32
    "tpu.region"() ({
      %run_scoped3A = tpu.sem_alloc : memref<!tpu.dma_semaphore, #tpu.memory_space<semaphore_mem>>
      %dma_start3A = arith.constant 0 : i32
      %dma_start3A_11 = tpu.memref_slice %arg17[%mul3A_0, %dma_start3A] : memref<10240x16xf32, #tpu.memory_space<vmem_shared>> -> memref<640x16xf32, #tpu.memory_space<vmem_shared>>
      tpu.enqueue_dma source(%arg5 : memref<640x16xf32, #tpu.memory_space<hbm>>) target(%dma_start3A_11 : memref<640x16xf32, #tpu.memory_space<vmem_shared>>) target_semaphore(%run_scoped3A : memref<!tpu.dma_semaphore, #tpu.memory_space<semaphore_mem>>)
      %dma_wait3A = arith.constant 0 : i32
      %dma_wait3A_12 = tpu.memref_slice %arg17[%mul3A_0, %dma_wait3A] : memref<10240x16xf32, #tpu.memory_space<vmem_shared>> -> memref<640x16xf32, #tpu.memory_space<vmem_shared>>
      tpu.wait_dma2 semaphore(%run_scoped3A : memref<!tpu.dma_semaphore, #tpu.memory_space<semaphore_mem>>) src(%arg5 : memref<640x16xf32, #tpu.memory_space<hbm>>) dst(%dma_wait3A_12 : memref<640x16xf32, #tpu.memory_space<vmem_shared>>)
      tpu.yield
    }) : () -> ()
    %barrier3A = arith.constant 0 : index
    tpu.barrier barrier_id(%barrier3A)
    %scan3A = arith.constant 0 : i32
    %scan3A_1 = arith.constant 10 : i32
    %scan3A_2 = arith.addi %scan3A, %scan3A_1 : i32
    %scan3A_3 = arith.constant 1 : i32
    scf.for %scan3A_11 = %scan3A to %scan3A_2 step %scan3A_3  : i32 {
      %mul3A_12 = arith.constant 8 : i32
      %mul3A_13 = arith.muli %scan3A_11, %mul3A_12 : i32
      %add3A = arith.constant 0 : i32
      %add3A_14 = arith.addi %add3A, %mul3A_13 : i32
      %add3A_15 = arith.constant 0 : i32
      %add3A_16 = arith.addi %add3A_14, %add3A_15 : i32
      %dma_start3A = arith.constant 0 : i32
      %dma_start3A_17 = tpu.memref_slice %arg7[%add3A_16, %dma_start3A] : memref<80x128xi32, #tpu.memory_space<vmem>> -> memref<1x128xi32, #tpu.memory_space<vmem>>
      %dma_start3A_18 = tpu.memref_squeeze %dma_start3A_17 : memref<1x128xi32, #tpu.memory_space<vmem>> -> memref<128xi32, #tpu.memory_space<vmem>>
      %dma_start3A_19 = arith.constant 0 : i32
      %dma_start3A_20 = arith.constant 0 : i32
      %dma_start3A_21 = tpu.memref_slice %arg2[%dma_start3A_19, %dma_start3A_20] : memref<10000x16xf32, #tpu.memory_space<hbm>> -> memref<10000x16xf32, #tpu.memory_space<hbm>>
      tpu.enqueue_indirect_dma source(%dma_start3A_21 : memref<10000x16xf32, #tpu.memory_space<hbm>>) target(%arg9 : memref<128x16xf32, #tpu.memory_space<vmem>>) offsets(%dma_start3A_18 : memref<128xi32, #tpu.memory_space<vmem>>) semaphore(%arg18 : memref<!tpu.dma_semaphore, #tpu.memory_space<semaphore_mem>>)
      %add3A_22 = arith.constant 1 : i32
      %add3A_23 = arith.addi %add3A_14, %add3A_22 : i32
      %dma_start3A_24 = arith.constant 0 : i32
      %dma_start3A_25 = tpu.memref_slice %arg7[%add3A_23, %dma_start3A_24] : memref<80x128xi32, #tpu.memory_space<vmem>> -> memref<1x128xi32, #tpu.memory_space<vmem>>
      %dma_start3A_26 = tpu.memref_squeeze %dma_start3A_25 : memref<1x128xi32, #tpu.memory_space<vmem>> -> memref<128xi32, #tpu.memory_space<vmem>>
      %dma_start3A_27 = arith.constant 0 : i32
      %dma_start3A_28 = arith.constant 0 : i32
      %dma_start3A_29 = tpu.memref_slice %arg2[%dma_start3A_27, %dma_start3A_28] : memref<10000x16xf32, #tpu.memory_space<hbm>> -> memref<10000x16xf32, #tpu.memory_space<hbm>>
      tpu.enqueue_indirect_dma source(%dma_start3A_29 : memref<10000x16xf32, #tpu.memory_space<hbm>>) target(%arg10 : memref<128x16xf32, #tpu.memory_space<vmem>>) offsets(%dma_start3A_26 : memref<128xi32, #tpu.memory_space<vmem>>) semaphore(%arg19 : memref<!tpu.dma_semaphore, #tpu.memory_space<semaphore_mem>>)
      %add3A_30 = arith.constant 2 : i32
      %add3A_31 = arith.addi %add3A_14, %add3A_30 : i32
      %dma_start3A_32 = arith.constant 0 : i32
      %dma_start3A_33 = tpu.memref_slice %arg7[%add3A_31, %dma_start3A_32] : memref<80x128xi32, #tpu.memory_space<vmem>> -> memref<1x128xi32, #tpu.memory_space<vmem>>
      %dma_start3A_34 = tpu.memref_squeeze %dma_start3A_33 : memref<1x128xi32, #tpu.memory_space<vmem>> -> memref<128xi32, #tpu.memory_space<vmem>>
      %dma_start3A_35 = arith.constant 0 : i32
      %dma_start3A_36 = arith.constant 0 : i32
      %dma_start3A_37 = tpu.memref_slice %arg2[%dma_start3A_35, %dma_start3A_36] : memref<10000x16xf32, #tpu.memory_space<hbm>> -> memref<10000x16xf32, #tpu.memory_space<hbm>>
      tpu.enqueue_indirect_dma source(%dma_start3A_37 : memref<10000x16xf32, #tpu.memory_space<hbm>>) target(%arg11 : memref<128x16xf32, #tpu.memory_space<vmem>>) offsets(%dma_start3A_34 : memref<128xi32, #tpu.memory_space<vmem>>) semaphore(%arg20 : memref<!tpu.dma_semaphore, #tpu.memory_space<semaphore_mem>>)
      %add3A_38 = arith.constant 3 : i32
      %add3A_39 = arith.addi %add3A_14, %add3A_38 : i32
      %dma_start3A_40 = arith.constant 0 : i32
      %dma_start3A_41 = tpu.memref_slice %arg7[%add3A_39, %dma_start3A_40] : memref<80x128xi32, #tpu.memory_space<vmem>> -> memref<1x128xi32, #tpu.memory_space<vmem>>
      %dma_start3A_42 = tpu.memref_squeeze %dma_start3A_41 : memref<1x128xi32, #tpu.memory_space<vmem>> -> memref<128xi32, #tpu.memory_space<vmem>>
      %dma_start3A_43 = arith.constant 0 : i32
      %dma_start3A_44 = arith.constant 0 : i32
      %dma_start3A_45 = tpu.memref_slice %arg2[%dma_start3A_43, %dma_start3A_44] : memref<10000x16xf32, #tpu.memory_space<hbm>> -> memref<10000x16xf32, #tpu.memory_space<hbm>>
      tpu.enqueue_indirect_dma source(%dma_start3A_45 : memref<10000x16xf32, #tpu.memory_space<hbm>>) target(%arg12 : memref<128x16xf32, #tpu.memory_space<vmem>>) offsets(%dma_start3A_42 : memref<128xi32, #tpu.memory_space<vmem>>) semaphore(%arg21 : memref<!tpu.dma_semaphore, #tpu.memory_space<semaphore_mem>>)
      %add3A_46 = arith.constant 4 : i32
      %add3A_47 = arith.addi %add3A_14, %add3A_46 : i32
      %dma_start3A_48 = arith.constant 0 : i32
      %dma_start3A_49 = tpu.memref_slice %arg7[%add3A_47, %dma_start3A_48] : memref<80x128xi32, #tpu.memory_space<vmem>> -> memref<1x128xi32, #tpu.memory_space<vmem>>
      %dma_start3A_50 = tpu.memref_squeeze %dma_start3A_49 : memref<1x128xi32, #tpu.memory_space<vmem>> -> memref<128xi32, #tpu.memory_space<vmem>>
      %dma_start3A_51 = arith.constant 0 : i32
      %dma_start3A_52 = arith.constant 0 : i32
      %dma_start3A_53 = tpu.memref_slice %arg2[%dma_start3A_51, %dma_start3A_52] : memref<10000x16xf32, #tpu.memory_space<hbm>> -> memref<10000x16xf32, #tpu.memory_space<hbm>>
      tpu.enqueue_indirect_dma source(%dma_start3A_53 : memref<10000x16xf32, #tpu.memory_space<hbm>>) target(%arg13 : memref<128x16xf32, #tpu.memory_space<vmem>>) offsets(%dma_start3A_50 : memref<128xi32, #tpu.memory_space<vmem>>) semaphore(%arg22 : memref<!tpu.dma_semaphore, #tpu.memory_space<semaphore_mem>>)
      %add3A_54 = arith.constant 5 : i32
      %add3A_55 = arith.addi %add3A_14, %add3A_54 : i32
      %dma_start3A_56 = arith.constant 0 : i32
      %dma_start3A_57 = tpu.memref_slice %arg7[%add3A_55, %dma_start3A_56] : memref<80x128xi32, #tpu.memory_space<vmem>> -> memref<1x128xi32, #tpu.memory_space<vmem>>
      %dma_start3A_58 = tpu.memref_squeeze %dma_start3A_57 : memref<1x128xi32, #tpu.memory_space<vmem>> -> memref<128xi32, #tpu.memory_space<vmem>>
      %dma_start3A_59 = arith.constant 0 : i32
      %dma_start3A_60 = arith.constant 0 : i32
      %dma_start3A_61 = tpu.memref_slice %arg2[%dma_start3A_59, %dma_start3A_60] : memref<10000x16xf32, #tpu.memory_space<hbm>> -> memref<10000x16xf32, #tpu.memory_space<hbm>>
      tpu.enqueue_indirect_dma source(%dma_start3A_61 : memref<10000x16xf32, #tpu.memory_space<hbm>>) target(%arg14 : memref<128x16xf32, #tpu.memory_space<vmem>>) offsets(%dma_start3A_58 : memref<128xi32, #tpu.memory_space<vmem>>) semaphore(%arg23 : memref<!tpu.dma_semaphore, #tpu.memory_space<semaphore_mem>>)
      %add3A_62 = arith.constant 6 : i32
      %add3A_63 = arith.addi %add3A_14, %add3A_62 : i32
      %dma_start3A_64 = arith.constant 0 : i32
      %dma_start3A_65 = tpu.memref_slice %arg7[%add3A_63, %dma_start3A_64] : memref<80x128xi32, #tpu.memory_space<vmem>> -> memref<1x128xi32, #tpu.memory_space<vmem>>
      %dma_start3A_66 = tpu.memref_squeeze %dma_start3A_65 : memref<1x128xi32, #tpu.memory_space<vmem>> -> memref<128xi32, #tpu.memory_space<vmem>>
      %dma_start3A_67 = arith.constant 0 : i32
      %dma_start3A_68 = arith.constant 0 : i32
      %dma_start3A_69 = tpu.memref_slice %arg2[%dma_start3A_67, %dma_start3A_68] : memref<10000x16xf32, #tpu.memory_space<hbm>> -> memref<10000x16xf32, #tpu.memory_space<hbm>>
      tpu.enqueue_indirect_dma source(%dma_start3A_69 : memref<10000x16xf32, #tpu.memory_space<hbm>>) target(%arg15 : memref<128x16xf32, #tpu.memory_space<vmem>>) offsets(%dma_start3A_66 : memref<128xi32, #tpu.memory_space<vmem>>) semaphore(%arg24 : memref<!tpu.dma_semaphore, #tpu.memory_space<semaphore_mem>>)
      %add3A_70 = arith.constant 7 : i32
      %add3A_71 = arith.addi %add3A_14, %add3A_70 : i32
      %dma_start3A_72 = arith.constant 0 : i32
      %dma_start3A_73 = tpu.memref_slice %arg7[%add3A_71, %dma_start3A_72] : memref<80x128xi32, #tpu.memory_space<vmem>> -> memref<1x128xi32, #tpu.memory_space<vmem>>
      %dma_start3A_74 = tpu.memref_squeeze %dma_start3A_73 : memref<1x128xi32, #tpu.memory_space<vmem>> -> memref<128xi32, #tpu.memory_space<vmem>>
      %dma_start3A_75 = arith.constant 0 : i32
      %dma_start3A_76 = arith.constant 0 : i32
      %dma_start3A_77 = tpu.memref_slice %arg2[%dma_start3A_75, %dma_start3A_76] : memref<10000x16xf32, #tpu.memory_space<hbm>> -> memref<10000x16xf32, #tpu.memory_space<hbm>>
      tpu.enqueue_indirect_dma source(%dma_start3A_77 : memref<10000x16xf32, #tpu.memory_space<hbm>>) target(%arg16 : memref<128x16xf32, #tpu.memory_space<vmem>>) offsets(%dma_start3A_74 : memref<128xi32, #tpu.memory_space<vmem>>) semaphore(%arg25 : memref<!tpu.dma_semaphore, #tpu.memory_space<semaphore_mem>>)
      %dma_wait3A = arith.constant 0 : i32
      %dma_wait3A_78 = tpu.memref_slice %arg7[%add3A_16, %dma_wait3A] : memref<80x128xi32, #tpu.memory_space<vmem>> -> memref<1x128xi32, #tpu.memory_space<vmem>>
      %dma_wait3A_79 = tpu.memref_squeeze %dma_wait3A_78 : memref<1x128xi32, #tpu.memory_space<vmem>> -> memref<128xi32, #tpu.memory_space<vmem>>
      %dma_wait3A_80 = arith.constant 0 : i32
      %dma_wait3A_81 = arith.constant 0 : i32
      %dma_wait3A_82 = tpu.memref_slice %arg2[%dma_wait3A_80, %dma_wait3A_81] : memref<10000x16xf32, #tpu.memory_space<hbm>> -> memref<10000x16xf32, #tpu.memory_space<hbm>>
      tpu.wait_indirect_dma semaphore(%arg18 : memref<!tpu.dma_semaphore, #tpu.memory_space<semaphore_mem>>) src(%dma_wait3A_82 : memref<10000x16xf32, #tpu.memory_space<hbm>>) dst(%arg9 : memref<128x16xf32, #tpu.memory_space<vmem>>)
      %add3A_83 = arith.constant 0 : i32
      %add3A_84 = arith.addi %add3A_14, %add3A_83 : i32
      "tpu.region"() ({
        %run_scoped3A = tpu.sem_alloc : memref<!tpu.dma_semaphore, #tpu.memory_space<semaphore_mem>>
        %dma_start3A_141 = arith.constant 0 : i32
        %dma_start3A_142 = tpu.memref_slice %arg8[%add3A_84, %dma_start3A_141] : memref<80x128xi32, #tpu.memory_space<vmem>> -> memref<1x128xi32, #tpu.memory_space<vmem>>
        %dma_start3A_143 = tpu.memref_squeeze %dma_start3A_142 : memref<1x128xi32, #tpu.memory_space<vmem>> -> memref<128xi32, #tpu.memory_space<vmem>>
        %dma_start3A_144 = arith.constant 0 : i32
        %dma_start3A_145 = arith.constant 0 : i32
        %dma_start3A_146 = tpu.memref_slice %arg17[%dma_start3A_144, %dma_start3A_145] : memref<10240x16xf32, #tpu.memory_space<vmem_shared>> -> memref<10240x16xf32, #tpu.memory_space<vmem_shared>>
        tpu.enqueue_indirect_dma source(%arg9 : memref<128x16xf32, #tpu.memory_space<vmem>>) target(%dma_start3A_146 : memref<10240x16xf32, #tpu.memory_space<vmem_shared>>) offsets(%dma_start3A_143 : memref<128xi32, #tpu.memory_space<vmem>>) semaphore(%run_scoped3A : memref<!tpu.dma_semaphore, #tpu.memory_space<semaphore_mem>>) {add = true}
        %dma_wait3A_147 = arith.constant 0 : i32
        %dma_wait3A_148 = tpu.memref_slice %arg8[%add3A_84, %dma_wait3A_147] : memref<80x128xi32, #tpu.memory_space<vmem>> -> memref<1x128xi32, #tpu.memory_space<vmem>>
        %dma_wait3A_149 = tpu.memref_squeeze %dma_wait3A_148 : memref<1x128xi32, #tpu.memory_space<vmem>> -> memref<128xi32, #tpu.memory_space<vmem>>
        %dma_wait3A_150 = arith.constant 0 : i32
        %dma_wait3A_151 = arith.constant 0 : i32
        %dma_wait3A_152 = tpu.memref_slice %arg17[%dma_wait3A_150, %dma_wait3A_151] : memref<10240x16xf32, #tpu.memory_space<vmem_shared>> -> memref<10240x16xf32, #tpu.memory_space<vmem_shared>>
        tpu.wait_indirect_dma semaphore(%run_scoped3A : memref<!tpu.dma_semaphore, #tpu.memory_space<semaphore_mem>>) src(%arg9 : memref<128x16xf32, #tpu.memory_space<vmem>>) dst(%dma_wait3A_152 : memref<10240x16xf32, #tpu.memory_space<vmem_shared>>)
        tpu.yield
      }) : () -> ()
      %dma_wait3A_85 = arith.constant 0 : i32
      %dma_wait3A_86 = tpu.memref_slice %arg7[%add3A_23, %dma_wait3A_85] : memref<80x128xi32, #tpu.memory_space<vmem>> -> memref<1x128xi32, #tpu.memory_space<vmem>>
      %dma_wait3A_87 = tpu.memref_squeeze %dma_wait3A_86 : memref<1x128xi32, #tpu.memory_space<vmem>> -> memref<128xi32, #tpu.memory_space<vmem>>
      %dma_wait3A_88 = arith.constant 0 : i32
      %dma_wait3A_89 = arith.constant 0 : i32
      %dma_wait3A_90 = tpu.memref_slice %arg2[%dma_wait3A_88, %dma_wait3A_89] : memref<10000x16xf32, #tpu.memory_space<hbm>> -> memref<10000x16xf32, #tpu.memory_space<hbm>>
      tpu.wait_indirect_dma semaphore(%arg19 : memref<!tpu.dma_semaphore, #tpu.memory_space<semaphore_mem>>) src(%dma_wait3A_90 : memref<10000x16xf32, #tpu.memory_space<hbm>>) dst(%arg10 : memref<128x16xf32, #tpu.memory_space<vmem>>)
      %add3A_91 = arith.constant 1 : i32
      %add3A_92 = arith.addi %add3A_14, %add3A_91 : i32
      "tpu.region"() ({
        %run_scoped3A = tpu.sem_alloc : memref<!tpu.dma_semaphore, #tpu.memory_space<semaphore_mem>>
        %dma_start3A_141 = arith.constant 0 : i32
        %dma_start3A_142 = tpu.memref_slice %arg8[%add3A_92, %dma_start3A_141] : memref<80x128xi32, #tpu.memory_space<vmem>> -> memref<1x128xi32, #tpu.memory_space<vmem>>
        %dma_start3A_143 = tpu.memref_squeeze %dma_start3A_142 : memref<1x128xi32, #tpu.memory_space<vmem>> -> memref<128xi32, #tpu.memory_space<vmem>>
        %dma_start3A_144 = arith.constant 0 : i32
        %dma_start3A_145 = arith.constant 0 : i32
        %dma_start3A_146 = tpu.memref_slice %arg17[%dma_start3A_144, %dma_start3A_145] : memref<10240x16xf32, #tpu.memory_space<vmem_shared>> -> memref<10240x16xf32, #tpu.memory_space<vmem_shared>>
        tpu.enqueue_indirect_dma source(%arg10 : memref<128x16xf32, #tpu.memory_space<vmem>>) target(%dma_start3A_146 : memref<10240x16xf32, #tpu.memory_space<vmem_shared>>) offsets(%dma_start3A_143 : memref<128xi32, #tpu.memory_space<vmem>>) semaphore(%run_scoped3A : memref<!tpu.dma_semaphore, #tpu.memory_space<semaphore_mem>>) {add = true}
        %dma_wait3A_147 = arith.constant 0 : i32
        %dma_wait3A_148 = tpu.memref_slice %arg8[%add3A_92, %dma_wait3A_147] : memref<80x128xi32, #tpu.memory_space<vmem>> -> memref<1x128xi32, #tpu.memory_space<vmem>>
        %dma_wait3A_149 = tpu.memref_squeeze %dma_wait3A_148 : memref<1x128xi32, #tpu.memory_space<vmem>> -> memref<128xi32, #tpu.memory_space<vmem>>
        %dma_wait3A_150 = arith.constant 0 : i32
        %dma_wait3A_151 = arith.constant 0 : i32
        %dma_wait3A_152 = tpu.memref_slice %arg17[%dma_wait3A_150, %dma_wait3A_151] : memref<10240x16xf32, #tpu.memory_space<vmem_shared>> -> memref<10240x16xf32, #tpu.memory_space<vmem_shared>>
        tpu.wait_indirect_dma semaphore(%run_scoped3A : memref<!tpu.dma_semaphore, #tpu.memory_space<semaphore_mem>>) src(%arg10 : memref<128x16xf32, #tpu.memory_space<vmem>>) dst(%dma_wait3A_152 : memref<10240x16xf32, #tpu.memory_space<vmem_shared>>)
        tpu.yield
      }) : () -> ()
      %dma_wait3A_93 = arith.constant 0 : i32
      %dma_wait3A_94 = tpu.memref_slice %arg7[%add3A_31, %dma_wait3A_93] : memref<80x128xi32, #tpu.memory_space<vmem>> -> memref<1x128xi32, #tpu.memory_space<vmem>>
      %dma_wait3A_95 = tpu.memref_squeeze %dma_wait3A_94 : memref<1x128xi32, #tpu.memory_space<vmem>> -> memref<128xi32, #tpu.memory_space<vmem>>
      %dma_wait3A_96 = arith.constant 0 : i32
      %dma_wait3A_97 = arith.constant 0 : i32
      %dma_wait3A_98 = tpu.memref_slice %arg2[%dma_wait3A_96, %dma_wait3A_97] : memref<10000x16xf32, #tpu.memory_space<hbm>> -> memref<10000x16xf32, #tpu.memory_space<hbm>>
      tpu.wait_indirect_dma semaphore(%arg20 : memref<!tpu.dma_semaphore, #tpu.memory_space<semaphore_mem>>) src(%dma_wait3A_98 : memref<10000x16xf32, #tpu.memory_space<hbm>>) dst(%arg11 : memref<128x16xf32, #tpu.memory_space<vmem>>)
      %add3A_99 = arith.constant 2 : i32
      %add3A_100 = arith.addi %add3A_14, %add3A_99 : i32
      "tpu.region"() ({
        %run_scoped3A = tpu.sem_alloc : memref<!tpu.dma_semaphore, #tpu.memory_space<semaphore_mem>>
        %dma_start3A_141 = arith.constant 0 : i32
        %dma_start3A_142 = tpu.memref_slice %arg8[%add3A_100, %dma_start3A_141] : memref<80x128xi32, #tpu.memory_space<vmem>> -> memref<1x128xi32, #tpu.memory_space<vmem>>
        %dma_start3A_143 = tpu.memref_squeeze %dma_start3A_142 : memref<1x128xi32, #tpu.memory_space<vmem>> -> memref<128xi32, #tpu.memory_space<vmem>>
        %dma_start3A_144 = arith.constant 0 : i32
        %dma_start3A_145 = arith.constant 0 : i32
        %dma_start3A_146 = tpu.memref_slice %arg17[%dma_start3A_144, %dma_start3A_145] : memref<10240x16xf32, #tpu.memory_space<vmem_shared>> -> memref<10240x16xf32, #tpu.memory_space<vmem_shared>>
        tpu.enqueue_indirect_dma source(%arg11 : memref<128x16xf32, #tpu.memory_space<vmem>>) target(%dma_start3A_146 : memref<10240x16xf32, #tpu.memory_space<vmem_shared>>) offsets(%dma_start3A_143 : memref<128xi32, #tpu.memory_space<vmem>>) semaphore(%run_scoped3A : memref<!tpu.dma_semaphore, #tpu.memory_space<semaphore_mem>>) {add = true}
        %dma_wait3A_147 = arith.constant 0 : i32
        %dma_wait3A_148 = tpu.memref_slice %arg8[%add3A_100, %dma_wait3A_147] : memref<80x128xi32, #tpu.memory_space<vmem>> -> memref<1x128xi32, #tpu.memory_space<vmem>>
        %dma_wait3A_149 = tpu.memref_squeeze %dma_wait3A_148 : memref<1x128xi32, #tpu.memory_space<vmem>> -> memref<128xi32, #tpu.memory_space<vmem>>
        %dma_wait3A_150 = arith.constant 0 : i32
        %dma_wait3A_151 = arith.constant 0 : i32
        %dma_wait3A_152 = tpu.memref_slice %arg17[%dma_wait3A_150, %dma_wait3A_151] : memref<10240x16xf32, #tpu.memory_space<vmem_shared>> -> memref<10240x16xf32, #tpu.memory_space<vmem_shared>>
        tpu.wait_indirect_dma semaphore(%run_scoped3A : memref<!tpu.dma_semaphore, #tpu.memory_space<semaphore_mem>>) src(%arg11 : memref<128x16xf32, #tpu.memory_space<vmem>>) dst(%dma_wait3A_152 : memref<10240x16xf32, #tpu.memory_space<vmem_shared>>)
        tpu.yield
      }) : () -> ()
      %dma_wait3A_101 = arith.constant 0 : i32
      %dma_wait3A_102 = tpu.memref_slice %arg7[%add3A_39, %dma_wait3A_101] : memref<80x128xi32, #tpu.memory_space<vmem>> -> memref<1x128xi32, #tpu.memory_space<vmem>>
      %dma_wait3A_103 = tpu.memref_squeeze %dma_wait3A_102 : memref<1x128xi32, #tpu.memory_space<vmem>> -> memref<128xi32, #tpu.memory_space<vmem>>
      %dma_wait3A_104 = arith.constant 0 : i32
      %dma_wait3A_105 = arith.constant 0 : i32
      %dma_wait3A_106 = tpu.memref_slice %arg2[%dma_wait3A_104, %dma_wait3A_105] : memref<10000x16xf32, #tpu.memory_space<hbm>> -> memref<10000x16xf32, #tpu.memory_space<hbm>>
      tpu.wait_indirect_dma semaphore(%arg21 : memref<!tpu.dma_semaphore, #tpu.memory_space<semaphore_mem>>) src(%dma_wait3A_106 : memref<10000x16xf32, #tpu.memory_space<hbm>>) dst(%arg12 : memref<128x16xf32, #tpu.memory_space<vmem>>)
      %add3A_107 = arith.constant 3 : i32
      %add3A_108 = arith.addi %add3A_14, %add3A_107 : i32
      "tpu.region"() ({
        %run_scoped3A = tpu.sem_alloc : memref<!tpu.dma_semaphore, #tpu.memory_space<semaphore_mem>>
        %dma_start3A_141 = arith.constant 0 : i32
        %dma_start3A_142 = tpu.memref_slice %arg8[%add3A_108, %dma_start3A_141] : memref<80x128xi32, #tpu.memory_space<vmem>> -> memref<1x128xi32, #tpu.memory_space<vmem>>
        %dma_start3A_143 = tpu.memref_squeeze %dma_start3A_142 : memref<1x128xi32, #tpu.memory_space<vmem>> -> memref<128xi32, #tpu.memory_space<vmem>>
        %dma_start3A_144 = arith.constant 0 : i32
        %dma_start3A_145 = arith.constant 0 : i32
        %dma_start3A_146 = tpu.memref_slice %arg17[%dma_start3A_144, %dma_start3A_145] : memref<10240x16xf32, #tpu.memory_space<vmem_shared>> -> memref<10240x16xf32, #tpu.memory_space<vmem_shared>>
        tpu.enqueue_indirect_dma source(%arg12 : memref<128x16xf32, #tpu.memory_space<vmem>>) target(%dma_start3A_146 : memref<10240x16xf32, #tpu.memory_space<vmem_shared>>) offsets(%dma_start3A_143 : memref<128xi32, #tpu.memory_space<vmem>>) semaphore(%run_scoped3A : memref<!tpu.dma_semaphore, #tpu.memory_space<semaphore_mem>>) {add = true}
        %dma_wait3A_147 = arith.constant 0 : i32
        %dma_wait3A_148 = tpu.memref_slice %arg8[%add3A_108, %dma_wait3A_147] : memref<80x128xi32, #tpu.memory_space<vmem>> -> memref<1x128xi32, #tpu.memory_space<vmem>>
        %dma_wait3A_149 = tpu.memref_squeeze %dma_wait3A_148 : memref<1x128xi32, #tpu.memory_space<vmem>> -> memref<128xi32, #tpu.memory_space<vmem>>
        %dma_wait3A_150 = arith.constant 0 : i32
        %dma_wait3A_151 = arith.constant 0 : i32
        %dma_wait3A_152 = tpu.memref_slice %arg17[%dma_wait3A_150, %dma_wait3A_151] : memref<10240x16xf32, #tpu.memory_space<vmem_shared>> -> memref<10240x16xf32, #tpu.memory_space<vmem_shared>>
        tpu.wait_indirect_dma semaphore(%run_scoped3A : memref<!tpu.dma_semaphore, #tpu.memory_space<semaphore_mem>>) src(%arg12 : memref<128x16xf32, #tpu.memory_space<vmem>>) dst(%dma_wait3A_152 : memref<10240x16xf32, #tpu.memory_space<vmem_shared>>)
        tpu.yield
      }) : () -> ()
      %dma_wait3A_109 = arith.constant 0 : i32
      %dma_wait3A_110 = tpu.memref_slice %arg7[%add3A_47, %dma_wait3A_109] : memref<80x128xi32, #tpu.memory_space<vmem>> -> memref<1x128xi32, #tpu.memory_space<vmem>>
      %dma_wait3A_111 = tpu.memref_squeeze %dma_wait3A_110 : memref<1x128xi32, #tpu.memory_space<vmem>> -> memref<128xi32, #tpu.memory_space<vmem>>
      %dma_wait3A_112 = arith.constant 0 : i32
      %dma_wait3A_113 = arith.constant 0 : i32
      %dma_wait3A_114 = tpu.memref_slice %arg2[%dma_wait3A_112, %dma_wait3A_113] : memref<10000x16xf32, #tpu.memory_space<hbm>> -> memref<10000x16xf32, #tpu.memory_space<hbm>>
      tpu.wait_indirect_dma semaphore(%arg22 : memref<!tpu.dma_semaphore, #tpu.memory_space<semaphore_mem>>) src(%dma_wait3A_114 : memref<10000x16xf32, #tpu.memory_space<hbm>>) dst(%arg13 : memref<128x16xf32, #tpu.memory_space<vmem>>)
      %add3A_115 = arith.constant 4 : i32
      %add3A_116 = arith.addi %add3A_14, %add3A_115 : i32
      "tpu.region"() ({
        %run_scoped3A = tpu.sem_alloc : memref<!tpu.dma_semaphore, #tpu.memory_space<semaphore_mem>>
        %dma_start3A_141 = arith.constant 0 : i32
        %dma_start3A_142 = tpu.memref_slice %arg8[%add3A_116, %dma_start3A_141] : memref<80x128xi32, #tpu.memory_space<vmem>> -> memref<1x128xi32, #tpu.memory_space<vmem>>
        %dma_start3A_143 = tpu.memref_squeeze %dma_start3A_142 : memref<1x128xi32, #tpu.memory_space<vmem>> -> memref<128xi32, #tpu.memory_space<vmem>>
        %dma_start3A_144 = arith.constant 0 : i32
        %dma_start3A_145 = arith.constant 0 : i32
        %dma_start3A_146 = tpu.memref_slice %arg17[%dma_start3A_144, %dma_start3A_145] : memref<10240x16xf32, #tpu.memory_space<vmem_shared>> -> memref<10240x16xf32, #tpu.memory_space<vmem_shared>>
        tpu.enqueue_indirect_dma source(%arg13 : memref<128x16xf32, #tpu.memory_space<vmem>>) target(%dma_start3A_146 : memref<10240x16xf32, #tpu.memory_space<vmem_shared>>) offsets(%dma_start3A_143 : memref<128xi32, #tpu.memory_space<vmem>>) semaphore(%run_scoped3A : memref<!tpu.dma_semaphore, #tpu.memory_space<semaphore_mem>>) {add = true}
        %dma_wait3A_147 = arith.constant 0 : i32
        %dma_wait3A_148 = tpu.memref_slice %arg8[%add3A_116, %dma_wait3A_147] : memref<80x128xi32, #tpu.memory_space<vmem>> -> memref<1x128xi32, #tpu.memory_space<vmem>>
        %dma_wait3A_149 = tpu.memref_squeeze %dma_wait3A_148 : memref<1x128xi32, #tpu.memory_space<vmem>> -> memref<128xi32, #tpu.memory_space<vmem>>
        %dma_wait3A_150 = arith.constant 0 : i32
        %dma_wait3A_151 = arith.constant 0 : i32
        %dma_wait3A_152 = tpu.memref_slice %arg17[%dma_wait3A_150, %dma_wait3A_151] : memref<10240x16xf32, #tpu.memory_space<vmem_shared>> -> memref<10240x16xf32, #tpu.memory_space<vmem_shared>>
        tpu.wait_indirect_dma semaphore(%run_scoped3A : memref<!tpu.dma_semaphore, #tpu.memory_space<semaphore_mem>>) src(%arg13 : memref<128x16xf32, #tpu.memory_space<vmem>>) dst(%dma_wait3A_152 : memref<10240x16xf32, #tpu.memory_space<vmem_shared>>)
        tpu.yield
      }) : () -> ()
      %dma_wait3A_117 = arith.constant 0 : i32
      %dma_wait3A_118 = tpu.memref_slice %arg7[%add3A_55, %dma_wait3A_117] : memref<80x128xi32, #tpu.memory_space<vmem>> -> memref<1x128xi32, #tpu.memory_space<vmem>>
      %dma_wait3A_119 = tpu.memref_squeeze %dma_wait3A_118 : memref<1x128xi32, #tpu.memory_space<vmem>> -> memref<128xi32, #tpu.memory_space<vmem>>
      %dma_wait3A_120 = arith.constant 0 : i32
      %dma_wait3A_121 = arith.constant 0 : i32
      %dma_wait3A_122 = tpu.memref_slice %arg2[%dma_wait3A_120, %dma_wait3A_121] : memref<10000x16xf32, #tpu.memory_space<hbm>> -> memref<10000x16xf32, #tpu.memory_space<hbm>>
      tpu.wait_indirect_dma semaphore(%arg23 : memref<!tpu.dma_semaphore, #tpu.memory_space<semaphore_mem>>) src(%dma_wait3A_122 : memref<10000x16xf32, #tpu.memory_space<hbm>>) dst(%arg14 : memref<128x16xf32, #tpu.memory_space<vmem>>)
      %add3A_123 = arith.constant 5 : i32
      %add3A_124 = arith.addi %add3A_14, %add3A_123 : i32
      "tpu.region"() ({
        %run_scoped3A = tpu.sem_alloc : memref<!tpu.dma_semaphore, #tpu.memory_space<semaphore_mem>>
        %dma_start3A_141 = arith.constant 0 : i32
        %dma_start3A_142 = tpu.memref_slice %arg8[%add3A_124, %dma_start3A_141] : memref<80x128xi32, #tpu.memory_space<vmem>> -> memref<1x128xi32, #tpu.memory_space<vmem>>
        %dma_start3A_143 = tpu.memref_squeeze %dma_start3A_142 : memref<1x128xi32, #tpu.memory_space<vmem>> -> memref<128xi32, #tpu.memory_space<vmem>>
        %dma_start3A_144 = arith.constant 0 : i32
        %dma_start3A_145 = arith.constant 0 : i32
        %dma_start3A_146 = tpu.memref_slice %arg17[%dma_start3A_144, %dma_start3A_145] : memref<10240x16xf32, #tpu.memory_space<vmem_shared>> -> memref<10240x16xf32, #tpu.memory_space<vmem_shared>>
        tpu.enqueue_indirect_dma source(%arg14 : memref<128x16xf32, #tpu.memory_space<vmem>>) target(%dma_start3A_146 : memref<10240x16xf32, #tpu.memory_space<vmem_shared>>) offsets(%dma_start3A_143 : memref<128xi32, #tpu.memory_space<vmem>>) semaphore(%run_scoped3A : memref<!tpu.dma_semaphore, #tpu.memory_space<semaphore_mem>>) {add = true}
        %dma_wait3A_147 = arith.constant 0 : i32
        %dma_wait3A_148 = tpu.memref_slice %arg8[%add3A_124, %dma_wait3A_147] : memref<80x128xi32, #tpu.memory_space<vmem>> -> memref<1x128xi32, #tpu.memory_space<vmem>>
        %dma_wait3A_149 = tpu.memref_squeeze %dma_wait3A_148 : memref<1x128xi32, #tpu.memory_space<vmem>> -> memref<128xi32, #tpu.memory_space<vmem>>
        %dma_wait3A_150 = arith.constant 0 : i32
        %dma_wait3A_151 = arith.constant 0 : i32
        %dma_wait3A_152 = tpu.memref_slice %arg17[%dma_wait3A_150, %dma_wait3A_151] : memref<10240x16xf32, #tpu.memory_space<vmem_shared>> -> memref<10240x16xf32, #tpu.memory_space<vmem_shared>>
        tpu.wait_indirect_dma semaphore(%run_scoped3A : memref<!tpu.dma_semaphore, #tpu.memory_space<semaphore_mem>>) src(%arg14 : memref<128x16xf32, #tpu.memory_space<vmem>>) dst(%dma_wait3A_152 : memref<10240x16xf32, #tpu.memory_space<vmem_shared>>)
        tpu.yield
      }) : () -> ()
      %dma_wait3A_125 = arith.constant 0 : i32
      %dma_wait3A_126 = tpu.memref_slice %arg7[%add3A_63, %dma_wait3A_125] : memref<80x128xi32, #tpu.memory_space<vmem>> -> memref<1x128xi32, #tpu.memory_space<vmem>>
      %dma_wait3A_127 = tpu.memref_squeeze %dma_wait3A_126 : memref<1x128xi32, #tpu.memory_space<vmem>> -> memref<128xi32, #tpu.memory_space<vmem>>
      %dma_wait3A_128 = arith.constant 0 : i32
      %dma_wait3A_129 = arith.constant 0 : i32
      %dma_wait3A_130 = tpu.memref_slice %arg2[%dma_wait3A_128, %dma_wait3A_129] : memref<10000x16xf32, #tpu.memory_space<hbm>> -> memref<10000x16xf32, #tpu.memory_space<hbm>>
      tpu.wait_indirect_dma semaphore(%arg24 : memref<!tpu.dma_semaphore, #tpu.memory_space<semaphore_mem>>) src(%dma_wait3A_130 : memref<10000x16xf32, #tpu.memory_space<hbm>>) dst(%arg15 : memref<128x16xf32, #tpu.memory_space<vmem>>)
      %add3A_131 = arith.constant 6 : i32
      %add3A_132 = arith.addi %add3A_14, %add3A_131 : i32
      "tpu.region"() ({
        %run_scoped3A = tpu.sem_alloc : memref<!tpu.dma_semaphore, #tpu.memory_space<semaphore_mem>>
        %dma_start3A_141 = arith.constant 0 : i32
        %dma_start3A_142 = tpu.memref_slice %arg8[%add3A_132, %dma_start3A_141] : memref<80x128xi32, #tpu.memory_space<vmem>> -> memref<1x128xi32, #tpu.memory_space<vmem>>
        %dma_start3A_143 = tpu.memref_squeeze %dma_start3A_142 : memref<1x128xi32, #tpu.memory_space<vmem>> -> memref<128xi32, #tpu.memory_space<vmem>>
        %dma_start3A_144 = arith.constant 0 : i32
        %dma_start3A_145 = arith.constant 0 : i32
        %dma_start3A_146 = tpu.memref_slice %arg17[%dma_start3A_144, %dma_start3A_145] : memref<10240x16xf32, #tpu.memory_space<vmem_shared>> -> memref<10240x16xf32, #tpu.memory_space<vmem_shared>>
        tpu.enqueue_indirect_dma source(%arg15 : memref<128x16xf32, #tpu.memory_space<vmem>>) target(%dma_start3A_146 : memref<10240x16xf32, #tpu.memory_space<vmem_shared>>) offsets(%dma_start3A_143 : memref<128xi32, #tpu.memory_space<vmem>>) semaphore(%run_scoped3A : memref<!tpu.dma_semaphore, #tpu.memory_space<semaphore_mem>>) {add = true}
        %dma_wait3A_147 = arith.constant 0 : i32
        %dma_wait3A_148 = tpu.memref_slice %arg8[%add3A_132, %dma_wait3A_147] : memref<80x128xi32, #tpu.memory_space<vmem>> -> memref<1x128xi32, #tpu.memory_space<vmem>>
        %dma_wait3A_149 = tpu.memref_squeeze %dma_wait3A_148 : memref<1x128xi32, #tpu.memory_space<vmem>> -> memref<128xi32, #tpu.memory_space<vmem>>
        %dma_wait3A_150 = arith.constant 0 : i32
        %dma_wait3A_151 = arith.constant 0 : i32
        %dma_wait3A_152 = tpu.memref_slice %arg17[%dma_wait3A_150, %dma_wait3A_151] : memref<10240x16xf32, #tpu.memory_space<vmem_shared>> -> memref<10240x16xf32, #tpu.memory_space<vmem_shared>>
        tpu.wait_indirect_dma semaphore(%run_scoped3A : memref<!tpu.dma_semaphore, #tpu.memory_space<semaphore_mem>>) src(%arg15 : memref<128x16xf32, #tpu.memory_space<vmem>>) dst(%dma_wait3A_152 : memref<10240x16xf32, #tpu.memory_space<vmem_shared>>)
        tpu.yield
      }) : () -> ()
      %dma_wait3A_133 = arith.constant 0 : i32
      %dma_wait3A_134 = tpu.memref_slice %arg7[%add3A_71, %dma_wait3A_133] : memref<80x128xi32, #tpu.memory_space<vmem>> -> memref<1x128xi32, #tpu.memory_space<vmem>>
      %dma_wait3A_135 = tpu.memref_squeeze %dma_wait3A_134 : memref<1x128xi32, #tpu.memory_space<vmem>> -> memref<128xi32, #tpu.memory_space<vmem>>
      %dma_wait3A_136 = arith.constant 0 : i32
      %dma_wait3A_137 = arith.constant 0 : i32
      %dma_wait3A_138 = tpu.memref_slice %arg2[%dma_wait3A_136, %dma_wait3A_137] : memref<10000x16xf32, #tpu.memory_space<hbm>> -> memref<10000x16xf32, #tpu.memory_space<hbm>>
      tpu.wait_indirect_dma semaphore(%arg25 : memref<!tpu.dma_semaphore, #tpu.memory_space<semaphore_mem>>) src(%dma_wait3A_138 : memref<10000x16xf32, #tpu.memory_space<hbm>>) dst(%arg16 : memref<128x16xf32, #tpu.memory_space<vmem>>)
      %add3A_139 = arith.constant 7 : i32
      %add3A_140 = arith.addi %add3A_14, %add3A_139 : i32
      "tpu.region"() ({
        %run_scoped3A = tpu.sem_alloc : memref<!tpu.dma_semaphore, #tpu.memory_space<semaphore_mem>>
        %dma_start3A_141 = arith.constant 0 : i32
        %dma_start3A_142 = tpu.memref_slice %arg8[%add3A_140, %dma_start3A_141] : memref<80x128xi32, #tpu.memory_space<vmem>> -> memref<1x128xi32, #tpu.memory_space<vmem>>
        %dma_start3A_143 = tpu.memref_squeeze %dma_start3A_142 : memref<1x128xi32, #tpu.memory_space<vmem>> -> memref<128xi32, #tpu.memory_space<vmem>>
        %dma_start3A_144 = arith.constant 0 : i32
        %dma_start3A_145 = arith.constant 0 : i32
        %dma_start3A_146 = tpu.memref_slice %arg17[%dma_start3A_144, %dma_start3A_145] : memref<10240x16xf32, #tpu.memory_space<vmem_shared>> -> memref<10240x16xf32, #tpu.memory_space<vmem_shared>>
        tpu.enqueue_indirect_dma source(%arg16 : memref<128x16xf32, #tpu.memory_space<vmem>>) target(%dma_start3A_146 : memref<10240x16xf32, #tpu.memory_space<vmem_shared>>) offsets(%dma_start3A_143 : memref<128xi32, #tpu.memory_space<vmem>>) semaphore(%run_scoped3A : memref<!tpu.dma_semaphore, #tpu.memory_space<semaphore_mem>>) {add = true}
        %dma_wait3A_147 = arith.constant 0 : i32
        %dma_wait3A_148 = tpu.memref_slice %arg8[%add3A_140, %dma_wait3A_147] : memref<80x128xi32, #tpu.memory_space<vmem>> -> memref<1x128xi32, #tpu.memory_space<vmem>>
        %dma_wait3A_149 = tpu.memref_squeeze %dma_wait3A_148 : memref<1x128xi32, #tpu.memory_space<vmem>> -> memref<128xi32, #tpu.memory_space<vmem>>
        %dma_wait3A_150 = arith.constant 0 : i32
        %dma_wait3A_151 = arith.constant 0 : i32
        %dma_wait3A_152 = tpu.memref_slice %arg17[%dma_wait3A_150, %dma_wait3A_151] : memref<10240x16xf32, #tpu.memory_space<vmem_shared>> -> memref<10240x16xf32, #tpu.memory_space<vmem_shared>>
        tpu.wait_indirect_dma semaphore(%run_scoped3A : memref<!tpu.dma_semaphore, #tpu.memory_space<semaphore_mem>>) src(%arg16 : memref<128x16xf32, #tpu.memory_space<vmem>>) dst(%dma_wait3A_152 : memref<10240x16xf32, #tpu.memory_space<vmem_shared>>)
        tpu.yield
      }) : () -> ()
    }
    %scan3A_4 = arith.constant 10 : i32
    %barrier3A_5 = arith.constant 0 : index
    tpu.barrier barrier_id(%barrier3A_5)
    %mul3A_6 = arith.constant 640 : i32
    %mul3A_7 = arith.muli %arg1, %mul3A_6 : i32
    %mul3A_8 = arith.constant 640 : i32
    %mul3A_9 = arith.muli %arg1, %mul3A_8 : i32
    "tpu.region"() ({
      %run_scoped3A = tpu.sem_alloc : memref<!tpu.dma_semaphore, #tpu.memory_space<semaphore_mem>>
      %dma_start3A = arith.constant 0 : i32
      %dma_start3A_11 = arith.constant 0 : i32
      %dma_start3A_12 = tpu.memref_slice %arg6[%arg0, %dma_start3A, %dma_start3A_11] : memref<2x10240x16xf32, #tpu.memory_space<hbm>> -> memref<1x10240x16xf32, #tpu.memory_space<hbm>>
      %dma_start3A_13 = tpu.memref_squeeze %dma_start3A_12 : memref<1x10240x16xf32, #tpu.memory_space<hbm>> -> memref<10240x16xf32, #tpu.memory_space<hbm>>
      %dma_start3A_14 = arith.constant 0 : i32
      %dma_start3A_15 = tpu.memref_slice %dma_start3A_13[%mul3A_9, %dma_start3A_14] : memref<10240x16xf32, #tpu.memory_space<hbm>> -> memref<640x16xf32, #tpu.memory_space<hbm>>
      %dma_start3A_16 = arith.constant 0 : i32
      %dma_start3A_17 = tpu.memref_slice %arg17[%mul3A_7, %dma_start3A_16] : memref<10240x16xf32, #tpu.memory_space<vmem_shared>> -> memref<640x16xf32, #tpu.memory_space<vmem_shared>>
      tpu.enqueue_dma source(%dma_start3A_17 : memref<640x16xf32, #tpu.memory_space<vmem_shared>>) target(%dma_start3A_15 : memref<640x16xf32, #tpu.memory_space<hbm>>) target_semaphore(%run_scoped3A : memref<!tpu.dma_semaphore, #tpu.memory_space<semaphore_mem>>)
      %dma_wait3A = arith.constant 0 : i32
      %dma_wait3A_18 = arith.constant 0 : i32
      %dma_wait3A_19 = tpu.memref_slice %arg6[%arg0, %dma_wait3A, %dma_wait3A_18] : memref<2x10240x16xf32, #tpu.memory_space<hbm>> -> memref<1x10240x16xf32, #tpu.memory_space<hbm>>
      %dma_wait3A_20 = tpu.memref_squeeze %dma_wait3A_19 : memref<1x10240x16xf32, #tpu.memory_space<hbm>> -> memref<10240x16xf32, #tpu.memory_space<hbm>>
      %dma_wait3A_21 = arith.constant 0 : i32
      %dma_wait3A_22 = tpu.memref_slice %dma_wait3A_20[%mul3A_9, %dma_wait3A_21] : memref<10240x16xf32, #tpu.memory_space<hbm>> -> memref<640x16xf32, #tpu.memory_space<hbm>>
      %dma_wait3A_23 = arith.constant 0 : i32
      %dma_wait3A_24 = tpu.memref_slice %arg17[%mul3A_7, %dma_wait3A_23] : memref<10240x16xf32, #tpu.memory_space<vmem_shared>> -> memref<640x16xf32, #tpu.memory_space<vmem_shared>>
      tpu.wait_dma2 semaphore(%run_scoped3A : memref<!tpu.dma_semaphore, #tpu.memory_space<semaphore_mem>>) src(%dma_wait3A_24 : memref<640x16xf32, #tpu.memory_space<vmem_shared>>) dst(%dma_wait3A_22 : memref<640x16xf32, #tpu.memory_space<hbm>>)
      tpu.yield
    }) : () -> ()
    %barrier3A_10 = arith.constant 0 : index
    tpu.barrier barrier_id(%barrier3A_10)
    return
  }
}

#map = affine_map<(d0, d1) -> (0, 0)>
#map1 = affine_map<(d0, d1) -> (0, 0, 0, 0)>
module attributes {stable_mosaic.version = 14 : i64} {
  func.func @k(%arg0: i32, %arg1: i32, %arg2: memref<10000x128xf32, #tpu.memory_space<hbm>>, %arg3: memref<10000x128xf32, #tpu.memory_space<hbm>>, %arg4: memref<2x32x160x64xi32, #tpu.memory_space<hbm>>, %arg5: memref<2x32x160x64xi32, #tpu.memory_space<hbm>>, %arg6: memref<640x128xf32, #tpu.memory_space<hbm>>, %arg7: memref<2x2x10240x128xf32, #tpu.memory_space<hbm>>, %arg8: memref<160x64xi32, #tpu.memory_space<vmem>>, %arg9: memref<160x64xi32, #tpu.memory_space<vmem>>, %arg10: memref<64x128xf32, #tpu.memory_space<vmem>>, %arg11: memref<64x128xf32, #tpu.memory_space<vmem>>, %arg12: memref<64x128xf32, #tpu.memory_space<vmem>>, %arg13: memref<10240x128xf32, #tpu.memory_space<vmem_shared>>, %arg14: memref<!tpu.dma_semaphore, #tpu.memory_space<semaphore_mem>>, %arg15: memref<!tpu.dma_semaphore, #tpu.memory_space<semaphore_mem>>, %arg16: memref<!tpu.dma_semaphore, #tpu.memory_space<semaphore_mem>>) attributes {dimension_semantics = [#tpu.dimension_semantics<core_parallel>, #tpu.dimension_semantics<subcore_parallel>], iteration_bounds = array<i64: 2, 16>, scalar_prefetch = 0 : i64, scratch_operands = 9 : i64, tpu.core_type = #tpu.core_type<sc_vector_subcore>, window_params = [{transform_indices = #map}, {transform_indices = #map}, {transform_indices = #map1}, {transform_indices = #map1}, {transform_indices = #map}, {transform_indices = #map1}]} {
    "tpu.region"() ({
      %run_scoped3A_25 = tpu.sem_alloc : memref<!tpu.dma_semaphore, #tpu.memory_space<semaphore_mem>>
      %dma_start3A = arith.constant 0 : i32
      %dma_start3A_26 = arith.constant 0 : i32
      %dma_start3A_27 = tpu.memref_slice %arg4[%arg0, %arg1, %dma_start3A, %dma_start3A_26] : memref<2x32x160x64xi32, #tpu.memory_space<hbm>> -> memref<1x1x160x64xi32, #tpu.memory_space<hbm>>
      %dma_start3A_28 = tpu.memref_squeeze %dma_start3A_27 : memref<1x1x160x64xi32, #tpu.memory_space<hbm>> -> memref<160x64xi32, #tpu.memory_space<hbm>>
      %dma_start3A_29 = arith.constant 0 : i32
      %dma_start3A_30 = arith.constant 0 : i32
      %dma_start3A_31 = tpu.memref_slice %arg4[%arg0, %arg1, %dma_start3A_29, %dma_start3A_30] : memref<2x32x160x64xi32, #tpu.memory_space<hbm>> -> memref<1x1x160x64xi32, #tpu.memory_space<hbm>>
      %dma_start3A_32 = tpu.memref_squeeze %dma_start3A_31 : memref<1x1x160x64xi32, #tpu.memory_space<hbm>> -> memref<160x64xi32, #tpu.memory_space<hbm>>
      tpu.enqueue_dma source(%dma_start3A_32 : memref<160x64xi32, #tpu.memory_space<hbm>>) target(%arg8 : memref<160x64xi32, #tpu.memory_space<vmem>>) target_semaphore(%run_scoped3A_25 : memref<!tpu.dma_semaphore, #tpu.memory_space<semaphore_mem>>)
      %dma_wait3A = arith.constant 0 : i32
      %dma_wait3A_33 = arith.constant 0 : i32
      %dma_wait3A_34 = tpu.memref_slice %arg4[%arg0, %arg1, %dma_wait3A, %dma_wait3A_33] : memref<2x32x160x64xi32, #tpu.memory_space<hbm>> -> memref<1x1x160x64xi32, #tpu.memory_space<hbm>>
      %dma_wait3A_35 = tpu.memref_squeeze %dma_wait3A_34 : memref<1x1x160x64xi32, #tpu.memory_space<hbm>> -> memref<160x64xi32, #tpu.memory_space<hbm>>
      %dma_wait3A_36 = arith.constant 0 : i32
      %dma_wait3A_37 = arith.constant 0 : i32
      %dma_wait3A_38 = tpu.memref_slice %arg4[%arg0, %arg1, %dma_wait3A_36, %dma_wait3A_37] : memref<2x32x160x64xi32, #tpu.memory_space<hbm>> -> memref<1x1x160x64xi32, #tpu.memory_space<hbm>>
      %dma_wait3A_39 = tpu.memref_squeeze %dma_wait3A_38 : memref<1x1x160x64xi32, #tpu.memory_space<hbm>> -> memref<160x64xi32, #tpu.memory_space<hbm>>
      tpu.wait_dma2 semaphore(%run_scoped3A_25 : memref<!tpu.dma_semaphore, #tpu.memory_space<semaphore_mem>>) src(%dma_wait3A_39 : memref<160x64xi32, #tpu.memory_space<hbm>>) dst(%arg8 : memref<160x64xi32, #tpu.memory_space<vmem>>)
      tpu.yield
    }) : () -> ()
    "tpu.region"() ({
      %run_scoped3A_25 = tpu.sem_alloc : memref<!tpu.dma_semaphore, #tpu.memory_space<semaphore_mem>>
      %dma_start3A = arith.constant 0 : i32
      %dma_start3A_26 = arith.constant 0 : i32
      %dma_start3A_27 = tpu.memref_slice %arg5[%arg0, %arg1, %dma_start3A, %dma_start3A_26] : memref<2x32x160x64xi32, #tpu.memory_space<hbm>> -> memref<1x1x160x64xi32, #tpu.memory_space<hbm>>
      %dma_start3A_28 = tpu.memref_squeeze %dma_start3A_27 : memref<1x1x160x64xi32, #tpu.memory_space<hbm>> -> memref<160x64xi32, #tpu.memory_space<hbm>>
      %dma_start3A_29 = arith.constant 0 : i32
      %dma_start3A_30 = arith.constant 0 : i32
      %dma_start3A_31 = tpu.memref_slice %arg5[%arg0, %arg1, %dma_start3A_29, %dma_start3A_30] : memref<2x32x160x64xi32, #tpu.memory_space<hbm>> -> memref<1x1x160x64xi32, #tpu.memory_space<hbm>>
      %dma_start3A_32 = tpu.memref_squeeze %dma_start3A_31 : memref<1x1x160x64xi32, #tpu.memory_space<hbm>> -> memref<160x64xi32, #tpu.memory_space<hbm>>
      tpu.enqueue_dma source(%dma_start3A_32 : memref<160x64xi32, #tpu.memory_space<hbm>>) target(%arg9 : memref<160x64xi32, #tpu.memory_space<vmem>>) target_semaphore(%run_scoped3A_25 : memref<!tpu.dma_semaphore, #tpu.memory_space<semaphore_mem>>)
      %dma_wait3A = arith.constant 0 : i32
      %dma_wait3A_33 = arith.constant 0 : i32
      %dma_wait3A_34 = tpu.memref_slice %arg5[%arg0, %arg1, %dma_wait3A, %dma_wait3A_33] : memref<2x32x160x64xi32, #tpu.memory_space<hbm>> -> memref<1x1x160x64xi32, #tpu.memory_space<hbm>>
      %dma_wait3A_35 = tpu.memref_squeeze %dma_wait3A_34 : memref<1x1x160x64xi32, #tpu.memory_space<hbm>> -> memref<160x64xi32, #tpu.memory_space<hbm>>
      %dma_wait3A_36 = arith.constant 0 : i32
      %dma_wait3A_37 = arith.constant 0 : i32
      %dma_wait3A_38 = tpu.memref_slice %arg5[%arg0, %arg1, %dma_wait3A_36, %dma_wait3A_37] : memref<2x32x160x64xi32, #tpu.memory_space<hbm>> -> memref<1x1x160x64xi32, #tpu.memory_space<hbm>>
      %dma_wait3A_39 = tpu.memref_squeeze %dma_wait3A_38 : memref<1x1x160x64xi32, #tpu.memory_space<hbm>> -> memref<160x64xi32, #tpu.memory_space<hbm>>
      tpu.wait_dma2 semaphore(%run_scoped3A_25 : memref<!tpu.dma_semaphore, #tpu.memory_space<semaphore_mem>>) src(%dma_wait3A_39 : memref<160x64xi32, #tpu.memory_space<hbm>>) dst(%arg9 : memref<160x64xi32, #tpu.memory_space<vmem>>)
      tpu.yield
    }) : () -> ()
    %mul3A = arith.constant 640 : i32
    %mul3A_0 = arith.muli %arg1, %mul3A : i32
    "tpu.region"() ({
      %run_scoped3A_25 = tpu.sem_alloc : memref<!tpu.dma_semaphore, #tpu.memory_space<semaphore_mem>>
      %dma_start3A = arith.constant 0 : i32
      %dma_start3A_26 = tpu.memref_slice %arg13[%mul3A_0, %dma_start3A] : memref<10240x128xf32, #tpu.memory_space<vmem_shared>> -> memref<640x128xf32, #tpu.memory_space<vmem_shared>>
      tpu.enqueue_dma source(%arg6 : memref<640x128xf32, #tpu.memory_space<hbm>>) target(%dma_start3A_26 : memref<640x128xf32, #tpu.memory_space<vmem_shared>>) target_semaphore(%run_scoped3A_25 : memref<!tpu.dma_semaphore, #tpu.memory_space<semaphore_mem>>)
      %dma_wait3A = arith.constant 0 : i32
      %dma_wait3A_27 = tpu.memref_slice %arg13[%mul3A_0, %dma_wait3A] : memref<10240x128xf32, #tpu.memory_space<vmem_shared>> -> memref<640x128xf32, #tpu.memory_space<vmem_shared>>
      tpu.wait_dma2 semaphore(%run_scoped3A_25 : memref<!tpu.dma_semaphore, #tpu.memory_space<semaphore_mem>>) src(%arg6 : memref<640x128xf32, #tpu.memory_space<hbm>>) dst(%dma_wait3A_27 : memref<640x128xf32, #tpu.memory_space<vmem_shared>>)
      tpu.yield
    }) : () -> ()
    %barrier3A = arith.constant 0 : index
    tpu.barrier barrier_id(%barrier3A)
    %scan3A = arith.constant 0 : i32
    %scan3A_1 = arith.constant 53 : i32
    %scan3A_2 = arith.addi %scan3A, %scan3A_1 : i32
    %scan3A_3 = arith.constant 1 : i32
    scf.for %scan3A_25 = %scan3A to %scan3A_2 step %scan3A_3  : i32 {
      %mul3A_26 = arith.constant 3 : i32
      %mul3A_27 = arith.muli %scan3A_25, %mul3A_26 : i32
      %add3A = arith.constant 0 : i32
      %add3A_28 = arith.addi %add3A, %mul3A_27 : i32
      %add3A_29 = arith.constant 0 : i32
      %add3A_30 = arith.addi %add3A_28, %add3A_29 : i32
      %dma_start3A = arith.constant 0 : i32
      %dma_start3A_31 = tpu.memref_slice %arg8[%add3A_30, %dma_start3A] : memref<160x64xi32, #tpu.memory_space<vmem>> -> memref<1x64xi32, #tpu.memory_space<vmem>>
      %dma_start3A_32 = tpu.memref_squeeze %dma_start3A_31 : memref<1x64xi32, #tpu.memory_space<vmem>> -> memref<64xi32, #tpu.memory_space<vmem>>
      %dma_start3A_33 = arith.constant 0 : i32
      %dma_start3A_34 = arith.constant 0 : i32
      %dma_start3A_35 = tpu.memref_slice %arg2[%dma_start3A_33, %dma_start3A_34] : memref<10000x128xf32, #tpu.memory_space<hbm>> -> memref<10000x128xf32, #tpu.memory_space<hbm>>
      tpu.enqueue_indirect_dma source(%dma_start3A_35 : memref<10000x128xf32, #tpu.memory_space<hbm>>) target(%arg10 : memref<64x128xf32, #tpu.memory_space<vmem>>) offsets(%dma_start3A_32 : memref<64xi32, #tpu.memory_space<vmem>>) semaphore(%arg14 : memref<!tpu.dma_semaphore, #tpu.memory_space<semaphore_mem>>)
      %add3A_36 = arith.constant 1 : i32
      %add3A_37 = arith.addi %add3A_28, %add3A_36 : i32
      %dma_start3A_38 = arith.constant 0 : i32
      %dma_start3A_39 = tpu.memref_slice %arg8[%add3A_37, %dma_start3A_38] : memref<160x64xi32, #tpu.memory_space<vmem>> -> memref<1x64xi32, #tpu.memory_space<vmem>>
      %dma_start3A_40 = tpu.memref_squeeze %dma_start3A_39 : memref<1x64xi32, #tpu.memory_space<vmem>> -> memref<64xi32, #tpu.memory_space<vmem>>
      %dma_start3A_41 = arith.constant 0 : i32
      %dma_start3A_42 = arith.constant 0 : i32
      %dma_start3A_43 = tpu.memref_slice %arg2[%dma_start3A_41, %dma_start3A_42] : memref<10000x128xf32, #tpu.memory_space<hbm>> -> memref<10000x128xf32, #tpu.memory_space<hbm>>
      tpu.enqueue_indirect_dma source(%dma_start3A_43 : memref<10000x128xf32, #tpu.memory_space<hbm>>) target(%arg11 : memref<64x128xf32, #tpu.memory_space<vmem>>) offsets(%dma_start3A_40 : memref<64xi32, #tpu.memory_space<vmem>>) semaphore(%arg15 : memref<!tpu.dma_semaphore, #tpu.memory_space<semaphore_mem>>)
      %add3A_44 = arith.constant 2 : i32
      %add3A_45 = arith.addi %add3A_28, %add3A_44 : i32
      %dma_start3A_46 = arith.constant 0 : i32
      %dma_start3A_47 = tpu.memref_slice %arg8[%add3A_45, %dma_start3A_46] : memref<160x64xi32, #tpu.memory_space<vmem>> -> memref<1x64xi32, #tpu.memory_space<vmem>>
      %dma_start3A_48 = tpu.memref_squeeze %dma_start3A_47 : memref<1x64xi32, #tpu.memory_space<vmem>> -> memref<64xi32, #tpu.memory_space<vmem>>
      %dma_start3A_49 = arith.constant 0 : i32
      %dma_start3A_50 = arith.constant 0 : i32
      %dma_start3A_51 = tpu.memref_slice %arg2[%dma_start3A_49, %dma_start3A_50] : memref<10000x128xf32, #tpu.memory_space<hbm>> -> memref<10000x128xf32, #tpu.memory_space<hbm>>
      tpu.enqueue_indirect_dma source(%dma_start3A_51 : memref<10000x128xf32, #tpu.memory_space<hbm>>) target(%arg12 : memref<64x128xf32, #tpu.memory_space<vmem>>) offsets(%dma_start3A_48 : memref<64xi32, #tpu.memory_space<vmem>>) semaphore(%arg16 : memref<!tpu.dma_semaphore, #tpu.memory_space<semaphore_mem>>)
      %dma_wait3A = arith.constant 0 : i32
      %dma_wait3A_52 = tpu.memref_slice %arg8[%add3A_30, %dma_wait3A] : memref<160x64xi32, #tpu.memory_space<vmem>> -> memref<1x64xi32, #tpu.memory_space<vmem>>
      %dma_wait3A_53 = tpu.memref_squeeze %dma_wait3A_52 : memref<1x64xi32, #tpu.memory_space<vmem>> -> memref<64xi32, #tpu.memory_space<vmem>>
      %dma_wait3A_54 = arith.constant 0 : i32
      %dma_wait3A_55 = arith.constant 0 : i32
      %dma_wait3A_56 = tpu.memref_slice %arg2[%dma_wait3A_54, %dma_wait3A_55] : memref<10000x128xf32, #tpu.memory_space<hbm>> -> memref<10000x128xf32, #tpu.memory_space<hbm>>
      tpu.wait_indirect_dma semaphore(%arg14 : memref<!tpu.dma_semaphore, #tpu.memory_space<semaphore_mem>>) src(%dma_wait3A_56 : memref<10000x128xf32, #tpu.memory_space<hbm>>) dst(%arg10 : memref<64x128xf32, #tpu.memory_space<vmem>>)
      %add3A_57 = arith.constant 0 : i32
      %add3A_58 = arith.addi %add3A_28, %add3A_57 : i32
      "tpu.region"() ({
        %run_scoped3A_75 = tpu.sem_alloc : memref<!tpu.dma_semaphore, #tpu.memory_space<semaphore_mem>>
        %dma_start3A_76 = arith.constant 0 : i32
        %dma_start3A_77 = tpu.memref_slice %arg9[%add3A_58, %dma_start3A_76] : memref<160x64xi32, #tpu.memory_space<vmem>> -> memref<1x64xi32, #tpu.memory_space<vmem>>
        %dma_start3A_78 = tpu.memref_squeeze %dma_start3A_77 : memref<1x64xi32, #tpu.memory_space<vmem>> -> memref<64xi32, #tpu.memory_space<vmem>>
        %dma_start3A_79 = arith.constant 0 : i32
        %dma_start3A_80 = arith.constant 0 : i32
        %dma_start3A_81 = tpu.memref_slice %arg13[%dma_start3A_79, %dma_start3A_80] : memref<10240x128xf32, #tpu.memory_space<vmem_shared>> -> memref<10240x128xf32, #tpu.memory_space<vmem_shared>>
        tpu.enqueue_indirect_dma source(%arg10 : memref<64x128xf32, #tpu.memory_space<vmem>>) target(%dma_start3A_81 : memref<10240x128xf32, #tpu.memory_space<vmem_shared>>) offsets(%dma_start3A_78 : memref<64xi32, #tpu.memory_space<vmem>>) semaphore(%run_scoped3A_75 : memref<!tpu.dma_semaphore, #tpu.memory_space<semaphore_mem>>) {add = true}
        %dma_wait3A_82 = arith.constant 0 : i32
        %dma_wait3A_83 = tpu.memref_slice %arg9[%add3A_58, %dma_wait3A_82] : memref<160x64xi32, #tpu.memory_space<vmem>> -> memref<1x64xi32, #tpu.memory_space<vmem>>
        %dma_wait3A_84 = tpu.memref_squeeze %dma_wait3A_83 : memref<1x64xi32, #tpu.memory_space<vmem>> -> memref<64xi32, #tpu.memory_space<vmem>>
        %dma_wait3A_85 = arith.constant 0 : i32
        %dma_wait3A_86 = arith.constant 0 : i32
        %dma_wait3A_87 = tpu.memref_slice %arg13[%dma_wait3A_85, %dma_wait3A_86] : memref<10240x128xf32, #tpu.memory_space<vmem_shared>> -> memref<10240x128xf32, #tpu.memory_space<vmem_shared>>
        tpu.wait_indirect_dma semaphore(%run_scoped3A_75 : memref<!tpu.dma_semaphore, #tpu.memory_space<semaphore_mem>>) src(%arg10 : memref<64x128xf32, #tpu.memory_space<vmem>>) dst(%dma_wait3A_87 : memref<10240x128xf32, #tpu.memory_space<vmem_shared>>)
        tpu.yield
      }) : () -> ()
      %dma_wait3A_59 = arith.constant 0 : i32
      %dma_wait3A_60 = tpu.memref_slice %arg8[%add3A_37, %dma_wait3A_59] : memref<160x64xi32, #tpu.memory_space<vmem>> -> memref<1x64xi32, #tpu.memory_space<vmem>>
      %dma_wait3A_61 = tpu.memref_squeeze %dma_wait3A_60 : memref<1x64xi32, #tpu.memory_space<vmem>> -> memref<64xi32, #tpu.memory_space<vmem>>
      %dma_wait3A_62 = arith.constant 0 : i32
      %dma_wait3A_63 = arith.constant 0 : i32
      %dma_wait3A_64 = tpu.memref_slice %arg2[%dma_wait3A_62, %dma_wait3A_63] : memref<10000x128xf32, #tpu.memory_space<hbm>> -> memref<10000x128xf32, #tpu.memory_space<hbm>>
      tpu.wait_indirect_dma semaphore(%arg15 : memref<!tpu.dma_semaphore, #tpu.memory_space<semaphore_mem>>) src(%dma_wait3A_64 : memref<10000x128xf32, #tpu.memory_space<hbm>>) dst(%arg11 : memref<64x128xf32, #tpu.memory_space<vmem>>)
      %add3A_65 = arith.constant 1 : i32
      %add3A_66 = arith.addi %add3A_28, %add3A_65 : i32
      "tpu.region"() ({
        %run_scoped3A_75 = tpu.sem_alloc : memref<!tpu.dma_semaphore, #tpu.memory_space<semaphore_mem>>
        %dma_start3A_76 = arith.constant 0 : i32
        %dma_start3A_77 = tpu.memref_slice %arg9[%add3A_66, %dma_start3A_76] : memref<160x64xi32, #tpu.memory_space<vmem>> -> memref<1x64xi32, #tpu.memory_space<vmem>>
        %dma_start3A_78 = tpu.memref_squeeze %dma_start3A_77 : memref<1x64xi32, #tpu.memory_space<vmem>> -> memref<64xi32, #tpu.memory_space<vmem>>
        %dma_start3A_79 = arith.constant 0 : i32
        %dma_start3A_80 = arith.constant 0 : i32
        %dma_start3A_81 = tpu.memref_slice %arg13[%dma_start3A_79, %dma_start3A_80] : memref<10240x128xf32, #tpu.memory_space<vmem_shared>> -> memref<10240x128xf32, #tpu.memory_space<vmem_shared>>
        tpu.enqueue_indirect_dma source(%arg11 : memref<64x128xf32, #tpu.memory_space<vmem>>) target(%dma_start3A_81 : memref<10240x128xf32, #tpu.memory_space<vmem_shared>>) offsets(%dma_start3A_78 : memref<64xi32, #tpu.memory_space<vmem>>) semaphore(%run_scoped3A_75 : memref<!tpu.dma_semaphore, #tpu.memory_space<semaphore_mem>>) {add = true}
        %dma_wait3A_82 = arith.constant 0 : i32
        %dma_wait3A_83 = tpu.memref_slice %arg9[%add3A_66, %dma_wait3A_82] : memref<160x64xi32, #tpu.memory_space<vmem>> -> memref<1x64xi32, #tpu.memory_space<vmem>>
        %dma_wait3A_84 = tpu.memref_squeeze %dma_wait3A_83 : memref<1x64xi32, #tpu.memory_space<vmem>> -> memref<64xi32, #tpu.memory_space<vmem>>
        %dma_wait3A_85 = arith.constant 0 : i32
        %dma_wait3A_86 = arith.constant 0 : i32
        %dma_wait3A_87 = tpu.memref_slice %arg13[%dma_wait3A_85, %dma_wait3A_86] : memref<10240x128xf32, #tpu.memory_space<vmem_shared>> -> memref<10240x128xf32, #tpu.memory_space<vmem_shared>>
        tpu.wait_indirect_dma semaphore(%run_scoped3A_75 : memref<!tpu.dma_semaphore, #tpu.memory_space<semaphore_mem>>) src(%arg11 : memref<64x128xf32, #tpu.memory_space<vmem>>) dst(%dma_wait3A_87 : memref<10240x128xf32, #tpu.memory_space<vmem_shared>>)
        tpu.yield
      }) : () -> ()
      %dma_wait3A_67 = arith.constant 0 : i32
      %dma_wait3A_68 = tpu.memref_slice %arg8[%add3A_45, %dma_wait3A_67] : memref<160x64xi32, #tpu.memory_space<vmem>> -> memref<1x64xi32, #tpu.memory_space<vmem>>
      %dma_wait3A_69 = tpu.memref_squeeze %dma_wait3A_68 : memref<1x64xi32, #tpu.memory_space<vmem>> -> memref<64xi32, #tpu.memory_space<vmem>>
      %dma_wait3A_70 = arith.constant 0 : i32
      %dma_wait3A_71 = arith.constant 0 : i32
      %dma_wait3A_72 = tpu.memref_slice %arg2[%dma_wait3A_70, %dma_wait3A_71] : memref<10000x128xf32, #tpu.memory_space<hbm>> -> memref<10000x128xf32, #tpu.memory_space<hbm>>
      tpu.wait_indirect_dma semaphore(%arg16 : memref<!tpu.dma_semaphore, #tpu.memory_space<semaphore_mem>>) src(%dma_wait3A_72 : memref<10000x128xf32, #tpu.memory_space<hbm>>) dst(%arg12 : memref<64x128xf32, #tpu.memory_space<vmem>>)
      %add3A_73 = arith.constant 2 : i32
      %add3A_74 = arith.addi %add3A_28, %add3A_73 : i32
      "tpu.region"() ({
        %run_scoped3A_75 = tpu.sem_alloc : memref<!tpu.dma_semaphore, #tpu.memory_space<semaphore_mem>>
        %dma_start3A_76 = arith.constant 0 : i32
        %dma_start3A_77 = tpu.memref_slice %arg9[%add3A_74, %dma_start3A_76] : memref<160x64xi32, #tpu.memory_space<vmem>> -> memref<1x64xi32, #tpu.memory_space<vmem>>
        %dma_start3A_78 = tpu.memref_squeeze %dma_start3A_77 : memref<1x64xi32, #tpu.memory_space<vmem>> -> memref<64xi32, #tpu.memory_space<vmem>>
        %dma_start3A_79 = arith.constant 0 : i32
        %dma_start3A_80 = arith.constant 0 : i32
        %dma_start3A_81 = tpu.memref_slice %arg13[%dma_start3A_79, %dma_start3A_80] : memref<10240x128xf32, #tpu.memory_space<vmem_shared>> -> memref<10240x128xf32, #tpu.memory_space<vmem_shared>>
        tpu.enqueue_indirect_dma source(%arg12 : memref<64x128xf32, #tpu.memory_space<vmem>>) target(%dma_start3A_81 : memref<10240x128xf32, #tpu.memory_space<vmem_shared>>) offsets(%dma_start3A_78 : memref<64xi32, #tpu.memory_space<vmem>>) semaphore(%run_scoped3A_75 : memref<!tpu.dma_semaphore, #tpu.memory_space<semaphore_mem>>) {add = true}
        %dma_wait3A_82 = arith.constant 0 : i32
        %dma_wait3A_83 = tpu.memref_slice %arg9[%add3A_74, %dma_wait3A_82] : memref<160x64xi32, #tpu.memory_space<vmem>> -> memref<1x64xi32, #tpu.memory_space<vmem>>
        %dma_wait3A_84 = tpu.memref_squeeze %dma_wait3A_83 : memref<1x64xi32, #tpu.memory_space<vmem>> -> memref<64xi32, #tpu.memory_space<vmem>>
        %dma_wait3A_85 = arith.constant 0 : i32
        %dma_wait3A_86 = arith.constant 0 : i32
        %dma_wait3A_87 = tpu.memref_slice %arg13[%dma_wait3A_85, %dma_wait3A_86] : memref<10240x128xf32, #tpu.memory_space<vmem_shared>> -> memref<10240x128xf32, #tpu.memory_space<vmem_shared>>
        tpu.wait_indirect_dma semaphore(%run_scoped3A_75 : memref<!tpu.dma_semaphore, #tpu.memory_space<semaphore_mem>>) src(%arg12 : memref<64x128xf32, #tpu.memory_space<vmem>>) dst(%dma_wait3A_87 : memref<10240x128xf32, #tpu.memory_space<vmem_shared>>)
        tpu.yield
      }) : () -> ()
    }
    %scan3A_4 = arith.constant 53 : i32
    %barrier3A_5 = arith.constant 0 : index
    tpu.barrier barrier_id(%barrier3A_5)
    %mul3A_6 = arith.constant 640 : i32
    %mul3A_7 = arith.muli %arg1, %mul3A_6 : i32
    %mul3A_8 = arith.constant 640 : i32
    %mul3A_9 = arith.muli %arg1, %mul3A_8 : i32
    %run_scoped3A = arith.constant 0 : i32
    "tpu.region"() ({
      %run_scoped3A_25 = tpu.sem_alloc : memref<!tpu.dma_semaphore, #tpu.memory_space<semaphore_mem>>
      %dma_start3A = arith.constant 0 : i32
      %dma_start3A_26 = arith.constant 0 : i32
      %dma_start3A_27 = tpu.memref_slice %arg7[%arg0, %run_scoped3A, %dma_start3A, %dma_start3A_26] : memref<2x2x10240x128xf32, #tpu.memory_space<hbm>> -> memref<1x1x10240x128xf32, #tpu.memory_space<hbm>>
      %dma_start3A_28 = tpu.memref_squeeze %dma_start3A_27 : memref<1x1x10240x128xf32, #tpu.memory_space<hbm>> -> memref<10240x128xf32, #tpu.memory_space<hbm>>
      %dma_start3A_29 = arith.constant 0 : i32
      %dma_start3A_30 = tpu.memref_slice %dma_start3A_28[%mul3A_9, %dma_start3A_29] : memref<10240x128xf32, #tpu.memory_space<hbm>> -> memref<640x128xf32, #tpu.memory_space<hbm>>
      %dma_start3A_31 = arith.constant 0 : i32
      %dma_start3A_32 = tpu.memref_slice %arg13[%mul3A_7, %dma_start3A_31] : memref<10240x128xf32, #tpu.memory_space<vmem_shared>> -> memref<640x128xf32, #tpu.memory_space<vmem_shared>>
      tpu.enqueue_dma source(%dma_start3A_32 : memref<640x128xf32, #tpu.memory_space<vmem_shared>>) target(%dma_start3A_30 : memref<640x128xf32, #tpu.memory_space<hbm>>) target_semaphore(%run_scoped3A_25 : memref<!tpu.dma_semaphore, #tpu.memory_space<semaphore_mem>>)
      %dma_wait3A = arith.constant 0 : i32
      %dma_wait3A_33 = arith.constant 0 : i32
      %dma_wait3A_34 = tpu.memref_slice %arg7[%arg0, %run_scoped3A, %dma_wait3A, %dma_wait3A_33] : memref<2x2x10240x128xf32, #tpu.memory_space<hbm>> -> memref<1x1x10240x128xf32, #tpu.memory_space<hbm>>
      %dma_wait3A_35 = tpu.memref_squeeze %dma_wait3A_34 : memref<1x1x10240x128xf32, #tpu.memory_space<hbm>> -> memref<10240x128xf32, #tpu.memory_space<hbm>>
      %dma_wait3A_36 = arith.constant 0 : i32
      %dma_wait3A_37 = tpu.memref_slice %dma_wait3A_35[%mul3A_9, %dma_wait3A_36] : memref<10240x128xf32, #tpu.memory_space<hbm>> -> memref<640x128xf32, #tpu.memory_space<hbm>>
      %dma_wait3A_38 = arith.constant 0 : i32
      %dma_wait3A_39 = tpu.memref_slice %arg13[%mul3A_7, %dma_wait3A_38] : memref<10240x128xf32, #tpu.memory_space<vmem_shared>> -> memref<640x128xf32, #tpu.memory_space<vmem_shared>>
      tpu.wait_dma2 semaphore(%run_scoped3A_25 : memref<!tpu.dma_semaphore, #tpu.memory_space<semaphore_mem>>) src(%dma_wait3A_39 : memref<640x128xf32, #tpu.memory_space<vmem_shared>>) dst(%dma_wait3A_37 : memref<640x128xf32, #tpu.memory_space<hbm>>)
      tpu.yield
    }) : () -> ()
    %mul3A_10 = arith.constant 640 : i32
    %mul3A_11 = arith.muli %arg1, %mul3A_10 : i32
    "tpu.region"() ({
      %run_scoped3A_25 = tpu.sem_alloc : memref<!tpu.dma_semaphore, #tpu.memory_space<semaphore_mem>>
      %dma_start3A = arith.constant 0 : i32
      %dma_start3A_26 = tpu.memref_slice %arg13[%mul3A_11, %dma_start3A] : memref<10240x128xf32, #tpu.memory_space<vmem_shared>> -> memref<640x128xf32, #tpu.memory_space<vmem_shared>>
      tpu.enqueue_dma source(%arg6 : memref<640x128xf32, #tpu.memory_space<hbm>>) target(%dma_start3A_26 : memref<640x128xf32, #tpu.memory_space<vmem_shared>>) target_semaphore(%run_scoped3A_25 : memref<!tpu.dma_semaphore, #tpu.memory_space<semaphore_mem>>)
      %dma_wait3A = arith.constant 0 : i32
      %dma_wait3A_27 = tpu.memref_slice %arg13[%mul3A_11, %dma_wait3A] : memref<10240x128xf32, #tpu.memory_space<vmem_shared>> -> memref<640x128xf32, #tpu.memory_space<vmem_shared>>
      tpu.wait_dma2 semaphore(%run_scoped3A_25 : memref<!tpu.dma_semaphore, #tpu.memory_space<semaphore_mem>>) src(%arg6 : memref<640x128xf32, #tpu.memory_space<hbm>>) dst(%dma_wait3A_27 : memref<640x128xf32, #tpu.memory_space<vmem_shared>>)
      tpu.yield
    }) : () -> ()
    %barrier3A_12 = arith.constant 0 : index
    tpu.barrier barrier_id(%barrier3A_12)
    %scan3A_13 = arith.constant 0 : i32
    %scan3A_14 = arith.constant 53 : i32
    %scan3A_15 = arith.addi %scan3A_13, %scan3A_14 : i32
    %scan3A_16 = arith.constant 1 : i32
    scf.for %scan3A_25 = %scan3A_13 to %scan3A_15 step %scan3A_16  : i32 {
      %mul3A_26 = arith.constant 3 : i32
      %mul3A_27 = arith.muli %scan3A_25, %mul3A_26 : i32
      %add3A = arith.constant 0 : i32
      %add3A_28 = arith.addi %add3A, %mul3A_27 : i32
      %add3A_29 = arith.constant 0 : i32
      %add3A_30 = arith.addi %add3A_28, %add3A_29 : i32
      %dma_start3A = arith.constant 0 : i32
      %dma_start3A_31 = tpu.memref_slice %arg8[%add3A_30, %dma_start3A] : memref<160x64xi32, #tpu.memory_space<vmem>> -> memref<1x64xi32, #tpu.memory_space<vmem>>
      %dma_start3A_32 = tpu.memref_squeeze %dma_start3A_31 : memref<1x64xi32, #tpu.memory_space<vmem>> -> memref<64xi32, #tpu.memory_space<vmem>>
      %dma_start3A_33 = arith.constant 0 : i32
      %dma_start3A_34 = arith.constant 0 : i32
      %dma_start3A_35 = tpu.memref_slice %arg3[%dma_start3A_33, %dma_start3A_34] : memref<10000x128xf32, #tpu.memory_space<hbm>> -> memref<10000x128xf32, #tpu.memory_space<hbm>>
      tpu.enqueue_indirect_dma source(%dma_start3A_35 : memref<10000x128xf32, #tpu.memory_space<hbm>>) target(%arg10 : memref<64x128xf32, #tpu.memory_space<vmem>>) offsets(%dma_start3A_32 : memref<64xi32, #tpu.memory_space<vmem>>) semaphore(%arg14 : memref<!tpu.dma_semaphore, #tpu.memory_space<semaphore_mem>>)
      %add3A_36 = arith.constant 1 : i32
      %add3A_37 = arith.addi %add3A_28, %add3A_36 : i32
      %dma_start3A_38 = arith.constant 0 : i32
      %dma_start3A_39 = tpu.memref_slice %arg8[%add3A_37, %dma_start3A_38] : memref<160x64xi32, #tpu.memory_space<vmem>> -> memref<1x64xi32, #tpu.memory_space<vmem>>
      %dma_start3A_40 = tpu.memref_squeeze %dma_start3A_39 : memref<1x64xi32, #tpu.memory_space<vmem>> -> memref<64xi32, #tpu.memory_space<vmem>>
      %dma_start3A_41 = arith.constant 0 : i32
      %dma_start3A_42 = arith.constant 0 : i32
      %dma_start3A_43 = tpu.memref_slice %arg3[%dma_start3A_41, %dma_start3A_42] : memref<10000x128xf32, #tpu.memory_space<hbm>> -> memref<10000x128xf32, #tpu.memory_space<hbm>>
      tpu.enqueue_indirect_dma source(%dma_start3A_43 : memref<10000x128xf32, #tpu.memory_space<hbm>>) target(%arg11 : memref<64x128xf32, #tpu.memory_space<vmem>>) offsets(%dma_start3A_40 : memref<64xi32, #tpu.memory_space<vmem>>) semaphore(%arg15 : memref<!tpu.dma_semaphore, #tpu.memory_space<semaphore_mem>>)
      %add3A_44 = arith.constant 2 : i32
      %add3A_45 = arith.addi %add3A_28, %add3A_44 : i32
      %dma_start3A_46 = arith.constant 0 : i32
      %dma_start3A_47 = tpu.memref_slice %arg8[%add3A_45, %dma_start3A_46] : memref<160x64xi32, #tpu.memory_space<vmem>> -> memref<1x64xi32, #tpu.memory_space<vmem>>
      %dma_start3A_48 = tpu.memref_squeeze %dma_start3A_47 : memref<1x64xi32, #tpu.memory_space<vmem>> -> memref<64xi32, #tpu.memory_space<vmem>>
      %dma_start3A_49 = arith.constant 0 : i32
      %dma_start3A_50 = arith.constant 0 : i32
      %dma_start3A_51 = tpu.memref_slice %arg3[%dma_start3A_49, %dma_start3A_50] : memref<10000x128xf32, #tpu.memory_space<hbm>> -> memref<10000x128xf32, #tpu.memory_space<hbm>>
      tpu.enqueue_indirect_dma source(%dma_start3A_51 : memref<10000x128xf32, #tpu.memory_space<hbm>>) target(%arg12 : memref<64x128xf32, #tpu.memory_space<vmem>>) offsets(%dma_start3A_48 : memref<64xi32, #tpu.memory_space<vmem>>) semaphore(%arg16 : memref<!tpu.dma_semaphore, #tpu.memory_space<semaphore_mem>>)
      %dma_wait3A = arith.constant 0 : i32
      %dma_wait3A_52 = tpu.memref_slice %arg8[%add3A_30, %dma_wait3A] : memref<160x64xi32, #tpu.memory_space<vmem>> -> memref<1x64xi32, #tpu.memory_space<vmem>>
      %dma_wait3A_53 = tpu.memref_squeeze %dma_wait3A_52 : memref<1x64xi32, #tpu.memory_space<vmem>> -> memref<64xi32, #tpu.memory_space<vmem>>
      %dma_wait3A_54 = arith.constant 0 : i32
      %dma_wait3A_55 = arith.constant 0 : i32
      %dma_wait3A_56 = tpu.memref_slice %arg3[%dma_wait3A_54, %dma_wait3A_55] : memref<10000x128xf32, #tpu.memory_space<hbm>> -> memref<10000x128xf32, #tpu.memory_space<hbm>>
      tpu.wait_indirect_dma semaphore(%arg14 : memref<!tpu.dma_semaphore, #tpu.memory_space<semaphore_mem>>) src(%dma_wait3A_56 : memref<10000x128xf32, #tpu.memory_space<hbm>>) dst(%arg10 : memref<64x128xf32, #tpu.memory_space<vmem>>)
      %add3A_57 = arith.constant 0 : i32
      %add3A_58 = arith.addi %add3A_28, %add3A_57 : i32
      "tpu.region"() ({
        %run_scoped3A_75 = tpu.sem_alloc : memref<!tpu.dma_semaphore, #tpu.memory_space<semaphore_mem>>
        %dma_start3A_76 = arith.constant 0 : i32
        %dma_start3A_77 = tpu.memref_slice %arg9[%add3A_58, %dma_start3A_76] : memref<160x64xi32, #tpu.memory_space<vmem>> -> memref<1x64xi32, #tpu.memory_space<vmem>>
        %dma_start3A_78 = tpu.memref_squeeze %dma_start3A_77 : memref<1x64xi32, #tpu.memory_space<vmem>> -> memref<64xi32, #tpu.memory_space<vmem>>
        %dma_start3A_79 = arith.constant 0 : i32
        %dma_start3A_80 = arith.constant 0 : i32
        %dma_start3A_81 = tpu.memref_slice %arg13[%dma_start3A_79, %dma_start3A_80] : memref<10240x128xf32, #tpu.memory_space<vmem_shared>> -> memref<10240x128xf32, #tpu.memory_space<vmem_shared>>
        tpu.enqueue_indirect_dma source(%arg10 : memref<64x128xf32, #tpu.memory_space<vmem>>) target(%dma_start3A_81 : memref<10240x128xf32, #tpu.memory_space<vmem_shared>>) offsets(%dma_start3A_78 : memref<64xi32, #tpu.memory_space<vmem>>) semaphore(%run_scoped3A_75 : memref<!tpu.dma_semaphore, #tpu.memory_space<semaphore_mem>>) {add = true}
        %dma_wait3A_82 = arith.constant 0 : i32
        %dma_wait3A_83 = tpu.memref_slice %arg9[%add3A_58, %dma_wait3A_82] : memref<160x64xi32, #tpu.memory_space<vmem>> -> memref<1x64xi32, #tpu.memory_space<vmem>>
        %dma_wait3A_84 = tpu.memref_squeeze %dma_wait3A_83 : memref<1x64xi32, #tpu.memory_space<vmem>> -> memref<64xi32, #tpu.memory_space<vmem>>
        %dma_wait3A_85 = arith.constant 0 : i32
        %dma_wait3A_86 = arith.constant 0 : i32
        %dma_wait3A_87 = tpu.memref_slice %arg13[%dma_wait3A_85, %dma_wait3A_86] : memref<10240x128xf32, #tpu.memory_space<vmem_shared>> -> memref<10240x128xf32, #tpu.memory_space<vmem_shared>>
        tpu.wait_indirect_dma semaphore(%run_scoped3A_75 : memref<!tpu.dma_semaphore, #tpu.memory_space<semaphore_mem>>) src(%arg10 : memref<64x128xf32, #tpu.memory_space<vmem>>) dst(%dma_wait3A_87 : memref<10240x128xf32, #tpu.memory_space<vmem_shared>>)
        tpu.yield
      }) : () -> ()
      %dma_wait3A_59 = arith.constant 0 : i32
      %dma_wait3A_60 = tpu.memref_slice %arg8[%add3A_37, %dma_wait3A_59] : memref<160x64xi32, #tpu.memory_space<vmem>> -> memref<1x64xi32, #tpu.memory_space<vmem>>
      %dma_wait3A_61 = tpu.memref_squeeze %dma_wait3A_60 : memref<1x64xi32, #tpu.memory_space<vmem>> -> memref<64xi32, #tpu.memory_space<vmem>>
      %dma_wait3A_62 = arith.constant 0 : i32
      %dma_wait3A_63 = arith.constant 0 : i32
      %dma_wait3A_64 = tpu.memref_slice %arg3[%dma_wait3A_62, %dma_wait3A_63] : memref<10000x128xf32, #tpu.memory_space<hbm>> -> memref<10000x128xf32, #tpu.memory_space<hbm>>
      tpu.wait_indirect_dma semaphore(%arg15 : memref<!tpu.dma_semaphore, #tpu.memory_space<semaphore_mem>>) src(%dma_wait3A_64 : memref<10000x128xf32, #tpu.memory_space<hbm>>) dst(%arg11 : memref<64x128xf32, #tpu.memory_space<vmem>>)
      %add3A_65 = arith.constant 1 : i32
      %add3A_66 = arith.addi %add3A_28, %add3A_65 : i32
      "tpu.region"() ({
        %run_scoped3A_75 = tpu.sem_alloc : memref<!tpu.dma_semaphore, #tpu.memory_space<semaphore_mem>>
        %dma_start3A_76 = arith.constant 0 : i32
        %dma_start3A_77 = tpu.memref_slice %arg9[%add3A_66, %dma_start3A_76] : memref<160x64xi32, #tpu.memory_space<vmem>> -> memref<1x64xi32, #tpu.memory_space<vmem>>
        %dma_start3A_78 = tpu.memref_squeeze %dma_start3A_77 : memref<1x64xi32, #tpu.memory_space<vmem>> -> memref<64xi32, #tpu.memory_space<vmem>>
        %dma_start3A_79 = arith.constant 0 : i32
        %dma_start3A_80 = arith.constant 0 : i32
        %dma_start3A_81 = tpu.memref_slice %arg13[%dma_start3A_79, %dma_start3A_80] : memref<10240x128xf32, #tpu.memory_space<vmem_shared>> -> memref<10240x128xf32, #tpu.memory_space<vmem_shared>>
        tpu.enqueue_indirect_dma source(%arg11 : memref<64x128xf32, #tpu.memory_space<vmem>>) target(%dma_start3A_81 : memref<10240x128xf32, #tpu.memory_space<vmem_shared>>) offsets(%dma_start3A_78 : memref<64xi32, #tpu.memory_space<vmem>>) semaphore(%run_scoped3A_75 : memref<!tpu.dma_semaphore, #tpu.memory_space<semaphore_mem>>) {add = true}
        %dma_wait3A_82 = arith.constant 0 : i32
        %dma_wait3A_83 = tpu.memref_slice %arg9[%add3A_66, %dma_wait3A_82] : memref<160x64xi32, #tpu.memory_space<vmem>> -> memref<1x64xi32, #tpu.memory_space<vmem>>
        %dma_wait3A_84 = tpu.memref_squeeze %dma_wait3A_83 : memref<1x64xi32, #tpu.memory_space<vmem>> -> memref<64xi32, #tpu.memory_space<vmem>>
        %dma_wait3A_85 = arith.constant 0 : i32
        %dma_wait3A_86 = arith.constant 0 : i32
        %dma_wait3A_87 = tpu.memref_slice %arg13[%dma_wait3A_85, %dma_wait3A_86] : memref<10240x128xf32, #tpu.memory_space<vmem_shared>> -> memref<10240x128xf32, #tpu.memory_space<vmem_shared>>
        tpu.wait_indirect_dma semaphore(%run_scoped3A_75 : memref<!tpu.dma_semaphore, #tpu.memory_space<semaphore_mem>>) src(%arg11 : memref<64x128xf32, #tpu.memory_space<vmem>>) dst(%dma_wait3A_87 : memref<10240x128xf32, #tpu.memory_space<vmem_shared>>)
        tpu.yield
      }) : () -> ()
      %dma_wait3A_67 = arith.constant 0 : i32
      %dma_wait3A_68 = tpu.memref_slice %arg8[%add3A_45, %dma_wait3A_67] : memref<160x64xi32, #tpu.memory_space<vmem>> -> memref<1x64xi32, #tpu.memory_space<vmem>>
      %dma_wait3A_69 = tpu.memref_squeeze %dma_wait3A_68 : memref<1x64xi32, #tpu.memory_space<vmem>> -> memref<64xi32, #tpu.memory_space<vmem>>
      %dma_wait3A_70 = arith.constant 0 : i32
      %dma_wait3A_71 = arith.constant 0 : i32
      %dma_wait3A_72 = tpu.memref_slice %arg3[%dma_wait3A_70, %dma_wait3A_71] : memref<10000x128xf32, #tpu.memory_space<hbm>> -> memref<10000x128xf32, #tpu.memory_space<hbm>>
      tpu.wait_indirect_dma semaphore(%arg16 : memref<!tpu.dma_semaphore, #tpu.memory_space<semaphore_mem>>) src(%dma_wait3A_72 : memref<10000x128xf32, #tpu.memory_space<hbm>>) dst(%arg12 : memref<64x128xf32, #tpu.memory_space<vmem>>)
      %add3A_73 = arith.constant 2 : i32
      %add3A_74 = arith.addi %add3A_28, %add3A_73 : i32
      "tpu.region"() ({
        %run_scoped3A_75 = tpu.sem_alloc : memref<!tpu.dma_semaphore, #tpu.memory_space<semaphore_mem>>
        %dma_start3A_76 = arith.constant 0 : i32
        %dma_start3A_77 = tpu.memref_slice %arg9[%add3A_74, %dma_start3A_76] : memref<160x64xi32, #tpu.memory_space<vmem>> -> memref<1x64xi32, #tpu.memory_space<vmem>>
        %dma_start3A_78 = tpu.memref_squeeze %dma_start3A_77 : memref<1x64xi32, #tpu.memory_space<vmem>> -> memref<64xi32, #tpu.memory_space<vmem>>
        %dma_start3A_79 = arith.constant 0 : i32
        %dma_start3A_80 = arith.constant 0 : i32
        %dma_start3A_81 = tpu.memref_slice %arg13[%dma_start3A_79, %dma_start3A_80] : memref<10240x128xf32, #tpu.memory_space<vmem_shared>> -> memref<10240x128xf32, #tpu.memory_space<vmem_shared>>
        tpu.enqueue_indirect_dma source(%arg12 : memref<64x128xf32, #tpu.memory_space<vmem>>) target(%dma_start3A_81 : memref<10240x128xf32, #tpu.memory_space<vmem_shared>>) offsets(%dma_start3A_78 : memref<64xi32, #tpu.memory_space<vmem>>) semaphore(%run_scoped3A_75 : memref<!tpu.dma_semaphore, #tpu.memory_space<semaphore_mem>>) {add = true}
        %dma_wait3A_82 = arith.constant 0 : i32
        %dma_wait3A_83 = tpu.memref_slice %arg9[%add3A_74, %dma_wait3A_82] : memref<160x64xi32, #tpu.memory_space<vmem>> -> memref<1x64xi32, #tpu.memory_space<vmem>>
        %dma_wait3A_84 = tpu.memref_squeeze %dma_wait3A_83 : memref<1x64xi32, #tpu.memory_space<vmem>> -> memref<64xi32, #tpu.memory_space<vmem>>
        %dma_wait3A_85 = arith.constant 0 : i32
        %dma_wait3A_86 = arith.constant 0 : i32
        %dma_wait3A_87 = tpu.memref_slice %arg13[%dma_wait3A_85, %dma_wait3A_86] : memref<10240x128xf32, #tpu.memory_space<vmem_shared>> -> memref<10240x128xf32, #tpu.memory_space<vmem_shared>>
        tpu.wait_indirect_dma semaphore(%run_scoped3A_75 : memref<!tpu.dma_semaphore, #tpu.memory_space<semaphore_mem>>) src(%arg12 : memref<64x128xf32, #tpu.memory_space<vmem>>) dst(%dma_wait3A_87 : memref<10240x128xf32, #tpu.memory_space<vmem_shared>>)
        tpu.yield
      }) : () -> ()
    }
    %scan3A_17 = arith.constant 53 : i32
    %barrier3A_18 = arith.constant 0 : index
    tpu.barrier barrier_id(%barrier3A_18)
    %mul3A_19 = arith.constant 640 : i32
    %mul3A_20 = arith.muli %arg1, %mul3A_19 : i32
    %mul3A_21 = arith.constant 640 : i32
    %mul3A_22 = arith.muli %arg1, %mul3A_21 : i32
    %run_scoped3A_23 = arith.constant 1 : i32
    "tpu.region"() ({
      %run_scoped3A_25 = tpu.sem_alloc : memref<!tpu.dma_semaphore, #tpu.memory_space<semaphore_mem>>
      %dma_start3A = arith.constant 0 : i32
      %dma_start3A_26 = arith.constant 0 : i32
      %dma_start3A_27 = tpu.memref_slice %arg7[%arg0, %run_scoped3A_23, %dma_start3A, %dma_start3A_26] : memref<2x2x10240x128xf32, #tpu.memory_space<hbm>> -> memref<1x1x10240x128xf32, #tpu.memory_space<hbm>>
      %dma_start3A_28 = tpu.memref_squeeze %dma_start3A_27 : memref<1x1x10240x128xf32, #tpu.memory_space<hbm>> -> memref<10240x128xf32, #tpu.memory_space<hbm>>
      %dma_start3A_29 = arith.constant 0 : i32
      %dma_start3A_30 = tpu.memref_slice %dma_start3A_28[%mul3A_22, %dma_start3A_29] : memref<10240x128xf32, #tpu.memory_space<hbm>> -> memref<640x128xf32, #tpu.memory_space<hbm>>
      %dma_start3A_31 = arith.constant 0 : i32
      %dma_start3A_32 = tpu.memref_slice %arg13[%mul3A_20, %dma_start3A_31] : memref<10240x128xf32, #tpu.memory_space<vmem_shared>> -> memref<640x128xf32, #tpu.memory_space<vmem_shared>>
      tpu.enqueue_dma source(%dma_start3A_32 : memref<640x128xf32, #tpu.memory_space<vmem_shared>>) target(%dma_start3A_30 : memref<640x128xf32, #tpu.memory_space<hbm>>) target_semaphore(%run_scoped3A_25 : memref<!tpu.dma_semaphore, #tpu.memory_space<semaphore_mem>>)
      %dma_wait3A = arith.constant 0 : i32
      %dma_wait3A_33 = arith.constant 0 : i32
      %dma_wait3A_34 = tpu.memref_slice %arg7[%arg0, %run_scoped3A_23, %dma_wait3A, %dma_wait3A_33] : memref<2x2x10240x128xf32, #tpu.memory_space<hbm>> -> memref<1x1x10240x128xf32, #tpu.memory_space<hbm>>
      %dma_wait3A_35 = tpu.memref_squeeze %dma_wait3A_34 : memref<1x1x10240x128xf32, #tpu.memory_space<hbm>> -> memref<10240x128xf32, #tpu.memory_space<hbm>>
      %dma_wait3A_36 = arith.constant 0 : i32
      %dma_wait3A_37 = tpu.memref_slice %dma_wait3A_35[%mul3A_22, %dma_wait3A_36] : memref<10240x128xf32, #tpu.memory_space<hbm>> -> memref<640x128xf32, #tpu.memory_space<hbm>>
      %dma_wait3A_38 = arith.constant 0 : i32
      %dma_wait3A_39 = tpu.memref_slice %arg13[%mul3A_20, %dma_wait3A_38] : memref<10240x128xf32, #tpu.memory_space<vmem_shared>> -> memref<640x128xf32, #tpu.memory_space<vmem_shared>>
      tpu.wait_dma2 semaphore(%run_scoped3A_25 : memref<!tpu.dma_semaphore, #tpu.memory_space<semaphore_mem>>) src(%dma_wait3A_39 : memref<640x128xf32, #tpu.memory_space<vmem_shared>>) dst(%dma_wait3A_37 : memref<640x128xf32, #tpu.memory_space<hbm>>)
      tpu.yield
    }) : () -> ()
    %barrier3A_24 = arith.constant 0 : index
    tpu.barrier barrier_id(%barrier3A_24)
    return
  }
}

#map = affine_map<(d0, d1) -> (0, 0)>
#map1 = affine_map<(d0, d1) -> (0, 0, 0, 0)>
#map2 = affine_map<(d0, d1) -> (0, 0, 0)>
module attributes {stable_mosaic.version = 14 : i64} {
  func.func @k(%arg0: i32, %arg1: i32, %arg2: memref<10000x128xf32, #tpu.memory_space<hbm>>, %arg3: memref<2x32x160x64xi32, #tpu.memory_space<hbm>>, %arg4: memref<2x32x160x64xi32, #tpu.memory_space<hbm>>, %arg5: memref<640x128xf32, #tpu.memory_space<hbm>>, %arg6: memref<2x10240x128xf32, #tpu.memory_space<hbm>>, %arg7: memref<160x64xi32, #tpu.memory_space<vmem>>, %arg8: memref<160x64xi32, #tpu.memory_space<vmem>>, %arg9: memref<64x128xf32, #tpu.memory_space<vmem>>, %arg10: memref<64x128xf32, #tpu.memory_space<vmem>>, %arg11: memref<64x128xf32, #tpu.memory_space<vmem>>, %arg12: memref<10240x128xf32, #tpu.memory_space<vmem_shared>>, %arg13: memref<!tpu.dma_semaphore, #tpu.memory_space<semaphore_mem>>, %arg14: memref<!tpu.dma_semaphore, #tpu.memory_space<semaphore_mem>>, %arg15: memref<!tpu.dma_semaphore, #tpu.memory_space<semaphore_mem>>) attributes {dimension_semantics = [#tpu.dimension_semantics<core_parallel>, #tpu.dimension_semantics<subcore_parallel>], iteration_bounds = array<i64: 2, 16>, scalar_prefetch = 0 : i64, scratch_operands = 9 : i64, tpu.core_type = #tpu.core_type<sc_vector_subcore>, window_params = [{transform_indices = #map}, {transform_indices = #map1}, {transform_indices = #map1}, {transform_indices = #map}, {transform_indices = #map2}]} {
    "tpu.region"() ({
      %run_scoped3A = tpu.sem_alloc : memref<!tpu.dma_semaphore, #tpu.memory_space<semaphore_mem>>
      %dma_start3A = arith.constant 0 : i32
      %dma_start3A_11 = arith.constant 0 : i32
      %dma_start3A_12 = tpu.memref_slice %arg3[%arg0, %arg1, %dma_start3A, %dma_start3A_11] : memref<2x32x160x64xi32, #tpu.memory_space<hbm>> -> memref<1x1x160x64xi32, #tpu.memory_space<hbm>>
      %dma_start3A_13 = tpu.memref_squeeze %dma_start3A_12 : memref<1x1x160x64xi32, #tpu.memory_space<hbm>> -> memref<160x64xi32, #tpu.memory_space<hbm>>
      %dma_start3A_14 = arith.constant 0 : i32
      %dma_start3A_15 = arith.constant 0 : i32
      %dma_start3A_16 = tpu.memref_slice %arg3[%arg0, %arg1, %dma_start3A_14, %dma_start3A_15] : memref<2x32x160x64xi32, #tpu.memory_space<hbm>> -> memref<1x1x160x64xi32, #tpu.memory_space<hbm>>
      %dma_start3A_17 = tpu.memref_squeeze %dma_start3A_16 : memref<1x1x160x64xi32, #tpu.memory_space<hbm>> -> memref<160x64xi32, #tpu.memory_space<hbm>>
      tpu.enqueue_dma source(%dma_start3A_17 : memref<160x64xi32, #tpu.memory_space<hbm>>) target(%arg7 : memref<160x64xi32, #tpu.memory_space<vmem>>) target_semaphore(%run_scoped3A : memref<!tpu.dma_semaphore, #tpu.memory_space<semaphore_mem>>)
      %dma_wait3A = arith.constant 0 : i32
      %dma_wait3A_18 = arith.constant 0 : i32
      %dma_wait3A_19 = tpu.memref_slice %arg3[%arg0, %arg1, %dma_wait3A, %dma_wait3A_18] : memref<2x32x160x64xi32, #tpu.memory_space<hbm>> -> memref<1x1x160x64xi32, #tpu.memory_space<hbm>>
      %dma_wait3A_20 = tpu.memref_squeeze %dma_wait3A_19 : memref<1x1x160x64xi32, #tpu.memory_space<hbm>> -> memref<160x64xi32, #tpu.memory_space<hbm>>
      %dma_wait3A_21 = arith.constant 0 : i32
      %dma_wait3A_22 = arith.constant 0 : i32
      %dma_wait3A_23 = tpu.memref_slice %arg3[%arg0, %arg1, %dma_wait3A_21, %dma_wait3A_22] : memref<2x32x160x64xi32, #tpu.memory_space<hbm>> -> memref<1x1x160x64xi32, #tpu.memory_space<hbm>>
      %dma_wait3A_24 = tpu.memref_squeeze %dma_wait3A_23 : memref<1x1x160x64xi32, #tpu.memory_space<hbm>> -> memref<160x64xi32, #tpu.memory_space<hbm>>
      tpu.wait_dma2 semaphore(%run_scoped3A : memref<!tpu.dma_semaphore, #tpu.memory_space<semaphore_mem>>) src(%dma_wait3A_24 : memref<160x64xi32, #tpu.memory_space<hbm>>) dst(%arg7 : memref<160x64xi32, #tpu.memory_space<vmem>>)
      tpu.yield
    }) : () -> ()
    "tpu.region"() ({
      %run_scoped3A = tpu.sem_alloc : memref<!tpu.dma_semaphore, #tpu.memory_space<semaphore_mem>>
      %dma_start3A = arith.constant 0 : i32
      %dma_start3A_11 = arith.constant 0 : i32
      %dma_start3A_12 = tpu.memref_slice %arg4[%arg0, %arg1, %dma_start3A, %dma_start3A_11] : memref<2x32x160x64xi32, #tpu.memory_space<hbm>> -> memref<1x1x160x64xi32, #tpu.memory_space<hbm>>
      %dma_start3A_13 = tpu.memref_squeeze %dma_start3A_12 : memref<1x1x160x64xi32, #tpu.memory_space<hbm>> -> memref<160x64xi32, #tpu.memory_space<hbm>>
      %dma_start3A_14 = arith.constant 0 : i32
      %dma_start3A_15 = arith.constant 0 : i32
      %dma_start3A_16 = tpu.memref_slice %arg4[%arg0, %arg1, %dma_start3A_14, %dma_start3A_15] : memref<2x32x160x64xi32, #tpu.memory_space<hbm>> -> memref<1x1x160x64xi32, #tpu.memory_space<hbm>>
      %dma_start3A_17 = tpu.memref_squeeze %dma_start3A_16 : memref<1x1x160x64xi32, #tpu.memory_space<hbm>> -> memref<160x64xi32, #tpu.memory_space<hbm>>
      tpu.enqueue_dma source(%dma_start3A_17 : memref<160x64xi32, #tpu.memory_space<hbm>>) target(%arg8 : memref<160x64xi32, #tpu.memory_space<vmem>>) target_semaphore(%run_scoped3A : memref<!tpu.dma_semaphore, #tpu.memory_space<semaphore_mem>>)
      %dma_wait3A = arith.constant 0 : i32
      %dma_wait3A_18 = arith.constant 0 : i32
      %dma_wait3A_19 = tpu.memref_slice %arg4[%arg0, %arg1, %dma_wait3A, %dma_wait3A_18] : memref<2x32x160x64xi32, #tpu.memory_space<hbm>> -> memref<1x1x160x64xi32, #tpu.memory_space<hbm>>
      %dma_wait3A_20 = tpu.memref_squeeze %dma_wait3A_19 : memref<1x1x160x64xi32, #tpu.memory_space<hbm>> -> memref<160x64xi32, #tpu.memory_space<hbm>>
      %dma_wait3A_21 = arith.constant 0 : i32
      %dma_wait3A_22 = arith.constant 0 : i32
      %dma_wait3A_23 = tpu.memref_slice %arg4[%arg0, %arg1, %dma_wait3A_21, %dma_wait3A_22] : memref<2x32x160x64xi32, #tpu.memory_space<hbm>> -> memref<1x1x160x64xi32, #tpu.memory_space<hbm>>
      %dma_wait3A_24 = tpu.memref_squeeze %dma_wait3A_23 : memref<1x1x160x64xi32, #tpu.memory_space<hbm>> -> memref<160x64xi32, #tpu.memory_space<hbm>>
      tpu.wait_dma2 semaphore(%run_scoped3A : memref<!tpu.dma_semaphore, #tpu.memory_space<semaphore_mem>>) src(%dma_wait3A_24 : memref<160x64xi32, #tpu.memory_space<hbm>>) dst(%arg8 : memref<160x64xi32, #tpu.memory_space<vmem>>)
      tpu.yield
    }) : () -> ()
    %mul3A = arith.constant 640 : i32
    %mul3A_0 = arith.muli %arg1, %mul3A : i32
    "tpu.region"() ({
      %run_scoped3A = tpu.sem_alloc : memref<!tpu.dma_semaphore, #tpu.memory_space<semaphore_mem>>
      %dma_start3A = arith.constant 0 : i32
      %dma_start3A_11 = tpu.memref_slice %arg12[%mul3A_0, %dma_start3A] : memref<10240x128xf32, #tpu.memory_space<vmem_shared>> -> memref<640x128xf32, #tpu.memory_space<vmem_shared>>
      tpu.enqueue_dma source(%arg5 : memref<640x128xf32, #tpu.memory_space<hbm>>) target(%dma_start3A_11 : memref<640x128xf32, #tpu.memory_space<vmem_shared>>) target_semaphore(%run_scoped3A : memref<!tpu.dma_semaphore, #tpu.memory_space<semaphore_mem>>)
      %dma_wait3A = arith.constant 0 : i32
      %dma_wait3A_12 = tpu.memref_slice %arg12[%mul3A_0, %dma_wait3A] : memref<10240x128xf32, #tpu.memory_space<vmem_shared>> -> memref<640x128xf32, #tpu.memory_space<vmem_shared>>
      tpu.wait_dma2 semaphore(%run_scoped3A : memref<!tpu.dma_semaphore, #tpu.memory_space<semaphore_mem>>) src(%arg5 : memref<640x128xf32, #tpu.memory_space<hbm>>) dst(%dma_wait3A_12 : memref<640x128xf32, #tpu.memory_space<vmem_shared>>)
      tpu.yield
    }) : () -> ()
    %barrier3A = arith.constant 0 : index
    tpu.barrier barrier_id(%barrier3A)
    %scan3A = arith.constant 0 : i32
    %scan3A_1 = arith.constant 53 : i32
    %scan3A_2 = arith.addi %scan3A, %scan3A_1 : i32
    %scan3A_3 = arith.constant 1 : i32
    scf.for %scan3A_11 = %scan3A to %scan3A_2 step %scan3A_3  : i32 {
      %mul3A_12 = arith.constant 3 : i32
      %mul3A_13 = arith.muli %scan3A_11, %mul3A_12 : i32
      %add3A = arith.constant 0 : i32
      %add3A_14 = arith.addi %add3A, %mul3A_13 : i32
      %add3A_15 = arith.constant 0 : i32
      %add3A_16 = arith.addi %add3A_14, %add3A_15 : i32
      %dma_start3A = arith.constant 0 : i32
      %dma_start3A_17 = tpu.memref_slice %arg7[%add3A_16, %dma_start3A] : memref<160x64xi32, #tpu.memory_space<vmem>> -> memref<1x64xi32, #tpu.memory_space<vmem>>
      %dma_start3A_18 = tpu.memref_squeeze %dma_start3A_17 : memref<1x64xi32, #tpu.memory_space<vmem>> -> memref<64xi32, #tpu.memory_space<vmem>>
      %dma_start3A_19 = arith.constant 0 : i32
      %dma_start3A_20 = arith.constant 0 : i32
      %dma_start3A_21 = tpu.memref_slice %arg2[%dma_start3A_19, %dma_start3A_20] : memref<10000x128xf32, #tpu.memory_space<hbm>> -> memref<10000x128xf32, #tpu.memory_space<hbm>>
      tpu.enqueue_indirect_dma source(%dma_start3A_21 : memref<10000x128xf32, #tpu.memory_space<hbm>>) target(%arg9 : memref<64x128xf32, #tpu.memory_space<vmem>>) offsets(%dma_start3A_18 : memref<64xi32, #tpu.memory_space<vmem>>) semaphore(%arg13 : memref<!tpu.dma_semaphore, #tpu.memory_space<semaphore_mem>>)
      %add3A_22 = arith.constant 1 : i32
      %add3A_23 = arith.addi %add3A_14, %add3A_22 : i32
      %dma_start3A_24 = arith.constant 0 : i32
      %dma_start3A_25 = tpu.memref_slice %arg7[%add3A_23, %dma_start3A_24] : memref<160x64xi32, #tpu.memory_space<vmem>> -> memref<1x64xi32, #tpu.memory_space<vmem>>
      %dma_start3A_26 = tpu.memref_squeeze %dma_start3A_25 : memref<1x64xi32, #tpu.memory_space<vmem>> -> memref<64xi32, #tpu.memory_space<vmem>>
      %dma_start3A_27 = arith.constant 0 : i32
      %dma_start3A_28 = arith.constant 0 : i32
      %dma_start3A_29 = tpu.memref_slice %arg2[%dma_start3A_27, %dma_start3A_28] : memref<10000x128xf32, #tpu.memory_space<hbm>> -> memref<10000x128xf32, #tpu.memory_space<hbm>>
      tpu.enqueue_indirect_dma source(%dma_start3A_29 : memref<10000x128xf32, #tpu.memory_space<hbm>>) target(%arg10 : memref<64x128xf32, #tpu.memory_space<vmem>>) offsets(%dma_start3A_26 : memref<64xi32, #tpu.memory_space<vmem>>) semaphore(%arg14 : memref<!tpu.dma_semaphore, #tpu.memory_space<semaphore_mem>>)
      %add3A_30 = arith.constant 2 : i32
      %add3A_31 = arith.addi %add3A_14, %add3A_30 : i32
      %dma_start3A_32 = arith.constant 0 : i32
      %dma_start3A_33 = tpu.memref_slice %arg7[%add3A_31, %dma_start3A_32] : memref<160x64xi32, #tpu.memory_space<vmem>> -> memref<1x64xi32, #tpu.memory_space<vmem>>
      %dma_start3A_34 = tpu.memref_squeeze %dma_start3A_33 : memref<1x64xi32, #tpu.memory_space<vmem>> -> memref<64xi32, #tpu.memory_space<vmem>>
      %dma_start3A_35 = arith.constant 0 : i32
      %dma_start3A_36 = arith.constant 0 : i32
      %dma_start3A_37 = tpu.memref_slice %arg2[%dma_start3A_35, %dma_start3A_36] : memref<10000x128xf32, #tpu.memory_space<hbm>> -> memref<10000x128xf32, #tpu.memory_space<hbm>>
      tpu.enqueue_indirect_dma source(%dma_start3A_37 : memref<10000x128xf32, #tpu.memory_space<hbm>>) target(%arg11 : memref<64x128xf32, #tpu.memory_space<vmem>>) offsets(%dma_start3A_34 : memref<64xi32, #tpu.memory_space<vmem>>) semaphore(%arg15 : memref<!tpu.dma_semaphore, #tpu.memory_space<semaphore_mem>>)
      %dma_wait3A = arith.constant 0 : i32
      %dma_wait3A_38 = tpu.memref_slice %arg7[%add3A_16, %dma_wait3A] : memref<160x64xi32, #tpu.memory_space<vmem>> -> memref<1x64xi32, #tpu.memory_space<vmem>>
      %dma_wait3A_39 = tpu.memref_squeeze %dma_wait3A_38 : memref<1x64xi32, #tpu.memory_space<vmem>> -> memref<64xi32, #tpu.memory_space<vmem>>
      %dma_wait3A_40 = arith.constant 0 : i32
      %dma_wait3A_41 = arith.constant 0 : i32
      %dma_wait3A_42 = tpu.memref_slice %arg2[%dma_wait3A_40, %dma_wait3A_41] : memref<10000x128xf32, #tpu.memory_space<hbm>> -> memref<10000x128xf32, #tpu.memory_space<hbm>>
      tpu.wait_indirect_dma semaphore(%arg13 : memref<!tpu.dma_semaphore, #tpu.memory_space<semaphore_mem>>) src(%dma_wait3A_42 : memref<10000x128xf32, #tpu.memory_space<hbm>>) dst(%arg9 : memref<64x128xf32, #tpu.memory_space<vmem>>)
      %add3A_43 = arith.constant 0 : i32
      %add3A_44 = arith.addi %add3A_14, %add3A_43 : i32
      "tpu.region"() ({
        %run_scoped3A = tpu.sem_alloc : memref<!tpu.dma_semaphore, #tpu.memory_space<semaphore_mem>>
        %dma_start3A_61 = arith.constant 0 : i32
        %dma_start3A_62 = tpu.memref_slice %arg8[%add3A_44, %dma_start3A_61] : memref<160x64xi32, #tpu.memory_space<vmem>> -> memref<1x64xi32, #tpu.memory_space<vmem>>
        %dma_start3A_63 = tpu.memref_squeeze %dma_start3A_62 : memref<1x64xi32, #tpu.memory_space<vmem>> -> memref<64xi32, #tpu.memory_space<vmem>>
        %dma_start3A_64 = arith.constant 0 : i32
        %dma_start3A_65 = arith.constant 0 : i32
        %dma_start3A_66 = tpu.memref_slice %arg12[%dma_start3A_64, %dma_start3A_65] : memref<10240x128xf32, #tpu.memory_space<vmem_shared>> -> memref<10240x128xf32, #tpu.memory_space<vmem_shared>>
        tpu.enqueue_indirect_dma source(%arg9 : memref<64x128xf32, #tpu.memory_space<vmem>>) target(%dma_start3A_66 : memref<10240x128xf32, #tpu.memory_space<vmem_shared>>) offsets(%dma_start3A_63 : memref<64xi32, #tpu.memory_space<vmem>>) semaphore(%run_scoped3A : memref<!tpu.dma_semaphore, #tpu.memory_space<semaphore_mem>>) {add = true}
        %dma_wait3A_67 = arith.constant 0 : i32
        %dma_wait3A_68 = tpu.memref_slice %arg8[%add3A_44, %dma_wait3A_67] : memref<160x64xi32, #tpu.memory_space<vmem>> -> memref<1x64xi32, #tpu.memory_space<vmem>>
        %dma_wait3A_69 = tpu.memref_squeeze %dma_wait3A_68 : memref<1x64xi32, #tpu.memory_space<vmem>> -> memref<64xi32, #tpu.memory_space<vmem>>
        %dma_wait3A_70 = arith.constant 0 : i32
        %dma_wait3A_71 = arith.constant 0 : i32
        %dma_wait3A_72 = tpu.memref_slice %arg12[%dma_wait3A_70, %dma_wait3A_71] : memref<10240x128xf32, #tpu.memory_space<vmem_shared>> -> memref<10240x128xf32, #tpu.memory_space<vmem_shared>>
        tpu.wait_indirect_dma semaphore(%run_scoped3A : memref<!tpu.dma_semaphore, #tpu.memory_space<semaphore_mem>>) src(%arg9 : memref<64x128xf32, #tpu.memory_space<vmem>>) dst(%dma_wait3A_72 : memref<10240x128xf32, #tpu.memory_space<vmem_shared>>)
        tpu.yield
      }) : () -> ()
      %dma_wait3A_45 = arith.constant 0 : i32
      %dma_wait3A_46 = tpu.memref_slice %arg7[%add3A_23, %dma_wait3A_45] : memref<160x64xi32, #tpu.memory_space<vmem>> -> memref<1x64xi32, #tpu.memory_space<vmem>>
      %dma_wait3A_47 = tpu.memref_squeeze %dma_wait3A_46 : memref<1x64xi32, #tpu.memory_space<vmem>> -> memref<64xi32, #tpu.memory_space<vmem>>
      %dma_wait3A_48 = arith.constant 0 : i32
      %dma_wait3A_49 = arith.constant 0 : i32
      %dma_wait3A_50 = tpu.memref_slice %arg2[%dma_wait3A_48, %dma_wait3A_49] : memref<10000x128xf32, #tpu.memory_space<hbm>> -> memref<10000x128xf32, #tpu.memory_space<hbm>>
      tpu.wait_indirect_dma semaphore(%arg14 : memref<!tpu.dma_semaphore, #tpu.memory_space<semaphore_mem>>) src(%dma_wait3A_50 : memref<10000x128xf32, #tpu.memory_space<hbm>>) dst(%arg10 : memref<64x128xf32, #tpu.memory_space<vmem>>)
      %add3A_51 = arith.constant 1 : i32
      %add3A_52 = arith.addi %add3A_14, %add3A_51 : i32
      "tpu.region"() ({
        %run_scoped3A = tpu.sem_alloc : memref<!tpu.dma_semaphore, #tpu.memory_space<semaphore_mem>>
        %dma_start3A_61 = arith.constant 0 : i32
        %dma_start3A_62 = tpu.memref_slice %arg8[%add3A_52, %dma_start3A_61] : memref<160x64xi32, #tpu.memory_space<vmem>> -> memref<1x64xi32, #tpu.memory_space<vmem>>
        %dma_start3A_63 = tpu.memref_squeeze %dma_start3A_62 : memref<1x64xi32, #tpu.memory_space<vmem>> -> memref<64xi32, #tpu.memory_space<vmem>>
        %dma_start3A_64 = arith.constant 0 : i32
        %dma_start3A_65 = arith.constant 0 : i32
        %dma_start3A_66 = tpu.memref_slice %arg12[%dma_start3A_64, %dma_start3A_65] : memref<10240x128xf32, #tpu.memory_space<vmem_shared>> -> memref<10240x128xf32, #tpu.memory_space<vmem_shared>>
        tpu.enqueue_indirect_dma source(%arg10 : memref<64x128xf32, #tpu.memory_space<vmem>>) target(%dma_start3A_66 : memref<10240x128xf32, #tpu.memory_space<vmem_shared>>) offsets(%dma_start3A_63 : memref<64xi32, #tpu.memory_space<vmem>>) semaphore(%run_scoped3A : memref<!tpu.dma_semaphore, #tpu.memory_space<semaphore_mem>>) {add = true}
        %dma_wait3A_67 = arith.constant 0 : i32
        %dma_wait3A_68 = tpu.memref_slice %arg8[%add3A_52, %dma_wait3A_67] : memref<160x64xi32, #tpu.memory_space<vmem>> -> memref<1x64xi32, #tpu.memory_space<vmem>>
        %dma_wait3A_69 = tpu.memref_squeeze %dma_wait3A_68 : memref<1x64xi32, #tpu.memory_space<vmem>> -> memref<64xi32, #tpu.memory_space<vmem>>
        %dma_wait3A_70 = arith.constant 0 : i32
        %dma_wait3A_71 = arith.constant 0 : i32
        %dma_wait3A_72 = tpu.memref_slice %arg12[%dma_wait3A_70, %dma_wait3A_71] : memref<10240x128xf32, #tpu.memory_space<vmem_shared>> -> memref<10240x128xf32, #tpu.memory_space<vmem_shared>>
        tpu.wait_indirect_dma semaphore(%run_scoped3A : memref<!tpu.dma_semaphore, #tpu.memory_space<semaphore_mem>>) src(%arg10 : memref<64x128xf32, #tpu.memory_space<vmem>>) dst(%dma_wait3A_72 : memref<10240x128xf32, #tpu.memory_space<vmem_shared>>)
        tpu.yield
      }) : () -> ()
      %dma_wait3A_53 = arith.constant 0 : i32
      %dma_wait3A_54 = tpu.memref_slice %arg7[%add3A_31, %dma_wait3A_53] : memref<160x64xi32, #tpu.memory_space<vmem>> -> memref<1x64xi32, #tpu.memory_space<vmem>>
      %dma_wait3A_55 = tpu.memref_squeeze %dma_wait3A_54 : memref<1x64xi32, #tpu.memory_space<vmem>> -> memref<64xi32, #tpu.memory_space<vmem>>
      %dma_wait3A_56 = arith.constant 0 : i32
      %dma_wait3A_57 = arith.constant 0 : i32
      %dma_wait3A_58 = tpu.memref_slice %arg2[%dma_wait3A_56, %dma_wait3A_57] : memref<10000x128xf32, #tpu.memory_space<hbm>> -> memref<10000x128xf32, #tpu.memory_space<hbm>>
      tpu.wait_indirect_dma semaphore(%arg15 : memref<!tpu.dma_semaphore, #tpu.memory_space<semaphore_mem>>) src(%dma_wait3A_58 : memref<10000x128xf32, #tpu.memory_space<hbm>>) dst(%arg11 : memref<64x128xf32, #tpu.memory_space<vmem>>)
      %add3A_59 = arith.constant 2 : i32
      %add3A_60 = arith.addi %add3A_14, %add3A_59 : i32
      "tpu.region"() ({
        %run_scoped3A = tpu.sem_alloc : memref<!tpu.dma_semaphore, #tpu.memory_space<semaphore_mem>>
        %dma_start3A_61 = arith.constant 0 : i32
        %dma_start3A_62 = tpu.memref_slice %arg8[%add3A_60, %dma_start3A_61] : memref<160x64xi32, #tpu.memory_space<vmem>> -> memref<1x64xi32, #tpu.memory_space<vmem>>
        %dma_start3A_63 = tpu.memref_squeeze %dma_start3A_62 : memref<1x64xi32, #tpu.memory_space<vmem>> -> memref<64xi32, #tpu.memory_space<vmem>>
        %dma_start3A_64 = arith.constant 0 : i32
        %dma_start3A_65 = arith.constant 0 : i32
        %dma_start3A_66 = tpu.memref_slice %arg12[%dma_start3A_64, %dma_start3A_65] : memref<10240x128xf32, #tpu.memory_space<vmem_shared>> -> memref<10240x128xf32, #tpu.memory_space<vmem_shared>>
        tpu.enqueue_indirect_dma source(%arg11 : memref<64x128xf32, #tpu.memory_space<vmem>>) target(%dma_start3A_66 : memref<10240x128xf32, #tpu.memory_space<vmem_shared>>) offsets(%dma_start3A_63 : memref<64xi32, #tpu.memory_space<vmem>>) semaphore(%run_scoped3A : memref<!tpu.dma_semaphore, #tpu.memory_space<semaphore_mem>>) {add = true}
        %dma_wait3A_67 = arith.constant 0 : i32
        %dma_wait3A_68 = tpu.memref_slice %arg8[%add3A_60, %dma_wait3A_67] : memref<160x64xi32, #tpu.memory_space<vmem>> -> memref<1x64xi32, #tpu.memory_space<vmem>>
        %dma_wait3A_69 = tpu.memref_squeeze %dma_wait3A_68 : memref<1x64xi32, #tpu.memory_space<vmem>> -> memref<64xi32, #tpu.memory_space<vmem>>
        %dma_wait3A_70 = arith.constant 0 : i32
        %dma_wait3A_71 = arith.constant 0 : i32
        %dma_wait3A_72 = tpu.memref_slice %arg12[%dma_wait3A_70, %dma_wait3A_71] : memref<10240x128xf32, #tpu.memory_space<vmem_shared>> -> memref<10240x128xf32, #tpu.memory_space<vmem_shared>>
        tpu.wait_indirect_dma semaphore(%run_scoped3A : memref<!tpu.dma_semaphore, #tpu.memory_space<semaphore_mem>>) src(%arg11 : memref<64x128xf32, #tpu.memory_space<vmem>>) dst(%dma_wait3A_72 : memref<10240x128xf32, #tpu.memory_space<vmem_shared>>)
        tpu.yield
      }) : () -> ()
    }
    %scan3A_4 = arith.constant 53 : i32
    %barrier3A_5 = arith.constant 0 : index
    tpu.barrier barrier_id(%barrier3A_5)
    %mul3A_6 = arith.constant 640 : i32
    %mul3A_7 = arith.muli %arg1, %mul3A_6 : i32
    %mul3A_8 = arith.constant 640 : i32
    %mul3A_9 = arith.muli %arg1, %mul3A_8 : i32
    "tpu.region"() ({
      %run_scoped3A = tpu.sem_alloc : memref<!tpu.dma_semaphore, #tpu.memory_space<semaphore_mem>>
      %dma_start3A = arith.constant 0 : i32
      %dma_start3A_11 = arith.constant 0 : i32
      %dma_start3A_12 = tpu.memref_slice %arg6[%arg0, %dma_start3A, %dma_start3A_11] : memref<2x10240x128xf32, #tpu.memory_space<hbm>> -> memref<1x10240x128xf32, #tpu.memory_space<hbm>>
      %dma_start3A_13 = tpu.memref_squeeze %dma_start3A_12 : memref<1x10240x128xf32, #tpu.memory_space<hbm>> -> memref<10240x128xf32, #tpu.memory_space<hbm>>
      %dma_start3A_14 = arith.constant 0 : i32
      %dma_start3A_15 = tpu.memref_slice %dma_start3A_13[%mul3A_9, %dma_start3A_14] : memref<10240x128xf32, #tpu.memory_space<hbm>> -> memref<640x128xf32, #tpu.memory_space<hbm>>
      %dma_start3A_16 = arith.constant 0 : i32
      %dma_start3A_17 = tpu.memref_slice %arg12[%mul3A_7, %dma_start3A_16] : memref<10240x128xf32, #tpu.memory_space<vmem_shared>> -> memref<640x128xf32, #tpu.memory_space<vmem_shared>>
      tpu.enqueue_dma source(%dma_start3A_17 : memref<640x128xf32, #tpu.memory_space<vmem_shared>>) target(%dma_start3A_15 : memref<640x128xf32, #tpu.memory_space<hbm>>) target_semaphore(%run_scoped3A : memref<!tpu.dma_semaphore, #tpu.memory_space<semaphore_mem>>)
      %dma_wait3A = arith.constant 0 : i32
      %dma_wait3A_18 = arith.constant 0 : i32
      %dma_wait3A_19 = tpu.memref_slice %arg6[%arg0, %dma_wait3A, %dma_wait3A_18] : memref<2x10240x128xf32, #tpu.memory_space<hbm>> -> memref<1x10240x128xf32, #tpu.memory_space<hbm>>
      %dma_wait3A_20 = tpu.memref_squeeze %dma_wait3A_19 : memref<1x10240x128xf32, #tpu.memory_space<hbm>> -> memref<10240x128xf32, #tpu.memory_space<hbm>>
      %dma_wait3A_21 = arith.constant 0 : i32
      %dma_wait3A_22 = tpu.memref_slice %dma_wait3A_20[%mul3A_9, %dma_wait3A_21] : memref<10240x128xf32, #tpu.memory_space<hbm>> -> memref<640x128xf32, #tpu.memory_space<hbm>>
      %dma_wait3A_23 = arith.constant 0 : i32
      %dma_wait3A_24 = tpu.memref_slice %arg12[%mul3A_7, %dma_wait3A_23] : memref<10240x128xf32, #tpu.memory_space<vmem_shared>> -> memref<640x128xf32, #tpu.memory_space<vmem_shared>>
      tpu.wait_dma2 semaphore(%run_scoped3A : memref<!tpu.dma_semaphore, #tpu.memory_space<semaphore_mem>>) src(%dma_wait3A_24 : memref<640x128xf32, #tpu.memory_space<vmem_shared>>) dst(%dma_wait3A_22 : memref<640x128xf32, #tpu.memory_space<hbm>>)
      tpu.yield
    }) : () -> ()
    %barrier3A_10 = arith.constant 0 : index
    tpu.barrier barrier_id(%barrier3A_10)
    return
  }
}

module attributes {stable_mosaic.version = 14 : i64} {
  func.func @_l1_body(%arg0: i32, %arg1: memref<2x2000x16xf32, #tpu.memory_space<vmem>>, %arg2: memref<2000x3xf32, #tpu.memory_space<vmem>>, %arg3: memref<6x32xf32, #tpu.memory_space<vmem>>, %arg4: memref<1x32xf32, #tpu.memory_space<vmem>>, %arg5: memref<6x32xf32, #tpu.memory_space<vmem>>, %arg6: memref<1x32xf32, #tpu.memory_space<vmem>>, %arg7: memref<2000x32xf32, #tpu.memory_space<vmem>>, %arg8: memref<2000x64xf32, #tpu.memory_space<vmem>>) attributes {dimension_semantics = [#tpu.dimension_semantics<arbitrary>], iteration_bounds = array<i64: 5>, scalar_prefetch = 0 : i64, scratch_operands = 0 : i64, tpu.core_type = #tpu.core_type<tc>, window_params = [{transform_indices = @transform_0, window_bounds = array<i64: 2, 2000, 16>}, {transform_indices = @transform_1, window_bounds = array<i64: 2000, 3>}, {pipeline_mode = #tpu.pipeline_mode<synchronous>, transform_indices = @transform_2, window_bounds = array<i64: 6, 32>}, {pipeline_mode = #tpu.pipeline_mode<synchronous>, transform_indices = @transform_3, window_bounds = array<i64: 1, 32>}, {pipeline_mode = #tpu.pipeline_mode<synchronous>, transform_indices = @transform_4, window_bounds = array<i64: 6, 32>}, {pipeline_mode = #tpu.pipeline_mode<synchronous>, transform_indices = @transform_5, window_bounds = array<i64: 1, 32>}, {transform_indices = @transform_6, window_bounds = array<i64: 2000, 32>}, {transform_indices = @transform_7, window_bounds = array<i64: 2000, 64>}]} {
    %get3A = arith.constant 0 : index
    %get3A_0 = arith.constant 0 : index
    %get3A_1 = arith.constant 0 : index
    %get3A_2 = vector.load %arg1[%get3A, %get3A_0, %get3A_1] : memref<2x2000x16xf32, #tpu.memory_space<vmem>>, vector<2x2000x16xf32>
    %slice3A = vector.extract_strided_slice %get3A_2 {offsets = [0, 0, 3], sizes = [1, 2000, 1], strides = [1, 1, 1]} : vector<2x2000x16xf32> to vector<1x2000x1xf32>
    %squeeze3A = vector.shape_cast %slice3A : vector<1x2000x1xf32> to vector<2000x1xf32>
    %add3A = arith.constant 1.000000e+00 : f32
    %add3A_3 = vector.broadcast %add3A : f32 to vector<2000x1xf32>
    %add3A_4 = arith.addf %squeeze3A, %add3A_3 : vector<2000x1xf32>
    %div3A = arith.constant 1.000000e+00 : f32
    %div3A_5 = vector.broadcast %div3A : f32 to vector<2000x1xf32>
    %div3A_6 = arith.divf %div3A_5, %add3A_4 : vector<2000x1xf32>
    %slice3A_7 = vector.extract_strided_slice %get3A_2 {offsets = [1, 0, 3], sizes = [1, 2000, 1], strides = [1, 1, 1]} : vector<2x2000x16xf32> to vector<1x2000x1xf32>
    %squeeze3A_8 = vector.shape_cast %slice3A_7 : vector<1x2000x1xf32> to vector<2000x1xf32>
    %max3A = arith.constant 1.000000e+00 : f32
    %max3A_9 = vector.broadcast %max3A : f32 to vector<2000x1xf32>
    %max3A_10 = arith.maximumf %squeeze3A_8, %max3A_9 : vector<2000x1xf32>
    %div3A_11 = arith.constant 1.000000e+00 : f32
    %div3A_12 = vector.broadcast %div3A_11 : f32 to vector<2000x1xf32>
    %div3A_13 = arith.divf %div3A_12, %max3A_10 : vector<2000x1xf32>
    %get3A_14 = arith.constant 0 : index
    %get3A_15 = arith.constant 0 : index
    %get3A_16 = vector.load %arg2[%get3A_14, %get3A_15] : memref<2000x3xf32, #tpu.memory_space<vmem>>, vector<2000x3xf32>
    %slice3A_17 = vector.extract_strided_slice %get3A_2 {offsets = [0, 0, 0], sizes = [1, 2000, 3], strides = [1, 1, 1]} : vector<2x2000x16xf32> to vector<1x2000x3xf32>
    %squeeze3A_18 = vector.shape_cast %slice3A_17 : vector<1x2000x3xf32> to vector<2000x3xf32>
    %add3A_19 = arith.addf %squeeze3A_18, %get3A_16 : vector<2000x3xf32>
    %mul3A = vector.broadcast %div3A_6 : vector<2000x1xf32> to vector<2000x3xf32>
    %mul3A_20 = arith.mulf %add3A_19, %mul3A : vector<2000x3xf32>
    %slice3A_21 = vector.extract_strided_slice %get3A_2 {offsets = [1, 0, 0], sizes = [1, 2000, 3], strides = [1, 1, 1]} : vector<2x2000x16xf32> to vector<1x2000x3xf32>
    %squeeze3A_22 = vector.shape_cast %slice3A_21 : vector<1x2000x3xf32> to vector<2000x3xf32>
    %mul3A_23 = vector.broadcast %div3A_13 : vector<2000x1xf32> to vector<2000x3xf32>
    %mul3A_24 = arith.mulf %squeeze3A_22, %mul3A_23 : vector<2000x3xf32>
    %get3A_25 = arith.constant 0 : index
    %get3A_26 = arith.constant 0 : index
    %get3A_27 = vector.load %arg3[%get3A_25, %get3A_26] : memref<6x32xf32, #tpu.memory_space<vmem>>, vector<6x32xf32>
    %get3A_28 = arith.constant 0 : index
    %get3A_29 = arith.constant 0 : index
    %get3A_30 = vector.load %arg5[%get3A_28, %get3A_29] : memref<6x32xf32, #tpu.memory_space<vmem>>, vector<6x32xf32>
    %slice3A_31 = vector.extract_strided_slice %get3A_27 {offsets = [0, 0], sizes = [3, 32], strides = [1, 1]} : vector<6x32xf32> to vector<3x32xf32>
    %dot_general3A = arith.constant dense<0.000000e+00> : vector<2000x32xf32>
    %dot_general3A_32 = tpu.matmul %mul3A_20, %slice3A_31, %dot_general3A {dimension_numbers = #tpu.dot_dimension_numbers<[1], [0], [0], [1], [0, 0, 1, 1], [], []>, transpose_lhs_hint = false} : vector<2000x3xf32>, vector<3x32xf32>, vector<2000x32xf32> -> vector<2000x32xf32>
    %slice3A_33 = vector.extract_strided_slice %get3A_27 {offsets = [3, 0], sizes = [3, 32], strides = [1, 1]} : vector<6x32xf32> to vector<3x32xf32>
    %dot_general3A_34 = arith.constant dense<0.000000e+00> : vector<2000x32xf32>
    %dot_general3A_35 = tpu.matmul %get3A_16, %slice3A_33, %dot_general3A_34 {dimension_numbers = #tpu.dot_dimension_numbers<[1], [0], [0], [1], [0, 0, 1, 1], [], []>, transpose_lhs_hint = false} : vector<2000x3xf32>, vector<3x32xf32>, vector<2000x32xf32> -> vector<2000x32xf32>
    %add3A_36 = arith.addf %dot_general3A_32, %dot_general3A_35 : vector<2000x32xf32>
    %get3A_37 = arith.constant 0 : index
    %get3A_38 = arith.constant 0 : index
    %get3A_39 = vector.load %arg4[%get3A_37, %get3A_38] : memref<1x32xf32, #tpu.memory_space<vmem>>, vector<1x32xf32>
    %add3A_40 = vector.broadcast %get3A_39 : vector<1x32xf32> to vector<2000x32xf32>
    %add3A_41 = arith.addf %add3A_36, %add3A_40 : vector<2000x32xf32>
    %slice3A_42 = vector.extract_strided_slice %get3A_30 {offsets = [0, 0], sizes = [3, 32], strides = [1, 1]} : vector<6x32xf32> to vector<3x32xf32>
    %dot_general3A_43 = arith.constant dense<0.000000e+00> : vector<2000x32xf32>
    %dot_general3A_44 = tpu.matmul %mul3A_24, %slice3A_42, %dot_general3A_43 {dimension_numbers = #tpu.dot_dimension_numbers<[1], [0], [0], [1], [0, 0, 1, 1], [], []>, transpose_lhs_hint = false} : vector<2000x3xf32>, vector<3x32xf32>, vector<2000x32xf32> -> vector<2000x32xf32>
    %slice3A_45 = vector.extract_strided_slice %get3A_30 {offsets = [3, 0], sizes = [3, 32], strides = [1, 1]} : vector<6x32xf32> to vector<3x32xf32>
    %dot_general3A_46 = arith.constant dense<0.000000e+00> : vector<2000x32xf32>
    %dot_general3A_47 = tpu.matmul %get3A_16, %slice3A_45, %dot_general3A_46 {dimension_numbers = #tpu.dot_dimension_numbers<[1], [0], [0], [1], [0, 0, 1, 1], [], []>, transpose_lhs_hint = false} : vector<2000x3xf32>, vector<3x32xf32>, vector<2000x32xf32> -> vector<2000x32xf32>
    %add3A_48 = arith.addf %dot_general3A_44, %dot_general3A_47 : vector<2000x32xf32>
    %get3A_49 = arith.constant 0 : index
    %get3A_50 = arith.constant 0 : index
    %get3A_51 = vector.load %arg6[%get3A_49, %get3A_50] : memref<1x32xf32, #tpu.memory_space<vmem>>, vector<1x32xf32>
    %add3A_52 = vector.broadcast %get3A_51 : vector<1x32xf32> to vector<2000x32xf32>
    %add3A_53 = arith.addf %add3A_48, %add3A_52 : vector<2000x32xf32>
    %get3A_54 = arith.constant 0 : index
    %get3A_55 = arith.constant 0 : index
    %get3A_56 = vector.load %arg7[%get3A_54, %get3A_55] : memref<2000x32xf32, #tpu.memory_space<vmem>>, vector<2000x32xf32>
    %max3A_57 = arith.constant 0.000000e+00 : f32
    %max3A_58 = vector.broadcast %max3A_57 : f32 to vector<2000x32xf32>
    %max3A_59 = arith.maximumf %add3A_41, %max3A_58 : vector<2000x32xf32>
    %add3A_60 = arith.addf %max3A_59, %get3A_56 : vector<2000x32xf32>
    %mul3A_61 = arith.constant 5.000000e-01 : f32
    %mul3A_62 = vector.broadcast %mul3A_61 : f32 to vector<2000x32xf32>
    %mul3A_63 = arith.mulf %add3A_60, %mul3A_62 : vector<2000x32xf32>
    %max3A_64 = arith.constant 0.000000e+00 : f32
    %max3A_65 = vector.broadcast %max3A_64 : f32 to vector<2000x32xf32>
    %max3A_66 = arith.maximumf %add3A_53, %max3A_65 : vector<2000x32xf32>
    %add3A_67 = arith.addf %max3A_66, %get3A_56 : vector<2000x32xf32>
    %mul3A_68 = arith.constant 5.000000e-01 : f32
    %mul3A_69 = vector.broadcast %mul3A_68 : f32 to vector<2000x32xf32>
    %mul3A_70 = arith.mulf %add3A_67, %mul3A_69 : vector<2000x32xf32>
    %concatenate3A = tpu.concatenate %mul3A_63, %mul3A_70 in 1 : vector<2000x32xf32>, vector<2000x32xf32> -> vector<2000x64xf32>
    %swap3A = arith.constant 0 : index
    %swap3A_71 = arith.constant 0 : index
    %swap3A_72 = vector.load %arg8[%swap3A, %swap3A_71] : memref<2000x64xf32, #tpu.memory_space<vmem>>, vector<2000x64xf32>
    tpu.vector_store %arg8[%swap3A, %swap3A_71], %concatenate3A {strides = array<i32>} : memref<2000x64xf32, #tpu.memory_space<vmem>>, vector<2000x64xf32>,
    return
  }
  func.func @transform_0(%arg0: i32) -> (i32, i32, i32) {
    %c0_i32 = arith.constant 0 : i32
    %c0_i32_0 = arith.constant 0 : i32
    %c0_i32_1 = arith.constant 0 : i32
    return %c0_i32, %arg0, %c0_i32_0 : i32, i32, i32
  }
  func.func @transform_1(%arg0: i32) -> (i32, i32) {
    %c0_i32 = arith.constant 0 : i32
    %c0_i32_0 = arith.constant 0 : i32
    return %arg0, %c0_i32 : i32, i32
  }
  func.func @transform_2(%arg0: i32) -> (i32, i32) {
    %c0_i32 = arith.constant 0 : i32
    %c0_i32_0 = arith.constant 0 : i32
    %c0_i32_1 = arith.constant 0 : i32
    return %c0_i32, %c0_i32_0 : i32, i32
  }
  func.func @transform_3(%arg0: i32) -> (i32, i32) {
    %c0_i32 = arith.constant 0 : i32
    %c0_i32_0 = arith.constant 0 : i32
    %c0_i32_1 = arith.constant 0 : i32
    return %c0_i32, %c0_i32_0 : i32, i32
  }
  func.func @transform_4(%arg0: i32) -> (i32, i32) {
    %c0_i32 = arith.constant 0 : i32
    %c0_i32_0 = arith.constant 0 : i32
    %c0_i32_1 = arith.constant 0 : i32
    return %c0_i32, %c0_i32_0 : i32, i32
  }
  func.func @transform_5(%arg0: i32) -> (i32, i32) {
    %c0_i32 = arith.constant 0 : i32
    %c0_i32_0 = arith.constant 0 : i32
    %c0_i32_1 = arith.constant 0 : i32
    return %c0_i32, %c0_i32_0 : i32, i32
  }
  func.func @transform_6(%arg0: i32) -> (i32, i32) {
    %c0_i32 = arith.constant 0 : i32
    %c0_i32_0 = arith.constant 0 : i32
    return %arg0, %c0_i32 : i32, i32
  }
  func.func @transform_7(%arg0: i32) -> (i32, i32) {
    %c0_i32 = arith.constant 0 : i32
    %c0_i32_0 = arith.constant 0 : i32
    return %arg0, %c0_i32 : i32, i32
  }
}

module attributes {stable_mosaic.version = 14 : i64} {
  func.func @_mid_body(%arg0: i32, %arg1: memref<1x2000x64xf32, #tpu.memory_space<vmem>>, %arg2: memref<1x2000x64xf32, #tpu.memory_space<vmem>>, %arg3: memref<2x2000x16xf32, #tpu.memory_space<vmem>>, %arg4: memref<2000x64xf32, #tpu.memory_space<vmem>>, %arg5: memref<96x64xf32, #tpu.memory_space<vmem>>, %arg6: memref<1x64xf32, #tpu.memory_space<vmem>>, %arg7: memref<96x64xf32, #tpu.memory_space<vmem>>, %arg8: memref<1x64xf32, #tpu.memory_space<vmem>>, %arg9: memref<2000x64xf32, #tpu.memory_space<vmem>>, %arg10: memref<2000x128xf32, #tpu.memory_space<vmem>>) attributes {dimension_semantics = [#tpu.dimension_semantics<arbitrary>], iteration_bounds = array<i64: 5>, scalar_prefetch = 0 : i64, scratch_operands = 0 : i64, tpu.core_type = #tpu.core_type<tc>, window_params = [{transform_indices = @transform_0, window_bounds = array<i64: 1, 2000, 64>}, {transform_indices = @transform_1, window_bounds = array<i64: 1, 2000, 64>}, {transform_indices = @transform_2, window_bounds = array<i64: 2, 2000, 16>}, {transform_indices = @transform_3, window_bounds = array<i64: 2000, 64>}, {pipeline_mode = #tpu.pipeline_mode<synchronous>, transform_indices = @transform_4, window_bounds = array<i64: 96, 64>}, {pipeline_mode = #tpu.pipeline_mode<synchronous>, transform_indices = @transform_5, window_bounds = array<i64: 1, 64>}, {pipeline_mode = #tpu.pipeline_mode<synchronous>, transform_indices = @transform_6, window_bounds = array<i64: 96, 64>}, {pipeline_mode = #tpu.pipeline_mode<synchronous>, transform_indices = @transform_7, window_bounds = array<i64: 1, 64>}, {transform_indices = @transform_8, window_bounds = array<i64: 2000, 64>}, {transform_indices = @transform_9, window_bounds = array<i64: 2000, 128>}]} {
    %get3A = arith.constant 0 : index
    %get3A_0 = arith.constant 0 : index
    %get3A_1 = arith.constant 0 : index
    %get3A_2 = vector.load %arg3[%get3A, %get3A_0, %get3A_1] : memref<2x2000x16xf32, #tpu.memory_space<vmem>>, vector<2x2000x16xf32>
    %slice3A = vector.extract_strided_slice %get3A_2 {offsets = [0, 0, 3], sizes = [1, 2000, 1], strides = [1, 1, 1]} : vector<2x2000x16xf32> to vector<1x2000x1xf32>
    %squeeze3A = vector.shape_cast %slice3A : vector<1x2000x1xf32> to vector<2000x1xf32>
    %add3A = arith.constant 1.000000e+00 : f32
    %add3A_3 = vector.broadcast %add3A : f32 to vector<2000x1xf32>
    %add3A_4 = arith.addf %squeeze3A, %add3A_3 : vector<2000x1xf32>
    %div3A = arith.constant 1.000000e+00 : f32
    %div3A_5 = vector.broadcast %div3A : f32 to vector<2000x1xf32>
    %div3A_6 = arith.divf %div3A_5, %add3A_4 : vector<2000x1xf32>
    %get3A_7 = arith.constant 0 : index
    %get3A_8 = arith.constant 0 : index
    %get3A_9 = arith.constant 0 : index
    %get3A_10 = vector.load %arg3[%get3A_7, %get3A_8, %get3A_9] : memref<2x2000x16xf32, #tpu.memory_space<vmem>>, vector<2x2000x16xf32>
    %slice3A_11 = vector.extract_strided_slice %get3A_10 {offsets = [1, 0, 3], sizes = [1, 2000, 1], strides = [1, 1, 1]} : vector<2x2000x16xf32> to vector<1x2000x1xf32>
    %squeeze3A_12 = vector.shape_cast %slice3A_11 : vector<1x2000x1xf32> to vector<2000x1xf32>
    %max3A = arith.constant 1.000000e+00 : f32
    %max3A_13 = vector.broadcast %max3A : f32 to vector<2000x1xf32>
    %max3A_14 = arith.maximumf %squeeze3A_12, %max3A_13 : vector<2000x1xf32>
    %div3A_15 = arith.constant 1.000000e+00 : f32
    %div3A_16 = vector.broadcast %div3A_15 : f32 to vector<2000x1xf32>
    %div3A_17 = arith.divf %div3A_16, %max3A_14 : vector<2000x1xf32>
    %get3A_18 = arith.constant 0 : index
    %get3A_19 = arith.constant 0 : index
    %get3A_20 = arith.constant 0 : index
    %get3A_21 = vector.load %arg1[%get3A_18, %get3A_19, %get3A_20] : memref<1x2000x64xf32, #tpu.memory_space<vmem>>, vector<1x2000x64xf32>
    %get3A_22 = vector.shape_cast %get3A_21 : vector<1x2000x64xf32> to vector<2000x64xf32>
    %get3A_23 = arith.constant 0 : index
    %get3A_24 = arith.constant 0 : index
    %get3A_25 = arith.constant 0 : index
    %get3A_26 = vector.load %arg2[%get3A_23, %get3A_24, %get3A_25] : memref<1x2000x64xf32, #tpu.memory_space<vmem>>, vector<1x2000x64xf32>
    %get3A_27 = vector.shape_cast %get3A_26 : vector<1x2000x64xf32> to vector<2000x64xf32>
    %get3A_28 = arith.constant 0 : index
    %get3A_29 = arith.constant 0 : index
    %get3A_30 = vector.load %arg4[%get3A_28, %get3A_29] : memref<2000x64xf32, #tpu.memory_space<vmem>>, vector<2000x64xf32>
    %slice3A_31 = vector.extract_strided_slice %get3A_22 {offsets = [0, 0], sizes = [2000, 32], strides = [1, 1]} : vector<2000x64xf32> to vector<2000x32xf32>
    %slice3A_32 = vector.extract_strided_slice %get3A_30 {offsets = [0, 0], sizes = [2000, 32], strides = [1, 1]} : vector<2000x64xf32> to vector<2000x32xf32>
    %add3A_33 = arith.addf %slice3A_31, %slice3A_32 : vector<2000x32xf32>
    %mul3A = vector.broadcast %div3A_6 : vector<2000x1xf32> to vector<2000x32xf32>
    %mul3A_34 = arith.mulf %add3A_33, %mul3A : vector<2000x32xf32>
    %slice3A_35 = vector.extract_strided_slice %get3A_22 {offsets = [0, 32], sizes = [2000, 32], strides = [1, 1]} : vector<2000x64xf32> to vector<2000x32xf32>
    %slice3A_36 = vector.extract_strided_slice %get3A_30 {offsets = [0, 32], sizes = [2000, 32], strides = [1, 1]} : vector<2000x64xf32> to vector<2000x32xf32>
    %add3A_37 = arith.addf %slice3A_35, %slice3A_36 : vector<2000x32xf32>
    %mul3A_38 = vector.broadcast %div3A_6 : vector<2000x1xf32> to vector<2000x32xf32>
    %mul3A_39 = arith.mulf %add3A_37, %mul3A_38 : vector<2000x32xf32>
    %slice3A_40 = vector.extract_strided_slice %get3A_27 {offsets = [0, 0], sizes = [2000, 32], strides = [1, 1]} : vector<2000x64xf32> to vector<2000x32xf32>
    %mul3A_41 = vector.broadcast %div3A_17 : vector<2000x1xf32> to vector<2000x32xf32>
    %mul3A_42 = arith.mulf %slice3A_40, %mul3A_41 : vector<2000x32xf32>
    %slice3A_43 = vector.extract_strided_slice %get3A_27 {offsets = [0, 32], sizes = [2000, 32], strides = [1, 1]} : vector<2000x64xf32> to vector<2000x32xf32>
    %mul3A_44 = vector.broadcast %div3A_17 : vector<2000x1xf32> to vector<2000x32xf32>
    %mul3A_45 = arith.mulf %slice3A_43, %mul3A_44 : vector<2000x32xf32>
    %get3A_46 = arith.constant 0 : index
    %get3A_47 = arith.constant 0 : index
    %get3A_48 = vector.load %arg5[%get3A_46, %get3A_47] : memref<96x64xf32, #tpu.memory_space<vmem>>, vector<96x64xf32>
    %get3A_49 = arith.constant 0 : index
    %get3A_50 = arith.constant 0 : index
    %get3A_51 = vector.load %arg7[%get3A_49, %get3A_50] : memref<96x64xf32, #tpu.memory_space<vmem>>, vector<96x64xf32>
    %slice3A_52 = vector.extract_strided_slice %get3A_48 {offsets = [0, 0], sizes = [32, 64], strides = [1, 1]} : vector<96x64xf32> to vector<32x64xf32>
    %dot_general3A = arith.constant dense<0.000000e+00> : vector<2000x64xf32>
    %dot_general3A_53 = tpu.matmul %mul3A_34, %slice3A_52, %dot_general3A {dimension_numbers = #tpu.dot_dimension_numbers<[1], [0], [0], [1], [0, 0, 1, 1], [], []>, transpose_lhs_hint = false} : vector<2000x32xf32>, vector<32x64xf32>, vector<2000x64xf32> -> vector<2000x64xf32>
    %slice3A_54 = vector.extract_strided_slice %get3A_48 {offsets = [32, 0], sizes = [32, 64], strides = [1, 1]} : vector<96x64xf32> to vector<32x64xf32>
    %dot_general3A_55 = arith.constant dense<0.000000e+00> : vector<2000x64xf32>
    %dot_general3A_56 = tpu.matmul %mul3A_45, %slice3A_54, %dot_general3A_55 {dimension_numbers = #tpu.dot_dimension_numbers<[1], [0], [0], [1], [0, 0, 1, 1], [], []>, transpose_lhs_hint = false} : vector<2000x32xf32>, vector<32x64xf32>, vector<2000x64xf32> -> vector<2000x64xf32>
    %add3A_57 = arith.addf %dot_general3A_53, %dot_general3A_56 : vector<2000x64xf32>
    %slice3A_58 = vector.extract_strided_slice %get3A_30 {offsets = [0, 0], sizes = [2000, 32], strides = [1, 1]} : vector<2000x64xf32> to vector<2000x32xf32>
    %slice3A_59 = vector.extract_strided_slice %get3A_48 {offsets = [64, 0], sizes = [32, 64], strides = [1, 1]} : vector<96x64xf32> to vector<32x64xf32>
    %dot_general3A_60 = arith.constant dense<0.000000e+00> : vector<2000x64xf32>
    %dot_general3A_61 = tpu.matmul %slice3A_58, %slice3A_59, %dot_general3A_60 {dimension_numbers = #tpu.dot_dimension_numbers<[1], [0], [0], [1], [0, 0, 1, 1], [], []>, transpose_lhs_hint = false} : vector<2000x32xf32>, vector<32x64xf32>, vector<2000x64xf32> -> vector<2000x64xf32>
    %add3A_62 = arith.addf %add3A_57, %dot_general3A_61 : vector<2000x64xf32>
    %get3A_63 = arith.constant 0 : index
    %get3A_64 = arith.constant 0 : index
    %get3A_65 = vector.load %arg6[%get3A_63, %get3A_64] : memref<1x64xf32, #tpu.memory_space<vmem>>, vector<1x64xf32>
    %add3A_66 = vector.broadcast %get3A_65 : vector<1x64xf32> to vector<2000x64xf32>
    %add3A_67 = arith.addf %add3A_62, %add3A_66 : vector<2000x64xf32>
    %slice3A_68 = vector.extract_strided_slice %get3A_51 {offsets = [0, 0], sizes = [32, 64], strides = [1, 1]} : vector<96x64xf32> to vector<32x64xf32>
    %dot_general3A_69 = arith.constant dense<0.000000e+00> : vector<2000x64xf32>
    %dot_general3A_70 = tpu.matmul %mul3A_39, %slice3A_68, %dot_general3A_69 {dimension_numbers = #tpu.dot_dimension_numbers<[1], [0], [0], [1], [0, 0, 1, 1], [], []>, transpose_lhs_hint = false} : vector<2000x32xf32>, vector<32x64xf32>, vector<2000x64xf32> -> vector<2000x64xf32>
    %slice3A_71 = vector.extract_strided_slice %get3A_51 {offsets = [32, 0], sizes = [32, 64], strides = [1, 1]} : vector<96x64xf32> to vector<32x64xf32>
    %dot_general3A_72 = arith.constant dense<0.000000e+00> : vector<2000x64xf32>
    %dot_general3A_73 = tpu.matmul %mul3A_42, %slice3A_71, %dot_general3A_72 {dimension_numbers = #tpu.dot_dimension_numbers<[1], [0], [0], [1], [0, 0, 1, 1], [], []>, transpose_lhs_hint = false} : vector<2000x32xf32>, vector<32x64xf32>, vector<2000x64xf32> -> vector<2000x64xf32>
    %add3A_74 = arith.addf %dot_general3A_70, %dot_general3A_73 : vector<2000x64xf32>
    %slice3A_75 = vector.extract_strided_slice %get3A_30 {offsets = [0, 32], sizes = [2000, 32], strides = [1, 1]} : vector<2000x64xf32> to vector<2000x32xf32>
    %slice3A_76 = vector.extract_strided_slice %get3A_51 {offsets = [64, 0], sizes = [32, 64], strides = [1, 1]} : vector<96x64xf32> to vector<32x64xf32>
    %dot_general3A_77 = arith.constant dense<0.000000e+00> : vector<2000x64xf32>
    %dot_general3A_78 = tpu.matmul %slice3A_75, %slice3A_76, %dot_general3A_77 {dimension_numbers = #tpu.dot_dimension_numbers<[1], [0], [0], [1], [0, 0, 1, 1], [], []>, transpose_lhs_hint = false} : vector<2000x32xf32>, vector<32x64xf32>, vector<2000x64xf32> -> vector<2000x64xf32>
    %add3A_79 = arith.addf %add3A_74, %dot_general3A_78 : vector<2000x64xf32>
    %get3A_80 = arith.constant 0 : index
    %get3A_81 = arith.constant 0 : index
    %get3A_82 = vector.load %arg8[%get3A_80, %get3A_81] : memref<1x64xf32, #tpu.memory_space<vmem>>, vector<1x64xf32>
    %add3A_83 = vector.broadcast %get3A_82 : vector<1x64xf32> to vector<2000x64xf32>
    %add3A_84 = arith.addf %add3A_79, %add3A_83 : vector<2000x64xf32>
    %get3A_85 = arith.constant 0 : index
    %get3A_86 = arith.constant 0 : index
    %get3A_87 = vector.load %arg9[%get3A_85, %get3A_86] : memref<2000x64xf32, #tpu.memory_space<vmem>>, vector<2000x64xf32>
    %max3A_88 = arith.constant 0.000000e+00 : f32
    %max3A_89 = vector.broadcast %max3A_88 : f32 to vector<2000x64xf32>
    %max3A_90 = arith.maximumf %add3A_67, %max3A_89 : vector<2000x64xf32>
    %add3A_91 = arith.addf %max3A_90, %get3A_87 : vector<2000x64xf32>
    %mul3A_92 = arith.constant 5.000000e-01 : f32
    %mul3A_93 = vector.broadcast %mul3A_92 : f32 to vector<2000x64xf32>
    %mul3A_94 = arith.mulf %add3A_91, %mul3A_93 : vector<2000x64xf32>
    %max3A_95 = arith.constant 0.000000e+00 : f32
    %max3A_96 = vector.broadcast %max3A_95 : f32 to vector<2000x64xf32>
    %max3A_97 = arith.maximumf %add3A_84, %max3A_96 : vector<2000x64xf32>
    %add3A_98 = arith.addf %max3A_97, %get3A_87 : vector<2000x64xf32>
    %mul3A_99 = arith.constant 5.000000e-01 : f32
    %mul3A_100 = vector.broadcast %mul3A_99 : f32 to vector<2000x64xf32>
    %mul3A_101 = arith.mulf %add3A_98, %mul3A_100 : vector<2000x64xf32>
    %concatenate3A = tpu.concatenate %mul3A_94, %mul3A_101 in 1 : vector<2000x64xf32>, vector<2000x64xf32> -> vector<2000x128xf32>
    %swap3A = arith.constant 0 : index
    %swap3A_102 = arith.constant 0 : index
    %swap3A_103 = vector.load %arg10[%swap3A, %swap3A_102] : memref<2000x128xf32, #tpu.memory_space<vmem>>, vector<2000x128xf32>
    tpu.vector_store %arg10[%swap3A, %swap3A_102], %concatenate3A {strides = array<i32>} : memref<2000x128xf32, #tpu.memory_space<vmem>>, vector<2000x128xf32>,
    return
  }
  func.func @transform_0(%arg0: i32) -> (i32, i32, i32) {
    %c0_i32 = arith.constant 0 : i32
    %c0_i32_0 = arith.constant 0 : i32
    %c0_i32_1 = arith.constant 0 : i32
    return %c0_i32, %arg0, %c0_i32_0 : i32, i32, i32
  }
  func.func @transform_1(%arg0: i32) -> (i32, i32, i32) {
    %c1_i32 = arith.constant 1 : i32
    %c0_i32 = arith.constant 0 : i32
    %c0_i32_0 = arith.constant 0 : i32
    return %c1_i32, %arg0, %c0_i32 : i32, i32, i32
  }
  func.func @transform_2(%arg0: i32) -> (i32, i32, i32) {
    %c0_i32 = arith.constant 0 : i32
    %c0_i32_0 = arith.constant 0 : i32
    %c0_i32_1 = arith.constant 0 : i32
    return %c0_i32, %arg0, %c0_i32_0 : i32, i32, i32
  }
  func.func @transform_3(%arg0: i32) -> (i32, i32) {
    %c0_i32 = arith.constant 0 : i32
    %c0_i32_0 = arith.constant 0 : i32
    return %arg0, %c0_i32 : i32, i32
  }
  func.func @transform_4(%arg0: i32) -> (i32, i32) {
    %c0_i32 = arith.constant 0 : i32
    %c0_i32_0 = arith.constant 0 : i32
    %c0_i32_1 = arith.constant 0 : i32
    return %c0_i32, %c0_i32_0 : i32, i32
  }
  func.func @transform_5(%arg0: i32) -> (i32, i32) {
    %c0_i32 = arith.constant 0 : i32
    %c0_i32_0 = arith.constant 0 : i32
    %c0_i32_1 = arith.constant 0 : i32
    return %c0_i32, %c0_i32_0 : i32, i32
  }
  func.func @transform_6(%arg0: i32) -> (i32, i32) {
    %c0_i32 = arith.constant 0 : i32
    %c0_i32_0 = arith.constant 0 : i32
    %c0_i32_1 = arith.constant 0 : i32
    return %c0_i32, %c0_i32_0 : i32, i32
  }
  func.func @transform_7(%arg0: i32) -> (i32, i32) {
    %c0_i32 = arith.constant 0 : i32
    %c0_i32_0 = arith.constant 0 : i32
    %c0_i32_1 = arith.constant 0 : i32
    return %c0_i32, %c0_i32_0 : i32, i32
  }
  func.func @transform_8(%arg0: i32) -> (i32, i32) {
    %c0_i32 = arith.constant 0 : i32
    %c0_i32_0 = arith.constant 0 : i32
    return %arg0, %c0_i32 : i32, i32
  }
  func.func @transform_9(%arg0: i32) -> (i32, i32) {
    %c0_i32 = arith.constant 0 : i32
    %c0_i32_0 = arith.constant 0 : i32
    return %arg0, %c0_i32 : i32, i32
  }
}

module attributes {stable_mosaic.version = 14 : i64} {
  func.func @_mid_body(%arg0: i32, %arg1: memref<1x2000x128xf32, #tpu.memory_space<vmem>>, %arg2: memref<1x2000x128xf32, #tpu.memory_space<vmem>>, %arg3: memref<2x2000x16xf32, #tpu.memory_space<vmem>>, %arg4: memref<2000x128xf32, #tpu.memory_space<vmem>>, %arg5: memref<192x128xf32, #tpu.memory_space<vmem>>, %arg6: memref<1x128xf32, #tpu.memory_space<vmem>>, %arg7: memref<192x128xf32, #tpu.memory_space<vmem>>, %arg8: memref<1x128xf32, #tpu.memory_space<vmem>>, %arg9: memref<2000x128xf32, #tpu.memory_space<vmem>>, %arg10: memref<2000x128xf32, #tpu.memory_space<vmem>>, %arg11: memref<2000x128xf32, #tpu.memory_space<vmem>>) attributes {dimension_semantics = [#tpu.dimension_semantics<arbitrary>], iteration_bounds = array<i64: 5>, scalar_prefetch = 0 : i64, scratch_operands = 0 : i64, tpu.core_type = #tpu.core_type<tc>, window_params = [{transform_indices = @transform_0, window_bounds = array<i64: 1, 2000, 128>}, {transform_indices = @transform_1, window_bounds = array<i64: 1, 2000, 128>}, {transform_indices = @transform_2, window_bounds = array<i64: 2, 2000, 16>}, {transform_indices = @transform_3, window_bounds = array<i64: 2000, 128>}, {pipeline_mode = #tpu.pipeline_mode<synchronous>, transform_indices = @transform_4, window_bounds = array<i64: 192, 128>}, {pipeline_mode = #tpu.pipeline_mode<synchronous>, transform_indices = @transform_5, window_bounds = array<i64: 1, 128>}, {pipeline_mode = #tpu.pipeline_mode<synchronous>, transform_indices = @transform_6, window_bounds = array<i64: 192, 128>}, {pipeline_mode = #tpu.pipeline_mode<synchronous>, transform_indices = @transform_7, window_bounds = array<i64: 1, 128>}, {transform_indices = @transform_8, window_bounds = array<i64: 2000, 128>}, {transform_indices = @transform_9, window_bounds = array<i64: 2000, 128>}, {transform_indices = @transform_10, window_bounds = array<i64: 2000, 128>}]} {
    %get3A = arith.constant 0 : index
    %get3A_0 = arith.constant 0 : index
    %get3A_1 = arith.constant 0 : index
    %get3A_2 = vector.load %arg3[%get3A, %get3A_0, %get3A_1] : memref<2x2000x16xf32, #tpu.memory_space<vmem>>, vector<2x2000x16xf32>
    %slice3A = vector.extract_strided_slice %get3A_2 {offsets = [0, 0, 3], sizes = [1, 2000, 1], strides = [1, 1, 1]} : vector<2x2000x16xf32> to vector<1x2000x1xf32>
    %squeeze3A = vector.shape_cast %slice3A : vector<1x2000x1xf32> to vector<2000x1xf32>
    %add3A = arith.constant 1.000000e+00 : f32
    %add3A_3 = vector.broadcast %add3A : f32 to vector<2000x1xf32>
    %add3A_4 = arith.addf %squeeze3A, %add3A_3 : vector<2000x1xf32>
    %div3A = arith.constant 1.000000e+00 : f32
    %div3A_5 = vector.broadcast %div3A : f32 to vector<2000x1xf32>
    %div3A_6 = arith.divf %div3A_5, %add3A_4 : vector<2000x1xf32>
    %get3A_7 = arith.constant 0 : index
    %get3A_8 = arith.constant 0 : index
    %get3A_9 = arith.constant 0 : index
    %get3A_10 = vector.load %arg3[%get3A_7, %get3A_8, %get3A_9] : memref<2x2000x16xf32, #tpu.memory_space<vmem>>, vector<2x2000x16xf32>
    %slice3A_11 = vector.extract_strided_slice %get3A_10 {offsets = [1, 0, 3], sizes = [1, 2000, 1], strides = [1, 1, 1]} : vector<2x2000x16xf32> to vector<1x2000x1xf32>
    %squeeze3A_12 = vector.shape_cast %slice3A_11 : vector<1x2000x1xf32> to vector<2000x1xf32>
    %max3A = arith.constant 1.000000e+00 : f32
    %max3A_13 = vector.broadcast %max3A : f32 to vector<2000x1xf32>
    %max3A_14 = arith.maximumf %squeeze3A_12, %max3A_13 : vector<2000x1xf32>
    %div3A_15 = arith.constant 1.000000e+00 : f32
    %div3A_16 = vector.broadcast %div3A_15 : f32 to vector<2000x1xf32>
    %div3A_17 = arith.divf %div3A_16, %max3A_14 : vector<2000x1xf32>
    %get3A_18 = arith.constant 0 : index
    %get3A_19 = arith.constant 0 : index
    %get3A_20 = arith.constant 0 : index
    %get3A_21 = vector.load %arg1[%get3A_18, %get3A_19, %get3A_20] : memref<1x2000x128xf32, #tpu.memory_space<vmem>>, vector<1x2000x128xf32>
    %get3A_22 = vector.shape_cast %get3A_21 : vector<1x2000x128xf32> to vector<2000x128xf32>
    %get3A_23 = arith.constant 0 : index
    %get3A_24 = arith.constant 0 : index
    %get3A_25 = arith.constant 0 : index
    %get3A_26 = vector.load %arg2[%get3A_23, %get3A_24, %get3A_25] : memref<1x2000x128xf32, #tpu.memory_space<vmem>>, vector<1x2000x128xf32>
    %get3A_27 = vector.shape_cast %get3A_26 : vector<1x2000x128xf32> to vector<2000x128xf32>
    %get3A_28 = arith.constant 0 : index
    %get3A_29 = arith.constant 0 : index
    %get3A_30 = vector.load %arg4[%get3A_28, %get3A_29] : memref<2000x128xf32, #tpu.memory_space<vmem>>, vector<2000x128xf32>
    %slice3A_31 = vector.extract_strided_slice %get3A_22 {offsets = [0, 0], sizes = [2000, 64], strides = [1, 1]} : vector<2000x128xf32> to vector<2000x64xf32>
    %slice3A_32 = vector.extract_strided_slice %get3A_30 {offsets = [0, 0], sizes = [2000, 64], strides = [1, 1]} : vector<2000x128xf32> to vector<2000x64xf32>
    %add3A_33 = arith.addf %slice3A_31, %slice3A_32 : vector<2000x64xf32>
    %mul3A = vector.broadcast %div3A_6 : vector<2000x1xf32> to vector<2000x64xf32>
    %mul3A_34 = arith.mulf %add3A_33, %mul3A : vector<2000x64xf32>
    %slice3A_35 = vector.extract_strided_slice %get3A_22 {offsets = [0, 64], sizes = [2000, 64], strides = [1, 1]} : vector<2000x128xf32> to vector<2000x64xf32>
    %slice3A_36 = vector.extract_strided_slice %get3A_30 {offsets = [0, 64], sizes = [2000, 64], strides = [1, 1]} : vector<2000x128xf32> to vector<2000x64xf32>
    %add3A_37 = arith.addf %slice3A_35, %slice3A_36 : vector<2000x64xf32>
    %mul3A_38 = vector.broadcast %div3A_6 : vector<2000x1xf32> to vector<2000x64xf32>
    %mul3A_39 = arith.mulf %add3A_37, %mul3A_38 : vector<2000x64xf32>
    %slice3A_40 = vector.extract_strided_slice %get3A_27 {offsets = [0, 0], sizes = [2000, 64], strides = [1, 1]} : vector<2000x128xf32> to vector<2000x64xf32>
    %mul3A_41 = vector.broadcast %div3A_17 : vector<2000x1xf32> to vector<2000x64xf32>
    %mul3A_42 = arith.mulf %slice3A_40, %mul3A_41 : vector<2000x64xf32>
    %slice3A_43 = vector.extract_strided_slice %get3A_27 {offsets = [0, 64], sizes = [2000, 64], strides = [1, 1]} : vector<2000x128xf32> to vector<2000x64xf32>
    %mul3A_44 = vector.broadcast %div3A_17 : vector<2000x1xf32> to vector<2000x64xf32>
    %mul3A_45 = arith.mulf %slice3A_43, %mul3A_44 : vector<2000x64xf32>
    %get3A_46 = arith.constant 0 : index
    %get3A_47 = arith.constant 0 : index
    %get3A_48 = vector.load %arg5[%get3A_46, %get3A_47] : memref<192x128xf32, #tpu.memory_space<vmem>>, vector<192x128xf32>
    %get3A_49 = arith.constant 0 : index
    %get3A_50 = arith.constant 0 : index
    %get3A_51 = vector.load %arg7[%get3A_49, %get3A_50] : memref<192x128xf32, #tpu.memory_space<vmem>>, vector<192x128xf32>
    %slice3A_52 = vector.extract_strided_slice %get3A_48 {offsets = [0, 0], sizes = [64, 128], strides = [1, 1]} : vector<192x128xf32> to vector<64x128xf32>
    %dot_general3A = arith.constant dense<0.000000e+00> : vector<2000x128xf32>
    %dot_general3A_53 = tpu.matmul %mul3A_34, %slice3A_52, %dot_general3A {dimension_numbers = #tpu.dot_dimension_numbers<[1], [0], [0], [1], [0, 0, 1, 1], [], []>, transpose_lhs_hint = false} : vector<2000x64xf32>, vector<64x128xf32>, vector<2000x128xf32> -> vector<2000x128xf32>
    %slice3A_54 = vector.extract_strided_slice %get3A_48 {offsets = [64, 0], sizes = [64, 128], strides = [1, 1]} : vector<192x128xf32> to vector<64x128xf32>
    %dot_general3A_55 = arith.constant dense<0.000000e+00> : vector<2000x128xf32>
    %dot_general3A_56 = tpu.matmul %mul3A_45, %slice3A_54, %dot_general3A_55 {dimension_numbers = #tpu.dot_dimension_numbers<[1], [0], [0], [1], [0, 0, 1, 1], [], []>, transpose_lhs_hint = false} : vector<2000x64xf32>, vector<64x128xf32>, vector<2000x128xf32> -> vector<2000x128xf32>
    %add3A_57 = arith.addf %dot_general3A_53, %dot_general3A_56 : vector<2000x128xf32>
    %slice3A_58 = vector.extract_strided_slice %get3A_30 {offsets = [0, 0], sizes = [2000, 64], strides = [1, 1]} : vector<2000x128xf32> to vector<2000x64xf32>
    %slice3A_59 = vector.extract_strided_slice %get3A_48 {offsets = [128, 0], sizes = [64, 128], strides = [1, 1]} : vector<192x128xf32> to vector<64x128xf32>
    %dot_general3A_60 = arith.constant dense<0.000000e+00> : vector<2000x128xf32>
    %dot_general3A_61 = tpu.matmul %slice3A_58, %slice3A_59, %dot_general3A_60 {dimension_numbers = #tpu.dot_dimension_numbers<[1], [0], [0], [1], [0, 0, 1, 1], [], []>, transpose_lhs_hint = false} : vector<2000x64xf32>, vector<64x128xf32>, vector<2000x128xf32> -> vector<2000x128xf32>
    %add3A_62 = arith.addf %add3A_57, %dot_general3A_61 : vector<2000x128xf32>
    %get3A_63 = arith.constant 0 : index
    %get3A_64 = arith.constant 0 : index
    %get3A_65 = vector.load %arg6[%get3A_63, %get3A_64] : memref<1x128xf32, #tpu.memory_space<vmem>>, vector<1x128xf32>
    %add3A_66 = vector.broadcast %get3A_65 : vector<1x128xf32> to vector<2000x128xf32>
    %add3A_67 = arith.addf %add3A_62, %add3A_66 : vector<2000x128xf32>
    %slice3A_68 = vector.extract_strided_slice %get3A_51 {offsets = [0, 0], sizes = [64, 128], strides = [1, 1]} : vector<192x128xf32> to vector<64x128xf32>
    %dot_general3A_69 = arith.constant dense<0.000000e+00> : vector<2000x128xf32>
    %dot_general3A_70 = tpu.matmul %mul3A_39, %slice3A_68, %dot_general3A_69 {dimension_numbers = #tpu.dot_dimension_numbers<[1], [0], [0], [1], [0, 0, 1, 1], [], []>, transpose_lhs_hint = false} : vector<2000x64xf32>, vector<64x128xf32>, vector<2000x128xf32> -> vector<2000x128xf32>
    %slice3A_71 = vector.extract_strided_slice %get3A_51 {offsets = [64, 0], sizes = [64, 128], strides = [1, 1]} : vector<192x128xf32> to vector<64x128xf32>
    %dot_general3A_72 = arith.constant dense<0.000000e+00> : vector<2000x128xf32>
    %dot_general3A_73 = tpu.matmul %mul3A_42, %slice3A_71, %dot_general3A_72 {dimension_numbers = #tpu.dot_dimension_numbers<[1], [0], [0], [1], [0, 0, 1, 1], [], []>, transpose_lhs_hint = false} : vector<2000x64xf32>, vector<64x128xf32>, vector<2000x128xf32> -> vector<2000x128xf32>
    %add3A_74 = arith.addf %dot_general3A_70, %dot_general3A_73 : vector<2000x128xf32>
    %slice3A_75 = vector.extract_strided_slice %get3A_30 {offsets = [0, 64], sizes = [2000, 64], strides = [1, 1]} : vector<2000x128xf32> to vector<2000x64xf32>
    %slice3A_76 = vector.extract_strided_slice %get3A_51 {offsets = [128, 0], sizes = [64, 128], strides = [1, 1]} : vector<192x128xf32> to vector<64x128xf32>
    %dot_general3A_77 = arith.constant dense<0.000000e+00> : vector<2000x128xf32>
    %dot_general3A_78 = tpu.matmul %slice3A_75, %slice3A_76, %dot_general3A_77 {dimension_numbers = #tpu.dot_dimension_numbers<[1], [0], [0], [1], [0, 0, 1, 1], [], []>, transpose_lhs_hint = false} : vector<2000x64xf32>, vector<64x128xf32>, vector<2000x128xf32> -> vector<2000x128xf32>
    %add3A_79 = arith.addf %add3A_74, %dot_general3A_78 : vector<2000x128xf32>
    %get3A_80 = arith.constant 0 : index
    %get3A_81 = arith.constant 0 : index
    %get3A_82 = vector.load %arg8[%get3A_80, %get3A_81] : memref<1x128xf32, #tpu.memory_space<vmem>>, vector<1x128xf32>
    %add3A_83 = vector.broadcast %get3A_82 : vector<1x128xf32> to vector<2000x128xf32>
    %add3A_84 = arith.addf %add3A_79, %add3A_83 : vector<2000x128xf32>
    %get3A_85 = arith.constant 0 : index
    %get3A_86 = arith.constant 0 : index
    %get3A_87 = vector.load %arg9[%get3A_85, %get3A_86] : memref<2000x128xf32, #tpu.memory_space<vmem>>, vector<2000x128xf32>
    %max3A_88 = arith.constant 0.000000e+00 : f32
    %max3A_89 = vector.broadcast %max3A_88 : f32 to vector<2000x128xf32>
    %max3A_90 = arith.maximumf %add3A_67, %max3A_89 : vector<2000x128xf32>
    %add3A_91 = arith.addf %max3A_90, %get3A_87 : vector<2000x128xf32>
    %mul3A_92 = arith.constant 5.000000e-01 : f32
    %mul3A_93 = vector.broadcast %mul3A_92 : f32 to vector<2000x128xf32>
    %mul3A_94 = arith.mulf %add3A_91, %mul3A_93 : vector<2000x128xf32>
    %max3A_95 = arith.constant 0.000000e+00 : f32
    %max3A_96 = vector.broadcast %max3A_95 : f32 to vector<2000x128xf32>
    %max3A_97 = arith.maximumf %add3A_84, %max3A_96 : vector<2000x128xf32>
    %add3A_98 = arith.addf %max3A_97, %get3A_87 : vector<2000x128xf32>
    %mul3A_99 = arith.constant 5.000000e-01 : f32
    %mul3A_100 = vector.broadcast %mul3A_99 : f32 to vector<2000x128xf32>
    %mul3A_101 = arith.mulf %add3A_98, %mul3A_100 : vector<2000x128xf32>
    %swap3A = arith.constant 0 : index
    %swap3A_102 = arith.constant 0 : index
    %swap3A_103 = vector.load %arg10[%swap3A, %swap3A_102] : memref<2000x128xf32, #tpu.memory_space<vmem>>, vector<2000x128xf32>
    tpu.vector_store %arg10[%swap3A, %swap3A_102], %mul3A_94 {strides = array<i32>} : memref<2000x128xf32, #tpu.memory_space<vmem>>, vector<2000x128xf32>,
    %swap3A_104 = arith.constant 0 : index
    %swap3A_105 = arith.constant 0 : index
    %swap3A_106 = vector.load %arg11[%swap3A_104, %swap3A_105] : memref<2000x128xf32, #tpu.memory_space<vmem>>, vector<2000x128xf32>
    tpu.vector_store %arg11[%swap3A_104, %swap3A_105], %mul3A_101 {strides = array<i32>} : memref<2000x128xf32, #tpu.memory_space<vmem>>, vector<2000x128xf32>,
    return
  }
  func.func @transform_0(%arg0: i32) -> (i32, i32, i32) {
    %c0_i32 = arith.constant 0 : i32
    %c0_i32_0 = arith.constant 0 : i32
    %c0_i32_1 = arith.constant 0 : i32
    return %c0_i32, %arg0, %c0_i32_0 : i32, i32, i32
  }
  func.func @transform_1(%arg0: i32) -> (i32, i32, i32) {
    %c1_i32 = arith.constant 1 : i32
    %c0_i32 = arith.constant 0 : i32
    %c0_i32_0 = arith.constant 0 : i32
    return %c1_i32, %arg0, %c0_i32 : i32, i32, i32
  }
  func.func @transform_2(%arg0: i32) -> (i32, i32, i32) {
    %c0_i32 = arith.constant 0 : i32
    %c0_i32_0 = arith.constant 0 : i32
    %c0_i32_1 = arith.constant 0 : i32
    return %c0_i32, %arg0, %c0_i32_0 : i32, i32, i32
  }
  func.func @transform_3(%arg0: i32) -> (i32, i32) {
    %c0_i32 = arith.constant 0 : i32
    %c0_i32_0 = arith.constant 0 : i32
    return %arg0, %c0_i32 : i32, i32
  }
  func.func @transform_4(%arg0: i32) -> (i32, i32) {
    %c0_i32 = arith.constant 0 : i32
    %c0_i32_0 = arith.constant 0 : i32
    %c0_i32_1 = arith.constant 0 : i32
    return %c0_i32, %c0_i32_0 : i32, i32
  }
  func.func @transform_5(%arg0: i32) -> (i32, i32) {
    %c0_i32 = arith.constant 0 : i32
    %c0_i32_0 = arith.constant 0 : i32
    %c0_i32_1 = arith.constant 0 : i32
    return %c0_i32, %c0_i32_0 : i32, i32
  }
  func.func @transform_6(%arg0: i32) -> (i32, i32) {
    %c0_i32 = arith.constant 0 : i32
    %c0_i32_0 = arith.constant 0 : i32
    %c0_i32_1 = arith.constant 0 : i32
    return %c0_i32, %c0_i32_0 : i32, i32
  }
  func.func @transform_7(%arg0: i32) -> (i32, i32) {
    %c0_i32 = arith.constant 0 : i32
    %c0_i32_0 = arith.constant 0 : i32
    %c0_i32_1 = arith.constant 0 : i32
    return %c0_i32, %c0_i32_0 : i32, i32
  }
  func.func @transform_8(%arg0: i32) -> (i32, i32) {
    %c0_i32 = arith.constant 0 : i32
    %c0_i32_0 = arith.constant 0 : i32
    return %arg0, %c0_i32 : i32, i32
  }
  func.func @transform_9(%arg0: i32) -> (i32, i32) {
    %c0_i32 = arith.constant 0 : i32
    %c0_i32_0 = arith.constant 0 : i32
    return %arg0, %c0_i32 : i32, i32
  }
  func.func @transform_10(%arg0: i32) -> (i32, i32) {
    %c0_i32 = arith.constant 0 : i32
    %c0_i32_0 = arith.constant 0 : i32
    return %arg0, %c0_i32 : i32, i32
  }
}

module attributes {stable_mosaic.version = 14 : i64} {
  func.func @_l4q_body(%arg0: i32, %arg1: memref<2x2x2000x128xf32, #tpu.memory_space<vmem>>, %arg2: memref<2x2000x16xf32, #tpu.memory_space<vmem>>, %arg3: memref<2000x128xf32, #tpu.memory_space<vmem>>, %arg4: memref<2000x128xf32, #tpu.memory_space<vmem>>, %arg5: memref<384x256xf32, #tpu.memory_space<vmem>>, %arg6: memref<1x256xf32, #tpu.memory_space<vmem>>, %arg7: memref<384x256xf32, #tpu.memory_space<vmem>>, %arg8: memref<1x256xf32, #tpu.memory_space<vmem>>, %arg9: memref<2000x256xf32, #tpu.memory_space<vmem>>, %arg10: memref<30x256xf32, #tpu.memory_space<vmem>>, %arg11: memref<2000x30xf32, #tpu.memory_space<vmem>>, %arg12: memref<2000x30xf32, #tpu.memory_space<vmem>>) attributes {dimension_semantics = [#tpu.dimension_semantics<arbitrary>], iteration_bounds = array<i64: 5>, scalar_prefetch = 0 : i64, scratch_operands = 0 : i64, tpu.core_type = #tpu.core_type<tc>, window_params = [{transform_indices = @transform_0, window_bounds = array<i64: 2, 2, 2000, 128>}, {transform_indices = @transform_1, window_bounds = array<i64: 2, 2000, 16>}, {transform_indices = @transform_2, window_bounds = array<i64: 2000, 128>}, {transform_indices = @transform_3, window_bounds = array<i64: 2000, 128>}, {pipeline_mode = #tpu.pipeline_mode<synchronous>, transform_indices = @transform_4, window_bounds = array<i64: 384, 256>}, {pipeline_mode = #tpu.pipeline_mode<synchronous>, transform_indices = @transform_5, window_bounds = array<i64: 1, 256>}, {pipeline_mode = #tpu.pipeline_mode<synchronous>, transform_indices = @transform_6, window_bounds = array<i64: 384, 256>}, {pipeline_mode = #tpu.pipeline_mode<synchronous>, transform_indices = @transform_7, window_bounds = array<i64: 1, 256>}, {transform_indices = @transform_8, window_bounds = array<i64: 2000, 256>}, {pipeline_mode = #tpu.pipeline_mode<synchronous>, transform_indices = @transform_9, window_bounds = array<i64: 30, 256>}, {transform_indices = @transform_10, window_bounds = array<i64: 2000, 30>}, {transform_indices = @transform_11, window_bounds = array<i64: 2000, 30>}]} {
    %get3A = arith.constant 0 : index
    %get3A_0 = arith.constant 0 : index
    %get3A_1 = arith.constant 0 : index
    %get3A_2 = vector.load %arg2[%get3A, %get3A_0, %get3A_1] : memref<2x2000x16xf32, #tpu.memory_space<vmem>>, vector<2x2000x16xf32>
    %slice3A = vector.extract_strided_slice %get3A_2 {offsets = [0, 0, 3], sizes = [1, 2000, 1], strides = [1, 1, 1]} : vector<2x2000x16xf32> to vector<1x2000x1xf32>
    %squeeze3A = vector.shape_cast %slice3A : vector<1x2000x1xf32> to vector<2000x1xf32>
    %add3A = arith.constant 1.000000e+00 : f32
    %add3A_3 = vector.broadcast %add3A : f32 to vector<2000x1xf32>
    %add3A_4 = arith.addf %squeeze3A, %add3A_3 : vector<2000x1xf32>
    %div3A = arith.constant 1.000000e+00 : f32
    %div3A_5 = vector.broadcast %div3A : f32 to vector<2000x1xf32>
    %div3A_6 = arith.divf %div3A_5, %add3A_4 : vector<2000x1xf32>
    %get3A_7 = arith.constant 0 : index
    %get3A_8 = arith.constant 0 : index
    %get3A_9 = arith.constant 0 : index
    %get3A_10 = vector.load %arg2[%get3A_7, %get3A_8, %get3A_9] : memref<2x2000x16xf32, #tpu.memory_space<vmem>>, vector<2x2000x16xf32>
    %slice3A_11 = vector.extract_strided_slice %get3A_10 {offsets = [1, 0, 3], sizes = [1, 2000, 1], strides = [1, 1, 1]} : vector<2x2000x16xf32> to vector<1x2000x1xf32>
    %squeeze3A_12 = vector.shape_cast %slice3A_11 : vector<1x2000x1xf32> to vector<2000x1xf32>
    %max3A = arith.constant 1.000000e+00 : f32
    %max3A_13 = vector.broadcast %max3A : f32 to vector<2000x1xf32>
    %max3A_14 = arith.maximumf %squeeze3A_12, %max3A_13 : vector<2000x1xf32>
    %div3A_15 = arith.constant 1.000000e+00 : f32
    %div3A_16 = vector.broadcast %div3A_15 : f32 to vector<2000x1xf32>
    %div3A_17 = arith.divf %div3A_16, %max3A_14 : vector<2000x1xf32>
    %get3A_18 = arith.constant 0 : index
    %get3A_19 = arith.constant 0 : index
    %get3A_20 = arith.constant 0 : index
    %get3A_21 = arith.constant 0 : index
    %get3A_22 = vector.load %arg1[%get3A_18, %get3A_19, %get3A_20, %get3A_21] : memref<2x2x2000x128xf32, #tpu.memory_space<vmem>>, vector<2x2x2000x128xf32>
    %slice3A_23 = vector.extract_strided_slice %get3A_22 {offsets = [0, 0, 0, 0], sizes = [1, 1, 2000, 128], strides = [1, 1, 1, 1]} : vector<2x2x2000x128xf32> to vector<1x1x2000x128xf32>
    %squeeze3A_24 = vector.shape_cast %slice3A_23 : vector<1x1x2000x128xf32> to vector<2000x128xf32>
    %get3A_25 = arith.constant 0 : index
    %get3A_26 = arith.constant 0 : index
    %get3A_27 = vector.load %arg3[%get3A_25, %get3A_26] : memref<2000x128xf32, #tpu.memory_space<vmem>>, vector<2000x128xf32>
    %add3A_28 = arith.addf %squeeze3A_24, %get3A_27 : vector<2000x128xf32>
    %mul3A = vector.broadcast %div3A_6 : vector<2000x1xf32> to vector<2000x128xf32>
    %mul3A_29 = arith.mulf %add3A_28, %mul3A : vector<2000x128xf32>
    %slice3A_30 = vector.extract_strided_slice %get3A_22 {offsets = [0, 1, 0, 0], sizes = [1, 1, 2000, 128], strides = [1, 1, 1, 1]} : vector<2x2x2000x128xf32> to vector<1x1x2000x128xf32>
    %squeeze3A_31 = vector.shape_cast %slice3A_30 : vector<1x1x2000x128xf32> to vector<2000x128xf32>
    %get3A_32 = arith.constant 0 : index
    %get3A_33 = arith.constant 0 : index
    %get3A_34 = vector.load %arg4[%get3A_32, %get3A_33] : memref<2000x128xf32, #tpu.memory_space<vmem>>, vector<2000x128xf32>
    %add3A_35 = arith.addf %squeeze3A_31, %get3A_34 : vector<2000x128xf32>
    %mul3A_36 = vector.broadcast %div3A_6 : vector<2000x1xf32> to vector<2000x128xf32>
    %mul3A_37 = arith.mulf %add3A_35, %mul3A_36 : vector<2000x128xf32>
    %slice3A_38 = vector.extract_strided_slice %get3A_22 {offsets = [1, 0, 0, 0], sizes = [1, 1, 2000, 128], strides = [1, 1, 1, 1]} : vector<2x2x2000x128xf32> to vector<1x1x2000x128xf32>
    %squeeze3A_39 = vector.shape_cast %slice3A_38 : vector<1x1x2000x128xf32> to vector<2000x128xf32>
    %mul3A_40 = vector.broadcast %div3A_17 : vector<2000x1xf32> to vector<2000x128xf32>
    %mul3A_41 = arith.mulf %squeeze3A_39, %mul3A_40 : vector<2000x128xf32>
    %slice3A_42 = vector.extract_strided_slice %get3A_22 {offsets = [1, 1, 0, 0], sizes = [1, 1, 2000, 128], strides = [1, 1, 1, 1]} : vector<2x2x2000x128xf32> to vector<1x1x2000x128xf32>
    %squeeze3A_43 = vector.shape_cast %slice3A_42 : vector<1x1x2000x128xf32> to vector<2000x128xf32>
    %mul3A_44 = vector.broadcast %div3A_17 : vector<2000x1xf32> to vector<2000x128xf32>
    %mul3A_45 = arith.mulf %squeeze3A_43, %mul3A_44 : vector<2000x128xf32>
    %get3A_46 = arith.constant 0 : index
    %get3A_47 = arith.constant 0 : index
    %get3A_48 = vector.load %arg5[%get3A_46, %get3A_47] : memref<384x256xf32, #tpu.memory_space<vmem>>, vector<384x256xf32>
    %get3A_49 = arith.constant 0 : index
    %get3A_50 = arith.constant 0 : index
    %get3A_51 = vector.load %arg7[%get3A_49, %get3A_50] : memref<384x256xf32, #tpu.memory_space<vmem>>, vector<384x256xf32>
    %slice3A_52 = vector.extract_strided_slice %get3A_48 {offsets = [0, 0], sizes = [128, 256], strides = [1, 1]} : vector<384x256xf32> to vector<128x256xf32>
    %dot_general3A = arith.constant dense<0.000000e+00> : vector<2000x256xf32>
    %dot_general3A_53 = tpu.matmul %mul3A_29, %slice3A_52, %dot_general3A {dimension_numbers = #tpu.dot_dimension_numbers<[1], [0], [0], [1], [0, 0, 1, 1], [], []>, transpose_lhs_hint = false} : vector<2000x128xf32>, vector<128x256xf32>, vector<2000x256xf32> -> vector<2000x256xf32>
    %slice3A_54 = vector.extract_strided_slice %get3A_48 {offsets = [128, 0], sizes = [128, 256], strides = [1, 1]} : vector<384x256xf32> to vector<128x256xf32>
    %dot_general3A_55 = arith.constant dense<0.000000e+00> : vector<2000x256xf32>
    %dot_general3A_56 = tpu.matmul %mul3A_45, %slice3A_54, %dot_general3A_55 {dimension_numbers = #tpu.dot_dimension_numbers<[1], [0], [0], [1], [0, 0, 1, 1], [], []>, transpose_lhs_hint = false} : vector<2000x128xf32>, vector<128x256xf32>, vector<2000x256xf32> -> vector<2000x256xf32>
    %add3A_57 = arith.addf %dot_general3A_53, %dot_general3A_56 : vector<2000x256xf32>
    %get3A_58 = arith.constant 0 : index
    %get3A_59 = arith.constant 0 : index
    %get3A_60 = vector.load %arg3[%get3A_58, %get3A_59] : memref<2000x128xf32, #tpu.memory_space<vmem>>, vector<2000x128xf32>
    %slice3A_61 = vector.extract_strided_slice %get3A_48 {offsets = [256, 0], sizes = [128, 256], strides = [1, 1]} : vector<384x256xf32> to vector<128x256xf32>
    %dot_general3A_62 = arith.constant dense<0.000000e+00> : vector<2000x256xf32>
    %dot_general3A_63 = tpu.matmul %get3A_60, %slice3A_61, %dot_general3A_62 {dimension_numbers = #tpu.dot_dimension_numbers<[1], [0], [0], [1], [0, 0, 1, 1], [], []>, transpose_lhs_hint = false} : vector<2000x128xf32>, vector<128x256xf32>, vector<2000x256xf32> -> vector<2000x256xf32>
    %add3A_64 = arith.addf %add3A_57, %dot_general3A_63 : vector<2000x256xf32>
    %get3A_65 = arith.constant 0 : index
    %get3A_66 = arith.constant 0 : index
    %get3A_67 = vector.load %arg6[%get3A_65, %get3A_66] : memref<1x256xf32, #tpu.memory_space<vmem>>, vector<1x256xf32>
    %add3A_68 = vector.broadcast %get3A_67 : vector<1x256xf32> to vector<2000x256xf32>
    %add3A_69 = arith.addf %add3A_64, %add3A_68 : vector<2000x256xf32>
    %slice3A_70 = vector.extract_strided_slice %get3A_51 {offsets = [0, 0], sizes = [128, 256], strides = [1, 1]} : vector<384x256xf32> to vector<128x256xf32>
    %dot_general3A_71 = arith.constant dense<0.000000e+00> : vector<2000x256xf32>
    %dot_general3A_72 = tpu.matmul %mul3A_37, %slice3A_70, %dot_general3A_71 {dimension_numbers = #tpu.dot_dimension_numbers<[1], [0], [0], [1], [0, 0, 1, 1], [], []>, transpose_lhs_hint = false} : vector<2000x128xf32>, vector<128x256xf32>, vector<2000x256xf32> -> vector<2000x256xf32>
    %slice3A_73 = vector.extract_strided_slice %get3A_51 {offsets = [128, 0], sizes = [128, 256], strides = [1, 1]} : vector<384x256xf32> to vector<128x256xf32>
    %dot_general3A_74 = arith.constant dense<0.000000e+00> : vector<2000x256xf32>
    %dot_general3A_75 = tpu.matmul %mul3A_41, %slice3A_73, %dot_general3A_74 {dimension_numbers = #tpu.dot_dimension_numbers<[1], [0], [0], [1], [0, 0, 1, 1], [], []>, transpose_lhs_hint = false} : vector<2000x128xf32>, vector<128x256xf32>, vector<2000x256xf32> -> vector<2000x256xf32>
    %add3A_76 = arith.addf %dot_general3A_72, %dot_general3A_75 : vector<2000x256xf32>
    %get3A_77 = arith.constant 0 : index
    %get3A_78 = arith.constant 0 : index
    %get3A_79 = vector.load %arg4[%get3A_77, %get3A_78] : memref<2000x128xf32, #tpu.memory_space<vmem>>, vector<2000x128xf32>
    %slice3A_80 = vector.extract_strided_slice %get3A_51 {offsets = [256, 0], sizes = [128, 256], strides = [1, 1]} : vector<384x256xf32> to vector<128x256xf32>
    %dot_general3A_81 = arith.constant dense<0.000000e+00> : vector<2000x256xf32>
    %dot_general3A_82 = tpu.matmul %get3A_79, %slice3A_80, %dot_general3A_81 {dimension_numbers = #tpu.dot_dimension_numbers<[1], [0], [0], [1], [0, 0, 1, 1], [], []>, transpose_lhs_hint = false} : vector<2000x128xf32>, vector<128x256xf32>, vector<2000x256xf32> -> vector<2000x256xf32>
    %add3A_83 = arith.addf %add3A_76, %dot_general3A_82 : vector<2000x256xf32>
    %get3A_84 = arith.constant 0 : index
    %get3A_85 = arith.constant 0 : index
    %get3A_86 = vector.load %arg8[%get3A_84, %get3A_85] : memref<1x256xf32, #tpu.memory_space<vmem>>, vector<1x256xf32>
    %add3A_87 = vector.broadcast %get3A_86 : vector<1x256xf32> to vector<2000x256xf32>
    %add3A_88 = arith.addf %add3A_83, %add3A_87 : vector<2000x256xf32>
    %get3A_89 = arith.constant 0 : index
    %get3A_90 = arith.constant 0 : index
    %get3A_91 = vector.load %arg9[%get3A_89, %get3A_90] : memref<2000x256xf32, #tpu.memory_space<vmem>>, vector<2000x256xf32>
    %max3A_92 = arith.constant 0.000000e+00 : f32
    %max3A_93 = vector.broadcast %max3A_92 : f32 to vector<2000x256xf32>
    %max3A_94 = arith.maximumf %add3A_69, %max3A_93 : vector<2000x256xf32>
    %add3A_95 = arith.addf %max3A_94, %get3A_91 : vector<2000x256xf32>
    %mul3A_96 = arith.constant 5.000000e-01 : f32
    %mul3A_97 = vector.broadcast %mul3A_96 : f32 to vector<2000x256xf32>
    %mul3A_98 = arith.mulf %add3A_95, %mul3A_97 : vector<2000x256xf32>
    %max3A_99 = arith.constant 0.000000e+00 : f32
    %max3A_100 = vector.broadcast %max3A_99 : f32 to vector<2000x256xf32>
    %max3A_101 = arith.maximumf %add3A_88, %max3A_100 : vector<2000x256xf32>
    %add3A_102 = arith.addf %max3A_101, %get3A_91 : vector<2000x256xf32>
    %mul3A_103 = arith.constant 5.000000e-01 : f32
    %mul3A_104 = vector.broadcast %mul3A_103 : f32 to vector<2000x256xf32>
    %mul3A_105 = arith.mulf %add3A_102, %mul3A_104 : vector<2000x256xf32>
    %get3A_106 = arith.constant 0 : index
    %get3A_107 = arith.constant 0 : index
    %get3A_108 = vector.load %arg10[%get3A_106, %get3A_107] : memref<30x256xf32, #tpu.memory_space<vmem>>, vector<30x256xf32>
    %mul3A_109 = arith.mulf %get3A_108, %get3A_108 : vector<30x256xf32>
    %reduce_sum3A = arith.constant dense<0.000000e+00> : vector<30xf32>
    %reduce_sum3A_110 = vector.multi_reduction <add>, %mul3A_109, %reduce_sum3A [1] : vector<30x256xf32> to vector<30xf32>
    %broadcast_in_dim3A = vector.shape_cast %reduce_sum3A_110 : vector<30xf32> to vector<1x30xf32>
    %mul3A_111 = arith.mulf %mul3A_98, %mul3A_98 : vector<2000x256xf32>
    %reduce_sum3A_112 = arith.constant dense<0.000000e+00> : vector<2000xf32>
    %reduce_sum3A_113 = vector.multi_reduction <add>, %mul3A_111, %reduce_sum3A_112 [1] : vector<2000x256xf32> to vector<2000xf32>
    %broadcast_in_dim3A_114 = vector.shape_cast %reduce_sum3A_113 : vector<2000xf32> to vector<2000x1xf32>
    %dot_general3A_115 = arith.constant dense<0.000000e+00> : vector<2000x30xf32>
    %dot_general3A_116 = tpu.matmul %mul3A_98, %get3A_108, %dot_general3A_115 {dimension_numbers = #tpu.dot_dimension_numbers<[1], [1], [0], [0], [0, 0, 1, 0], [], []>, transpose_lhs_hint = false} : vector<2000x256xf32>, vector<30x256xf32>, vector<2000x30xf32> -> vector<2000x30xf32>
    %add3A_117 = vector.broadcast %broadcast_in_dim3A_114 : vector<2000x1xf32> to vector<2000x30xf32>
    %add3A_118 = vector.broadcast %broadcast_in_dim3A : vector<1x30xf32> to vector<2000x30xf32>
    %add3A_119 = arith.addf %add3A_117, %add3A_118 : vector<2000x30xf32>
    %mul3A_120 = arith.constant 2.000000e+00 : f32
    %mul3A_121 = vector.broadcast %mul3A_120 : f32 to vector<2000x30xf32>
    %mul3A_122 = arith.mulf %mul3A_121, %dot_general3A_116 : vector<2000x30xf32>
    %sub3A = arith.subf %add3A_119, %mul3A_122 : vector<2000x30xf32>
    %max3A_123 = arith.constant 0.000000e+00 : f32
    %max3A_124 = vector.broadcast %max3A_123 : f32 to vector<2000x30xf32>
    %max3A_125 = arith.maximumf %sub3A, %max3A_124 : vector<2000x30xf32>
    %add3A_126 = arith.constant 1.000000e+00 : f32
    %add3A_127 = vector.broadcast %add3A_126 : f32 to vector<2000x30xf32>
    %add3A_128 = arith.addf %add3A_127, %max3A_125 : vector<2000x30xf32>
    %div3A_129 = arith.constant 1.000000e+00 : f32
    %div3A_130 = vector.broadcast %div3A_129 : f32 to vector<2000x30xf32>
    %div3A_131 = arith.divf %div3A_130, %add3A_128 : vector<2000x30xf32>
    %reduce_sum3A_132 = arith.constant dense<0.000000e+00> : vector<2000xf32>
    %reduce_sum3A_133 = vector.multi_reduction <add>, %div3A_131, %reduce_sum3A_132 [1] : vector<2000x30xf32> to vector<2000xf32>
    %broadcast_in_dim3A_134 = vector.shape_cast %reduce_sum3A_133 : vector<2000xf32> to vector<2000x1xf32>
    %div3A_135 = vector.broadcast %broadcast_in_dim3A_134 : vector<2000x1xf32> to vector<2000x30xf32>
    %div3A_136 = arith.divf %div3A_131, %div3A_135 : vector<2000x30xf32>
    %swap3A = arith.constant 0 : index
    %swap3A_137 = arith.constant 0 : index
    %swap3A_138 = vector.load %arg11[%swap3A, %swap3A_137] : memref<2000x30xf32, #tpu.memory_space<vmem>>, vector<2000x30xf32>
    tpu.vector_store %arg11[%swap3A, %swap3A_137], %div3A_136 {strides = array<i32>} : memref<2000x30xf32, #tpu.memory_space<vmem>>, vector<2000x30xf32>,
    %mul3A_139 = arith.mulf %mul3A_105, %mul3A_105 : vector<2000x256xf32>
    %reduce_sum3A_140 = arith.constant dense<0.000000e+00> : vector<2000xf32>
    %reduce_sum3A_141 = vector.multi_reduction <add>, %mul3A_139, %reduce_sum3A_140 [1] : vector<2000x256xf32> to vector<2000xf32>
    %broadcast_in_dim3A_142 = vector.shape_cast %reduce_sum3A_141 : vector<2000xf32> to vector<2000x1xf32>
    %dot_general3A_143 = arith.constant dense<0.000000e+00> : vector<2000x30xf32>
    %dot_general3A_144 = tpu.matmul %mul3A_105, %get3A_108, %dot_general3A_143 {dimension_numbers = #tpu.dot_dimension_numbers<[1], [1], [0], [0], [0, 0, 1, 0], [], []>, transpose_lhs_hint = false} : vector<2000x256xf32>, vector<30x256xf32>, vector<2000x30xf32> -> vector<2000x30xf32>
    %add3A_145 = vector.broadcast %broadcast_in_dim3A_142 : vector<2000x1xf32> to vector<2000x30xf32>
    %add3A_146 = vector.broadcast %broadcast_in_dim3A : vector<1x30xf32> to vector<2000x30xf32>
    %add3A_147 = arith.addf %add3A_145, %add3A_146 : vector<2000x30xf32>
    %mul3A_148 = arith.constant 2.000000e+00 : f32
    %mul3A_149 = vector.broadcast %mul3A_148 : f32 to vector<2000x30xf32>
    %mul3A_150 = arith.mulf %mul3A_149, %dot_general3A_144 : vector<2000x30xf32>
    %sub3A_151 = arith.subf %add3A_147, %mul3A_150 : vector<2000x30xf32>
    %max3A_152 = arith.constant 0.000000e+00 : f32
    %max3A_153 = vector.broadcast %max3A_152 : f32 to vector<2000x30xf32>
    %max3A_154 = arith.maximumf %sub3A_151, %max3A_153 : vector<2000x30xf32>
    %add3A_155 = arith.constant 1.000000e+00 : f32
    %add3A_156 = vector.broadcast %add3A_155 : f32 to vector<2000x30xf32>
    %add3A_157 = arith.addf %add3A_156, %max3A_154 : vector<2000x30xf32>
    %div3A_158 = arith.constant 1.000000e+00 : f32
    %div3A_159 = vector.broadcast %div3A_158 : f32 to vector<2000x30xf32>
    %div3A_160 = arith.divf %div3A_159, %add3A_157 : vector<2000x30xf32>
    %reduce_sum3A_161 = arith.constant dense<0.000000e+00> : vector<2000xf32>
    %reduce_sum3A_162 = vector.multi_reduction <add>, %div3A_160, %reduce_sum3A_161 [1] : vector<2000x30xf32> to vector<2000xf32>
    %broadcast_in_dim3A_163 = vector.shape_cast %reduce_sum3A_162 : vector<2000xf32> to vector<2000x1xf32>
    %div3A_164 = vector.broadcast %broadcast_in_dim3A_163 : vector<2000x1xf32> to vector<2000x30xf32>
    %div3A_165 = arith.divf %div3A_160, %div3A_164 : vector<2000x30xf32>
    %swap3A_166 = arith.constant 0 : index
    %swap3A_167 = arith.constant 0 : index
    %swap3A_168 = vector.load %arg12[%swap3A_166, %swap3A_167] : memref<2000x30xf32, #tpu.memory_space<vmem>>, vector<2000x30xf32>
    tpu.vector_store %arg12[%swap3A_166, %swap3A_167], %div3A_165 {strides = array<i32>} : memref<2000x30xf32, #tpu.memory_space<vmem>>, vector<2000x30xf32>,
    return
  }
  func.func @transform_0(%arg0: i32) -> (i32, i32, i32, i32) {
    %c0_i32 = arith.constant 0 : i32
    %c0_i32_0 = arith.constant 0 : i32
    %c0_i32_1 = arith.constant 0 : i32
    %c0_i32_2 = arith.constant 0 : i32
    return %c0_i32, %c0_i32_0, %arg0, %c0_i32_1 : i32, i32, i32, i32
  }
  func.func @transform_1(%arg0: i32) -> (i32, i32, i32) {
    %c0_i32 = arith.constant 0 : i32
    %c0_i32_0 = arith.constant 0 : i32
    %c0_i32_1 = arith.constant 0 : i32
    return %c0_i32, %arg0, %c0_i32_0 : i32, i32, i32
  }
  func.func @transform_2(%arg0: i32) -> (i32, i32) {
    %c0_i32 = arith.constant 0 : i32
    %c0_i32_0 = arith.constant 0 : i32
    return %arg0, %c0_i32 : i32, i32
  }
  func.func @transform_3(%arg0: i32) -> (i32, i32) {
    %c0_i32 = arith.constant 0 : i32
    %c0_i32_0 = arith.constant 0 : i32
    return %arg0, %c0_i32 : i32, i32
  }
  func.func @transform_4(%arg0: i32) -> (i32, i32) {
    %c0_i32 = arith.constant 0 : i32
    %c0_i32_0 = arith.constant 0 : i32
    %c0_i32_1 = arith.constant 0 : i32
    return %c0_i32, %c0_i32_0 : i32, i32
  }
  func.func @transform_5(%arg0: i32) -> (i32, i32) {
    %c0_i32 = arith.constant 0 : i32
    %c0_i32_0 = arith.constant 0 : i32
    %c0_i32_1 = arith.constant 0 : i32
    return %c0_i32, %c0_i32_0 : i32, i32
  }
  func.func @transform_6(%arg0: i32) -> (i32, i32) {
    %c0_i32 = arith.constant 0 : i32
    %c0_i32_0 = arith.constant 0 : i32
    %c0_i32_1 = arith.constant 0 : i32
    return %c0_i32, %c0_i32_0 : i32, i32
  }
  func.func @transform_7(%arg0: i32) -> (i32, i32) {
    %c0_i32 = arith.constant 0 : i32
    %c0_i32_0 = arith.constant 0 : i32
    %c0_i32_1 = arith.constant 0 : i32
    return %c0_i32, %c0_i32_0 : i32, i32
  }
  func.func @transform_8(%arg0: i32) -> (i32, i32) {
    %c0_i32 = arith.constant 0 : i32
    %c0_i32_0 = arith.constant 0 : i32
    return %arg0, %c0_i32 : i32, i32
  }
  func.func @transform_9(%arg0: i32) -> (i32, i32) {
    %c0_i32 = arith.constant 0 : i32
    %c0_i32_0 = arith.constant 0 : i32
    %c0_i32_1 = arith.constant 0 : i32
    return %c0_i32, %c0_i32_0 : i32, i32
  }
  func.func @transform_10(%arg0: i32) -> (i32, i32) {
    %c0_i32 = arith.constant 0 : i32
    %c0_i32_0 = arith.constant 0 : i32
    return %arg0, %c0_i32 : i32, i32
  }
  func.func @transform_11(%arg0: i32) -> (i32, i32) {
    %c0_i32 = arith.constant 0 : i32
    %c0_i32_0 = arith.constant 0 : i32
    return %arg0, %c0_i32 : i32, i32
  }
}

</mosaic_0001>

<sc_bundles>
// kernel: kernel.10.cloned.1.call-start
scs
__scs_entry_jumppad:
0x0: {  	(pc) =	sbr.rel $0x88, $3  }
0x1: {  	(tag) =	ssettag $0x0;
	lr =	simm.s32 $0x1  }
0x2: {  	[smem:$0x3F89] =	sst lr;
	_ =	strace $0xD0000000  }
0x3: {  	_ = 	snop  }
0x4: {  	_ = 	snop  }
0x5: {  	_ = 	snop  }
0x6: {  	_ = 	snop  }
0x7: {  	_ = 	snop  }
__scs_overlays_trampoline_lowered:
0x8: {  	[smem:$0x3F98] =	sst s0  }
0x9: {  	[smem:$0x3F99] =	sst s1  }
0xa: {  	[smem:$0x3F9A] =	sst s2  }
0xb: {  	[smem:$0x3F9B] =	sst s3  }
0xc: {  	[smem:$0x3F9C] =	sst s4  }
0xd: {  	[smem:$0x3F9D] =	sst s5  }
0xe: {  	[smem:$0x3F9E] =	sst s6  }
0xf: {  	[smem:$0x3F9F] =	sst s7  }
0x10: {  	[smem:$0x3FA0] =	sst s8  }
0x11: {  	[smem:$0x3FA1] =	sst s9;
	s0 =	simm.s32 @!p0 $0x0  }
0x12: {  	s1 =	sld [smem:$0x3F87];
	s0 =	simm.s32 @p0 $0x1  }
0x13: {  	[smem:$0x3FA2] =	sst s0;
	s0 =	simm.s32 @!p1 $0x0  }
0x14: {  	s2 =	sld [smem:$0x3F86];
	s0 =	simm.s32 @p1 $0x1  }
0x15: {  	[smem:$0x3FA3] =	sst s0;
	s0 =	simm.s32 @!p2 $0x0  }
0x16: {  	s3 =	sld [smem:$0x3FDB];
	s0 =	simm.s32 @p2 $0x1  }
0x17: {  	s4 =	simm.s32 $0x1BF5;
	[smem:$0x3FA5] =	sst s0  }
0x18: {  	s0 =	sld [smem:$0x3F88];
	_ =	swait.ge [sflag:s4], $0x0  }
0x19: {  	s7 =	sld [smem:$0x3F89]  }
0x1a: {  	s8 =	sadd.s32 $0xFFFFE003, lr  }
0x1b: {  	s9 =	sadd.s32 $0xFFFFFEF7, lr;
	s5 =	simm.s32 $0xFFFFFFFF;
	p2 =	slt.u32 s8, $0xFFFFF086  }
0x1c: {  	p1 =	slt.u32 s9, $0xF7A;
	s5 =	simm.s32 @!p2 $0x0  }
0x1d: {  	s5 =	simm.s32 @p1 $0x1;
	p0 =	seq.s32 s7, s2  }
0x1e: {  	s7 =	smul.u32 @!p0 $0xF7A, s2;
	p2 =	seq.s32 @!p0 s5, $0x0  }
0x1f: {  	s9 =	smul.u32 $0xF7A, s1;
	s8 =	simm.s32 @!p0 $0x1BF5;
	p2 =	por !p2, p0  }
0x20: {  	[sflag:s8] =	ssyncset.s32 @!p0 $0xFFFFF086;
	s6 =	sadd.s32 @!p0 s3, s7;
	s7 =	simm.s32 @!p0 $0x108  }
0x21: {  	s3 =	sadd.s32 s3, s9;
	s6 =	sadd.s32 @!p0 $0x88, s6;
	s7 =	simm.s32 @p2 $0x1082  }
0x22: {  	[simem:s7], [sflag:s8] =	dma.local @!p0 [hbm:s6], $0xF7A  }
0x23: {  	s9 =	sor.u32 $0xD0000000, s2;
	s6 =	simm.s32 $0x108;
	_ =	swait.ge @!p0 [sflag:s8], $0x0  }
0x24: {  	s3 =	sadd.s32 $0x88, s3;
	s6 =	simm.s32 @!p1 $0x1082;
	[sflag:s4] =	ssyncset.s32 $0xFFFFF086  }
0x25: {  	[simem:s6], [sflag:s4] =	dma.local [hbm:s3], $0xF7A  }
0x26: {  	[smem:$0x3F89] =	sst s1;
	(tag) =	ssettag s2;
	_ =	strace s9  }
0x27: {  	s1 =	sld [smem:$0x3F99]  }
0x28: {  	s2 =	sld [smem:$0x3F9A]  }
0x29: {  	s4 =	sld [smem:$0x3F9C]  }
0x2a: {  	p0 =	seq.s32 s5, $0x0;
	s5 =	sld [smem:$0x3F9D]  }
0x2b: {  	s6 =	sld [smem:$0x3F9E]  }
0x2c: {  	s7 =	sld [smem:$0x3F9F]  }
0x2d: {  	s3 =	simm.s32 $0x108;
	s8 =	sld [smem:$0x3FA0]  }
0x2e: {  	s3 =	simm.s32 @!p0 $0x1082;
	s9 =	sld [smem:$0x3FA1]  }
0x2f: {  	lr =	sadd.s32 s0, s3;
	s0 =	sld [smem:$0x3F98]  }
0x30: {  	s3 =	sld [smem:$0x3F9B]  }
0x31: {  	[smem:$0x3FA4] =	sst s10  }
0x32: {  	s10 =	sld [smem:$0x3FA2];
	_ =	sdelay $0x3  }
0x33: {  	p0 =	seq.s32 s10, $0x1;
	s10 =	sld [smem:$0x3FA4];
	_ =	sdelay $0x3  }
0x34: {  	[smem:$0x3FA4] =	sst s10  }
0x35: {  	s10 =	sld [smem:$0x3FA3];
	_ =	sdelay $0x3  }
0x36: {  	p1 =	seq.s32 s10, $0x1;
	s10 =	sld [smem:$0x3FA4];
	_ =	sdelay $0x3  }
0x37: {  	[smem:$0x3FA4] =	sst s10  }
0x38: {  	s10 =	sld [smem:$0x3FA5]  }
0x39: {  	_ = 	snop;
	(pc) =	sbr.ind lr, $3  }
0x3a: {  	_ = 	snop  }
0x3b: {  	_ = 	snop  }
0x3c: {  	p2 =	seq.s32 s10, $0x1;
	s10 =	sld [smem:$0x3FA4]  }
0x3d: {  	_ =	shalt  }
0x3e: {  	_ =	shalt  }
0x3f: {  	_ =	shalt  }
0x40: {  	_ =	shalt  }
0x41: {  	_ =	shalt  }
0x42: {  	_ =	shalt  }
0x43: {  	_ =	shalt  }
0x44: {  	_ =	shalt  }
0x45: {  	_ =	shalt  }
0x46: {  	_ =	shalt  }
0x47: {  	_ =	shalt  }
0x48: {  	_ =	shalt  }
0x49: {  	_ =	shalt  }
0x4a: {  	_ =	shalt  }
0x4b: {  	_ =	shalt  }
0x4c: {  	_ =	shalt  }
0x4d: {  	_ =	shalt  }
0x4e: {  	_ =	shalt  }
0x4f: {  	_ =	shalt  }
0x50: {  	_ =	shalt  }
0x51: {  	_ =	shalt  }
0x52: {  	_ =	shalt  }
0x53: {  	_ =	shalt  }
0x54: {  	_ =	shalt  }
0x55: {  	_ =	shalt  }
0x56: {  	_ =	shalt  }
0x57: {  	_ =	shalt  }
0x58: {  	_ =	shalt  }
0x59: {  	_ =	shalt  }
0x5a: {  	_ =	shalt  }
0x5b: {  	_ =	shalt  }
0x5c: {  	_ =	shalt  }
0x5d: {  	_ =	shalt  }
0x5e: {  	_ =	shalt  }
0x5f: {  	_ =	shalt  }
0x60: {  	_ =	shalt  }
0x61: {  	_ =	shalt  }
0x62: {  	_ =	shalt  }
0x63: {  	_ =	shalt  }
0x64: {  	_ =	shalt  }
0x65: {  	_ =	shalt  }
0x66: {  	_ =	shalt  }
0x67: {  	_ =	shalt  }
0x68: {  	_ =	shalt  }
0x69: {  	_ =	shalt  }
0x6a: {  	_ =	shalt  }
0x6b: {  	_ =	shalt  }
0x6c: {  	_ =	shalt  }
0x6d: {  	_ =	shalt  }
0x6e: {  	_ =	shalt  }
0x6f: {  	_ =	shalt  }
0x70: {  	_ =	shalt  }
0x71: {  	_ =	shalt  }
0x72: {  	_ =	shalt  }
0x73: {  	_ =	shalt  }
0x74: {  	_ =	shalt  }
0x75: {  	_ =	shalt  }
0x76: {  	_ =	shalt  }
0x77: {  	_ =	shalt  }
0x78: {  	_ =	shalt  }
0x79: {  	_ =	shalt  }
0x7a: {  	_ =	shalt  }
0x7b: {  	_ =	shalt  }
0x7c: {  	_ =	shalt  }
0x7d: {  	_ =	shalt  }
0x7e: {  	_ =	shalt  }
0x7f: {  	_ =	shalt  }
0x80: {  	_ =	shalt  }
0x81: {  	_ =	shalt  }
0x82: {  	_ =	shalt  }
0x83: {  	_ =	shalt  }
0x84: {  	_ =	shalt  }
0x85: {  	_ =	shalt  }
0x86: {  	_ =	shalt  }
0x87: {  	_ =	shalt  }
.Lfunc_end0:
.L_simem_size_0:
called_computation_lowered:
.L_overlay_start_0:
0x88: {  	s2 =	sld [smem:$0x3FD9]  }
0x89: {  	s3 =	sld [smem:$0x3FFE];
	_ =	sdelay $0x1  }
0x8a: {  	s1 =	srdreg.scid  }
0x8b: {  	s0 =	sand.u32 $0x1, s1  }
0x8c: {  	s14 =	sshll.u32 s0, $0xA;
	s2 =	sadd.s32 s3, s2  }
0x8d: {  	s2 =	sadd.s32 s2, s14  }
0x8e: {  	[smem:$0x3FB0] =	sst s2  }
0x8f: {  	_ = 	snop  }
0x90: {  	s2 =	sld [smem:$0x3FD0];
	_ =	sdelay $0x2  }
0x91: {  	s15 =	simm.s32 $0xA;
	s4 =	simm.s32 $0x10  }
0x92: {  	[smem:s4], [sflag:s15] =	dma.local [hbm:s2], $0x1  }
0x93: {  	_ =	swait.eq [sflag:s15], $0x1  }
0x94: {  	[sflag:s15] =	ssyncset.done $0x0  }
0x95: {  	s16 =	sld [smem:$0x10];
	[sflag:s15] =	ssyncadd.s32 $0xFFFFFFFF  }
0x96: {  	s17 =	sld [smem:$0x11];
	(tm) =	ssettm $0x1  }
0x97: {  	s18 =	sld [smem:$0x3FFB];
	_ =	sdelay $0x3  }
0x98: {  	_ =	strace s18  }
0x99: {  	s4 =	sld [smem:$0x3FFC];
	_ =	sdelay $0x3  }
0x9a: {  	_ =	strace s4  }
0x9b: {  	s4 =	sld [smem:$0x3FFD];
	_ =	sdelay $0x3  }
0x9c: {  	_ =	strace s4  }
0x9d: {  	_ =	strace $0x8FFFFFFF  }
0x9e: {  	s19 =	sld [smem:$0x3FDB];
	_ =	sdelay $0x1  }
0x9f: {  	s5 =	simm.s32 $_scs_section_size  }
0xa0: {  	s6 =	simm.s32 $_size__tile_overlayer_lowered;
	s7 =	simm.s32 $_tile_overlayer_lowered  }
0xa1: {  	s22 =	simm.s32 $0x1BFF;
	s21 =	sshll.u32 s7, $0x1;
	s4 =	sadd.s32 s5, s19  }
0xa2: {  	s8 =	simm.s32 $0x0;
	s20 =	sshll.u32 s6, $0x1;
	s6 =	sadd.s32 s21, s4  }
0xa3: {  	[timem:s8], [sflag:s22] =	dma.local [hbm:s6], s20  }
0xa4: {  	_ =	swait.ge [sflag:s22], s20  }
0xa5: {  	s5 =	ssub.s32 $0x0, s20;
	[sflag:s22] =	ssyncset.done $0x0  }
0xa6: {  	[sflag:s22] =	ssyncadd.s32 s5;
	_ =	sdelay $0x1  }
0xa7: {  	s23 =	simm.s32 $0x1B8B  }
0xa8: {  	_ =	swait.ge [sflag:s23], $0x1  }
0xa9: {  	[sflag:s23] =	ssyncset.done $0x0  }
0xaa: {  	s25 =	simm.s32 $0x1B8E;
	s24 =	sld [smem:$0x3FFE];
	[sflag:s23] =	ssyncadd.s32 $0xFFFFFFFF  }
0xab: {  	s26 =	simm.s32 $execute0_lowered;
	[smem:$0x3FD2] =	sst s25  }
0xac: {  	s6 =	sshll.u32 s26, $0x1;
	_ =	strace $0x80000046;
	[dreg:$0x1] =	wrdreg $0xFFFFFFFF  }
0xad: {  	s28 =	simm.s32 $_size_execute0_lowered;
	s4 =	sadd.s32 s4, s6;
	[dreg:$0x0] =	wrdreg $0x0  }
0xae: {  	s6 =	sshll.u32 s28, $0x1;
	[dreg:$0x2] =	wrdreg s4  }
0xaf: {  	[dreg:$0x3] =	wrdreg s6  }
0xb0: {  	[dreg:$0x4] =	wrdreg $0xC0  }
0xb1: {  	_ =	task [dreg:s8], $0x5FFFF  }
0xb2: {  	[dreg:$0x1] =	wrdreg $0xFFFFFFFF  }
0xb3: {  	[dreg:$0x0] =	wrdreg $0x60  }
0xb4: {  	[dreg:$0x2] =	wrdreg s17  }
0xb5: {  	[dreg:$0x3] =	wrdreg s24  }
0xb6: {  	[dreg:$0x4] =	wrdreg s16  }
0xb7: {  	[dreg:$0x5] =	wrdreg $0x90000  }
0xb8: {  	[dreg:$0x6] =	wrdreg $0x9  }
0xb9: {  	_ =	task.clear_ibuf [dreg:s8], $0x7FFFF;
	_ =	strace $0x90000046  }
0xba: {  	s29 =	simm.s32 $0x9;
	_ =	strace $0x80000048  }
0xbb: {  	_ =	swait.ge [sflag:s29], $0x1  }
0xbc: {  	[sflag:s29] =	ssyncadd.s32 $0xFFFFFFFF  }
0xbd: {  	_ =	strace $0x90000048  }
0xbe: {  	_ =	sfence  }
0xbf: {  	s30 =	sld [smem:$0x0];
	_ =	sdelay $0x2  }
0xc0: {  	s31 =	sshll.u32 s1, $0xD;
	s1 =	sshrl.u32 s1, $0x2  }
0xc1: {  	s3 =	sand.u32 $0x4000, s31;
	s1 =	sadd.s32 s1, s30  }
0xc2: {  	s0 =	sor.u32 s3, s0;
	s1 =	sshll.u32 s1, $0x11  }
0xc3: {  	s0 =	sor.u32 s1, s0  }
0xc4: {  	s0 =	sadd.s32 $0x8F2B, s0  }
0xc5: {  	[sflag:s0] =	ssyncadd.remote.s32 $0x1  }
0xc6: {  	_ =	sfence.sel $0xFFFF  }
0xc7: {  	[dreg:$0x0] =	wrdreg $0xFFFFFFFF;
	(pc) =	sbr.abs _section_cstart, $3  }
0xc8: {  	[dreg:$0x1] =	wrdreg $0xFFFFFFFF  }
0xc9: {  	_ =	task.clear_ibuf [dreg:s8], $0x2FFFF;
	_ =	strace $0x9FFFFFFF  }
0xca: {  	(tm) =	ssettm $0x7FFFFFFF  }
0xcb: {  	_ =	shalt  }
tec
execute0_lowered:
.L_overlay_start_1:
0x0: {  	(tag) =	ssettag $0x1  }
0x1: {  	s0 =	rddreg [dreg:$0x0]  }
0x2: {  	s1 =	rddreg [dreg:$0x1];
	s2 =	srdreg.scid  }
0x3: {  	s4 =	rddreg [dreg:$0x3];
	s10 =	stileid.u32;
	s6 =	simm.s32 $0x0  }
0x4: {  	s9 =	simm.s32 $0x9;
	s13 =	simm.s32 $0x80;
	s14 =	simm.s32 $0x5000  }
0x5: {  	s15 =	simm.s32 $0x5800;
	s16 =	simm.s32 $0x6000;
	s17 =	simm.s32 $0x6800  }
0x6: {  	s18 =	simm.s32 $0x7000;
	s19 =	simm.s32 $0x7800;
	s20 =	simm.s32 $0x8000  }
0x7: {  	s21 =	simm.s32 $0x8800;
	s22 =	simm.s32 $0x1;
	s23 =	simm.s32 $0x2  }
0x8: {  	s28 =	simm.s32 $0x5;
	s29 =	simm.s32 $0x6;
	s30 =	simm.s32 $0x7  }
0x9: {  	s31 =	simm.s32 $0x8;
	s2 =	sand.u32 $0x1, s2;
	s5 =	smul.u32 $0x2800, s10  }
0xa: {  	[smem:$0x7FF] =	sst s6;
	s26 =	sshll.u32 s10, $0x6;
	s3 =	smul.u32 $0x50000, s2  }
0xb: {  	s24 =	smul.u32 $0x5000, s2;
	s2 =	ssub.s32 $0x2, s2;
	_ =	strace $0x80000047  }
0xc: {  	s11 =	sor.u32 $0x1C09, s26;
	s26 =	simm.s32 $0x4;
	s7 =	sshrl.u32 s2, $0x1  }
0xd: {  	s25 =	sadd.s32 s5, s4;
	s3 =	sadd.s32 s5, s3;
	s2 =	ssub.s32 s2, s7  }
0xe: {  	s5 =	sshrl.u32 s5, $0x3;
	s12 =	sshrl.u32 s25, $0x3;
	s3 =	sshrl.u32 s3, $0x3  }
0xf: {  	s25 =	simm.s32 $0x3;
	s3 =	sadd.s32 s3, s1;
	s1 =	sadd.s32 s24, s1  }
0x10: {  	s8 =	smax.u32 s2, $0x1;
	s6 =	sadd.s32 $0x4C00, s3;
	s1 =	sadd.s32 $0x2CC00, s1  }
0x11: {  	s7 =	sadd.s32 $0x18C00, s3;
	s24 =	sadd.s32 s5, s1;
	s1 =	simm.s32 $0x0  }
.LBB2_1:
0x12: {  	s2 =	simm.s32 $0x0  }
0x13: {  	[tilespmem:s2], [sflag:$0x9] =	stream.linear.gather [hbm4b:s6+s2], $0x2800, $0x38;
	[tilespmem:$0xB800] =	vst v63  }
0x14: {  	_ =	swait.ge [sflag:s9], $0x2800  }
0x15: {  	[sflag:s9] =	ssyncset.done $0x0  }
0x16: {  	s3 =	simm.s32 $0x2800;
	[sflag:s9] =	ssyncadd.s32 $0xFFFFD800  }
0x17: {  	[tilespmem:s3], [sflag:$0x9] =	stream.linear.gather [hbm4b:s7+s2], $0x2800, $0x38;
	[tilespmem:$0xB800] =	vst v63  }
0x18: {  	_ =	swait.ge [sflag:s9], $0x2800  }
0x19: {  	[sflag:s9] =	ssyncset.done $0x0  }
0x1a: {  	[sflag:s9] =	ssyncadd.s32 $0xFFFFD800  }
0x1b: {  	s5 =	rddreg [dreg:$0x2]  }
0x1c: {  	[spmem:s12], [sflag:s11] =	dma.local [hbm:s5], $0x500  }
0x1d: {  	_ =	swait.ge [sflag:s9], $0x500  }
0x1e: {  	[sflag:s9] =	ssyncset.done $0x0  }
0x1f: {  	[sflag:s9] =	ssyncadd.s32 $0xFFFFFB00  }
0x20: {  	s10 =	simm.s32 $0x0;
	[bflag:$0x0] =	sbarrier.arrive $0xFFFF  }
0x21: {  	[tilespmem:s14], [sflag:$0x1] =	stream.indirect.gather [hbm4b:s0+s13], $0x10, s10, s13, $0xb8;
	[tilespmem:$0xB800] =	vst v63  }
0x22: {  	s3 =	simm.s32 $0x80  }
0x23: {  	[tilespmem:s15], [sflag:$0x2] =	stream.indirect.gather [hbm4b:s0+s13], $0x10, s3, s13, $0xb8;
	[tilespmem:$0xB800] =	vst v63  }
0x24: {  	s5 =	simm.s32 $0x100  }
0x25: {  	[tilespmem:s16], [sflag:$0x3] =	stream.indirect.gather [hbm4b:s0+s13], $0x10, s5, s13, $0xb8;
	[tilespmem:$0xB800] =	vst v63  }
0x26: {  	s10 =	simm.s32 $0x180  }
0x27: {  	[tilespmem:s17], [sflag:$0x4] =	stream.indirect.gather [hbm4b:s0+s13], $0x10, s10, s13, $0xb8;
	[tilespmem:$0xB800] =	vst v63  }
0x28: {  	s3 =	simm.s32 $0x200  }
0x29: {  	[tilespmem:s18], [sflag:$0x5] =	stream.indirect.gather [hbm4b:s0+s13], $0x10, s3, s13, $0xb8;
	[tilespmem:$0xB800] =	vst v63  }
0x2a: {  	s5 =	simm.s32 $0x280  }
0x2b: {  	[tilespmem:s19], [sflag:$0x6] =	stream.indirect.gather [hbm4b:s0+s13], $0x10, s5, s13, $0xb8;
	[tilespmem:$0xB800] =	vst v63  }
0x2c: {  	s10 =	simm.s32 $0x300  }
0x2d: {  	[tilespmem:s20], [sflag:$0x7] =	stream.indirect.gather [hbm4b:s0+s13], $0x10, s10, s13, $0xb8;
	[tilespmem:$0xB800] =	vst v63  }
0x2e: {  	s3 =	simm.s32 $0x380  }
0x2f: {  	[tilespmem:s21], [sflag:$0x8] =	stream.indirect.gather [hbm4b:s0+s13], $0x10, s3, s13, $0xb8;
	[tilespmem:$0xB800] =	vst v63  }
0x30: {  	_ =	swait.ge [sflag:s22], $0x800  }
0x31: {  	[sflag:s22] =	ssyncset.done $0x0  }
0x32: {  	s5 =	simm.s32 $0x2800;
	[sflag:s22] =	ssyncadd.s32 $0xFFFFF800  }
0x33: {  	[spmem:s4] =	stream.indirect.scatter.add.f32 [tilespmem:s14], [sflag:$0x9], $0x10, s5, s13, $0xb8;
	[tilespmem:$0xB800] =	vst v63  }
0x34: {  	_ =	swait.ge [sflag:s9], $0x800  }
0x35: {  	[sflag:s9] =	ssyncset.done $0x0  }
0x36: {  	[sflag:s9] =	ssyncadd.s32 $0xFFFFF800  }
0x37: {  	_ =	swait.ge [sflag:s23], $0x800  }
0x38: {  	[sflag:s23] =	ssyncset.done $0x0  }
0x39: {  	s10 =	simm.s32 $0x2880;
	[sflag:s23] =	ssyncadd.s32 $0xFFFFF800  }
0x3a: {  	[spmem:s4] =	stream.indirect.scatter.add.f32 [tilespmem:s15], [sflag:$0x9], $0x10, s10, s13, $0xb8;
	[tilespmem:$0xB800] =	vst v63  }
0x3b: {  	_ =	swait.ge [sflag:s9], $0x800  }
0x3c: {  	[sflag:s9] =	ssyncset.done $0x0  }
0x3d: {  	[sflag:s9] =	ssyncadd.s32 $0xFFFFF800  }
0x3e: {  	_ =	swait.ge [sflag:s25], $0x800  }
0x3f: {  	[sflag:s25] =	ssyncset.done $0x0  }
0x40: {  	s3 =	simm.s32 $0x2900;
	[sflag:s25] =	ssyncadd.s32 $0xFFFFF800  }
0x41: {  	[spmem:s4] =	stream.indirect.scatter.add.f32 [tilespmem:s16], [sflag:$0x9], $0x10, s3, s13, $0xb8;
	[tilespmem:$0xB800] =	vst v63  }
0x42: {  	_ =	swait.ge [sflag:s9], $0x800  }
0x43: {  	[sflag:s9] =	ssyncset.done $0x0  }
0x44: {  	[sflag:s9] =	ssyncadd.s32 $0xFFFFF800  }
0x45: {  	_ =	swait.ge [sflag:s26], $0x800  }
0x46: {  	[sflag:s26] =	ssyncset.done $0x0  }
0x47: {  	s5 =	simm.s32 $0x2980;
	[sflag:s26] =	ssyncadd.s32 $0xFFFFF800  }
0x48: {  	[spmem:s4] =	stream.indirect.scatter.add.f32 [tilespmem:s17], [sflag:$0x9], $0x10, s5, s13, $0xb8;
	[tilespmem:$0xB800] =	vst v63  }
0x49: {  	_ =	swait.ge [sflag:s9], $0x800  }
0x4a: {  	[sflag:s9] =	ssyncset.done $0x0  }
0x4b: {  	[sflag:s9] =	ssyncadd.s32 $0xFFFFF800  }
0x4c: {  	_ =	swait.ge [sflag:s28], $0x800  }
0x4d: {  	[sflag:s28] =	ssyncset.done $0x0  }
0x4e: {  	s10 =	simm.s32 $0x2A00;
	[sflag:s28] =	ssyncadd.s32 $0xFFFFF800  }
0x4f: {  	[spmem:s4] =	stream.indirect.scatter.add.f32 [tilespmem:s18], [sflag:$0x9], $0x10, s10, s13, $0xb8;
	[tilespmem:$0xB800] =	vst v63  }
0x50: {  	_ =	swait.ge [sflag:s9], $0x800  }
0x51: {  	[sflag:s9] =	ssyncset.done $0x0  }
0x52: {  	[sflag:s9] =	ssyncadd.s32 $0xFFFFF800  }
0x53: {  	_ =	swait.ge [sflag:s29], $0x800  }
0x54: {  	[sflag:s29] =	ssyncset.done $0x0  }
0x55: {  	s3 =	simm.s32 $0x2A80;
	[sflag:s29] =	ssyncadd.s32 $0xFFFFF800  }
0x56: {  	[spmem:s4] =	stream.indirect.scatter.add.f32 [tilespmem:s19], [sflag:$0x9], $0x10, s3, s13, $0xb8;
	[tilespmem:$0xB800] =	vst v63  }
0x57: {  	_ =	swait.ge [sflag:s9], $0x800  }
0x58: {  	[sflag:s9] =	ssyncset.done $0x0  }
0x59: {  	[sflag:s9] =	ssyncadd.s32 $0xFFFFF800  }
0x5a: {  	_ =	swait.ge [sflag:s30], $0x800  }
0x5b: {  	[sflag:s30] =	ssyncset.done $0x0  }
0x5c: {  	s5 =	simm.s32 $0x2B00;
	[sflag:s30] =	ssyncadd.s32 $0xFFFFF800  }
0x5d: {  	[spmem:s4] =	stream.indirect.scatter.add.f32 [tilespmem:s20], [sflag:$0x9], $0x10, s5, s13, $0xb8;
	[tilespmem:$0xB800] =	vst v63  }
0x5e: {  	_ =	swait.ge [sflag:s9], $0x800  }
0x5f: {  	[sflag:s9] =	ssyncset.done $0x0  }
0x60: {  	[sflag:s9] =	ssyncadd.s32 $0xFFFFF800  }
0x61: {  	_ =	swait.ge [sflag:s31], $0x800  }
0x62: {  	[sflag:s31] =	ssyncset.done $0x0  }
0x63: {  	s10 =	simm.s32 $0x2B80;
	[sflag:s31] =	ssyncadd.s32 $0xFFFFF800  }
0x64: {  	[spmem:s4] =	stream.indirect.scatter.add.f32 [tilespmem:s21], [sflag:$0x9], $0x10, s10, s13, $0xb8;
	[tilespmem:$0xB800] =	vst v63  }
0x65: {  	_ =	swait.ge [sflag:s9], $0x800  }
0x66: {  	s2 =	simm.s32 $0x1000;
	s3 =	simm.s32 $0x2000;
	[sflag:s9] =	ssyncset.done $0x0  }
.LBB2_2:
0x67: {  	s10 =	sshra.s32 s2, $0x2  }
0x68: {  	[sflag:s9] =	ssyncadd.s32 $0xFFFFF800;
	s2 =	smov.u32 s3;
	s5 =	sadd.s32 $0x1000, s3  }
0x69: {  	[tilespmem:s14], [sflag:$0x1] =	stream.indirect.gather [hbm4b:s0+s13], $0x10, s10, s13, $0xb8;
	[tilespmem:$0xB800] =	vst v63  }
0x6a: {  	p0 =	sne.s32 s3, $0x9000;
	s3 =	sadd.s32 $0x80, s10  }
0x6b: {  	[tilespmem:s15], [sflag:$0x2] =	stream.indirect.gather [hbm4b:s0+s13], $0x10, s3, s13, $0xb8;
	[tilespmem:$0xB800] =	vst v63  }
0x6c: {  	s3 =	sadd.s32 $0x100, s10  }
0x6d: {  	[tilespmem:s16], [sflag:$0x3] =	stream.indirect.gather [hbm4b:s0+s13], $0x10, s3, s13, $0xb8;
	[tilespmem:$0xB800] =	vst v63  }
0x6e: {  	s3 =	sadd.s32 $0x180, s10  }
0x6f: {  	[tilespmem:s17], [sflag:$0x4] =	stream.indirect.gather [hbm4b:s0+s13], $0x10, s3, s13, $0xb8;
	[tilespmem:$0xB800] =	vst v63  }
0x70: {  	s3 =	sadd.s32 $0x200, s10  }
0x71: {  	[tilespmem:s18], [sflag:$0x5] =	stream.indirect.gather [hbm4b:s0+s13], $0x10, s3, s13, $0xb8;
	[tilespmem:$0xB800] =	vst v63  }
0x72: {  	s3 =	sadd.s32 $0x280, s10  }
0x73: {  	[tilespmem:s19], [sflag:$0x6] =	stream.indirect.gather [hbm4b:s0+s13], $0x10, s3, s13, $0xb8;
	[tilespmem:$0xB800] =	vst v63  }
0x74: {  	s3 =	sadd.s32 $0x300, s10  }
0x75: {  	[tilespmem:s20], [sflag:$0x7] =	stream.indirect.gather [hbm4b:s0+s13], $0x10, s3, s13, $0xb8;
	[tilespmem:$0xB800] =	vst v63  }
0x76: {  	s3 =	sadd.s32 $0x380, s10  }
0x77: {  	[tilespmem:s21], [sflag:$0x8] =	stream.indirect.gather [hbm4b:s0+s13], $0x10, s3, s13, $0xb8;
	[tilespmem:$0xB800] =	vst v63  }
0x78: {  	_ =	swait.ge [sflag:s22], $0x800  }
0x79: {  	[sflag:s22] =	ssyncset.done $0x0  }
0x7a: {  	s3 =	sadd.s32 $0x2800, s10;
	[sflag:s22] =	ssyncadd.s32 $0xFFFFF800  }
0x7b: {  	[spmem:s4] =	stream.indirect.scatter.add.f32 [tilespmem:s14], [sflag:$0x9], $0x10, s3, s13, $0xb8;
	[tilespmem:$0xB800] =	vst v63  }
0x7c: {  	_ =	swait.ge [sflag:s9], $0x800  }
0x7d: {  	[sflag:s9] =	ssyncset.done $0x0  }
0x7e: {  	[sflag:s9] =	ssyncadd.s32 $0xFFFFF800  }
0x7f: {  	_ =	swait.ge [sflag:s23], $0x800  }
0x80: {  	[sflag:s23] =	ssyncset.done $0x0  }
0x81: {  	s3 =	sadd.s32 $0x2880, s10;
	[sflag:s23] =	ssyncadd.s32 $0xFFFFF800  }
0x82: {  	[spmem:s4] =	stream.indirect.scatter.add.f32 [tilespmem:s15], [sflag:$0x9], $0x10, s3, s13, $0xb8;
	[tilespmem:$0xB800] =	vst v63  }
0x83: {  	_ =	swait.ge [sflag:s9], $0x800  }
0x84: {  	[sflag:s9] =	ssyncset.done $0x0  }
0x85: {  	[sflag:s9] =	ssyncadd.s32 $0xFFFFF800  }
0x86: {  	_ =	swait.ge [sflag:s25], $0x800  }
0x87: {  	[sflag:s25] =	ssyncset.done $0x0  }
0x88: {  	s3 =	sadd.s32 $0x2900, s10;
	[sflag:s25] =	ssyncadd.s32 $0xFFFFF800  }
0x89: {  	[spmem:s4] =	stream.indirect.scatter.add.f32 [tilespmem:s16], [sflag:$0x9], $0x10, s3, s13, $0xb8;
	[tilespmem:$0xB800] =	vst v63  }
0x8a: {  	_ =	swait.ge [sflag:s9], $0x800  }
0x8b: {  	[sflag:s9] =	ssyncset.done $0x0  }
0x8c: {  	[sflag:s9] =	ssyncadd.s32 $0xFFFFF800  }
0x8d: {  	_ =	swait.ge [sflag:s26], $0x800  }
0x8e: {  	[sflag:s26] =	ssyncset.done $0x0  }
0x8f: {  	s3 =	sadd.s32 $0x2980, s10;
	[sflag:s26] =	ssyncadd.s32 $0xFFFFF800  }
0x90: {  	[spmem:s4] =	stream.indirect.scatter.add.f32 [tilespmem:s17], [sflag:$0x9], $0x10, s3, s13, $0xb8;
	[tilespmem:$0xB800] =	vst v63  }
0x91: {  	_ =	swait.ge [sflag:s9], $0x800  }
0x92: {  	[sflag:s9] =	ssyncset.done $0x0  }
0x93: {  	[sflag:s9] =	ssyncadd.s32 $0xFFFFF800  }
0x94: {  	_ =	swait.ge [sflag:s28], $0x800  }
0x95: {  	[sflag:s28] =	ssyncset.done $0x0  }
0x96: {  	s3 =	sadd.s32 $0x2A00, s10;
	[sflag:s28] =	ssyncadd.s32 $0xFFFFF800  }
0x97: {  	[spmem:s4] =	stream.indirect.scatter.add.f32 [tilespmem:s18], [sflag:$0x9], $0x10, s3, s13, $0xb8;
	[tilespmem:$0xB800] =	vst v63  }
0x98: {  	_ =	swait.ge [sflag:s9], $0x800  }
0x99: {  	[sflag:s9] =	ssyncset.done $0x0  }
0x9a: {  	[sflag:s9] =	ssyncadd.s32 $0xFFFFF800  }
0x9b: {  	_ =	swait.ge [sflag:s29], $0x800  }
0x9c: {  	[sflag:s29] =	ssyncset.done $0x0  }
0x9d: {  	s3 =	sadd.s32 $0x2A80, s10;
	[sflag:s29] =	ssyncadd.s32 $0xFFFFF800  }
0x9e: {  	[spmem:s4] =	stream.indirect.scatter.add.f32 [tilespmem:s19], [sflag:$0x9], $0x10, s3, s13, $0xb8;
	[tilespmem:$0xB800] =	vst v63  }
0x9f: {  	_ =	swait.ge [sflag:s9], $0x800  }
0xa0: {  	[sflag:s9] =	ssyncset.done $0x0  }
0xa1: {  	[sflag:s9] =	ssyncadd.s32 $0xFFFFF800  }
0xa2: {  	_ =	swait.ge [sflag:s30], $0x800  }
0xa3: {  	[sflag:s30] =	ssyncset.done $0x0  }
0xa4: {  	s3 =	sadd.s32 $0x2B00, s10;
	[sflag:s30] =	ssyncadd.s32 $0xFFFFF800  }
0xa5: {  	[spmem:s4] =	stream.indirect.scatter.add.f32 [tilespmem:s20], [sflag:$0x9], $0x10, s3, s13, $0xb8;
	[tilespmem:$0xB800] =	vst v63  }
0xa6: {  	_ =	swait.ge [sflag:s9], $0x800  }
0xa7: {  	[sflag:s9] =	ssyncset.done $0x0  }
0xa8: {  	[sflag:s9] =	ssyncadd.s32 $0xFFFFF800  }
0xa9: {  	_ =	swait.ge [sflag:s31], $0x800  }
.Ltmp0:
0xaa: {  	[sflag:s31] =	ssyncset.done $0x0;
	(pc) =	sbr.rel @p0 .LBB2_2-.Ltmp0, $4  }
0xab: {  	s3 =	sadd.s32 $0x2B80, s10;
	[sflag:s31] =	ssyncadd.s32 $0xFFFFF800  }
0xac: {  	[spmem:s4] =	stream.indirect.scatter.add.f32 [tilespmem:s21], [sflag:$0x9], $0x10, s3, s13, $0xb8;
	[tilespmem:$0xB800] =	vst v63  }
0xad: {  	_ =	swait.ge [sflag:s9], $0x800  }
0xae: {  	s3 =	smov.u32 s5;
	[sflag:s9] =	ssyncset.done $0x0  }
0xaf: {  	s2 =	sshra.s32 s2, $0x2;
	[sflag:s9] =	ssyncadd.s32 $0xFFFFF800  }
0xb0: {  	[tilespmem:s14], [sflag:$0x1] =	stream.indirect.gather [hbm4b:s0+s13], $0x10, s2, s13, $0xb8;
	[tilespmem:$0xB800] =	vst v63  }
0xb1: {  	s3 =	sadd.s32 $0x80, s2  }
0xb2: {  	[tilespmem:s15], [sflag:$0x2] =	stream.indirect.gather [hbm4b:s0+s13], $0x10, s3, s13, $0xb8;
	[tilespmem:$0xB800] =	vst v63  }
0xb3: {  	s10 =	sadd.s32 $0x100, s2  }
0xb4: {  	[tilespmem:s16], [sflag:$0x3] =	stream.indirect.gather [hbm4b:s0+s13], $0x10, s10, s13, $0xb8;
	[tilespmem:$0xB800] =	vst v63  }
0xb5: {  	s5 =	sadd.s32 $0x180, s2  }
0xb6: {  	[tilespmem:s17], [sflag:$0x4] =	stream.indirect.gather [hbm4b:s0+s13], $0x10, s5, s13, $0xb8;
	[tilespmem:$0xB800] =	vst v63  }
0xb7: {  	s10 =	sadd.s32 $0x200, s2  }
0xb8: {  	[tilespmem:s18], [sflag:$0x5] =	stream.indirect.gather [hbm4b:s0+s13], $0x10, s10, s13, $0xb8;
	[tilespmem:$0xB800] =	vst v63  }
0xb9: {  	s5 =	sadd.s32 $0x280, s2  }
0xba: {  	[tilespmem:s19], [sflag:$0x6] =	stream.indirect.gather [hbm4b:s0+s13], $0x10, s5, s13, $0xb8;
	[tilespmem:$0xB800] =	vst v63  }
0xbb: {  	s10 =	sadd.s32 $0x300, s2  }
0xbc: {  	[tilespmem:s20], [sflag:$0x7] =	stream.indirect.gather [hbm4b:s0+s13], $0x10, s10, s13, $0xb8;
	[tilespmem:$0xB800] =	vst v63  }
0xbd: {  	s5 =	sadd.s32 $0x380, s2  }
0xbe: {  	[tilespmem:s21], [sflag:$0x8] =	stream.indirect.gather [hbm4b:s0+s13], $0x10, s5, s13, $0xb8;
	[tilespmem:$0xB800] =	vst v63  }
0xbf: {  	_ =	swait.ge [sflag:s22], $0x800  }
0xc0: {  	[sflag:s22] =	ssyncset.done $0x0  }
0xc1: {  	s10 =	sadd.s32 $0x2800, s2;
	[sflag:s22] =	ssyncadd.s32 $0xFFFFF800  }
0xc2: {  	[spmem:s4] =	stream.indirect.scatter.add.f32 [tilespmem:s14], [sflag:$0x9], $0x10, s10, s13, $0xb8;
	[tilespmem:$0xB800] =	vst v63  }
0xc3: {  	_ =	swait.ge [sflag:s9], $0x800  }
0xc4: {  	[sflag:s9] =	ssyncset.done $0x0  }
0xc5: {  	[sflag:s9] =	ssyncadd.s32 $0xFFFFF800  }
0xc6: {  	_ =	swait.ge [sflag:s23], $0x800  }
0xc7: {  	[sflag:s23] =	ssyncset.done $0x0  }
0xc8: {  	s5 =	sadd.s32 $0x2880, s2;
	[sflag:s23] =	ssyncadd.s32 $0xFFFFF800  }
0xc9: {  	[spmem:s4] =	stream.indirect.scatter.add.f32 [tilespmem:s15], [sflag:$0x9], $0x10, s5, s13, $0xb8;
	[tilespmem:$0xB800] =	vst v63  }
0xca: {  	_ =	swait.ge [sflag:s9], $0x800  }
0xcb: {  	[sflag:s9] =	ssyncset.done $0x0  }
0xcc: {  	[sflag:s9] =	ssyncadd.s32 $0xFFFFF800  }
0xcd: {  	_ =	swait.ge [sflag:s25], $0x800  }
0xce: {  	[sflag:s25] =	ssyncset.done $0x0  }
0xcf: {  	s10 =	sadd.s32 $0x2900, s2;
	[sflag:s25] =	ssyncadd.s32 $0xFFFFF800  }
0xd0: {  	[spmem:s4] =	stream.indirect.scatter.add.f32 [tilespmem:s16], [sflag:$0x9], $0x10, s10, s13, $0xb8;
	[tilespmem:$0xB800] =	vst v63  }
0xd1: {  	_ =	swait.ge [sflag:s9], $0x800  }
0xd2: {  	[sflag:s9] =	ssyncset.done $0x0  }
0xd3: {  	[sflag:s9] =	ssyncadd.s32 $0xFFFFF800  }
0xd4: {  	_ =	swait.ge [sflag:s26], $0x800  }
0xd5: {  	[sflag:s26] =	ssyncset.done $0x0  }
0xd6: {  	s5 =	sadd.s32 $0x2980, s2;
	[sflag:s26] =	ssyncadd.s32 $0xFFFFF800  }
0xd7: {  	[spmem:s4] =	stream.indirect.scatter.add.f32 [tilespmem:s17], [sflag:$0x9], $0x10, s5, s13, $0xb8;
	[tilespmem:$0xB800] =	vst v63  }
0xd8: {  	_ =	swait.ge [sflag:s9], $0x800  }
0xd9: {  	[sflag:s9] =	ssyncset.done $0x0  }
0xda: {  	[sflag:s9] =	ssyncadd.s32 $0xFFFFF800  }
0xdb: {  	_ =	swait.ge [sflag:s28], $0x800  }
0xdc: {  	[sflag:s28] =	ssyncset.done $0x0  }
0xdd: {  	s10 =	sadd.s32 $0x2A00, s2;
	[sflag:s28] =	ssyncadd.s32 $0xFFFFF800  }
0xde: {  	[spmem:s4] =	stream.indirect.scatter.add.f32 [tilespmem:s18], [sflag:$0x9], $0x10, s10, s13, $0xb8;
	[tilespmem:$0xB800] =	vst v63  }
0xdf: {  	_ =	swait.ge [sflag:s9], $0x800  }
0xe0: {  	[sflag:s9] =	ssyncset.done $0x0  }
0xe1: {  	[sflag:s9] =	ssyncadd.s32 $0xFFFFF800  }
0xe2: {  	_ =	swait.ge [sflag:s29], $0x800  }
0xe3: {  	[sflag:s29] =	ssyncset.done $0x0  }
0xe4: {  	s5 =	sadd.s32 $0x2A80, s2;
	[sflag:s29] =	ssyncadd.s32 $0xFFFFF800  }
0xe5: {  	[spmem:s4] =	stream.indirect.scatter.add.f32 [tilespmem:s19], [sflag:$0x9], $0x10, s5, s13, $0xb8;
	[tilespmem:$0xB800] =	vst v63  }
0xe6: {  	_ =	swait.ge [sflag:s9], $0x800  }
0xe7: {  	[sflag:s9] =	ssyncset.done $0x0  }
0xe8: {  	[sflag:s9] =	ssyncadd.s32 $0xFFFFF800  }
0xe9: {  	_ =	swait.ge [sflag:s30], $0x800  }
0xea: {  	[sflag:s30] =	ssyncset.done $0x0  }
0xeb: {  	s10 =	sadd.s32 $0x2B00, s2;
	[sflag:s30] =	ssyncadd.s32 $0xFFFFF800  }
0xec: {  	[spmem:s4] =	stream.indirect.scatter.add.f32 [tilespmem:s20], [sflag:$0x9], $0x10, s10, s13, $0xb8;
	[tilespmem:$0xB800] =	vst v63  }
0xed: {  	_ =	swait.ge [sflag:s9], $0x800  }
0xee: {  	[sflag:s9] =	ssyncset.done $0x0  }
0xef: {  	[sflag:s9] =	ssyncadd.s32 $0xFFFFF800  }
0xf0: {  	_ =	swait.ge [sflag:s31], $0x800  }
0xf1: {  	[sflag:s31] =	ssyncset.done $0x0  }
0xf2: {  	s2 =	sadd.s32 $0x2B80, s2;
	[sflag:s31] =	ssyncadd.s32 $0xFFFFF800  }
0xf3: {  	[spmem:s4] =	stream.indirect.scatter.add.f32 [tilespmem:s21], [sflag:$0x9], $0x10, s2, s13, $0xb8;
	[tilespmem:$0xB800] =	vst v63  }
0xf4: {  	_ =	swait.ge [sflag:s9], $0x800  }
0xf5: {  	[sflag:s9] =	ssyncset.done $0x0  }
0xf6: {  	s1 =	sadd.s32 $0x1, s1;
	[sflag:s9] =	ssyncadd.s32 $0xFFFFF800  }
0xf7: {  	p0 =	sne.s32 s1, s8;
	[bflag:$0x0] =	sbarrier.arrive $0xFFFF  }
0xf8: {  	[hbm:s24], [sflag:s11] =	dma.local [spmem:s12], $0x500  }
.Ltmp1:
0xf9: {  	_ =	swait.ge [sflag:s9], $0x500;
	(pc) =	sbr.rel @p0 .LBB2_1-.Ltmp1, $3  }
0xfa: {  	[sflag:s9] =	ssyncset.done $0x0  }
0xfb: {  	[sflag:s9] =	ssyncadd.s32 $0xFFFFFB00  }
0xfc: {  	[bflag:$0x0] =	sbarrier.arrive $0xFFFF;
	_ =	sdelay $0x1  }
0xfd: {  	_ =	sfence.sel $0x180000  }
0xfe: {  	[bflag:$0x0] =	sbarrier.arrive $0xFFFF  }
0xff: {  	_ =	strace $0x90000047  }
0x100: {  	s0 =	stileid.u32;
	[bflag:$0x2] =	sbarrier.arrive $0xFFFF  }
0x101: {  	p0 =	sne.s32 s0, $0x0;
	s0 =	rddreg [dreg:$0x4]  }
0x102: {  	s0 =	sadd.s32 @!p0 $0x100000, s0  }
0x103: {  	[sflag:s0] =	ssyncadd.tile.s32 @!p0 $0x1;
	_ =	shalt  }
.Lfunc_end2:
_tile_overlayer_lowered:
.L_overlay_start_2:
0x104: {  	(tag) =	ssettag $0x2  }
0x105: {  	s0 =	rddreg [dreg:$0x0];
	s2 =	stileid.u32  }
0x106: {  	s1 =	rddreg [dreg:$0x1];
	p0 =	sne.s32 s2, $0x0  }
0x107: {  	s3 =	rddreg [dreg:$0x2];
	[bflag:$0x3] =	sbarrier.arrive $0xFFFF;
	s2 =	simm.s32 @!p0 $0x1C09  }
0x108: {  	[timem:s3], [sflag:s2] =	dma.local @!p0 [hbm:s0], s1  }
0x109: {  	s0 =	simm.s32 @!p0 $0x9  }
0x10a: {  	_ =	swait.ge @!p0 [sflag:s0], s1  }
0x10b: {  	s1 =	ssub.s32 @!p0 $0x0, s1;
	[sflag:s0] =	ssyncset.done @!p0 $0x0  }
0x10c: {  	[sflag:s0] =	ssyncadd.s32 @!p0 s1  }
0x10d: {  	[bflag:$0x3] =	sbarrier.arrive $0xFFFF  }
0x10e: {  	_ =	shalt  }

// kernel: kernel.13.cloned.1.call-start
scs
__scs_entry_jumppad:
0x0: {  	(pc) =	sbr.rel $0x88, $3  }
0x1: {  	(tag) =	ssettag $0x0;
	lr =	simm.s32 $0x1  }
0x2: {  	[smem:$0x3F89] =	sst lr;
	_ =	strace $0xD0000000  }
0x3: {  	_ = 	snop  }
0x4: {  	_ = 	snop  }
0x5: {  	_ = 	snop  }
0x6: {  	_ = 	snop  }
0x7: {  	_ = 	snop  }
__scs_overlays_trampoline_lowered:
0x8: {  	[smem:$0x3F98] =	sst s0  }
0x9: {  	[smem:$0x3F99] =	sst s1  }
0xa: {  	[smem:$0x3F9A] =	sst s2  }
0xb: {  	[smem:$0x3F9B] =	sst s3  }
0xc: {  	[smem:$0x3F9C] =	sst s4  }
0xd: {  	[smem:$0x3F9D] =	sst s5  }
0xe: {  	[smem:$0x3F9E] =	sst s6  }
0xf: {  	[smem:$0x3F9F] =	sst s7  }
0x10: {  	[smem:$0x3FA0] =	sst s8  }
0x11: {  	[smem:$0x3FA1] =	sst s9;
	s0 =	simm.s32 @!p0 $0x0  }
0x12: {  	s1 =	sld [smem:$0x3F87];
	s0 =	simm.s32 @p0 $0x1  }
0x13: {  	[smem:$0x3FA2] =	sst s0;
	s0 =	simm.s32 @!p1 $0x0  }
0x14: {  	s2 =	sld [smem:$0x3F86];
	s0 =	simm.s32 @p1 $0x1  }
0x15: {  	[smem:$0x3FA3] =	sst s0;
	s0 =	simm.s32 @!p2 $0x0  }
0x16: {  	s3 =	sld [smem:$0x3FDB];
	s0 =	simm.s32 @p2 $0x1  }
0x17: {  	s4 =	simm.s32 $0x1BF5;
	[smem:$0x3FA5] =	sst s0  }
0x18: {  	s0 =	sld [smem:$0x3F88];
	_ =	swait.ge [sflag:s4], $0x0  }
0x19: {  	s7 =	sld [smem:$0x3F89]  }
0x1a: {  	s8 =	sadd.s32 $0xFFFFE003, lr  }
0x1b: {  	s9 =	sadd.s32 $0xFFFFFEF7, lr;
	s5 =	simm.s32 $0xFFFFFFFF;
	p2 =	slt.u32 s8, $0xFFFFF086  }
0x1c: {  	p1 =	slt.u32 s9, $0xF7A;
	s5 =	simm.s32 @!p2 $0x0  }
0x1d: {  	s5 =	simm.s32 @p1 $0x1;
	p0 =	seq.s32 s7, s2  }
0x1e: {  	s7 =	smul.u32 @!p0 $0xF7A, s2;
	p2 =	seq.s32 @!p0 s5, $0x0  }
0x1f: {  	s9 =	smul.u32 $0xF7A, s1;
	s8 =	simm.s32 @!p0 $0x1BF5;
	p2 =	por !p2, p0  }
0x20: {  	[sflag:s8] =	ssyncset.s32 @!p0 $0xFFFFF086;
	s6 =	sadd.s32 @!p0 s3, s7;
	s7 =	simm.s32 @!p0 $0x108  }
0x21: {  	s3 =	sadd.s32 s3, s9;
	s6 =	sadd.s32 @!p0 $0x88, s6;
	s7 =	simm.s32 @p2 $0x1082  }
0x22: {  	[simem:s7], [sflag:s8] =	dma.local @!p0 [hbm:s6], $0xF7A  }
0x23: {  	s9 =	sor.u32 $0xD0000000, s2;
	s6 =	simm.s32 $0x108;
	_ =	swait.ge @!p0 [sflag:s8], $0x0  }
0x24: {  	s3 =	sadd.s32 $0x88, s3;
	s6 =	simm.s32 @!p1 $0x1082;
	[sflag:s4] =	ssyncset.s32 $0xFFFFF086  }
0x25: {  	[simem:s6], [sflag:s4] =	dma.local [hbm:s3], $0xF7A  }
0x26: {  	[smem:$0x3F89] =	sst s1;
	(tag) =	ssettag s2;
	_ =	strace s9  }
0x27: {  	s1 =	sld [smem:$0x3F99]  }
0x28: {  	s2 =	sld [smem:$0x3F9A]  }
0x29: {  	s4 =	sld [smem:$0x3F9C]  }
0x2a: {  	p0 =	seq.s32 s5, $0x0;
	s5 =	sld [smem:$0x3F9D]  }
0x2b: {  	s6 =	sld [smem:$0x3F9E]  }
0x2c: {  	s7 =	sld [smem:$0x3F9F]  }
0x2d: {  	s3 =	simm.s32 $0x108;
	s8 =	sld [smem:$0x3FA0]  }
0x2e: {  	s3 =	simm.s32 @!p0 $0x1082;
	s9 =	sld [smem:$0x3FA1]  }
0x2f: {  	lr =	sadd.s32 s0, s3;
	s0 =	sld [smem:$0x3F98]  }
0x30: {  	s3 =	sld [smem:$0x3F9B]  }
0x31: {  	[smem:$0x3FA4] =	sst s10  }
0x32: {  	s10 =	sld [smem:$0x3FA2];
	_ =	sdelay $0x3  }
0x33: {  	p0 =	seq.s32 s10, $0x1;
	s10 =	sld [smem:$0x3FA4];
	_ =	sdelay $0x3  }
0x34: {  	[smem:$0x3FA4] =	sst s10  }
0x35: {  	s10 =	sld [smem:$0x3FA3];
	_ =	sdelay $0x3  }
0x36: {  	p1 =	seq.s32 s10, $0x1;
	s10 =	sld [smem:$0x3FA4];
	_ =	sdelay $0x3  }
0x37: {  	[smem:$0x3FA4] =	sst s10  }
0x38: {  	s10 =	sld [smem:$0x3FA5]  }
0x39: {  	_ = 	snop;
	(pc) =	sbr.ind lr, $3  }
0x3a: {  	_ = 	snop  }
0x3b: {  	_ = 	snop  }
0x3c: {  	p2 =	seq.s32 s10, $0x1;
	s10 =	sld [smem:$0x3FA4]  }
0x3d: {  	_ =	shalt  }
0x3e: {  	_ =	shalt  }
0x3f: {  	_ =	shalt  }
0x40: {  	_ =	shalt  }
0x41: {  	_ =	shalt  }
0x42: {  	_ =	shalt  }
0x43: {  	_ =	shalt  }
0x44: {  	_ =	shalt  }
0x45: {  	_ =	shalt  }
0x46: {  	_ =	shalt  }
0x47: {  	_ =	shalt  }
0x48: {  	_ =	shalt  }
0x49: {  	_ =	shalt  }
0x4a: {  	_ =	shalt  }
0x4b: {  	_ =	shalt  }
0x4c: {  	_ =	shalt  }
0x4d: {  	_ =	shalt  }
0x4e: {  	_ =	shalt  }
0x4f: {  	_ =	shalt  }
0x50: {  	_ =	shalt  }
0x51: {  	_ =	shalt  }
0x52: {  	_ =	shalt  }
0x53: {  	_ =	shalt  }
0x54: {  	_ =	shalt  }
0x55: {  	_ =	shalt  }
0x56: {  	_ =	shalt  }
0x57: {  	_ =	shalt  }
0x58: {  	_ =	shalt  }
0x59: {  	_ =	shalt  }
0x5a: {  	_ =	shalt  }
0x5b: {  	_ =	shalt  }
0x5c: {  	_ =	shalt  }
0x5d: {  	_ =	shalt  }
0x5e: {  	_ =	shalt  }
0x5f: {  	_ =	shalt  }
0x60: {  	_ =	shalt  }
0x61: {  	_ =	shalt  }
0x62: {  	_ =	shalt  }
0x63: {  	_ =	shalt  }
0x64: {  	_ =	shalt  }
0x65: {  	_ =	shalt  }
0x66: {  	_ =	shalt  }
0x67: {  	_ =	shalt  }
0x68: {  	_ =	shalt  }
0x69: {  	_ =	shalt  }
0x6a: {  	_ =	shalt  }
0x6b: {  	_ =	shalt  }
0x6c: {  	_ =	shalt  }
0x6d: {  	_ =	shalt  }
0x6e: {  	_ =	shalt  }
0x6f: {  	_ =	shalt  }
0x70: {  	_ =	shalt  }
0x71: {  	_ =	shalt  }
0x72: {  	_ =	shalt  }
0x73: {  	_ =	shalt  }
0x74: {  	_ =	shalt  }
0x75: {  	_ =	shalt  }
0x76: {  	_ =	shalt  }
0x77: {  	_ =	shalt  }
0x78: {  	_ =	shalt  }
0x79: {  	_ =	shalt  }
0x7a: {  	_ =	shalt  }
0x7b: {  	_ =	shalt  }
0x7c: {  	_ =	shalt  }
0x7d: {  	_ =	shalt  }
0x7e: {  	_ =	shalt  }
0x7f: {  	_ =	shalt  }
0x80: {  	_ =	shalt  }
0x81: {  	_ =	shalt  }
0x82: {  	_ =	shalt  }
0x83: {  	_ =	shalt  }
0x84: {  	_ =	shalt  }
0x85: {  	_ =	shalt  }
0x86: {  	_ =	shalt  }
0x87: {  	_ =	shalt  }
.Lfunc_end0:
.L_simem_size_0:
called_computation.1_lowered:
.L_overlay_start_0:
0x88: {  	s2 =	sld [smem:$0x3FD9]  }
0x89: {  	s3 =	sld [smem:$0x3FFE];
	_ =	sdelay $0x1  }
0x8a: {  	s1 =	srdreg.scid  }
0x8b: {  	s0 =	sand.u32 $0x1, s1  }
0x8c: {  	s14 =	sshll.u32 s0, $0xA;
	s2 =	sadd.s32 s3, s2  }
0x8d: {  	s2 =	sadd.s32 s2, s14  }
0x8e: {  	[smem:$0x3FB0] =	sst s2  }
0x8f: {  	_ = 	snop  }
0x90: {  	s2 =	sld [smem:$0x3FD0];
	_ =	sdelay $0x2  }
0x91: {  	s15 =	simm.s32 $0xA;
	s4 =	simm.s32 $0x10  }
0x92: {  	[smem:s4], [sflag:s15] =	dma.local [hbm:s2], $0x1  }
0x93: {  	_ =	swait.eq [sflag:s15], $0x1  }
0x94: {  	[sflag:s15] =	ssyncset.done $0x0  }
0x95: {  	[sflag:s15] =	ssyncadd.s32 $0xFFFFFFFF  }
0x96: {  	s16 =	sld [smem:$0x11];
	(tm) =	ssettm $0x1  }
0x97: {  	s17 =	sld [smem:$0x3FFB];
	_ =	sdelay $0x3  }
0x98: {  	_ =	strace s17  }
0x99: {  	s3 =	sld [smem:$0x3FFC];
	_ =	sdelay $0x3  }
0x9a: {  	_ =	strace s3  }
0x9b: {  	s3 =	sld [smem:$0x3FFD];
	_ =	sdelay $0x3  }
0x9c: {  	_ =	strace s3  }
0x9d: {  	_ =	strace $0x8FFFFFFF  }
0x9e: {  	s18 =	sld [smem:$0x3FDB];
	_ =	sdelay $0x1  }
0x9f: {  	s19 =	simm.s32 $_scs_section_size  }
0xa0: {  	s5 =	simm.s32 $_size__tile_overlayer_lowered;
	s6 =	simm.s32 $_tile_overlayer_lowered  }
0xa1: {  	s22 =	simm.s32 $0x1BFF;
	s21 =	sshll.u32 s6, $0x1;
	s3 =	sadd.s32 s19, s18  }
0xa2: {  	s7 =	simm.s32 $0x0;
	s20 =	sshll.u32 s5, $0x1;
	s5 =	sadd.s32 s21, s3  }
0xa3: {  	[timem:s7], [sflag:s22] =	dma.local [hbm:s5], s20  }
0xa4: {  	_ =	swait.ge [sflag:s22], s20  }
0xa5: {  	s4 =	ssub.s32 $0x0, s20;
	[sflag:s22] =	ssyncset.done $0x0  }
0xa6: {  	[sflag:s22] =	ssyncadd.s32 s4;
	_ =	sdelay $0x1  }
0xa7: {  	s23 =	simm.s32 $0x1B8B  }
0xa8: {  	_ =	swait.ge [sflag:s23], $0x1  }
0xa9: {  	[sflag:s23] =	ssyncset.done $0x0  }
0xaa: {  	s25 =	simm.s32 $0x1B8E;
	s24 =	sld [smem:$0x3FFE];
	[sflag:s23] =	ssyncadd.s32 $0xFFFFFFFF  }
0xab: {  	s26 =	simm.s32 $execute0_lowered;
	[smem:$0x3FD2] =	sst s25  }
0xac: {  	s5 =	sshll.u32 s26, $0x1;
	_ =	strace $0x80000049;
	[dreg:$0x1] =	wrdreg $0xFFFFFFFF  }
0xad: {  	s28 =	simm.s32 $_size_execute0_lowered;
	s3 =	sadd.s32 s3, s5;
	[dreg:$0x0] =	wrdreg $0x0  }
0xae: {  	s5 =	sshll.u32 s28, $0x1;
	[dreg:$0x2] =	wrdreg s3  }
0xaf: {  	[dreg:$0x3] =	wrdreg s5  }
0xb0: {  	[dreg:$0x4] =	wrdreg $0xC0  }
0xb1: {  	_ =	task [dreg:s7], $0x5FFFF  }
0xb2: {  	[dreg:$0x1] =	wrdreg $0xFFFFFFFF  }
0xb3: {  	[dreg:$0x0] =	wrdreg $0x60  }
0xb4: {  	[dreg:$0x2] =	wrdreg s24  }
0xb5: {  	[dreg:$0x3] =	wrdreg s16  }
0xb6: {  	[dreg:$0x4] =	wrdreg $0x150000  }
0xb7: {  	[dreg:$0x5] =	wrdreg $0x9  }
0xb8: {  	_ =	task.clear_ibuf [dreg:s7], $0x6FFFF;
	_ =	strace $0x90000049  }
0xb9: {  	s29 =	simm.s32 $0x9;
	_ =	strace $0x8000004B  }
0xba: {  	_ =	swait.ge [sflag:s29], $0x1  }
0xbb: {  	[sflag:s29] =	ssyncadd.s32 $0xFFFFFFFF  }
0xbc: {  	_ =	strace $0x9000004B  }
0xbd: {  	_ =	sfence  }
0xbe: {  	s30 =	sld [smem:$0x0];
	_ =	sdelay $0x2  }
0xbf: {  	s31 =	sshll.u32 s1, $0xD;
	s1 =	sshrl.u32 s1, $0x2  }
0xc0: {  	s3 =	sand.u32 $0x4000, s31;
	s1 =	sadd.s32 s1, s30  }
0xc1: {  	s0 =	sor.u32 s3, s0;
	s1 =	sshll.u32 s1, $0x11  }
0xc2: {  	s0 =	sor.u32 s1, s0  }
0xc3: {  	s0 =	sadd.s32 $0x8F2B, s0  }
0xc4: {  	[sflag:s0] =	ssyncadd.remote.s32 $0x1  }
0xc5: {  	_ =	sfence.sel $0xFFFF  }
0xc6: {  	[dreg:$0x0] =	wrdreg $0xFFFFFFFF;
	(pc) =	sbr.abs _section_cstart, $3  }
0xc7: {  	[dreg:$0x1] =	wrdreg $0xFFFFFFFF  }
0xc8: {  	_ =	task.clear_ibuf [dreg:s7], $0x2FFFF;
	_ =	strace $0x9FFFFFFF  }
0xc9: {  	(tm) =	ssettm $0x7FFFFFFF  }
tec
execute0_lowered:
.L_overlay_start_1:
0x0: {  	(tag) =	ssettag $0x1  }
0x1: {  	s0 =	rddreg [dreg:$0x0]  }
0x2: {  	s2 =	rddreg [dreg:$0x2];
	s1 =	srdreg.scid;
	s4 =	simm.s32 $0x0  }
0x3: {  	s10 =	stileid.u32;
	s9 =	simm.s32 $0x9;
	s13 =	simm.s32 $0x80  }
0x4: {  	s14 =	simm.s32 $0x5000;
	s15 =	simm.s32 $0x7000;
	s16 =	simm.s32 $0x9000  }
0x5: {  	s17 =	simm.s32 $0xB000;
	s18 =	simm.s32 $0xD000;
	s19 =	simm.s32 $0xF000  }
0x6: {  	s20 =	simm.s32 $0x11000;
	s21 =	simm.s32 $0x13000;
	s28 =	simm.s32 $0x5  }
0x7: {  	s29 =	simm.s32 $0x6;
	s30 =	simm.s32 $0x7;
	s22 =	smul.u32 $0x2800, s10  }
0x8: {  	s31 =	simm.s32 $0x8;
	s1 =	sand.u32 $0x1, s1;
	s8 =	smul.u32 $0xA000, s10  }
0x9: {  	[smem:$0x7FF] =	sst s4;
	s5 =	sadd.s32 $0x86C00, s0;
	s3 =	smul.u32 $0x50000, s1  }
0xa: {  	s26 =	sshll.u32 s10, $0x6;
	_ =	strace $0x8000004A;
	s23 =	smul.u32 $0x14000, s1  }
0xb: {  	s1 =	ssub.s32 $0x2, s1;
	s11 =	sor.u32 $0x1C09, s26;
	s26 =	simm.s32 $0x4  }
0xc: {  	s6 =	sshrl.u32 s1, $0x1;
	s24 =	sadd.s32 s8, s2;
	s25 =	sshrl.u32 s8, $0x3  }
0xd: {  	s3 =	sadd.s32 s22, s3;
	s1 =	ssub.s32 s1, s6;
	s12 =	sshrl.u32 s24, $0x3  }
0xe: {  	s22 =	simm.s32 $0x1;
	s3 =	sshrl.u32 s3, $0x3;
	s8 =	smax.u32 s1, $0x1  }
0xf: {  	s3 =	sadd.s32 s3, s0;
	s0 =	sadd.s32 s23, s0;
	s23 =	simm.s32 $0x2  }
0x10: {  	s6 =	sadd.s32 $0x4C00, s3;
	s7 =	sadd.s32 $0x18C00, s3;
	s0 =	sadd.s32 $0x9A600, s0  }
0x11: {  	s24 =	sadd.s32 s25, s0;
	s25 =	simm.s32 $0x3;
	s0 =	simm.s32 $0x0  }
.LBB2_1:
0x12: {  	s1 =	simm.s32 $0x0  }
0x13: {  	[tilespmem:s1], [sflag:$0x9] =	stream.linear.gather [hbm4b:s6+s1], $0x2800, $0x38;
	[tilespmem:$0x1F000] =	vst v63  }
0x14: {  	_ =	swait.ge [sflag:s9], $0x2800  }
0x15: {  	[sflag:s9] =	ssyncset.done $0x0  }
0x16: {  	s3 =	simm.s32 $0x2800;
	[sflag:s9] =	ssyncadd.s32 $0xFFFFD800  }
0x17: {  	[tilespmem:s3], [sflag:$0x9] =	stream.linear.gather [hbm4b:s7+s1], $0x2800, $0x38;
	[tilespmem:$0x1F000] =	vst v63  }
0x18: {  	_ =	swait.ge [sflag:s9], $0x2800  }
0x19: {  	[sflag:s9] =	ssyncset.done $0x0  }
0x1a: {  	[sflag:s9] =	ssyncadd.s32 $0xFFFFD800  }
0x1b: {  	s4 =	rddreg [dreg:$0x1]  }
0x1c: {  	[spmem:s12], [sflag:s11] =	dma.local [hbm:s4], $0x1400  }
0x1d: {  	_ =	swait.ge [sflag:s9], $0x1400  }
0x1e: {  	[sflag:s9] =	ssyncset.done $0x0  }
0x1f: {  	[sflag:s9] =	ssyncadd.s32 $0xFFFFEC00  }
0x20: {  	s10 =	simm.s32 $0x0;
	[bflag:$0x0] =	sbarrier.arrive $0xFFFF  }
0x21: {  	[tilespmem:s14], [sflag:$0x1] =	stream.indirect.gather [hbm4b:s5+s13], $0x40, s10, s13, $0xb8;
	[tilespmem:$0x1F000] =	vst v63  }
0x22: {  	s3 =	simm.s32 $0x80  }
0x23: {  	[tilespmem:s15], [sflag:$0x2] =	stream.indirect.gather [hbm4b:s5+s13], $0x40, s3, s13, $0xb8;
	[tilespmem:$0x1F000] =	vst v63  }
0x24: {  	s4 =	simm.s32 $0x100  }
0x25: {  	[tilespmem:s16], [sflag:$0x3] =	stream.indirect.gather [hbm4b:s5+s13], $0x40, s4, s13, $0xb8;
	[tilespmem:$0x1F000] =	vst v63  }
0x26: {  	s10 =	simm.s32 $0x180  }
0x27: {  	[tilespmem:s17], [sflag:$0x4] =	stream.indirect.gather [hbm4b:s5+s13], $0x40, s10, s13, $0xb8;
	[tilespmem:$0x1F000] =	vst v63  }
0x28: {  	s3 =	simm.s32 $0x200  }
0x29: {  	[tilespmem:s18], [sflag:$0x5] =	stream.indirect.gather [hbm4b:s5+s13], $0x40, s3, s13, $0xb8;
	[tilespmem:$0x1F000] =	vst v63  }
0x2a: {  	s4 =	simm.s32 $0x280  }
0x2b: {  	[tilespmem:s19], [sflag:$0x6] =	stream.indirect.gather [hbm4b:s5+s13], $0x40, s4, s13, $0xb8;
	[tilespmem:$0x1F000] =	vst v63  }
0x2c: {  	s10 =	simm.s32 $0x300  }
0x2d: {  	[tilespmem:s20], [sflag:$0x7] =	stream.indirect.gather [hbm4b:s5+s13], $0x40, s10, s13, $0xb8;
	[tilespmem:$0x1F000] =	vst v63  }
0x2e: {  	s3 =	simm.s32 $0x380  }
0x2f: {  	[tilespmem:s21], [sflag:$0x8] =	stream.indirect.gather [hbm4b:s5+s13], $0x40, s3, s13, $0xb8;
	[tilespmem:$0x1F000] =	vst v63  }
0x30: {  	_ =	swait.ge [sflag:s22], $0x2000  }
0x31: {  	[sflag:s22] =	ssyncset.done $0x0  }
0x32: {  	s4 =	simm.s32 $0x2800;
	[sflag:s22] =	ssyncadd.s32 $0xFFFFE000  }
0x33: {  	[spmem:s2] =	stream.indirect.scatter.add.f32 [tilespmem:s14], [sflag:$0x9], $0x40, s4, s13, $0xb8;
	[tilespmem:$0x1F000] =	vst v63  }
0x34: {  	_ =	swait.ge [sflag:s9], $0x2000  }
0x35: {  	[sflag:s9] =	ssyncset.done $0x0  }
0x36: {  	[sflag:s9] =	ssyncadd.s32 $0xFFFFE000  }
0x37: {  	_ =	swait.ge [sflag:s23], $0x2000  }
0x38: {  	[sflag:s23] =	ssyncset.done $0x0  }
0x39: {  	s10 =	simm.s32 $0x2880;
	[sflag:s23] =	ssyncadd.s32 $0xFFFFE000  }
0x3a: {  	[spmem:s2] =	stream.indirect.scatter.add.f32 [tilespmem:s15], [sflag:$0x9], $0x40, s10, s13, $0xb8;
	[tilespmem:$0x1F000] =	vst v63  }
0x3b: {  	_ =	swait.ge [sflag:s9], $0x2000  }
0x3c: {  	[sflag:s9] =	ssyncset.done $0x0  }
0x3d: {  	[sflag:s9] =	ssyncadd.s32 $0xFFFFE000  }
0x3e: {  	_ =	swait.ge [sflag:s25], $0x2000  }
0x3f: {  	[sflag:s25] =	ssyncset.done $0x0  }
0x40: {  	s3 =	simm.s32 $0x2900;
	[sflag:s25] =	ssyncadd.s32 $0xFFFFE000  }
0x41: {  	[spmem:s2] =	stream.indirect.scatter.add.f32 [tilespmem:s16], [sflag:$0x9], $0x40, s3, s13, $0xb8;
	[tilespmem:$0x1F000] =	vst v63  }
0x42: {  	_ =	swait.ge [sflag:s9], $0x2000  }
0x43: {  	[sflag:s9] =	ssyncset.done $0x0  }
0x44: {  	[sflag:s9] =	ssyncadd.s32 $0xFFFFE000  }
0x45: {  	_ =	swait.ge [sflag:s26], $0x2000  }
0x46: {  	[sflag:s26] =	ssyncset.done $0x0  }
0x47: {  	s4 =	simm.s32 $0x2980;
	[sflag:s26] =	ssyncadd.s32 $0xFFFFE000  }
0x48: {  	[spmem:s2] =	stream.indirect.scatter.add.f32 [tilespmem:s17], [sflag:$0x9], $0x40, s4, s13, $0xb8;
	[tilespmem:$0x1F000] =	vst v63  }
0x49: {  	_ =	swait.ge [sflag:s9], $0x2000  }
0x4a: {  	[sflag:s9] =	ssyncset.done $0x0  }
0x4b: {  	[sflag:s9] =	ssyncadd.s32 $0xFFFFE000  }
0x4c: {  	_ =	swait.ge [sflag:s28], $0x2000  }
0x4d: {  	[sflag:s28] =	ssyncset.done $0x0  }
0x4e: {  	s10 =	simm.s32 $0x2A00;
	[sflag:s28] =	ssyncadd.s32 $0xFFFFE000  }
0x4f: {  	[spmem:s2] =	stream.indirect.scatter.add.f32 [tilespmem:s18], [sflag:$0x9], $0x40, s10, s13, $0xb8;
	[tilespmem:$0x1F000] =	vst v63  }
0x50: {  	_ =	swait.ge [sflag:s9], $0x2000  }
0x51: {  	[sflag:s9] =	ssyncset.done $0x0  }
0x52: {  	[sflag:s9] =	ssyncadd.s32 $0xFFFFE000  }
0x53: {  	_ =	swait.ge [sflag:s29], $0x2000  }
0x54: {  	[sflag:s29] =	ssyncset.done $0x0  }
0x55: {  	s3 =	simm.s32 $0x2A80;
	[sflag:s29] =	ssyncadd.s32 $0xFFFFE000  }
0x56: {  	[spmem:s2] =	stream.indirect.scatter.add.f32 [tilespmem:s19], [sflag:$0x9], $0x40, s3, s13, $0xb8;
	[tilespmem:$0x1F000] =	vst v63  }
0x57: {  	_ =	swait.ge [sflag:s9], $0x2000  }
0x58: {  	[sflag:s9] =	ssyncset.done $0x0  }
0x59: {  	[sflag:s9] =	ssyncadd.s32 $0xFFFFE000  }
0x5a: {  	_ =	swait.ge [sflag:s30], $0x2000  }
0x5b: {  	[sflag:s30] =	ssyncset.done $0x0  }
0x5c: {  	s4 =	simm.s32 $0x2B00;
	[sflag:s30] =	ssyncadd.s32 $0xFFFFE000  }
0x5d: {  	[spmem:s2] =	stream.indirect.scatter.add.f32 [tilespmem:s20], [sflag:$0x9], $0x40, s4, s13, $0xb8;
	[tilespmem:$0x1F000] =	vst v63  }
0x5e: {  	_ =	swait.ge [sflag:s9], $0x2000  }
0x5f: {  	[sflag:s9] =	ssyncset.done $0x0  }
0x60: {  	[sflag:s9] =	ssyncadd.s32 $0xFFFFE000  }
0x61: {  	_ =	swait.ge [sflag:s31], $0x2000  }
0x62: {  	[sflag:s31] =	ssyncset.done $0x0  }
0x63: {  	s10 =	simm.s32 $0x2B80;
	[sflag:s31] =	ssyncadd.s32 $0xFFFFE000  }
0x64: {  	[spmem:s2] =	stream.indirect.scatter.add.f32 [tilespmem:s21], [sflag:$0x9], $0x40, s10, s13, $0xb8;
	[tilespmem:$0x1F000] =	vst v63  }
0x65: {  	_ =	swait.ge [sflag:s9], $0x2000  }
0x66: {  	s1 =	simm.s32 $0x2000;
	s3 =	simm.s32 $0x1000;
	[sflag:s9] =	ssyncset.done $0x0  }
.LBB2_2:
0x67: {  	s10 =	sshra.s32 s3, $0x2  }
0x68: {  	[sflag:s9] =	ssyncadd.s32 $0xFFFFE000;
	s3 =	smov.u32 s1;
	s4 =	sadd.s32 $0x1000, s1  }
0x69: {  	[tilespmem:s14], [sflag:$0x1] =	stream.indirect.gather [hbm4b:s5+s13], $0x40, s10, s13, $0xb8;
	[tilespmem:$0x1F000] =	vst v63  }
0x6a: {  	p0 =	sne.s32 s1, $0x9000;
	s1 =	sadd.s32 $0x80, s10  }
0x6b: {  	[tilespmem:s15], [sflag:$0x2] =	stream.indirect.gather [hbm4b:s5+s13], $0x40, s1, s13, $0xb8;
	[tilespmem:$0x1F000] =	vst v63  }
0x6c: {  	s1 =	sadd.s32 $0x100, s10  }
0x6d: {  	[tilespmem:s16], [sflag:$0x3] =	stream.indirect.gather [hbm4b:s5+s13], $0x40, s1, s13, $0xb8;
	[tilespmem:$0x1F000] =	vst v63  }
0x6e: {  	s1 =	sadd.s32 $0x180, s10  }
0x6f: {  	[tilespmem:s17], [sflag:$0x4] =	stream.indirect.gather [hbm4b:s5+s13], $0x40, s1, s13, $0xb8;
	[tilespmem:$0x1F000] =	vst v63  }
0x70: {  	s1 =	sadd.s32 $0x200, s10  }
0x71: {  	[tilespmem:s18], [sflag:$0x5] =	stream.indirect.gather [hbm4b:s5+s13], $0x40, s1, s13, $0xb8;
	[tilespmem:$0x1F000] =	vst v63  }
0x72: {  	s1 =	sadd.s32 $0x280, s10  }
0x73: {  	[tilespmem:s19], [sflag:$0x6] =	stream.indirect.gather [hbm4b:s5+s13], $0x40, s1, s13, $0xb8;
	[tilespmem:$0x1F000] =	vst v63  }
0x74: {  	s1 =	sadd.s32 $0x300, s10  }
0x75: {  	[tilespmem:s20], [sflag:$0x7] =	stream.indirect.gather [hbm4b:s5+s13], $0x40, s1, s13, $0xb8;
	[tilespmem:$0x1F000] =	vst v63  }
0x76: {  	s1 =	sadd.s32 $0x380, s10  }
0x77: {  	[tilespmem:s21], [sflag:$0x8] =	stream.indirect.gather [hbm4b:s5+s13], $0x40, s1, s13, $0xb8;
	[tilespmem:$0x1F000] =	vst v63  }
0x78: {  	_ =	swait.ge [sflag:s22], $0x2000  }
0x79: {  	[sflag:s22] =	ssyncset.done $0x0  }
0x7a: {  	s1 =	sadd.s32 $0x2800, s10;
	[sflag:s22] =	ssyncadd.s32 $0xFFFFE000  }
0x7b: {  	[spmem:s2] =	stream.indirect.scatter.add.f32 [tilespmem:s14], [sflag:$0x9], $0x40, s1, s13, $0xb8;
	[tilespmem:$0x1F000] =	vst v63  }
0x7c: {  	_ =	swait.ge [sflag:s9], $0x2000  }
0x7d: {  	[sflag:s9] =	ssyncset.done $0x0  }
0x7e: {  	[sflag:s9] =	ssyncadd.s32 $0xFFFFE000  }
0x7f: {  	_ =	swait.ge [sflag:s23], $0x2000  }
0x80: {  	[sflag:s23] =	ssyncset.done $0x0  }
0x81: {  	s1 =	sadd.s32 $0x2880, s10;
	[sflag:s23] =	ssyncadd.s32 $0xFFFFE000  }
0x82: {  	[spmem:s2] =	stream.indirect.scatter.add.f32 [tilespmem:s15], [sflag:$0x9], $0x40, s1, s13, $0xb8;
	[tilespmem:$0x1F000] =	vst v63  }
0x83: {  	_ =	swait.ge [sflag:s9], $0x2000  }
0x84: {  	[sflag:s9] =	ssyncset.done $0x0  }
0x85: {  	[sflag:s9] =	ssyncadd.s32 $0xFFFFE000  }
0x86: {  	_ =	swait.ge [sflag:s25], $0x2000  }
0x87: {  	[sflag:s25] =	ssyncset.done $0x0  }
0x88: {  	s1 =	sadd.s32 $0x2900, s10;
	[sflag:s25] =	ssyncadd.s32 $0xFFFFE000  }
0x89: {  	[spmem:s2] =	stream.indirect.scatter.add.f32 [tilespmem:s16], [sflag:$0x9], $0x40, s1, s13, $0xb8;
	[tilespmem:$0x1F000] =	vst v63  }
0x8a: {  	_ =	swait.ge [sflag:s9], $0x2000  }
0x8b: {  	[sflag:s9] =	ssyncset.done $0x0  }
0x8c: {  	[sflag:s9] =	ssyncadd.s32 $0xFFFFE000  }
0x8d: {  	_ =	swait.ge [sflag:s26], $0x2000  }
0x8e: {  	[sflag:s26] =	ssyncset.done $0x0  }
0x8f: {  	s1 =	sadd.s32 $0x2980, s10;
	[sflag:s26] =	ssyncadd.s32 $0xFFFFE000  }
0x90: {  	[spmem:s2] =	stream.indirect.scatter.add.f32 [tilespmem:s17], [sflag:$0x9], $0x40, s1, s13, $0xb8;
	[tilespmem:$0x1F000] =	vst v63  }
0x91: {  	_ =	swait.ge [sflag:s9], $0x2000  }
0x92: {  	[sflag:s9] =	ssyncset.done $0x0  }
0x93: {  	[sflag:s9] =	ssyncadd.s32 $0xFFFFE000  }
0x94: {  	_ =	swait.ge [sflag:s28], $0x2000  }
0x95: {  	[sflag:s28] =	ssyncset.done $0x0  }
0x96: {  	s1 =	sadd.s32 $0x2A00, s10;
	[sflag:s28] =	ssyncadd.s32 $0xFFFFE000  }
0x97: {  	[spmem:s2] =	stream.indirect.scatter.add.f32 [tilespmem:s18], [sflag:$0x9], $0x40, s1, s13, $0xb8;
	[tilespmem:$0x1F000] =	vst v63  }
0x98: {  	_ =	swait.ge [sflag:s9], $0x2000  }
0x99: {  	[sflag:s9] =	ssyncset.done $0x0  }
0x9a: {  	[sflag:s9] =	ssyncadd.s32 $0xFFFFE000  }
0x9b: {  	_ =	swait.ge [sflag:s29], $0x2000  }
0x9c: {  	[sflag:s29] =	ssyncset.done $0x0  }
0x9d: {  	s1 =	sadd.s32 $0x2A80, s10;
	[sflag:s29] =	ssyncadd.s32 $0xFFFFE000  }
0x9e: {  	[spmem:s2] =	stream.indirect.scatter.add.f32 [tilespmem:s19], [sflag:$0x9], $0x40, s1, s13, $0xb8;
	[tilespmem:$0x1F000] =	vst v63  }
0x9f: {  	_ =	swait.ge [sflag:s9], $0x2000  }
0xa0: {  	[sflag:s9] =	ssyncset.done $0x0  }
0xa1: {  	[sflag:s9] =	ssyncadd.s32 $0xFFFFE000  }
0xa2: {  	_ =	swait.ge [sflag:s30], $0x2000  }
0xa3: {  	[sflag:s30] =	ssyncset.done $0x0  }
0xa4: {  	s1 =	sadd.s32 $0x2B00, s10;
	[sflag:s30] =	ssyncadd.s32 $0xFFFFE000  }
0xa5: {  	[spmem:s2] =	stream.indirect.scatter.add.f32 [tilespmem:s20], [sflag:$0x9], $0x40, s1, s13, $0xb8;
	[tilespmem:$0x1F000] =	vst v63  }
0xa6: {  	_ =	swait.ge [sflag:s9], $0x2000  }
0xa7: {  	[sflag:s9] =	ssyncset.done $0x0  }
0xa8: {  	[sflag:s9] =	ssyncadd.s32 $0xFFFFE000  }
0xa9: {  	_ =	swait.ge [sflag:s31], $0x2000  }
.Ltmp0:
0xaa: {  	[sflag:s31] =	ssyncset.done $0x0;
	(pc) =	sbr.rel @p0 .LBB2_2-.Ltmp0, $4  }
0xab: {  	s1 =	sadd.s32 $0x2B80, s10;
	[sflag:s31] =	ssyncadd.s32 $0xFFFFE000  }
0xac: {  	[spmem:s2] =	stream.indirect.scatter.add.f32 [tilespmem:s21], [sflag:$0x9], $0x40, s1, s13, $0xb8;
	[tilespmem:$0x1F000] =	vst v63  }
0xad: {  	_ =	swait.ge [sflag:s9], $0x2000  }
0xae: {  	s1 =	smov.u32 s4;
	[sflag:s9] =	ssyncset.done $0x0  }
0xaf: {  	s1 =	sshra.s32 s3, $0x2;
	[sflag:s9] =	ssyncadd.s32 $0xFFFFE000  }
0xb0: {  	[tilespmem:s14], [sflag:$0x1] =	stream.indirect.gather [hbm4b:s5+s13], $0x40, s1, s13, $0xb8;
	[tilespmem:$0x1F000] =	vst v63  }
0xb1: {  	s3 =	sadd.s32 $0x80, s1  }
0xb2: {  	[tilespmem:s15], [sflag:$0x2] =	stream.indirect.gather [hbm4b:s5+s13], $0x40, s3, s13, $0xb8;
	[tilespmem:$0x1F000] =	vst v63  }
0xb3: {  	s10 =	sadd.s32 $0x100, s1  }
0xb4: {  	[tilespmem:s16], [sflag:$0x3] =	stream.indirect.gather [hbm4b:s5+s13], $0x40, s10, s13, $0xb8;
	[tilespmem:$0x1F000] =	vst v63  }
0xb5: {  	s4 =	sadd.s32 $0x180, s1  }
0xb6: {  	[tilespmem:s17], [sflag:$0x4] =	stream.indirect.gather [hbm4b:s5+s13], $0x40, s4, s13, $0xb8;
	[tilespmem:$0x1F000] =	vst v63  }
0xb7: {  	s10 =	sadd.s32 $0x200, s1  }
0xb8: {  	[tilespmem:s18], [sflag:$0x5] =	stream.indirect.gather [hbm4b:s5+s13], $0x40, s10, s13, $0xb8;
	[tilespmem:$0x1F000] =	vst v63  }
0xb9: {  	s4 =	sadd.s32 $0x280, s1  }
0xba: {  	[tilespmem:s19], [sflag:$0x6] =	stream.indirect.gather [hbm4b:s5+s13], $0x40, s4, s13, $0xb8;
	[tilespmem:$0x1F000] =	vst v63  }
0xbb: {  	s10 =	sadd.s32 $0x300, s1  }
0xbc: {  	[tilespmem:s20], [sflag:$0x7] =	stream.indirect.gather [hbm4b:s5+s13], $0x40, s10, s13, $0xb8;
	[tilespmem:$0x1F000] =	vst v63  }
0xbd: {  	s4 =	sadd.s32 $0x380, s1  }
0xbe: {  	[tilespmem:s21], [sflag:$0x8] =	stream.indirect.gather [hbm4b:s5+s13], $0x40, s4, s13, $0xb8;
	[tilespmem:$0x1F000] =	vst v63  }
0xbf: {  	_ =	swait.ge [sflag:s22], $0x2000  }
0xc0: {  	[sflag:s22] =	ssyncset.done $0x0  }
0xc1: {  	s10 =	sadd.s32 $0x2800, s1;
	[sflag:s22] =	ssyncadd.s32 $0xFFFFE000  }
0xc2: {  	[spmem:s2] =	stream.indirect.scatter.add.f32 [tilespmem:s14], [sflag:$0x9], $0x40, s10, s13, $0xb8;
	[tilespmem:$0x1F000] =	vst v63  }
0xc3: {  	_ =	swait.ge [sflag:s9], $0x2000  }
0xc4: {  	[sflag:s9] =	ssyncset.done $0x0  }
0xc5: {  	[sflag:s9] =	ssyncadd.s32 $0xFFFFE000  }
0xc6: {  	_ =	swait.ge [sflag:s23], $0x2000  }
0xc7: {  	[sflag:s23] =	ssyncset.done $0x0  }
0xc8: {  	s4 =	sadd.s32 $0x2880, s1;
	[sflag:s23] =	ssyncadd.s32 $0xFFFFE000  }
0xc9: {  	[spmem:s2] =	stream.indirect.scatter.add.f32 [tilespmem:s15], [sflag:$0x9], $0x40, s4, s13, $0xb8;
	[tilespmem:$0x1F000] =	vst v63  }
0xca: {  	_ =	swait.ge [sflag:s9], $0x2000  }
0xcb: {  	[sflag:s9] =	ssyncset.done $0x0  }
0xcc: {  	[sflag:s9] =	ssyncadd.s32 $0xFFFFE000  }
0xcd: {  	_ =	swait.ge [sflag:s25], $0x2000  }
0xce: {  	[sflag:s25] =	ssyncset.done $0x0  }
0xcf: {  	s10 =	sadd.s32 $0x2900, s1;
	[sflag:s25] =	ssyncadd.s32 $0xFFFFE000  }
0xd0: {  	[spmem:s2] =	stream.indirect.scatter.add.f32 [tilespmem:s16], [sflag:$0x9], $0x40, s10, s13, $0xb8;
	[tilespmem:$0x1F000] =	vst v63  }
0xd1: {  	_ =	swait.ge [sflag:s9], $0x2000  }
0xd2: {  	[sflag:s9] =	ssyncset.done $0x0  }
0xd3: {  	[sflag:s9] =	ssyncadd.s32 $0xFFFFE000  }
0xd4: {  	_ =	swait.ge [sflag:s26], $0x2000  }
0xd5: {  	[sflag:s26] =	ssyncset.done $0x0  }
0xd6: {  	s4 =	sadd.s32 $0x2980, s1;
	[sflag:s26] =	ssyncadd.s32 $0xFFFFE000  }
0xd7: {  	[spmem:s2] =	stream.indirect.scatter.add.f32 [tilespmem:s17], [sflag:$0x9], $0x40, s4, s13, $0xb8;
	[tilespmem:$0x1F000] =	vst v63  }
0xd8: {  	_ =	swait.ge [sflag:s9], $0x2000  }
0xd9: {  	[sflag:s9] =	ssyncset.done $0x0  }
0xda: {  	[sflag:s9] =	ssyncadd.s32 $0xFFFFE000  }
0xdb: {  	_ =	swait.ge [sflag:s28], $0x2000  }
0xdc: {  	[sflag:s28] =	ssyncset.done $0x0  }
0xdd: {  	s10 =	sadd.s32 $0x2A00, s1;
	[sflag:s28] =	ssyncadd.s32 $0xFFFFE000  }
0xde: {  	[spmem:s2] =	stream.indirect.scatter.add.f32 [tilespmem:s18], [sflag:$0x9], $0x40, s10, s13, $0xb8;
	[tilespmem:$0x1F000] =	vst v63  }
0xdf: {  	_ =	swait.ge [sflag:s9], $0x2000  }
0xe0: {  	[sflag:s9] =	ssyncset.done $0x0  }
0xe1: {  	[sflag:s9] =	ssyncadd.s32 $0xFFFFE000  }
0xe2: {  	_ =	swait.ge [sflag:s29], $0x2000  }
0xe3: {  	[sflag:s29] =	ssyncset.done $0x0  }
0xe4: {  	s4 =	sadd.s32 $0x2A80, s1;
	[sflag:s29] =	ssyncadd.s32 $0xFFFFE000  }
0xe5: {  	[spmem:s2] =	stream.indirect.scatter.add.f32 [tilespmem:s19], [sflag:$0x9], $0x40, s4, s13, $0xb8;
	[tilespmem:$0x1F000] =	vst v63  }
0xe6: {  	_ =	swait.ge [sflag:s9], $0x2000  }
0xe7: {  	[sflag:s9] =	ssyncset.done $0x0  }
0xe8: {  	[sflag:s9] =	ssyncadd.s32 $0xFFFFE000  }
0xe9: {  	_ =	swait.ge [sflag:s30], $0x2000  }
0xea: {  	[sflag:s30] =	ssyncset.done $0x0  }
0xeb: {  	s10 =	sadd.s32 $0x2B00, s1;
	[sflag:s30] =	ssyncadd.s32 $0xFFFFE000  }
0xec: {  	[spmem:s2] =	stream.indirect.scatter.add.f32 [tilespmem:s20], [sflag:$0x9], $0x40, s10, s13, $0xb8;
	[tilespmem:$0x1F000] =	vst v63  }
0xed: {  	_ =	swait.ge [sflag:s9], $0x2000  }
0xee: {  	[sflag:s9] =	ssyncset.done $0x0  }
0xef: {  	[sflag:s9] =	ssyncadd.s32 $0xFFFFE000  }
0xf0: {  	_ =	swait.ge [sflag:s31], $0x2000  }
0xf1: {  	[sflag:s31] =	ssyncset.done $0x0  }
0xf2: {  	s1 =	sadd.s32 $0x2B80, s1;
	[sflag:s31] =	ssyncadd.s32 $0xFFFFE000  }
0xf3: {  	[spmem:s2] =	stream.indirect.scatter.add.f32 [tilespmem:s21], [sflag:$0x9], $0x40, s1, s13, $0xb8;
	[tilespmem:$0x1F000] =	vst v63  }
0xf4: {  	_ =	swait.ge [sflag:s9], $0x2000  }
0xf5: {  	[sflag:s9] =	ssyncset.done $0x0  }
0xf6: {  	s0 =	sadd.s32 $0x1, s0;
	[sflag:s9] =	ssyncadd.s32 $0xFFFFE000  }
0xf7: {  	p0 =	sne.s32 s0, s8;
	[bflag:$0x0] =	sbarrier.arrive $0xFFFF  }
0xf8: {  	[hbm:s24], [sflag:s11] =	dma.local [spmem:s12], $0x1400  }
.Ltmp1:
0xf9: {  	_ =	swait.ge [sflag:s9], $0x1400;
	(pc) =	sbr.rel @p0 .LBB2_1-.Ltmp1, $3  }
0xfa: {  	[sflag:s9] =	ssyncset.done $0x0  }
0xfb: {  	[sflag:s9] =	ssyncadd.s32 $0xFFFFEC00  }
0xfc: {  	[bflag:$0x0] =	sbarrier.arrive $0xFFFF;
	_ =	sdelay $0x1  }
0xfd: {  	_ =	sfence.sel $0x180000  }
0xfe: {  	[bflag:$0x0] =	sbarrier.arrive $0xFFFF  }
0xff: {  	_ =	strace $0x9000004A  }
0x100: {  	s0 =	stileid.u32;
	[bflag:$0x2] =	sbarrier.arrive $0xFFFF  }
0x101: {  	p0 =	sne.s32 s0, $0x0;
	s0 =	rddreg [dreg:$0x3]  }
0x102: {  	s0 =	sadd.s32 @!p0 $0x100000, s0  }
0x103: {  	[sflag:s0] =	ssyncadd.tile.s32 @!p0 $0x1;
	_ =	shalt  }
.Lfunc_end2:
_tile_overlayer_lowered:
.L_overlay_start_2:
0x104: {  	(tag) =	ssettag $0x2  }
0x105: {  	s0 =	rddreg [dreg:$0x0];
	s2 =	stileid.u32  }
0x106: {  	s1 =	rddreg [dreg:$0x1];
	p0 =	sne.s32 s2, $0x0  }
0x107: {  	s3 =	rddreg [dreg:$0x2];
	[bflag:$0x3] =	sbarrier.arrive $0xFFFF;
	s2 =	simm.s32 @!p0 $0x1C09  }
0x108: {  	[timem:s3], [sflag:s2] =	dma.local @!p0 [hbm:s0], s1  }
0x109: {  	s0 =	simm.s32 @!p0 $0x9  }
0x10a: {  	_ =	swait.ge @!p0 [sflag:s0], s1  }
0x10b: {  	s1 =	ssub.s32 @!p0 $0x0, s1;
	[sflag:s0] =	ssyncset.done @!p0 $0x0  }
0x10c: {  	[sflag:s0] =	ssyncadd.s32 @!p0 s1  }
0x10d: {  	[bflag:$0x3] =	sbarrier.arrive $0xFFFF  }
0x10e: {  	_ =	shalt  }

// kernel: kernel.16.cloned.1.call-start
scs
__scs_entry_jumppad:
0x0: {  	(pc) =	sbr.rel $0x88, $3  }
0x1: {  	(tag) =	ssettag $0x0;
	lr =	simm.s32 $0x1  }
0x2: {  	[smem:$0x3F89] =	sst lr;
	_ =	strace $0xD0000000  }
0x3: {  	_ = 	snop  }
0x4: {  	_ = 	snop  }
0x5: {  	_ = 	snop  }
0x6: {  	_ = 	snop  }
0x7: {  	_ = 	snop  }
__scs_overlays_trampoline_lowered:
0x8: {  	[smem:$0x3F98] =	sst s0  }
0x9: {  	[smem:$0x3F99] =	sst s1  }
0xa: {  	[smem:$0x3F9A] =	sst s2  }
0xb: {  	[smem:$0x3F9B] =	sst s3  }
0xc: {  	[smem:$0x3F9C] =	sst s4  }
0xd: {  	[smem:$0x3F9D] =	sst s5  }
0xe: {  	[smem:$0x3F9E] =	sst s6  }
0xf: {  	[smem:$0x3F9F] =	sst s7  }
0x10: {  	[smem:$0x3FA0] =	sst s8  }
0x11: {  	[smem:$0x3FA1] =	sst s9;
	s0 =	simm.s32 @!p0 $0x0  }
0x12: {  	s1 =	sld [smem:$0x3F87];
	s0 =	simm.s32 @p0 $0x1  }
0x13: {  	[smem:$0x3FA2] =	sst s0;
	s0 =	simm.s32 @!p1 $0x0  }
0x14: {  	s2 =	sld [smem:$0x3F86];
	s0 =	simm.s32 @p1 $0x1  }
0x15: {  	[smem:$0x3FA3] =	sst s0;
	s0 =	simm.s32 @!p2 $0x0  }
0x16: {  	s3 =	sld [smem:$0x3FDB];
	s0 =	simm.s32 @p2 $0x1  }
0x17: {  	s4 =	simm.s32 $0x1BF5;
	[smem:$0x3FA5] =	sst s0  }
0x18: {  	s0 =	sld [smem:$0x3F88];
	_ =	swait.ge [sflag:s4], $0x0  }
0x19: {  	s7 =	sld [smem:$0x3F89]  }
0x1a: {  	s8 =	sadd.s32 $0xFFFFE003, lr  }
0x1b: {  	s9 =	sadd.s32 $0xFFFFFEF7, lr;
	s5 =	simm.s32 $0xFFFFFFFF;
	p2 =	slt.u32 s8, $0xFFFFF086  }
0x1c: {  	p1 =	slt.u32 s9, $0xF7A;
	s5 =	simm.s32 @!p2 $0x0  }
0x1d: {  	s5 =	simm.s32 @p1 $0x1;
	p0 =	seq.s32 s7, s2  }
0x1e: {  	s7 =	smul.u32 @!p0 $0xF7A, s2;
	p2 =	seq.s32 @!p0 s5, $0x0  }
0x1f: {  	s9 =	smul.u32 $0xF7A, s1;
	s8 =	simm.s32 @!p0 $0x1BF5;
	p2 =	por !p2, p0  }
0x20: {  	[sflag:s8] =	ssyncset.s32 @!p0 $0xFFFFF086;
	s6 =	sadd.s32 @!p0 s3, s7;
	s7 =	simm.s32 @!p0 $0x108  }
0x21: {  	s3 =	sadd.s32 s3, s9;
	s6 =	sadd.s32 @!p0 $0x88, s6;
	s7 =	simm.s32 @p2 $0x1082  }
0x22: {  	[simem:s7], [sflag:s8] =	dma.local @!p0 [hbm:s6], $0xF7A  }
0x23: {  	s9 =	sor.u32 $0xD0000000, s2;
	s6 =	simm.s32 $0x108;
	_ =	swait.ge @!p0 [sflag:s8], $0x0  }
0x24: {  	s3 =	sadd.s32 $0x88, s3;
	s6 =	simm.s32 @!p1 $0x1082;
	[sflag:s4] =	ssyncset.s32 $0xFFFFF086  }
0x25: {  	[simem:s6], [sflag:s4] =	dma.local [hbm:s3], $0xF7A  }
0x26: {  	[smem:$0x3F89] =	sst s1;
	(tag) =	ssettag s2;
	_ =	strace s9  }
0x27: {  	s1 =	sld [smem:$0x3F99]  }
0x28: {  	s2 =	sld [smem:$0x3F9A]  }
0x29: {  	s4 =	sld [smem:$0x3F9C]  }
0x2a: {  	p0 =	seq.s32 s5, $0x0;
	s5 =	sld [smem:$0x3F9D]  }
0x2b: {  	s6 =	sld [smem:$0x3F9E]  }
0x2c: {  	s7 =	sld [smem:$0x3F9F]  }
0x2d: {  	s3 =	simm.s32 $0x108;
	s8 =	sld [smem:$0x3FA0]  }
0x2e: {  	s3 =	simm.s32 @!p0 $0x1082;
	s9 =	sld [smem:$0x3FA1]  }
0x2f: {  	lr =	sadd.s32 s0, s3;
	s0 =	sld [smem:$0x3F98]  }
0x30: {  	s3 =	sld [smem:$0x3F9B]  }
0x31: {  	[smem:$0x3FA4] =	sst s10  }
0x32: {  	s10 =	sld [smem:$0x3FA2];
	_ =	sdelay $0x3  }
0x33: {  	p0 =	seq.s32 s10, $0x1;
	s10 =	sld [smem:$0x3FA4];
	_ =	sdelay $0x3  }
0x34: {  	[smem:$0x3FA4] =	sst s10  }
0x35: {  	s10 =	sld [smem:$0x3FA3];
	_ =	sdelay $0x3  }
0x36: {  	p1 =	seq.s32 s10, $0x1;
	s10 =	sld [smem:$0x3FA4];
	_ =	sdelay $0x3  }
0x37: {  	[smem:$0x3FA4] =	sst s10  }
0x38: {  	s10 =	sld [smem:$0x3FA5]  }
0x39: {  	_ = 	snop;
	(pc) =	sbr.ind lr, $3  }
0x3a: {  	_ = 	snop  }
0x3b: {  	_ = 	snop  }
0x3c: {  	p2 =	seq.s32 s10, $0x1;
	s10 =	sld [smem:$0x3FA4]  }
0x3d: {  	_ =	shalt  }
0x3e: {  	_ =	shalt  }
0x3f: {  	_ =	shalt  }
0x40: {  	_ =	shalt  }
0x41: {  	_ =	shalt  }
0x42: {  	_ =	shalt  }
0x43: {  	_ =	shalt  }
0x44: {  	_ =	shalt  }
0x45: {  	_ =	shalt  }
0x46: {  	_ =	shalt  }
0x47: {  	_ =	shalt  }
0x48: {  	_ =	shalt  }
0x49: {  	_ =	shalt  }
0x4a: {  	_ =	shalt  }
0x4b: {  	_ =	shalt  }
0x4c: {  	_ =	shalt  }
0x4d: {  	_ =	shalt  }
0x4e: {  	_ =	shalt  }
0x4f: {  	_ =	shalt  }
0x50: {  	_ =	shalt  }
0x51: {  	_ =	shalt  }
0x52: {  	_ =	shalt  }
0x53: {  	_ =	shalt  }
0x54: {  	_ =	shalt  }
0x55: {  	_ =	shalt  }
0x56: {  	_ =	shalt  }
0x57: {  	_ =	shalt  }
0x58: {  	_ =	shalt  }
0x59: {  	_ =	shalt  }
0x5a: {  	_ =	shalt  }
0x5b: {  	_ =	shalt  }
0x5c: {  	_ =	shalt  }
0x5d: {  	_ =	shalt  }
0x5e: {  	_ =	shalt  }
0x5f: {  	_ =	shalt  }
0x60: {  	_ =	shalt  }
0x61: {  	_ =	shalt  }
0x62: {  	_ =	shalt  }
0x63: {  	_ =	shalt  }
0x64: {  	_ =	shalt  }
0x65: {  	_ =	shalt  }
0x66: {  	_ =	shalt  }
0x67: {  	_ =	shalt  }
0x68: {  	_ =	shalt  }
0x69: {  	_ =	shalt  }
0x6a: {  	_ =	shalt  }
0x6b: {  	_ =	shalt  }
0x6c: {  	_ =	shalt  }
0x6d: {  	_ =	shalt  }
0x6e: {  	_ =	shalt  }
0x6f: {  	_ =	shalt  }
0x70: {  	_ =	shalt  }
0x71: {  	_ =	shalt  }
0x72: {  	_ =	shalt  }
0x73: {  	_ =	shalt  }
0x74: {  	_ =	shalt  }
0x75: {  	_ =	shalt  }
0x76: {  	_ =	shalt  }
0x77: {  	_ =	shalt  }
0x78: {  	_ =	shalt  }
0x79: {  	_ =	shalt  }
0x7a: {  	_ =	shalt  }
0x7b: {  	_ =	shalt  }
0x7c: {  	_ =	shalt  }
0x7d: {  	_ =	shalt  }
0x7e: {  	_ =	shalt  }
0x7f: {  	_ =	shalt  }
0x80: {  	_ =	shalt  }
0x81: {  	_ =	shalt  }
0x82: {  	_ =	shalt  }
0x83: {  	_ =	shalt  }
0x84: {  	_ =	shalt  }
0x85: {  	_ =	shalt  }
0x86: {  	_ =	shalt  }
0x87: {  	_ =	shalt  }
.Lfunc_end0:
.L_simem_size_0:
called_computation.2_lowered:
.L_overlay_start_0:
0x88: {  	s2 =	sld [smem:$0x3FD9]  }
0x89: {  	s3 =	sld [smem:$0x3FFE];
	_ =	sdelay $0x1  }
0x8a: {  	s1 =	srdreg.scid  }
0x8b: {  	s0 =	sand.u32 $0x1, s1  }
0x8c: {  	s14 =	sshll.u32 s0, $0xA;
	s2 =	sadd.s32 s3, s2  }
0x8d: {  	s2 =	sadd.s32 s2, s14  }
0x8e: {  	[smem:$0x3FB0] =	sst s2  }
0x8f: {  	_ = 	snop  }
0x90: {  	s2 =	sld [smem:$0x3FD0];
	_ =	sdelay $0x2  }
0x91: {  	s15 =	simm.s32 $0xA;
	s4 =	simm.s32 $0x10  }
0x92: {  	[smem:s4], [sflag:s15] =	dma.local [hbm:s2], $0x1  }
0x93: {  	_ =	swait.eq [sflag:s15], $0x1  }
0x94: {  	[sflag:s15] =	ssyncset.done $0x0  }
0x95: {  	[sflag:s15] =	ssyncadd.s32 $0xFFFFFFFF  }
0x96: {  	s16 =	sld [smem:$0x11];
	(tm) =	ssettm $0x1  }
0x97: {  	s17 =	sld [smem:$0x3FFB];
	_ =	sdelay $0x3  }
0x98: {  	_ =	strace s17  }
0x99: {  	s3 =	sld [smem:$0x3FFC];
	_ =	sdelay $0x3  }
0x9a: {  	_ =	strace s3  }
0x9b: {  	s3 =	sld [smem:$0x3FFD];
	_ =	sdelay $0x3  }
0x9c: {  	_ =	strace s3  }
0x9d: {  	_ =	strace $0x8FFFFFFF  }
0x9e: {  	s18 =	sld [smem:$0x3FDB];
	_ =	sdelay $0x1  }
0x9f: {  	s19 =	simm.s32 $_scs_section_size  }
0xa0: {  	s5 =	simm.s32 $_size__tile_overlayer_lowered;
	s6 =	simm.s32 $_tile_overlayer_lowered  }
0xa1: {  	s22 =	simm.s32 $0x1BFF;
	s21 =	sshll.u32 s6, $0x1;
	s3 =	sadd.s32 s19, s18  }
0xa2: {  	s7 =	simm.s32 $0x0;
	s20 =	sshll.u32 s5, $0x1;
	s5 =	sadd.s32 s21, s3  }
0xa3: {  	[timem:s7], [sflag:s22] =	dma.local [hbm:s5], s20  }
0xa4: {  	_ =	swait.ge [sflag:s22], s20  }
0xa5: {  	s4 =	ssub.s32 $0x0, s20;
	[sflag:s22] =	ssyncset.done $0x0  }
0xa6: {  	[sflag:s22] =	ssyncadd.s32 s4;
	_ =	sdelay $0x1  }
0xa7: {  	s23 =	simm.s32 $0x1B8B  }
0xa8: {  	_ =	swait.ge [sflag:s23], $0x1  }
0xa9: {  	[sflag:s23] =	ssyncset.done $0x0  }
0xaa: {  	s25 =	simm.s32 $0x1B8E;
	s24 =	sld [smem:$0x3FFE];
	[sflag:s23] =	ssyncadd.s32 $0xFFFFFFFF  }
0xab: {  	s26 =	simm.s32 $execute0_lowered;
	[smem:$0x3FD2] =	sst s25  }
0xac: {  	s5 =	sshll.u32 s26, $0x1;
	_ =	strace $0x8000004C;
	[dreg:$0x1] =	wrdreg $0xFFFFFFFF  }
0xad: {  	s28 =	simm.s32 $_size_execute0_lowered;
	s3 =	sadd.s32 s3, s5;
	[dreg:$0x0] =	wrdreg $0x0  }
0xae: {  	s5 =	sshll.u32 s28, $0x1;
	[dreg:$0x2] =	wrdreg s3  }
0xaf: {  	[dreg:$0x3] =	wrdreg s5  }
0xb0: {  	[dreg:$0x4] =	wrdreg $0xC0  }
0xb1: {  	_ =	task [dreg:s7], $0x5FFFF  }
0xb2: {  	[dreg:$0x1] =	wrdreg $0xFFFFFFFF  }
0xb3: {  	[dreg:$0x0] =	wrdreg $0x60  }
0xb4: {  	[dreg:$0x2] =	wrdreg s24  }
0xb5: {  	[dreg:$0x3] =	wrdreg s16  }
0xb6: {  	[dreg:$0x4] =	wrdreg $0xB0000  }
0xb7: {  	[dreg:$0x5] =	wrdreg $0x9  }
0xb8: {  	_ =	task.clear_ibuf [dreg:s7], $0x6FFFF;
	_ =	strace $0x9000004C  }
0xb9: {  	s29 =	simm.s32 $0x9;
	_ =	strace $0x8000004E  }
0xba: {  	_ =	swait.ge [sflag:s29], $0x1  }
0xbb: {  	[sflag:s29] =	ssyncadd.s32 $0xFFFFFFFF  }
0xbc: {  	_ =	strace $0x9000004E  }
0xbd: {  	_ =	sfence  }
0xbe: {  	s30 =	sld [smem:$0x0];
	_ =	sdelay $0x2  }
0xbf: {  	s31 =	sshll.u32 s1, $0xD;
	s1 =	sshrl.u32 s1, $0x2  }
0xc0: {  	s3 =	sand.u32 $0x4000, s31;
	s1 =	sadd.s32 s1, s30  }
0xc1: {  	s0 =	sor.u32 s3, s0;
	s1 =	sshll.u32 s1, $0x11  }
0xc2: {  	s0 =	sor.u32 s1, s0  }
0xc3: {  	s0 =	sadd.s32 $0x8F2B, s0  }
0xc4: {  	[sflag:s0] =	ssyncadd.remote.s32 $0x1  }
0xc5: {  	_ =	sfence.sel $0xFFFF  }
0xc6: {  	[dreg:$0x0] =	wrdreg $0xFFFFFFFF;
	(pc) =	sbr.abs _section_cstart, $3  }
0xc7: {  	[dreg:$0x1] =	wrdreg $0xFFFFFFFF  }
0xc8: {  	_ =	task.clear_ibuf [dreg:s7], $0x2FFFF;
	_ =	strace $0x9FFFFFFF  }
0xc9: {  	(tm) =	ssettm $0x7FFFFFFF  }
tec
execute0_lowered:
.L_overlay_start_1:
0x0: {  	(tag) =	ssettag $0x1  }
0x1: {  	s6 =	rddreg [dreg:$0x0]  }
0x2: {  	s2 =	rddreg [dreg:$0x1]  }
0x3: {  	s3 =	rddreg [dreg:$0x2]  }
0x4: {  	s0 =	srdreg.scid;
	s1 =	rddreg [dreg:$0x3];
	s4 =	simm.s32 $0x0  }
0x5: {  	s13 =	simm.s32 $0x40;
	s14 =	simm.s32 $0x5000;
	s15 =	simm.s32 $0x7000  }
0x6: {  	s16 =	simm.s32 $0x9000;
	s17 =	simm.s32 $0x1;
	s7 =	sand.u32 $0x1, s0  }
0x7: {  	s18 =	simm.s32 $0x2;
	s0 =	stileid.u32;
	s5 =	smul.u32 $0x50000, s7  }
0x8: {  	s19 =	simm.s32 $0x3;
	[smem:$0x7FF] =	sst s4;
	s8 =	smul.u32 $0x2800, s0  }
0x9: {  	_ =	strace $0x8000004D;
	s9 =	smul.u32 $0x28000, s7;
	s7 =	ssub.s32 $0x2, s7  }
0xa: {  	s10 =	smul.u32 $0x14000, s0;
	s31 =	sshll.u32 s0, $0x6;
	s30 =	sshrl.u32 s7, $0x1  }
0xb: {  	s5 =	sadd.s32 s8, s5;
	s9 =	sadd.s32 s9, s6;
	s11 =	ssub.s32 s7, s30  }
0xc: {  	s12 =	sadd.s32 s10, s3;
	s21 =	sshrl.u32 s10, $0x3;
	s10 =	simm.s32 $0x2800  }
0xd: {  	s8 =	sshrl.u32 s5, $0x3;
	s5 =	sadd.s32 $0x4C00, s6;
	s20 =	sadd.s32 $0xEA600, s9  }
0xe: {  	s9 =	simm.s32 $0x4;
	s12 =	sshrl.u32 s12, $0x3;
	s8 =	sadd.s32 s8, s6  }
0xf: {  	s20 =	sadd.s32 s21, s20;
	s21 =	simm.s32 $0x0;
	s6 =	sadd.s32 $0xC2600, s8  }
0x10: {  	s7 =	sadd.s32 $0xD6600, s8;
	s8 =	smax.u32 s11, $0x1;
	s11 =	sor.u32 $0x1C04, s31  }
.LBB2_1:
0x11: {  	[tilespmem:s4], [sflag:$0x4] =	stream.linear.gather [hbm4b:s6+s4], $0x2800, $0x38;
	[tilespmem:$0x1F000] =	vst v63  }
0x12: {  	_ =	swait.ge [sflag:s9], $0x2800  }
0x13: {  	[sflag:s9] =	ssyncset.done $0x0  }
0x14: {  	[sflag:s9] =	ssyncadd.s32 $0xFFFFD800  }
0x15: {  	[tilespmem:s10], [sflag:$0x4] =	stream.linear.gather [hbm4b:s7+s4], $0x2800, $0x38;
	[tilespmem:$0x1F000] =	vst v63  }
0x16: {  	_ =	swait.ge [sflag:s9], $0x2800  }
0x17: {  	[sflag:s9] =	ssyncset.done $0x0  }
0x18: {  	[sflag:s9] =	ssyncadd.s32 $0xFFFFD800  }
0x19: {  	[spmem:s12], [sflag:s11] =	dma.local [hbm:s2], $0x2800  }
0x1a: {  	_ =	swait.ge [sflag:s9], $0x2800  }
0x1b: {  	[sflag:s9] =	ssyncset.done $0x0  }
0x1c: {  	[sflag:s9] =	ssyncadd.s32 $0xFFFFD800  }
0x1d: {  	s22 =	simm.s32 $0x0;
	[bflag:$0x0] =	sbarrier.arrive $0xFFFF  }
0x1e: {  	[tilespmem:s14], [sflag:$0x1] =	stream.indirect.gather [hbm4b:s5+s13], $0x80, s22, s13, $0xb8;
	[tilespmem:$0x1F000] =	vst v63  }
0x1f: {  	s26 =	simm.s32 $0x40  }
0x20: {  	[tilespmem:s15], [sflag:$0x2] =	stream.indirect.gather [hbm4b:s5+s13], $0x80, s26, s13, $0xb8;
	[tilespmem:$0x1F000] =	vst v63  }
0x21: {  	s28 =	simm.s32 $0x80  }
0x22: {  	[tilespmem:s16], [sflag:$0x3] =	stream.indirect.gather [hbm4b:s5+s13], $0x80, s28, s13, $0xb8;
	[tilespmem:$0x1F000] =	vst v63  }
0x23: {  	_ =	swait.ge [sflag:s17], $0x2000  }
0x24: {  	[sflag:s17] =	ssyncset.done $0x0  }
0x25: {  	s29 =	simm.s32 $0x2800;
	[sflag:s17] =	ssyncadd.s32 $0xFFFFE000  }
0x26: {  	[spmem:s3] =	stream.indirect.scatter.add.f32 [tilespmem:s14], [sflag:$0x4], $0x80, s29, s13, $0xb8;
	[tilespmem:$0x1F000] =	vst v63  }
0x27: {  	_ =	swait.ge [sflag:s9], $0x2000  }
0x28: {  	[sflag:s9] =	ssyncset.done $0x0  }
0x29: {  	[sflag:s9] =	ssyncadd.s32 $0xFFFFE000  }
0x2a: {  	_ =	swait.ge [sflag:s18], $0x2000  }
0x2b: {  	[sflag:s18] =	ssyncset.done $0x0  }
0x2c: {  	s30 =	simm.s32 $0x2840;
	[sflag:s18] =	ssyncadd.s32 $0xFFFFE000  }
0x2d: {  	[spmem:s3] =	stream.indirect.scatter.add.f32 [tilespmem:s15], [sflag:$0x4], $0x80, s30, s13, $0xb8;
	[tilespmem:$0x1F000] =	vst v63  }
0x2e: {  	_ =	swait.ge [sflag:s9], $0x2000  }
0x2f: {  	[sflag:s9] =	ssyncset.done $0x0  }
0x30: {  	[sflag:s9] =	ssyncadd.s32 $0xFFFFE000  }
0x31: {  	_ =	swait.ge [sflag:s19], $0x2000  }
0x32: {  	[sflag:s19] =	ssyncset.done $0x0  }
0x33: {  	s31 =	simm.s32 $0x2880;
	[sflag:s19] =	ssyncadd.s32 $0xFFFFE000  }
0x34: {  	[spmem:s3] =	stream.indirect.scatter.add.f32 [tilespmem:s16], [sflag:$0x4], $0x80, s31, s13, $0xb8;
	[tilespmem:$0x1F000] =	vst v63  }
0x35: {  	_ =	swait.ge [sflag:s9], $0x2000  }
0x36: {  	s23 =	simm.s32 $0x600;
	s22 =	simm.s32 $0x300;
	[sflag:s9] =	ssyncset.done $0x0  }
.LBB2_2:
0x37: {  	s24 =	sshra.s32 s22, $0x2  }
0x38: {  	[sflag:s9] =	ssyncadd.s32 $0xFFFFE000;
	s22 =	smov.u32 s23;
	s25 =	sadd.s32 $0x300, s23  }
0x39: {  	[tilespmem:s14], [sflag:$0x1] =	stream.indirect.gather [hbm4b:s5+s13], $0x80, s24, s13, $0xb8;
	[tilespmem:$0x1F000] =	vst v63  }
0x3a: {  	p0 =	sne.s32 s23, $0x9C00;
	s23 =	sadd.s32 $0x40, s24  }
0x3b: {  	[tilespmem:s15], [sflag:$0x2] =	stream.indirect.gather [hbm4b:s5+s13], $0x80, s23, s13, $0xb8;
	[tilespmem:$0x1F000] =	vst v63  }
0x3c: {  	s23 =	sadd.s32 $0x80, s24  }
0x3d: {  	[tilespmem:s16], [sflag:$0x3] =	stream.indirect.gather [hbm4b:s5+s13], $0x80, s23, s13, $0xb8;
	[tilespmem:$0x1F000] =	vst v63  }
0x3e: {  	_ =	swait.ge [sflag:s17], $0x2000  }
0x3f: {  	[sflag:s17] =	ssyncset.done $0x0  }
0x40: {  	s23 =	sadd.s32 $0x2800, s24;
	[sflag:s17] =	ssyncadd.s32 $0xFFFFE000  }
0x41: {  	[spmem:s3] =	stream.indirect.scatter.add.f32 [tilespmem:s14], [sflag:$0x4], $0x80, s23, s13, $0xb8;
	[tilespmem:$0x1F000] =	vst v63  }
0x42: {  	_ =	swait.ge [sflag:s9], $0x2000  }
0x43: {  	[sflag:s9] =	ssyncset.done $0x0  }
0x44: {  	[sflag:s9] =	ssyncadd.s32 $0xFFFFE000  }
0x45: {  	_ =	swait.ge [sflag:s18], $0x2000  }
0x46: {  	[sflag:s18] =	ssyncset.done $0x0  }
0x47: {  	s23 =	sadd.s32 $0x2840, s24;
	[sflag:s18] =	ssyncadd.s32 $0xFFFFE000  }
0x48: {  	[spmem:s3] =	stream.indirect.scatter.add.f32 [tilespmem:s15], [sflag:$0x4], $0x80, s23, s13, $0xb8;
	[tilespmem:$0x1F000] =	vst v63  }
0x49: {  	_ =	swait.ge [sflag:s9], $0x2000  }
0x4a: {  	[sflag:s9] =	ssyncset.done $0x0  }
0x4b: {  	[sflag:s9] =	ssyncadd.s32 $0xFFFFE000  }
0x4c: {  	_ =	swait.ge [sflag:s19], $0x2000  }
.Ltmp0:
0x4d: {  	[sflag:s19] =	ssyncset.done $0x0;
	(pc) =	sbr.rel @p0 .LBB2_2-.Ltmp0, $4  }
0x4e: {  	s23 =	sadd.s32 $0x2880, s24;
	[sflag:s19] =	ssyncadd.s32 $0xFFFFE000  }
0x4f: {  	[spmem:s3] =	stream.indirect.scatter.add.f32 [tilespmem:s16], [sflag:$0x4], $0x80, s23, s13, $0xb8;
	[tilespmem:$0x1F000] =	vst v63  }
0x50: {  	_ =	swait.ge [sflag:s9], $0x2000  }
0x51: {  	s23 =	smov.u32 s25;
	[sflag:s9] =	ssyncset.done $0x0  }
0x52: {  	s22 =	sshra.s32 s22, $0x2;
	[sflag:s9] =	ssyncadd.s32 $0xFFFFE000  }
0x53: {  	[tilespmem:s14], [sflag:$0x1] =	stream.indirect.gather [hbm4b:s5+s13], $0x80, s22, s13, $0xb8;
	[tilespmem:$0x1F000] =	vst v63  }
0x54: {  	s23 =	sadd.s32 $0x40, s22  }
0x55: {  	[tilespmem:s15], [sflag:$0x2] =	stream.indirect.gather [hbm4b:s5+s13], $0x80, s23, s13, $0xb8;
	[tilespmem:$0x1F000] =	vst v63  }
0x56: {  	s29 =	sadd.s32 $0x80, s22  }
0x57: {  	[tilespmem:s16], [sflag:$0x3] =	stream.indirect.gather [hbm4b:s5+s13], $0x80, s29, s13, $0xb8;
	[tilespmem:$0x1F000] =	vst v63  }
0x58: {  	_ =	swait.ge [sflag:s17], $0x2000  }
0x59: {  	[sflag:s17] =	ssyncset.done $0x0  }
0x5a: {  	s30 =	sadd.s32 $0x2800, s22;
	[sflag:s17] =	ssyncadd.s32 $0xFFFFE000  }
0x5b: {  	[spmem:s3] =	stream.indirect.scatter.add.f32 [tilespmem:s14], [sflag:$0x4], $0x80, s30, s13, $0xb8;
	[tilespmem:$0x1F000] =	vst v63  }
0x5c: {  	_ =	swait.ge [sflag:s9], $0x2000  }
0x5d: {  	[sflag:s9] =	ssyncset.done $0x0  }
0x5e: {  	[sflag:s9] =	ssyncadd.s32 $0xFFFFE000  }
0x5f: {  	_ =	swait.ge [sflag:s18], $0x2000  }
0x60: {  	[sflag:s18] =	ssyncset.done $0x0  }
0x61: {  	s31 =	sadd.s32 $0x2840, s22;
	[sflag:s18] =	ssyncadd.s32 $0xFFFFE000  }
0x62: {  	[spmem:s3] =	stream.indirect.scatter.add.f32 [tilespmem:s15], [sflag:$0x4], $0x80, s31, s13, $0xb8;
	[tilespmem:$0x1F000] =	vst v63  }
0x63: {  	_ =	swait.ge [sflag:s9], $0x2000  }
0x64: {  	[sflag:s9] =	ssyncset.done $0x0  }
0x65: {  	[sflag:s9] =	ssyncadd.s32 $0xFFFFE000  }
0x66: {  	_ =	swait.ge [sflag:s19], $0x2000  }
0x67: {  	[sflag:s19] =	ssyncset.done $0x0  }
0x68: {  	s22 =	sadd.s32 $0x2880, s22;
	[sflag:s19] =	ssyncadd.s32 $0xFFFFE000  }
0x69: {  	[spmem:s3] =	stream.indirect.scatter.add.f32 [tilespmem:s16], [sflag:$0x4], $0x80, s22, s13, $0xb8;
	[tilespmem:$0x1F000] =	vst v63  }
0x6a: {  	_ =	swait.ge [sflag:s9], $0x2000  }
0x6b: {  	[sflag:s9] =	ssyncset.done $0x0  }
0x6c: {  	s21 =	sadd.s32 $0x1, s21;
	[sflag:s9] =	ssyncadd.s32 $0xFFFFE000  }
0x6d: {  	p0 =	sne.s32 s21, s8;
	[bflag:$0x0] =	sbarrier.arrive $0xFFFF  }
0x6e: {  	[hbm:s20], [sflag:s11] =	dma.local [spmem:s12], $0x2800  }
.Ltmp1:
0x6f: {  	_ =	swait.ge [sflag:s9], $0x2800;
	(pc) =	sbr.rel @p0 .LBB2_1-.Ltmp1, $3  }
0x70: {  	[sflag:s9] =	ssyncset.done $0x0  }
0x71: {  	[sflag:s9] =	ssyncadd.s32 $0xFFFFD800  }
0x72: {  	[bflag:$0x0] =	sbarrier.arrive $0xFFFF;
	_ =	sdelay $0x1  }
0x73: {  	_ =	sfence.sel $0x180000  }
0x74: {  	[bflag:$0x0] =	sbarrier.arrive $0xFFFF  }
0x75: {  	p0 =	sne.s32 s0, $0x0;
	_ =	strace $0x9000004D  }
0x76: {  	s0 =	sadd.s32 @!p0 $0x100000, s1;
	[bflag:$0x2] =	sbarrier.arrive $0xFFFF  }
0x77: {  	[sflag:s0] =	ssyncadd.tile.s32 @!p0 $0x1;
	_ =	shalt  }
.Lfunc_end2:
_tile_overlayer_lowered:
.L_overlay_start_2:
0x78: {  	(tag) =	ssettag $0x2  }
0x79: {  	s0 =	rddreg [dreg:$0x0];
	s2 =	stileid.u32  }
0x7a: {  	s1 =	rddreg [dreg:$0x1];
	p0 =	sne.s32 s2, $0x0  }
0x7b: {  	s3 =	rddreg [dreg:$0x2];
	[bflag:$0x3] =	sbarrier.arrive $0xFFFF;
	s2 =	simm.s32 @!p0 $0x1C04  }
0x7c: {  	[timem:s3], [sflag:s2] =	dma.local @!p0 [hbm:s0], s1  }
0x7d: {  	s0 =	simm.s32 @!p0 $0x4  }
0x7e: {  	_ =	swait.ge @!p0 [sflag:s0], s1  }
0x7f: {  	s1 =	ssub.s32 @!p0 $0x0, s1;
	[sflag:s0] =	ssyncset.done @!p0 $0x0  }
0x80: {  	[sflag:s0] =	ssyncadd.s32 @!p0 s1  }
0x81: {  	[bflag:$0x3] =	sbarrier.arrive $0xFFFF  }
0x82: {  	_ =	shalt  }

// kernel: kernel.19.cloned.1.call-start
scs
__scs_entry_jumppad:
0x0: {  	(pc) =	sbr.rel $0x88, $3  }
0x1: {  	(tag) =	ssettag $0x0;
	lr =	simm.s32 $0x1  }
0x2: {  	[smem:$0x3F89] =	sst lr;
	_ =	strace $0xD0000000  }
0x3: {  	_ = 	snop  }
0x4: {  	_ = 	snop  }
0x5: {  	_ = 	snop  }
0x6: {  	_ = 	snop  }
0x7: {  	_ = 	snop  }
__scs_overlays_trampoline_lowered:
0x8: {  	[smem:$0x3F98] =	sst s0  }
0x9: {  	[smem:$0x3F99] =	sst s1  }
0xa: {  	[smem:$0x3F9A] =	sst s2  }
0xb: {  	[smem:$0x3F9B] =	sst s3  }
0xc: {  	[smem:$0x3F9C] =	sst s4  }
0xd: {  	[smem:$0x3F9D] =	sst s5  }
0xe: {  	[smem:$0x3F9E] =	sst s6  }
0xf: {  	[smem:$0x3F9F] =	sst s7  }
0x10: {  	[smem:$0x3FA0] =	sst s8  }
0x11: {  	[smem:$0x3FA1] =	sst s9;
	s0 =	simm.s32 @!p0 $0x0  }
0x12: {  	s1 =	sld [smem:$0x3F87];
	s0 =	simm.s32 @p0 $0x1  }
0x13: {  	[smem:$0x3FA2] =	sst s0;
	s0 =	simm.s32 @!p1 $0x0  }
0x14: {  	s2 =	sld [smem:$0x3F86];
	s0 =	simm.s32 @p1 $0x1  }
0x15: {  	[smem:$0x3FA3] =	sst s0;
	s0 =	simm.s32 @!p2 $0x0  }
0x16: {  	s3 =	sld [smem:$0x3FDB];
	s0 =	simm.s32 @p2 $0x1  }
0x17: {  	s4 =	simm.s32 $0x1BF5;
	[smem:$0x3FA5] =	sst s0  }
0x18: {  	s0 =	sld [smem:$0x3F88];
	_ =	swait.ge [sflag:s4], $0x0  }
0x19: {  	s7 =	sld [smem:$0x3F89]  }
0x1a: {  	s8 =	sadd.s32 $0xFFFFE003, lr  }
0x1b: {  	s9 =	sadd.s32 $0xFFFFFEF7, lr;
	s5 =	simm.s32 $0xFFFFFFFF;
	p2 =	slt.u32 s8, $0xFFFFF086  }
0x1c: {  	p1 =	slt.u32 s9, $0xF7A;
	s5 =	simm.s32 @!p2 $0x0  }
0x1d: {  	s5 =	simm.s32 @p1 $0x1;
	p0 =	seq.s32 s7, s2  }
0x1e: {  	s7 =	smul.u32 @!p0 $0xF7A, s2;
	p2 =	seq.s32 @!p0 s5, $0x0  }
0x1f: {  	s9 =	smul.u32 $0xF7A, s1;
	s8 =	simm.s32 @!p0 $0x1BF5;
	p2 =	por !p2, p0  }
0x20: {  	[sflag:s8] =	ssyncset.s32 @!p0 $0xFFFFF086;
	s6 =	sadd.s32 @!p0 s3, s7;
	s7 =	simm.s32 @!p0 $0x108  }
0x21: {  	s3 =	sadd.s32 s3, s9;
	s6 =	sadd.s32 @!p0 $0x88, s6;
	s7 =	simm.s32 @p2 $0x1082  }
0x22: {  	[simem:s7], [sflag:s8] =	dma.local @!p0 [hbm:s6], $0xF7A  }
0x23: {  	s9 =	sor.u32 $0xD0000000, s2;
	s6 =	simm.s32 $0x108;
	_ =	swait.ge @!p0 [sflag:s8], $0x0  }
0x24: {  	s3 =	sadd.s32 $0x88, s3;
	s6 =	simm.s32 @!p1 $0x1082;
	[sflag:s4] =	ssyncset.s32 $0xFFFFF086  }
0x25: {  	[simem:s6], [sflag:s4] =	dma.local [hbm:s3], $0xF7A  }
0x26: {  	[smem:$0x3F89] =	sst s1;
	(tag) =	ssettag s2;
	_ =	strace s9  }
0x27: {  	s1 =	sld [smem:$0x3F99]  }
0x28: {  	s2 =	sld [smem:$0x3F9A]  }
0x29: {  	s4 =	sld [smem:$0x3F9C]  }
0x2a: {  	p0 =	seq.s32 s5, $0x0;
	s5 =	sld [smem:$0x3F9D]  }
0x2b: {  	s6 =	sld [smem:$0x3F9E]  }
0x2c: {  	s7 =	sld [smem:$0x3F9F]  }
0x2d: {  	s3 =	simm.s32 $0x108;
	s8 =	sld [smem:$0x3FA0]  }
0x2e: {  	s3 =	simm.s32 @!p0 $0x1082;
	s9 =	sld [smem:$0x3FA1]  }
0x2f: {  	lr =	sadd.s32 s0, s3;
	s0 =	sld [smem:$0x3F98]  }
0x30: {  	s3 =	sld [smem:$0x3F9B]  }
0x31: {  	[smem:$0x3FA4] =	sst s10  }
0x32: {  	s10 =	sld [smem:$0x3FA2];
	_ =	sdelay $0x3  }
0x33: {  	p0 =	seq.s32 s10, $0x1;
	s10 =	sld [smem:$0x3FA4];
	_ =	sdelay $0x3  }
0x34: {  	[smem:$0x3FA4] =	sst s10  }
0x35: {  	s10 =	sld [smem:$0x3FA3];
	_ =	sdelay $0x3  }
0x36: {  	p1 =	seq.s32 s10, $0x1;
	s10 =	sld [smem:$0x3FA4];
	_ =	sdelay $0x3  }
0x37: {  	[smem:$0x3FA4] =	sst s10  }
0x38: {  	s10 =	sld [smem:$0x3FA5]  }
0x39: {  	_ = 	snop;
	(pc) =	sbr.ind lr, $3  }
0x3a: {  	_ = 	snop  }
0x3b: {  	_ = 	snop  }
0x3c: {  	p2 =	seq.s32 s10, $0x1;
	s10 =	sld [smem:$0x3FA4]  }
0x3d: {  	_ =	shalt  }
0x3e: {  	_ =	shalt  }
0x3f: {  	_ =	shalt  }
0x40: {  	_ =	shalt  }
0x41: {  	_ =	shalt  }
0x42: {  	_ =	shalt  }
0x43: {  	_ =	shalt  }
0x44: {  	_ =	shalt  }
0x45: {  	_ =	shalt  }
0x46: {  	_ =	shalt  }
0x47: {  	_ =	shalt  }
0x48: {  	_ =	shalt  }
0x49: {  	_ =	shalt  }
0x4a: {  	_ =	shalt  }
0x4b: {  	_ =	shalt  }
0x4c: {  	_ =	shalt  }
0x4d: {  	_ =	shalt  }
0x4e: {  	_ =	shalt  }
0x4f: {  	_ =	shalt  }
0x50: {  	_ =	shalt  }
0x51: {  	_ =	shalt  }
0x52: {  	_ =	shalt  }
0x53: {  	_ =	shalt  }
0x54: {  	_ =	shalt  }
0x55: {  	_ =	shalt  }
0x56: {  	_ =	shalt  }
0x57: {  	_ =	shalt  }
0x58: {  	_ =	shalt  }
0x59: {  	_ =	shalt  }
0x5a: {  	_ =	shalt  }
0x5b: {  	_ =	shalt  }
0x5c: {  	_ =	shalt  }
0x5d: {  	_ =	shalt  }
0x5e: {  	_ =	shalt  }
0x5f: {  	_ =	shalt  }
0x60: {  	_ =	shalt  }
0x61: {  	_ =	shalt  }
0x62: {  	_ =	shalt  }
0x63: {  	_ =	shalt  }
0x64: {  	_ =	shalt  }
0x65: {  	_ =	shalt  }
0x66: {  	_ =	shalt  }
0x67: {  	_ =	shalt  }
0x68: {  	_ =	shalt  }
0x69: {  	_ =	shalt  }
0x6a: {  	_ =	shalt  }
0x6b: {  	_ =	shalt  }
0x6c: {  	_ =	shalt  }
0x6d: {  	_ =	shalt  }
0x6e: {  	_ =	shalt  }
0x6f: {  	_ =	shalt  }
0x70: {  	_ =	shalt  }
0x71: {  	_ =	shalt  }
0x72: {  	_ =	shalt  }
0x73: {  	_ =	shalt  }
0x74: {  	_ =	shalt  }
0x75: {  	_ =	shalt  }
0x76: {  	_ =	shalt  }
0x77: {  	_ =	shalt  }
0x78: {  	_ =	shalt  }
0x79: {  	_ =	shalt  }
0x7a: {  	_ =	shalt  }
0x7b: {  	_ =	shalt  }
0x7c: {  	_ =	shalt  }
0x7d: {  	_ =	shalt  }
0x7e: {  	_ =	shalt  }
0x7f: {  	_ =	shalt  }
0x80: {  	_ =	shalt  }
0x81: {  	_ =	shalt  }
0x82: {  	_ =	shalt  }
0x83: {  	_ =	shalt  }
0x84: {  	_ =	shalt  }
0x85: {  	_ =	shalt  }
0x86: {  	_ =	shalt  }
0x87: {  	_ =	shalt  }
.Lfunc_end0:
.L_simem_size_0:
called_computation.3_lowered:
.L_overlay_start_0:
0x88: {  	s2 =	sld [smem:$0x3FD9]  }
0x89: {  	s3 =	sld [smem:$0x3FFE];
	_ =	sdelay $0x1  }
0x8a: {  	s1 =	srdreg.scid  }
0x8b: {  	s0 =	sand.u32 $0x1, s1  }
0x8c: {  	s14 =	sshll.u32 s0, $0xA;
	s2 =	sadd.s32 s3, s2  }
0x8d: {  	s2 =	sadd.s32 s2, s14  }
0x8e: {  	[smem:$0x3FB0] =	sst s2  }
0x8f: {  	_ = 	snop  }
0x90: {  	s2 =	sld [smem:$0x3FD0];
	_ =	sdelay $0x2  }
0x91: {  	s15 =	simm.s32 $0xA;
	s4 =	simm.s32 $0x10  }
0x92: {  	[smem:s4], [sflag:s15] =	dma.local [hbm:s2], $0x1  }
0x93: {  	_ =	swait.eq [sflag:s15], $0x1  }
0x94: {  	[sflag:s15] =	ssyncset.done $0x0  }
0x95: {  	[sflag:s15] =	ssyncadd.s32 $0xFFFFFFFF  }
0x96: {  	s16 =	sld [smem:$0x11];
	(tm) =	ssettm $0x1  }
0x97: {  	s17 =	sld [smem:$0x3FFB];
	_ =	sdelay $0x3  }
0x98: {  	_ =	strace s17  }
0x99: {  	s3 =	sld [smem:$0x3FFC];
	_ =	sdelay $0x3  }
0x9a: {  	_ =	strace s3  }
0x9b: {  	s3 =	sld [smem:$0x3FFD];
	_ =	sdelay $0x3  }
0x9c: {  	_ =	strace s3  }
0x9d: {  	_ =	strace $0x8FFFFFFF  }
0x9e: {  	s18 =	sld [smem:$0x3FDB];
	_ =	sdelay $0x1  }
0x9f: {  	s19 =	simm.s32 $_scs_section_size  }
0xa0: {  	s5 =	simm.s32 $_size__tile_overlayer_lowered;
	s6 =	simm.s32 $_tile_overlayer_lowered  }
0xa1: {  	s22 =	simm.s32 $0x1BFF;
	s21 =	sshll.u32 s6, $0x1;
	s3 =	sadd.s32 s19, s18  }
0xa2: {  	s7 =	simm.s32 $0x0;
	s20 =	sshll.u32 s5, $0x1;
	s5 =	sadd.s32 s21, s3  }
0xa3: {  	[timem:s7], [sflag:s22] =	dma.local [hbm:s5], s20  }
0xa4: {  	_ =	swait.ge [sflag:s22], s20  }
0xa5: {  	s4 =	ssub.s32 $0x0, s20;
	[sflag:s22] =	ssyncset.done $0x0  }
0xa6: {  	[sflag:s22] =	ssyncadd.s32 s4;
	_ =	sdelay $0x1  }
0xa7: {  	s23 =	simm.s32 $0x1B8B  }
0xa8: {  	_ =	swait.ge [sflag:s23], $0x1  }
0xa9: {  	[sflag:s23] =	ssyncset.done $0x0  }
0xaa: {  	s25 =	simm.s32 $0x1B8E;
	s24 =	sld [smem:$0x3FFE];
	[sflag:s23] =	ssyncadd.s32 $0xFFFFFFFF  }
0xab: {  	s26 =	simm.s32 $execute0_lowered;
	[smem:$0x3FD2] =	sst s25  }
0xac: {  	s5 =	sshll.u32 s26, $0x1;
	_ =	strace $0x8000004F;
	[dreg:$0x1] =	wrdreg $0xFFFFFFFF  }
0xad: {  	s28 =	simm.s32 $_size_execute0_lowered;
	s3 =	sadd.s32 s3, s5;
	[dreg:$0x0] =	wrdreg $0x0  }
0xae: {  	s5 =	sshll.u32 s28, $0x1;
	[dreg:$0x2] =	wrdreg s3  }
0xaf: {  	[dreg:$0x3] =	wrdreg s5  }
0xb0: {  	[dreg:$0x4] =	wrdreg $0xC0  }
0xb1: {  	_ =	task [dreg:s7], $0x5FFFF  }
0xb2: {  	[dreg:$0x1] =	wrdreg $0xFFFFFFFF  }
0xb3: {  	[dreg:$0x0] =	wrdreg $0x60  }
0xb4: {  	[dreg:$0x2] =	wrdreg s24  }
0xb5: {  	[dreg:$0x3] =	wrdreg s16  }
0xb6: {  	[dreg:$0x4] =	wrdreg $0xB0000  }
0xb7: {  	[dreg:$0x5] =	wrdreg $0x9  }
0xb8: {  	_ =	task.clear_ibuf [dreg:s7], $0x6FFFF;
	_ =	strace $0x9000004F  }
0xb9: {  	s29 =	simm.s32 $0x9;
	_ =	strace $0x80000051  }
0xba: {  	_ =	swait.ge [sflag:s29], $0x1  }
0xbb: {  	[sflag:s29] =	ssyncadd.s32 $0xFFFFFFFF  }
0xbc: {  	_ =	strace $0x90000051  }
0xbd: {  	_ =	sfence  }
0xbe: {  	s30 =	sld [smem:$0x0];
	_ =	sdelay $0x2  }
0xbf: {  	s31 =	sshll.u32 s1, $0xD;
	s1 =	sshrl.u32 s1, $0x2  }
0xc0: {  	s3 =	sand.u32 $0x4000, s31;
	s1 =	sadd.s32 s1, s30  }
0xc1: {  	s0 =	sor.u32 s3, s0;
	s1 =	sshll.u32 s1, $0x11  }
0xc2: {  	s0 =	sor.u32 s1, s0  }
0xc3: {  	s0 =	sadd.s32 $0x8F2B, s0  }
0xc4: {  	[sflag:s0] =	ssyncadd.remote.s32 $0x1  }
0xc5: {  	_ =	sfence.sel $0xFFFF  }
0xc6: {  	[dreg:$0x0] =	wrdreg $0xFFFFFFFF;
	(pc) =	sbr.abs _section_cstart, $3  }
0xc7: {  	[dreg:$0x1] =	wrdreg $0xFFFFFFFF  }
0xc8: {  	_ =	task.clear_ibuf [dreg:s7], $0x2FFFF;
	_ =	strace $0x9FFFFFFF  }
0xc9: {  	(tm) =	ssettm $0x7FFFFFFF  }
tec
execute0_lowered:
.L_overlay_start_1:
0x0: {  	(tag) =	ssettag $0x1  }
0x1: {  	s7 =	rddreg [dreg:$0x0]  }
0x2: {  	s2 =	rddreg [dreg:$0x1]  }
0x3: {  	s0 =	srdreg.scid;
	s3 =	rddreg [dreg:$0x2]  }
0x4: {  	s1 =	stileid.u32;
	s4 =	simm.s32 $0x0;
	s14 =	simm.s32 $0x40  }
0x5: {  	s15 =	simm.s32 $0x5000;
	s16 =	simm.s32 $0x7000;
	s17 =	simm.s32 $0x9000  }
0x6: {  	s18 =	simm.s32 $0x1;
	s19 =	simm.s32 $0x2;
	s6 =	smul.u32 $0x2800, s1  }
0x7: {  	s8 =	sand.u32 $0x1, s0;
	s0 =	rddreg [dreg:$0x3];
	s12 =	smul.u32 $0x14000, s1  }
0x8: {  	s20 =	simm.s32 $0x3;
	[smem:$0x7FF] =	sst s4;
	s5 =	smul.u32 $0x50000, s8  }
0x9: {  	s31 =	sshll.u32 s1, $0x6;
	s10 =	smul.u32 $0x280000, s8;
	s8 =	ssub.s32 $0x2, s8  }
0xa: {  	_ =	strace $0x80000050;
	s11 =	sshrl.u32 s8, $0x1;
	s13 =	sadd.s32 s12, s3  }
0xb: {  	s22 =	sshrl.u32 s12, $0x3;
	s12 =	sor.u32 $0x1C04, s31;
	s6 =	sadd.s32 s6, s5  }
0xc: {  	s5 =	sadd.s32 $0x4C00, s7;
	s10 =	sshrl.u32 s10, $0x3;
	s11 =	ssub.s32 s8, s11  }
0xd: {  	s13 =	sshrl.u32 s13, $0x3;
	s9 =	sshrl.u32 s6, $0x3;
	s10 =	sadd.s32 s10, s7  }
0xe: {  	s6 =	sadd.s32 $0x86C00, s7;
	s9 =	sadd.s32 s9, s7;
	s21 =	sadd.s32 $0xEA600, s10  }
0xf: {  	s23 =	sadd.s32 $0x112600, s10;
	s10 =	simm.s32 $0x4;
	s7 =	sadd.s32 $0xC2600, s9  }
0x10: {  	s8 =	sadd.s32 $0xD6600, s9;
	s9 =	smax.u32 s11, $0x1;
	s11 =	simm.s32 $0x2800  }
0x11: {  	s21 =	sadd.s32 s22, s21;
	s22 =	sadd.s32 s22, s23;
	s23 =	simm.s32 $0x0  }
.LBB2_1:
0x12: {  	[tilespmem:s4], [sflag:$0x4] =	stream.linear.gather [hbm4b:s7+s4], $0x2800, $0x38;
	[tilespmem:$0x1F000] =	vst v63  }
0x13: {  	_ =	swait.ge [sflag:s10], $0x2800  }
0x14: {  	[sflag:s10] =	ssyncset.done $0x0  }
0x15: {  	[sflag:s10] =	ssyncadd.s32 $0xFFFFD800  }
0x16: {  	[tilespmem:s11], [sflag:$0x4] =	stream.linear.gather [hbm4b:s8+s4], $0x2800, $0x38;
	[tilespmem:$0x1F000] =	vst v63  }
0x17: {  	_ =	swait.ge [sflag:s10], $0x2800  }
0x18: {  	[sflag:s10] =	ssyncset.done $0x0  }
0x19: {  	[sflag:s10] =	ssyncadd.s32 $0xFFFFD800  }
0x1a: {  	[spmem:s13], [sflag:s12] =	dma.local [hbm:s2], $0x2800  }
0x1b: {  	_ =	swait.ge [sflag:s10], $0x2800  }
0x1c: {  	[sflag:s10] =	ssyncset.done $0x0  }
0x1d: {  	[sflag:s10] =	ssyncadd.s32 $0xFFFFD800  }
0x1e: {  	s24 =	simm.s32 $0x0;
	[bflag:$0x0] =	sbarrier.arrive $0xFFFF  }
0x1f: {  	[tilespmem:s15], [sflag:$0x1] =	stream.indirect.gather [hbm4b:s5+s14], $0x80, s24, s14, $0xb8;
	[tilespmem:$0x1F000] =	vst v63  }
0x20: {  	s26 =	simm.s32 $0x40  }
0x21: {  	[tilespmem:s16], [sflag:$0x2] =	stream.indirect.gather [hbm4b:s5+s14], $0x80, s26, s14, $0xb8;
	[tilespmem:$0x1F000] =	vst v63  }
0x22: {  	s28 =	simm.s32 $0x80  }
0x23: {  	[tilespmem:s17], [sflag:$0x3] =	stream.indirect.gather [hbm4b:s5+s14], $0x80, s28, s14, $0xb8;
	[tilespmem:$0x1F000] =	vst v63  }
0x24: {  	_ =	swait.ge [sflag:s18], $0x2000  }
0x25: {  	[sflag:s18] =	ssyncset.done $0x0  }
0x26: {  	s29 =	simm.s32 $0x2800;
	[sflag:s18] =	ssyncadd.s32 $0xFFFFE000  }
0x27: {  	[spmem:s3] =	stream.indirect.scatter.add.f32 [tilespmem:s15], [sflag:$0x4], $0x80, s29, s14, $0xb8;
	[tilespmem:$0x1F000] =	vst v63  }
0x28: {  	_ =	swait.ge [sflag:s10], $0x2000  }
0x29: {  	[sflag:s10] =	ssyncset.done $0x0  }
0x2a: {  	[sflag:s10] =	ssyncadd.s32 $0xFFFFE000  }
0x2b: {  	_ =	swait.ge [sflag:s19], $0x2000  }
0x2c: {  	[sflag:s19] =	ssyncset.done $0x0  }
0x2d: {  	s30 =	simm.s32 $0x2840;
	[sflag:s19] =	ssyncadd.s32 $0xFFFFE000  }
0x2e: {  	[spmem:s3] =	stream.indirect.scatter.add.f32 [tilespmem:s16], [sflag:$0x4], $0x80, s30, s14, $0xb8;
	[tilespmem:$0x1F000] =	vst v63  }
0x2f: {  	_ =	swait.ge [sflag:s10], $0x2000  }
0x30: {  	[sflag:s10] =	ssyncset.done $0x0  }
0x31: {  	[sflag:s10] =	ssyncadd.s32 $0xFFFFE000  }
0x32: {  	_ =	swait.ge [sflag:s20], $0x2000  }
0x33: {  	[sflag:s20] =	ssyncset.done $0x0  }
0x34: {  	s31 =	simm.s32 $0x2880;
	[sflag:s20] =	ssyncadd.s32 $0xFFFFE000  }
0x35: {  	[spmem:s3] =	stream.indirect.scatter.add.f32 [tilespmem:s17], [sflag:$0x4], $0x80, s31, s14, $0xb8;
	[tilespmem:$0x1F000] =	vst v63  }
0x36: {  	_ =	swait.ge [sflag:s10], $0x2000  }
0x37: {  	s25 =	simm.s32 $0x600;
	s24 =	simm.s32 $0x300;
	[sflag:s10] =	ssyncset.done $0x0  }
.LBB2_2:
0x38: {  	s26 =	sshra.s32 s24, $0x2  }
0x39: {  	[sflag:s10] =	ssyncadd.s32 $0xFFFFE000;
	s24 =	smov.u32 s25;
	s28 =	sadd.s32 $0x300, s25  }
0x3a: {  	[tilespmem:s15], [sflag:$0x1] =	stream.indirect.gather [hbm4b:s5+s14], $0x80, s26, s14, $0xb8;
	[tilespmem:$0x1F000] =	vst v63  }
0x3b: {  	p0 =	sne.s32 s25, $0x9C00;
	s25 =	sadd.s32 $0x40, s26  }
0x3c: {  	[tilespmem:s16], [sflag:$0x2] =	stream.indirect.gather [hbm4b:s5+s14], $0x80, s25, s14, $0xb8;
	[tilespmem:$0x1F000] =	vst v63  }
0x3d: {  	s25 =	sadd.s32 $0x80, s26  }
0x3e: {  	[tilespmem:s17], [sflag:$0x3] =	stream.indirect.gather [hbm4b:s5+s14], $0x80, s25, s14, $0xb8;
	[tilespmem:$0x1F000] =	vst v63  }
0x3f: {  	_ =	swait.ge [sflag:s18], $0x2000  }
0x40: {  	[sflag:s18] =	ssyncset.done $0x0  }
0x41: {  	s25 =	sadd.s32 $0x2800, s26;
	[sflag:s18] =	ssyncadd.s32 $0xFFFFE000  }
0x42: {  	[spmem:s3] =	stream.indirect.scatter.add.f32 [tilespmem:s15], [sflag:$0x4], $0x80, s25, s14, $0xb8;
	[tilespmem:$0x1F000] =	vst v63  }
0x43: {  	_ =	swait.ge [sflag:s10], $0x2000  }
0x44: {  	[sflag:s10] =	ssyncset.done $0x0  }
0x45: {  	[sflag:s10] =	ssyncadd.s32 $0xFFFFE000  }
0x46: {  	_ =	swait.ge [sflag:s19], $0x2000  }
0x47: {  	[sflag:s19] =	ssyncset.done $0x0  }
0x48: {  	s25 =	sadd.s32 $0x2840, s26;
	[sflag:s19] =	ssyncadd.s32 $0xFFFFE000  }
0x49: {  	[spmem:s3] =	stream.indirect.scatter.add.f32 [tilespmem:s16], [sflag:$0x4], $0x80, s25, s14, $0xb8;
	[tilespmem:$0x1F000] =	vst v63  }
0x4a: {  	_ =	swait.ge [sflag:s10], $0x2000  }
0x4b: {  	[sflag:s10] =	ssyncset.done $0x0  }
0x4c: {  	[sflag:s10] =	ssyncadd.s32 $0xFFFFE000  }
0x4d: {  	_ =	swait.ge [sflag:s20], $0x2000  }
.Ltmp0:
0x4e: {  	[sflag:s20] =	ssyncset.done $0x0;
	(pc) =	sbr.rel @p0 .LBB2_2-.Ltmp0, $4  }
0x4f: {  	s25 =	sadd.s32 $0x2880, s26;
	[sflag:s20] =	ssyncadd.s32 $0xFFFFE000  }
0x50: {  	[spmem:s3] =	stream.indirect.scatter.add.f32 [tilespmem:s17], [sflag:$0x4], $0x80, s25, s14, $0xb8;
	[tilespmem:$0x1F000] =	vst v63  }
0x51: {  	_ =	swait.ge [sflag:s10], $0x2000  }
0x52: {  	s25 =	smov.u32 s28;
	[sflag:s10] =	ssyncset.done $0x0  }
0x53: {  	s24 =	sshra.s32 s24, $0x2;
	[sflag:s10] =	ssyncadd.s32 $0xFFFFE000  }
0x54: {  	[tilespmem:s15], [sflag:$0x1] =	stream.indirect.gather [hbm4b:s5+s14], $0x80, s24, s14, $0xb8;
	[tilespmem:$0x1F000] =	vst v63  }
0x55: {  	s25 =	sadd.s32 $0x40, s24  }
0x56: {  	[tilespmem:s16], [sflag:$0x2] =	stream.indirect.gather [hbm4b:s5+s14], $0x80, s25, s14, $0xb8;
	[tilespmem:$0x1F000] =	vst v63  }
0x57: {  	s29 =	sadd.s32 $0x80, s24  }
0x58: {  	[tilespmem:s17], [sflag:$0x3] =	stream.indirect.gather [hbm4b:s5+s14], $0x80, s29, s14, $0xb8;
	[tilespmem:$0x1F000] =	vst v63  }
0x59: {  	_ =	swait.ge [sflag:s18], $0x2000  }
0x5a: {  	[sflag:s18] =	ssyncset.done $0x0  }
0x5b: {  	s30 =	sadd.s32 $0x2800, s24;
	[sflag:s18] =	ssyncadd.s32 $0xFFFFE000  }
0x5c: {  	[spmem:s3] =	stream.indirect.scatter.add.f32 [tilespmem:s15], [sflag:$0x4], $0x80, s30, s14, $0xb8;
	[tilespmem:$0x1F000] =	vst v63  }
0x5d: {  	_ =	swait.ge [sflag:s10], $0x2000  }
0x5e: {  	[sflag:s10] =	ssyncset.done $0x0  }
0x5f: {  	[sflag:s10] =	ssyncadd.s32 $0xFFFFE000  }
0x60: {  	_ =	swait.ge [sflag:s19], $0x2000  }
0x61: {  	[sflag:s19] =	ssyncset.done $0x0  }
0x62: {  	s31 =	sadd.s32 $0x2840, s24;
	[sflag:s19] =	ssyncadd.s32 $0xFFFFE000  }
0x63: {  	[spmem:s3] =	stream.indirect.scatter.add.f32 [tilespmem:s16], [sflag:$0x4], $0x80, s31, s14, $0xb8;
	[tilespmem:$0x1F000] =	vst v63  }
0x64: {  	_ =	swait.ge [sflag:s10], $0x2000  }
0x65: {  	[sflag:s10] =	ssyncset.done $0x0  }
0x66: {  	[sflag:s10] =	ssyncadd.s32 $0xFFFFE000  }
0x67: {  	_ =	swait.ge [sflag:s20], $0x2000  }
0x68: {  	[sflag:s20] =	ssyncset.done $0x0  }
0x69: {  	s24 =	sadd.s32 $0x2880, s24;
	[sflag:s20] =	ssyncadd.s32 $0xFFFFE000  }
0x6a: {  	[spmem:s3] =	stream.indirect.scatter.add.f32 [tilespmem:s17], [sflag:$0x4], $0x80, s24, s14, $0xb8;
	[tilespmem:$0x1F000] =	vst v63  }
0x6b: {  	_ =	swait.ge [sflag:s10], $0x2000  }
0x6c: {  	[sflag:s10] =	ssyncset.done $0x0  }
0x6d: {  	[sflag:s10] =	ssyncadd.s32 $0xFFFFE000  }
0x6e: {  	[bflag:$0x0] =	sbarrier.arrive $0xFFFF  }
0x6f: {  	[hbm:s21], [sflag:s12] =	dma.local [spmem:s13], $0x2800  }
0x70: {  	_ =	swait.ge [sflag:s10], $0x2800  }
0x71: {  	[sflag:s10] =	ssyncset.done $0x0  }
0x72: {  	[sflag:s10] =	ssyncadd.s32 $0xFFFFD800  }
0x73: {  	[spmem:s13], [sflag:s12] =	dma.local [hbm:s2], $0x2800  }
0x74: {  	_ =	swait.ge [sflag:s10], $0x2800  }
0x75: {  	[sflag:s10] =	ssyncset.done $0x0  }
0x76: {  	[sflag:s10] =	ssyncadd.s32 $0xFFFFD800  }
0x77: {  	s25 =	simm.s32 $0x0;
	[bflag:$0x0] =	sbarrier.arrive $0xFFFF  }
0x78: {  	[tilespmem:s15], [sflag:$0x1] =	stream.indirect.gather [hbm4b:s6+s14], $0x80, s25, s14, $0xb8;
	[tilespmem:$0x1F000] =	vst v63  }
0x79: {  	s26 =	simm.s32 $0x40  }
0x7a: {  	[tilespmem:s16], [sflag:$0x2] =	stream.indirect.gather [hbm4b:s6+s14], $0x80, s26, s14, $0xb8;
	[tilespmem:$0x1F000] =	vst v63  }
0x7b: {  	s28 =	simm.s32 $0x80  }
0x7c: {  	[tilespmem:s17], [sflag:$0x3] =	stream.indirect.gather [hbm4b:s6+s14], $0x80, s28, s14, $0xb8;
	[tilespmem:$0x1F000] =	vst v63  }
0x7d: {  	_ =	swait.ge [sflag:s18], $0x2000  }
0x7e: {  	[sflag:s18] =	ssyncset.done $0x0  }
0x7f: {  	s29 =	simm.s32 $0x2800;
	[sflag:s18] =	ssyncadd.s32 $0xFFFFE000  }
0x80: {  	[spmem:s3] =	stream.indirect.scatter.add.f32 [tilespmem:s15], [sflag:$0x4], $0x80, s29, s14, $0xb8;
	[tilespmem:$0x1F000] =	vst v63  }
0x81: {  	_ =	swait.ge [sflag:s10], $0x2000  }
0x82: {  	[sflag:s10] =	ssyncset.done $0x0  }
0x83: {  	[sflag:s10] =	ssyncadd.s32 $0xFFFFE000  }
0x84: {  	_ =	swait.ge [sflag:s19], $0x2000  }
0x85: {  	[sflag:s19] =	ssyncset.done $0x0  }
0x86: {  	s30 =	simm.s32 $0x2840;
	[sflag:s19] =	ssyncadd.s32 $0xFFFFE000  }
0x87: {  	[spmem:s3] =	stream.indirect.scatter.add.f32 [tilespmem:s16], [sflag:$0x4], $0x80, s30, s14, $0xb8;
	[tilespmem:$0x1F000] =	vst v63  }
0x88: {  	_ =	swait.ge [sflag:s10], $0x2000  }
0x89: {  	[sflag:s10] =	ssyncset.done $0x0  }
0x8a: {  	[sflag:s10] =	ssyncadd.s32 $0xFFFFE000  }
0x8b: {  	_ =	swait.ge [sflag:s20], $0x2000  }
0x8c: {  	[sflag:s20] =	ssyncset.done $0x0  }
0x8d: {  	s31 =	simm.s32 $0x2880;
	[sflag:s20] =	ssyncadd.s32 $0xFFFFE000  }
0x8e: {  	[spmem:s3] =	stream.indirect.scatter.add.f32 [tilespmem:s17], [sflag:$0x4], $0x80, s31, s14, $0xb8;
	[tilespmem:$0x1F000] =	vst v63  }
0x8f: {  	_ =	swait.ge [sflag:s10], $0x2000  }
0x90: {  	s24 =	simm.s32 $0x300;
	s25 =	simm.s32 $0x600;
	[sflag:s10] =	ssyncset.done $0x0  }
.LBB2_4:
0x91: {  	s26 =	sshra.s32 s24, $0x2  }
0x92: {  	[sflag:s10] =	ssyncadd.s32 $0xFFFFE000;
	s24 =	smov.u32 s25;
	s28 =	sadd.s32 $0x300, s25  }
0x93: {  	[tilespmem:s15], [sflag:$0x1] =	stream.indirect.gather [hbm4b:s6+s14], $0x80, s26, s14, $0xb8;
	[tilespmem:$0x1F000] =	vst v63  }
0x94: {  	p0 =	sne.s32 s25, $0x9C00;
	s25 =	sadd.s32 $0x40, s26  }
0x95: {  	[tilespmem:s16], [sflag:$0x2] =	stream.indirect.gather [hbm4b:s6+s14], $0x80, s25, s14, $0xb8;
	[tilespmem:$0x1F000] =	vst v63  }
0x96: {  	s25 =	sadd.s32 $0x80, s26  }
0x97: {  	[tilespmem:s17], [sflag:$0x3] =	stream.indirect.gather [hbm4b:s6+s14], $0x80, s25, s14, $0xb8;
	[tilespmem:$0x1F000] =	vst v63  }
0x98: {  	_ =	swait.ge [sflag:s18], $0x2000  }
0x99: {  	[sflag:s18] =	ssyncset.done $0x0  }
0x9a: {  	s25 =	sadd.s32 $0x2800, s26;
	[sflag:s18] =	ssyncadd.s32 $0xFFFFE000  }
0x9b: {  	[spmem:s3] =	stream.indirect.scatter.add.f32 [tilespmem:s15], [sflag:$0x4], $0x80, s25, s14, $0xb8;
	[tilespmem:$0x1F000] =	vst v63  }
0x9c: {  	_ =	swait.ge [sflag:s10], $0x2000  }
0x9d: {  	[sflag:s10] =	ssyncset.done $0x0  }
0x9e: {  	[sflag:s10] =	ssyncadd.s32 $0xFFFFE000  }
0x9f: {  	_ =	swait.ge [sflag:s19], $0x2000  }
0xa0: {  	[sflag:s19] =	ssyncset.done $0x0  }
0xa1: {  	s25 =	sadd.s32 $0x2840, s26;
	[sflag:s19] =	ssyncadd.s32 $0xFFFFE000  }
0xa2: {  	[spmem:s3] =	stream.indirect.scatter.add.f32 [tilespmem:s16], [sflag:$0x4], $0x80, s25, s14, $0xb8;
	[tilespmem:$0x1F000] =	vst v63  }
0xa3: {  	_ =	swait.ge [sflag:s10], $0x2000  }
0xa4: {  	[sflag:s10] =	ssyncset.done $0x0  }
0xa5: {  	[sflag:s10] =	ssyncadd.s32 $0xFFFFE000  }
0xa6: {  	_ =	swait.ge [sflag:s20], $0x2000  }
.Ltmp1:
0xa7: {  	[sflag:s20] =	ssyncset.done $0x0;
	(pc) =	sbr.rel @p0 .LBB2_4-.Ltmp1, $4  }
0xa8: {  	s25 =	sadd.s32 $0x2880, s26;
	[sflag:s20] =	ssyncadd.s32 $0xFFFFE000  }
0xa9: {  	[spmem:s3] =	stream.indirect.scatter.add.f32 [tilespmem:s17], [sflag:$0x4], $0x80, s25, s14, $0xb8;
	[tilespmem:$0x1F000] =	vst v63  }
0xaa: {  	_ =	swait.ge [sflag:s10], $0x2000  }
0xab: {  	s25 =	smov.u32 s28;
	[sflag:s10] =	ssyncset.done $0x0  }
0xac: {  	s24 =	sshra.s32 s24, $0x2;
	[sflag:s10] =	ssyncadd.s32 $0xFFFFE000  }
0xad: {  	[tilespmem:s15], [sflag:$0x1] =	stream.indirect.gather [hbm4b:s6+s14], $0x80, s24, s14, $0xb8;
	[tilespmem:$0x1F000] =	vst v63  }
0xae: {  	s25 =	sadd.s32 $0x40, s24  }
0xaf: {  	[tilespmem:s16], [sflag:$0x2] =	stream.indirect.gather [hbm4b:s6+s14], $0x80, s25, s14, $0xb8;
	[tilespmem:$0x1F000] =	vst v63  }
0xb0: {  	s29 =	sadd.s32 $0x80, s24  }
0xb1: {  	[tilespmem:s17], [sflag:$0x3] =	stream.indirect.gather [hbm4b:s6+s14], $0x80, s29, s14, $0xb8;
	[tilespmem:$0x1F000] =	vst v63  }
0xb2: {  	_ =	swait.ge [sflag:s18], $0x2000  }
0xb3: {  	[sflag:s18] =	ssyncset.done $0x0  }
0xb4: {  	s30 =	sadd.s32 $0x2800, s24;
	[sflag:s18] =	ssyncadd.s32 $0xFFFFE000  }
0xb5: {  	[spmem:s3] =	stream.indirect.scatter.add.f32 [tilespmem:s15], [sflag:$0x4], $0x80, s30, s14, $0xb8;
	[tilespmem:$0x1F000] =	vst v63  }
0xb6: {  	_ =	swait.ge [sflag:s10], $0x2000  }
0xb7: {  	[sflag:s10] =	ssyncset.done $0x0  }
0xb8: {  	[sflag:s10] =	ssyncadd.s32 $0xFFFFE000  }
0xb9: {  	_ =	swait.ge [sflag:s19], $0x2000  }
0xba: {  	[sflag:s19] =	ssyncset.done $0x0  }
0xbb: {  	s31 =	sadd.s32 $0x2840, s24;
	[sflag:s19] =	ssyncadd.s32 $0xFFFFE000  }
0xbc: {  	[spmem:s3] =	stream.indirect.scatter.add.f32 [tilespmem:s16], [sflag:$0x4], $0x80, s31, s14, $0xb8;
	[tilespmem:$0x1F000] =	vst v63  }
0xbd: {  	_ =	swait.ge [sflag:s10], $0x2000  }
0xbe: {  	[sflag:s10] =	ssyncset.done $0x0  }
0xbf: {  	[sflag:s10] =	ssyncadd.s32 $0xFFFFE000  }
0xc0: {  	_ =	swait.ge [sflag:s20], $0x2000  }
0xc1: {  	[sflag:s20] =	ssyncset.done $0x0  }
0xc2: {  	s24 =	sadd.s32 $0x2880, s24;
	[sflag:s20] =	ssyncadd.s32 $0xFFFFE000  }
0xc3: {  	[spmem:s3] =	stream.indirect.scatter.add.f32 [tilespmem:s17], [sflag:$0x4], $0x80, s24, s14, $0xb8;
	[tilespmem:$0x1F000] =	vst v63  }
0xc4: {  	_ =	swait.ge [sflag:s10], $0x2000  }
0xc5: {  	[sflag:s10] =	ssyncset.done $0x0  }
0xc6: {  	s23 =	sadd.s32 $0x1, s23;
	[sflag:s10] =	ssyncadd.s32 $0xFFFFE000  }
0xc7: {  	p0 =	sne.s32 s23, s9;
	[bflag:$0x0] =	sbarrier.arrive $0xFFFF  }
0xc8: {  	[hbm:s22], [sflag:s12] =	dma.local [spmem:s13], $0x2800  }
.Ltmp2:
0xc9: {  	_ =	swait.ge [sflag:s10], $0x2800;
	(pc) =	sbr.rel @p0 .LBB2_1-.Ltmp2, $3  }
0xca: {  	[sflag:s10] =	ssyncset.done $0x0  }
0xcb: {  	[sflag:s10] =	ssyncadd.s32 $0xFFFFD800  }
0xcc: {  	[bflag:$0x0] =	sbarrier.arrive $0xFFFF;
	_ =	sdelay $0x1  }
0xcd: {  	_ =	sfence.sel $0x180000  }
0xce: {  	[bflag:$0x0] =	sbarrier.arrive $0xFFFF  }
0xcf: {  	p0 =	sne.s32 s1, $0x0;
	_ =	strace $0x90000050  }
0xd0: {  	s0 =	sadd.s32 @!p0 $0x100000, s0;
	[bflag:$0x2] =	sbarrier.arrive $0xFFFF  }
0xd1: {  	[sflag:s0] =	ssyncadd.tile.s32 @!p0 $0x1;
	_ =	shalt  }
.Lfunc_end2:
_tile_overlayer_lowered:
.L_overlay_start_2:
0xd2: {  	(tag) =	ssettag $0x2  }
0xd3: {  	s0 =	rddreg [dreg:$0x0];
	s2 =	stileid.u32  }
0xd4: {  	s1 =	rddreg [dreg:$0x1];
	p0 =	sne.s32 s2, $0x0  }
0xd5: {  	s3 =	rddreg [dreg:$0x2];
	[bflag:$0x3] =	sbarrier.arrive $0xFFFF;
	s2 =	simm.s32 @!p0 $0x1C04  }
0xd6: {  	[timem:s3], [sflag:s2] =	dma.local @!p0 [hbm:s0], s1  }
0xd7: {  	s0 =	simm.s32 @!p0 $0x4  }
0xd8: {  	_ =	swait.ge @!p0 [sflag:s0], s1  }
0xd9: {  	s1 =	ssub.s32 @!p0 $0x0, s1;
	[sflag:s0] =	ssyncset.done @!p0 $0x0  }
0xda: {  	[sflag:s0] =	ssyncadd.s32 @!p0 s1  }
0xdb: {  	[bflag:$0x3] =	sbarrier.arrive $0xFFFF  }
0xdc: {  	_ =	shalt  }

</sc_bundles>
